<compile_context>
chip_gen: v7x
topology: tpu7x:2x2x1
jax: 0.10.2.dev20260603
libtpu: 0.0.44.dev20260713+nightly
codegen_flags: <defaults>
</compile_context>

<pallas_src>
import jax
import jax.numpy as jnp
from jax import lax
from jax.experimental import pallas as pl
from jax.experimental.pallas import tpu as pltpu
from jax.experimental.pallas import tpu_sc as plsc

NC, NS, LANES = 2, 16, 16
NW = NC * NS

B, L, D = 16384, 200, 128
F = 2 * 225 * 225
SPW = B // NW
IDX_CHUNK = 100
NCH = L // IDX_CHUNK
BLK = 32
NBLK = SPW // BLK
NSLOT = 8

RPB = 256
NFULL = F // RPB
REM = F - NFULL * RPB
NITER_A = (NFULL + NW - 1) // NW

_SC_PARAMS = pltpu.CompilerParams(
    needs_layout_passes=False, use_tc_tiling_on_sc=False)
_SC_PARAMS_PACK = pltpu.CompilerParams(needs_layout_passes=False)


def _pack_body(tab_hbm, out_hbm, in_v, out_v, sem_i0, sem_i1, sem_o0, sem_o1):
    cid = lax.axis_index("c")
    sid = lax.axis_index("s")
    wid = sid * NC + cid
    sem_i = (sem_i0, sem_i1)
    sem_o = (sem_o0, sem_o1)
    hi_mask = jnp.full((LANES,), -65536, jnp.int32)
    s16 = jnp.full((LANES,), 16, jnp.int32)
    one = jnp.full((LANES,), 1, jnp.int32)
    half = jnp.full((LANES,), 0x7FFF, jnp.int32)

    def rne(bits):
        return bits + half + jnp.bitwise_and(
            lax.shift_right_logical(bits, s16), one)

    def pack_rows(slot, nrows):
        def r_body(r, carry):
            for k in range(D // 32):
                a = in_v[slot, r, pl.ds(k * 32, LANES)]
                bb = in_v[slot, r, pl.ds(k * 32 + 16, LANES)]
                out_v[slot, pl.ds(r * (D // 2) + k * LANES, LANES)] = (
                    jnp.bitwise_or(
                        lax.shift_right_logical(rne(plsc.bitcast(a, jnp.int32)),
                                                s16),
                        jnp.bitwise_and(rne(plsc.bitcast(bb, jnp.int32)),
                                        hi_mask)))
            return carry

        lax.fori_loop(0, nrows, r_body, 0)

    def fire_in(t, slot):
        pltpu.async_copy(tab_hbm.at[pl.ds(t * RPB, RPB)],
                         in_v.at[slot], sem_i[slot])

    def c_body(i, slot):
        t = wid + i * NW

        @pl.when(t + NW < NFULL)
        def _():
            fire_in(t + NW, 1 - slot)

        @pl.when(t < NFULL)
        def _():
            pltpu.make_async_copy(tab_hbm.at[pl.ds(0, RPB)],
                                  in_v.at[slot], sem_i[slot]).wait()

            @pl.when(t - 2 * NW >= 0)
            def _():
                pltpu.make_async_copy(out_v.at[slot],
                                      out_hbm.at[pl.ds(0, RPB * (D // 2))],
                                      sem_o[slot]).wait()

            pack_rows(slot, RPB)
            pltpu.async_copy(
                out_v.at[slot],
                out_hbm.at[pl.ds(t * RPB * (D // 2), RPB * (D // 2))],
                sem_o[slot])

    fire_in(wid, 0)
    def c2_body(i2, carry):
        c_body(2 * i2, 0)
        c_body(2 * i2 + 1, 1)
        return carry

    assert NITER_A % 2 == 1
    lax.fori_loop(0, NITER_A // 2, c2_body, 0)
    c_body(NITER_A - 1, (NITER_A - 1) % 2)

    for j in (NITER_A - 2, NITER_A - 1):
        t = wid + j * NW

        @pl.when(t < NFULL)
        def _():
            pltpu.make_async_copy(out_v.at[j % 2],
                                  out_hbm.at[pl.ds(0, RPB * (D // 2))],
                                  sem_o[j % 2]).wait()

    @pl.when(wid == 0)
    def _():
        pltpu.sync_copy(tab_hbm.at[pl.ds(NFULL * RPB, REM)],
                        in_v.at[0].at[pl.ds(0, REM)])
        pack_rows(0, REM)
        pltpu.sync_copy(
            out_v.at[0].at[pl.ds(0, REM * (D // 2))],
            out_hbm.at[pl.ds(NFULL * RPB * (D // 2), REM * (D // 2))])


def _bag_body(idx_hbm, tab_hbm, x_hbm, idx_v, acc_v, *bufs_and_sems):
    bufs = bufs_and_sems[: NSLOT * NCH]
    sems = bufs_and_sems[NSLOT * NCH:]
    cid = lax.axis_index("c")
    sid = lax.axis_index("s")
    wid = sid * NC + cid

    def fire(t, slot):
        bank = lax.rem(lax.div(t, BLK), 2)
        row0 = lax.rem(t, BLK) * NCH
        for c in range(NCH):
            pltpu.async_copy(tab_hbm.at[idx_v.at[bank].at[row0 + c]],
                             bufs[slot * NCH + c], sems[slot])

    def drain(slot):
        for c in range(NCH):
            pltpu.make_async_copy(tab_hbm.at[idx_v.at[0].at[0]],
                                  bufs[slot * NCH + c], sems[slot]).wait()

    def stage_idx(nb):
        bank = lax.rem(nb, 2)
        pltpu.sync_copy(idx_hbm.at[wid * NBLK + nb], idx_v.at[bank])

    hi_mask = jnp.full((LANES,), -65536, jnp.int32)
    shift16 = jnp.full((LANES,), 16, jnp.int32)

    def accum(s, slot):
        def r_body(r2, accs):
            out = list(accs)
            for rr in range(2):
                for c in range(NCH):
                    for k in range(D // 32):
                        v = bufs[slot * NCH + c][2 * r2 + rr,
                                                 pl.ds(k * LANES, LANES)]
                        ev = plsc.bitcast(lax.shift_left(v, shift16), jnp.float32)
                        od = plsc.bitcast(v, jnp.float32)
                        out[2 * k] = out[2 * k] + ev
                        out[2 * k + 1] = out[2 * k + 1] + od
            return tuple(out)

        init = tuple(jnp.zeros((LANES,), jnp.float32) for _ in range(D // LANES))
        accs = lax.fori_loop(0, IDX_CHUNK // 2, r_body, init)
        abase = lax.rem(s, BLK) * D
        for k in range(D // LANES):
            acc_v[pl.ds(abase + k * LANES, LANES)] = accs[k]

    stage_idx(0)
    for b in range(NSLOT):
        fire(b, b)

    def g_body(g2, carry):
        g = g2 * NSLOT
        for b in range(NSLOT):
            s = g + b
            t = s + NSLOT
            drain(b)
            accum(s, b)

            @pl.when(jnp.logical_and(lax.rem(t, BLK) == 0, t < SPW))
            def _():
                stage_idx(t // BLK)

            @pl.when(t < SPW)
            def _():
                fire(t, b)

        s_last = g + NSLOT - 1

        @pl.when(lax.rem(s_last, BLK) == BLK - 1)
        def _():
            base = pl.multiple_of((wid * SPW + s_last - (BLK - 1)) * D, BLK * D)
            pltpu.sync_copy(acc_v, x_hbm.at[pl.ds(base, BLK * D)])

        return carry

    lax.fori_loop(0, SPW // NSLOT, g_body, 0)


def _embedding_bag(indices, emb_table):
    idx3 = indices.astype(jnp.int32).reshape(B // BLK, BLK * NCH, IDX_CHUNK)
    mesh = plsc.VectorSubcoreMesh(
        core_axis_name="c", subcore_axis_name="s", num_cores=NC, num_subcores=NS
    )
    tabp = pl.kernel(
        _pack_body,
        out_type=jax.ShapeDtypeStruct((F * (D // 2),), jnp.int32),
        mesh=mesh,
        compiler_params=_SC_PARAMS_PACK,
        scratch_types=[
            pltpu.VMEM((2, RPB, D), jnp.float32),
            pltpu.VMEM((2, RPB * (D // 2)), jnp.int32),
            pltpu.SemaphoreType.DMA,
            pltpu.SemaphoreType.DMA,
            pltpu.SemaphoreType.DMA,
            pltpu.SemaphoreType.DMA,
        ],
    )(emb_table).reshape(F, D // 2)
    x1d = pl.kernel(
        _bag_body,
        out_type=jax.ShapeDtypeStruct((B * D,), jnp.float32),
        mesh=mesh,
        compiler_params=_SC_PARAMS,
        scratch_types=[
            pltpu.VMEM((2, BLK * NCH, IDX_CHUNK), jnp.int32),
            pltpu.VMEM((BLK * D,), jnp.float32),
        ] + [pltpu.VMEM((IDX_CHUNK, D // 2), jnp.int32)] * (NSLOT * NCH)
          + [pltpu.SemaphoreType.DMA] * NSLOT,
    )(idx3, tabp)
    return x1d.reshape(B, D)


TB = 2048


def _head_body(x_ref, pwt_ref, pb_ref, w1_ref, b1_ref, w2_ref, b2_ref,
               w3_ref, b3_ref, pol_ref, val_ref):
    x = x_ref[...]
    hi = lax.Precision.HIGHEST
    pol_ref[...] = (
        lax.dot_general(x, pwt_ref[...], (((1,), (0,)), ((), ())),
                        precision=lax.Precision.DEFAULT)
        + pb_ref[...]
    )
    h = jnp.clip(
        lax.dot_general(x, w1_ref[...], (((1,), (0,)), ((), ())),
                        precision=lax.Precision.DEFAULT)
        + b1_ref[...], 0.0, 1.0)
    h = jnp.clip(
        lax.dot_general(h, w2_ref[...], (((1,), (0,)), ((), ())), precision=hi)
        + b2_ref[...], 0.0, 1.0)
    val_ref[...] = jnp.tanh(
        lax.dot_general(h, w3_ref[...], (((1,), (0,)), ((), ())), precision=hi)
        + b3_ref[...])


def _heads(x, pw, pb, v1w, v1b, v2w, v2b, v3w, v3b):
    np_ = pw.shape[0]
    full = lambda shape: pl.BlockSpec(shape, lambda i: (0, 0))
    return pl.pallas_call(
        _head_body,
        grid=(B // TB,),
        in_specs=[
            pl.BlockSpec((TB, D), lambda i: (i, 0)),
            full((D, np_)),
            full((1, np_)),
            full((D, 32)),
            full((1, 32)),
            full((32, 32)),
            full((1, 32)),
            full((32, 1)),
            full((1, 1)),
        ],
        out_specs=[
            pl.BlockSpec((TB, np_), lambda i: (i, 0)),
            pl.BlockSpec((TB, 1), lambda i: (i, 0)),
        ],
        out_shape=[
            jax.ShapeDtypeStruct((B, np_), jnp.float32),
            jax.ShapeDtypeStruct((B, 1), jnp.float32),
        ],
    )(
        x, pw.T, pb.reshape(1, np_), v1w.T, v1b.reshape(1, 32),
        v2w.T, v2b.reshape(1, 32), v3w.T, v3b.reshape(1, 1),
    )


def kernel(indices, emb_table, pw, pb, v1w, v1b, v2w, v2b, v3w, v3b):
    x = _embedding_bag(indices, emb_table)
    pol, val = _heads(x, pw, pb, v1w, v1b, v2w, v2b, v3w, v3b)
    return (pol, val)

# --- scband reference (transcript-rebuilt; emitter-appended) ---
"""Pipeline reference for scband-nnue-42159398978365 (READ-ONLY COPY).

The authoritative reference and input builder live on the scoring server;
editing this copy changes nothing except your own understanding.
"""

import jax, jax.numpy as jnp
import numpy as np

NNUE_CARO_SQUARES = 15 * 15
NNUE_FEATURES = 2 * NNUE_CARO_SQUARES * NNUE_CARO_SQUARES
NNUE_L1 = 128
NNUE_L2 = 32
NNUE_L3 = 32


def setup_inputs(seed: int = 0) -> dict:
    key = jax.random.key(seed)
    ks = jax.random.split(key, 9)
    B, L = 16384, 200
    indices = jax.random.randint(ks[0], (B, L), 0, NNUE_FEATURES, dtype=jnp.int64)
    emb_table = jax.random.normal(ks[1], (NNUE_FEATURES, NNUE_L1), dtype=jnp.float32) * 0.02
    pw = jax.random.normal(ks[2], (NNUE_CARO_SQUARES, NNUE_L1), dtype=jnp.float32) * 0.05
    pb = jnp.zeros((NNUE_CARO_SQUARES,), dtype=jnp.float32)
    v1w = jax.random.normal(ks[3], (NNUE_L2, NNUE_L1), dtype=jnp.float32) * 0.05
    v1b = jnp.zeros((NNUE_L2,), dtype=jnp.float32)
    v2w = jax.random.normal(ks[4], (NNUE_L3, NNUE_L2), dtype=jnp.float32) * 0.05
    v2b = jnp.zeros((NNUE_L3,), dtype=jnp.float32)
    v3w = jax.random.normal(ks[5], (1, NNUE_L3), dtype=jnp.float32) * 0.05
    v3b = jnp.zeros((1,), dtype=jnp.float32)
    return {"indices": indices, "emb_table": emb_table, "pw": pw, "pb": pb,
            "v1w": v1w, "v1b": v1b, "v2w": v2w, "v2b": v2b, "v3w": v3w, "v3b": v3b}


def reference(indices, emb_table, pw, pb, v1w, v1b, v2w, v2b, v3w, v3b):
    # EmbeddingBag(mode='sum'): gather rows then sum over bag dimension
    x = jnp.take(emb_table, indices, axis=0).sum(axis=1)  # [B, L1]
    pol = x @ pw.T + pb  # policy head [B, 225]
    h = jnp.clip(x @ v1w.T + v1b, 0.0, 1.0)  # Hardtanh(0, 1)
    h = jnp.clip(h @ v2w.T + v2b, 0.0, 1.0)
    val = jnp.tanh(h @ v3w.T + v3b)  # [B, 1]
    return (pol, val)

if __name__ == "__main__":
    import jax
    _d = setup_inputs()
    print(jax.jit(kernel)(*tuple(_d.values())))

</pallas_src>

<mosaic_0001>
#map = affine_map<(d0, d1) -> (0, 0, 0)>
#map1 = affine_map<(d0, d1) -> (0, 0)>
#map2 = affine_map<(d0, d1) -> (0)>
module attributes {stable_mosaic.version = 14 : i64} {
  func.func @_bag_body(%arg0: i32, %arg1: i32, %arg2: memref<512x64x100xi32, #tpu.memory_space<hbm>>, %arg3: memref<101250x64xi32, #tpu.memory_space<hbm>>, %arg4: memref<2097152xf32, #tpu.memory_space<hbm>>, %arg5: memref<2x64x100xi32, #tpu.memory_space<vmem>>, %arg6: memref<4096xf32, #tpu.memory_space<vmem>>, %arg7: memref<100x64xi32, #tpu.memory_space<vmem>>, %arg8: memref<100x64xi32, #tpu.memory_space<vmem>>, %arg9: memref<100x64xi32, #tpu.memory_space<vmem>>, %arg10: memref<100x64xi32, #tpu.memory_space<vmem>>, %arg11: memref<100x64xi32, #tpu.memory_space<vmem>>, %arg12: memref<100x64xi32, #tpu.memory_space<vmem>>, %arg13: memref<100x64xi32, #tpu.memory_space<vmem>>, %arg14: memref<100x64xi32, #tpu.memory_space<vmem>>, %arg15: memref<100x64xi32, #tpu.memory_space<vmem>>, %arg16: memref<100x64xi32, #tpu.memory_space<vmem>>, %arg17: memref<100x64xi32, #tpu.memory_space<vmem>>, %arg18: memref<100x64xi32, #tpu.memory_space<vmem>>, %arg19: memref<100x64xi32, #tpu.memory_space<vmem>>, %arg20: memref<100x64xi32, #tpu.memory_space<vmem>>, %arg21: memref<100x64xi32, #tpu.memory_space<vmem>>, %arg22: memref<100x64xi32, #tpu.memory_space<vmem>>, %arg23: memref<!tpu.dma_semaphore, #tpu.memory_space<semaphore_mem>>, %arg24: memref<!tpu.dma_semaphore, #tpu.memory_space<semaphore_mem>>, %arg25: memref<!tpu.dma_semaphore, #tpu.memory_space<semaphore_mem>>, %arg26: memref<!tpu.dma_semaphore, #tpu.memory_space<semaphore_mem>>, %arg27: memref<!tpu.dma_semaphore, #tpu.memory_space<semaphore_mem>>, %arg28: memref<!tpu.dma_semaphore, #tpu.memory_space<semaphore_mem>>, %arg29: memref<!tpu.dma_semaphore, #tpu.memory_space<semaphore_mem>>, %arg30: memref<!tpu.dma_semaphore, #tpu.memory_space<semaphore_mem>>) attributes {dimension_semantics = [#tpu.dimension_semantics<core_parallel>, #tpu.dimension_semantics<subcore_parallel>], iteration_bounds = array<i64: 2, 16>, scalar_prefetch = 0 : i64, scratch_operands = 26 : i64, tpu.core_type = #tpu.core_type<sc_vector_subcore>, window_params = [{transform_indices = #map}, {transform_indices = #map1}, {transform_indices = #map2}]} {
    %mul3A = arith.constant 2 : i32
    %mul3A_0 = arith.muli %arg1, %mul3A : i32
    %add3A = arith.addi %mul3A_0, %arg0 : i32
    %broadcast_in_dim3A = arith.constant -65536 : i32
    %broadcast_in_dim3A_1 = vector.broadcast %broadcast_in_dim3A : i32 to vector<16xi32>
    %broadcast_in_dim3A_2 = arith.constant 16 : i32
    %broadcast_in_dim3A_3 = vector.broadcast %broadcast_in_dim3A_2 : i32 to vector<16xi32>
    %rem3A = arith.constant 0 : i32
    %rem3A_4 = arith.constant 2 : i32
    %rem3A_5 = arith.remsi %rem3A, %rem3A_4 : i32
    %mul3A_6 = arith.constant 16 : i32
    %mul3A_7 = arith.muli %add3A, %mul3A_6 : i32
    %add3A_8 = arith.constant 0 : i32
    %add3A_9 = arith.addi %mul3A_7, %add3A_8 : i32
    "tpu.region"() ({
      %run_scoped3A = tpu.sem_alloc : memref<!tpu.dma_semaphore, #tpu.memory_space<semaphore_mem>>
      %dma_start3A_285 = arith.constant 0 : i32
      %dma_start3A_286 = arith.constant 0 : i32
      %dma_start3A_287 = tpu.memref_slice %arg5[%rem3A_5, %dma_start3A_285, %dma_start3A_286] : memref<2x64x100xi32, #tpu.memory_space<vmem>> -> memref<1x64x100xi32, #tpu.memory_space<vmem>>
      %dma_start3A_288 = tpu.memref_squeeze %dma_start3A_287 : memref<1x64x100xi32, #tpu.memory_space<vmem>> -> memref<64x100xi32, #tpu.memory_space<vmem>>
      %dma_start3A_289 = arith.constant 0 : i32
      %dma_start3A_290 = arith.constant 0 : i32
      %dma_start3A_291 = tpu.memref_slice %arg2[%add3A_9, %dma_start3A_289, %dma_start3A_290] : memref<512x64x100xi32, #tpu.memory_space<hbm>> -> memref<1x64x100xi32, #tpu.memory_space<hbm>>
      %dma_start3A_292 = tpu.memref_squeeze %dma_start3A_291 : memref<1x64x100xi32, #tpu.memory_space<hbm>> -> memref<64x100xi32, #tpu.memory_space<hbm>>
      %dma_start3A_293 = arith.constant 0 : i32
      %dma_start3A_294 = arith.constant 0 : i32
      %dma_start3A_295 = tpu.memref_slice %arg5[%rem3A_5, %dma_start3A_293, %dma_start3A_294] : memref<2x64x100xi32, #tpu.memory_space<vmem>> -> memref<1x64x100xi32, #tpu.memory_space<vmem>>
      %dma_start3A_296 = tpu.memref_squeeze %dma_start3A_295 : memref<1x64x100xi32, #tpu.memory_space<vmem>> -> memref<64x100xi32, #tpu.memory_space<vmem>>
      %dma_start3A_297 = arith.constant 0 : i32
      %dma_start3A_298 = arith.constant 0 : i32
      %dma_start3A_299 = tpu.memref_slice %arg2[%add3A_9, %dma_start3A_297, %dma_start3A_298] : memref<512x64x100xi32, #tpu.memory_space<hbm>> -> memref<1x64x100xi32, #tpu.memory_space<hbm>>
      %dma_start3A_300 = tpu.memref_squeeze %dma_start3A_299 : memref<1x64x100xi32, #tpu.memory_space<hbm>> -> memref<64x100xi32, #tpu.memory_space<hbm>>
      tpu.enqueue_dma source(%dma_start3A_300 : memref<64x100xi32, #tpu.memory_space<hbm>>) target(%dma_start3A_296 : memref<64x100xi32, #tpu.memory_space<vmem>>) target_semaphore(%run_scoped3A : memref<!tpu.dma_semaphore, #tpu.memory_space<semaphore_mem>>)
      %dma_wait3A = arith.constant 0 : i32
      %dma_wait3A_301 = arith.constant 0 : i32
      %dma_wait3A_302 = tpu.memref_slice %arg5[%rem3A_5, %dma_wait3A, %dma_wait3A_301] : memref<2x64x100xi32, #tpu.memory_space<vmem>> -> memref<1x64x100xi32, #tpu.memory_space<vmem>>
      %dma_wait3A_303 = tpu.memref_squeeze %dma_wait3A_302 : memref<1x64x100xi32, #tpu.memory_space<vmem>> -> memref<64x100xi32, #tpu.memory_space<vmem>>
      %dma_wait3A_304 = arith.constant 0 : i32
      %dma_wait3A_305 = arith.constant 0 : i32
      %dma_wait3A_306 = tpu.memref_slice %arg2[%add3A_9, %dma_wait3A_304, %dma_wait3A_305] : memref<512x64x100xi32, #tpu.memory_space<hbm>> -> memref<1x64x100xi32, #tpu.memory_space<hbm>>
      %dma_wait3A_307 = tpu.memref_squeeze %dma_wait3A_306 : memref<1x64x100xi32, #tpu.memory_space<hbm>> -> memref<64x100xi32, #tpu.memory_space<hbm>>
      %dma_wait3A_308 = arith.constant 0 : i32
      %dma_wait3A_309 = arith.constant 0 : i32
      %dma_wait3A_310 = tpu.memref_slice %arg5[%rem3A_5, %dma_wait3A_308, %dma_wait3A_309] : memref<2x64x100xi32, #tpu.memory_space<vmem>> -> memref<1x64x100xi32, #tpu.memory_space<vmem>>
      %dma_wait3A_311 = tpu.memref_squeeze %dma_wait3A_310 : memref<1x64x100xi32, #tpu.memory_space<vmem>> -> memref<64x100xi32, #tpu.memory_space<vmem>>
      %dma_wait3A_312 = arith.constant 0 : i32
      %dma_wait3A_313 = arith.constant 0 : i32
      %dma_wait3A_314 = tpu.memref_slice %arg2[%add3A_9, %dma_wait3A_312, %dma_wait3A_313] : memref<512x64x100xi32, #tpu.memory_space<hbm>> -> memref<1x64x100xi32, #tpu.memory_space<hbm>>
      %dma_wait3A_315 = tpu.memref_squeeze %dma_wait3A_314 : memref<1x64x100xi32, #tpu.memory_space<hbm>> -> memref<64x100xi32, #tpu.memory_space<hbm>>
      tpu.wait_dma2 semaphore(%run_scoped3A : memref<!tpu.dma_semaphore, #tpu.memory_space<semaphore_mem>>) src(%dma_wait3A_315 : memref<64x100xi32, #tpu.memory_space<hbm>>) dst(%dma_wait3A_311 : memref<64x100xi32, #tpu.memory_space<vmem>>)
      tpu.yield
    }) : () -> ()
    %div3A = arith.constant 0 : i32
    %div3A_10 = arith.constant 32 : i32
    %div3A_11 = arith.divsi %div3A, %div3A_10 : i32
    %rem3A_12 = arith.constant 2 : i32
    %rem3A_13 = arith.remsi %div3A_11, %rem3A_12 : i32
    %rem3A_14 = arith.constant 0 : i32
    %rem3A_15 = arith.constant 32 : i32
    %rem3A_16 = arith.remsi %rem3A_14, %rem3A_15 : i32
    %mul3A_17 = arith.constant 2 : i32
    %mul3A_18 = arith.muli %rem3A_16, %mul3A_17 : i32
    %add3A_19 = arith.constant 0 : i32
    %add3A_20 = arith.addi %mul3A_18, %add3A_19 : i32
    %dma_start3A = arith.constant 0 : i32
    %dma_start3A_21 = arith.constant 0 : i32
    %dma_start3A_22 = tpu.memref_slice %arg5[%rem3A_13, %dma_start3A, %dma_start3A_21] : memref<2x64x100xi32, #tpu.memory_space<vmem>> -> memref<1x64x100xi32, #tpu.memory_space<vmem>>
    %dma_start3A_23 = tpu.memref_squeeze %dma_start3A_22 : memref<1x64x100xi32, #tpu.memory_space<vmem>> -> memref<64x100xi32, #tpu.memory_space<vmem>>
    %dma_start3A_24 = arith.constant 0 : i32
    %dma_start3A_25 = tpu.memref_slice %dma_start3A_23[%add3A_20, %dma_start3A_24] : memref<64x100xi32, #tpu.memory_space<vmem>> -> memref<1x100xi32, #tpu.memory_space<vmem>>
    %dma_start3A_26 = tpu.memref_squeeze %dma_start3A_25 : memref<1x100xi32, #tpu.memory_space<vmem>> -> memref<100xi32, #tpu.memory_space<vmem>>
    %dma_start3A_27 = arith.constant 0 : i32
    %dma_start3A_28 = arith.constant 0 : i32
    %dma_start3A_29 = tpu.memref_slice %arg3[%dma_start3A_27, %dma_start3A_28] : memref<101250x64xi32, #tpu.memory_space<hbm>> -> memref<101250x64xi32, #tpu.memory_space<hbm>>
    tpu.enqueue_indirect_dma source(%dma_start3A_29 : memref<101250x64xi32, #tpu.memory_space<hbm>>) target(%arg7 : memref<100x64xi32, #tpu.memory_space<vmem>>) offsets(%dma_start3A_26 : memref<100xi32, #tpu.memory_space<vmem>>) semaphore(%arg23 : memref<!tpu.dma_semaphore, #tpu.memory_space<semaphore_mem>>)
    %add3A_30 = arith.constant 1 : i32
    %add3A_31 = arith.addi %mul3A_18, %add3A_30 : i32
    %dma_start3A_32 = arith.constant 0 : i32
    %dma_start3A_33 = arith.constant 0 : i32
    %dma_start3A_34 = tpu.memref_slice %arg5[%rem3A_13, %dma_start3A_32, %dma_start3A_33] : memref<2x64x100xi32, #tpu.memory_space<vmem>> -> memref<1x64x100xi32, #tpu.memory_space<vmem>>
    %dma_start3A_35 = tpu.memref_squeeze %dma_start3A_34 : memref<1x64x100xi32, #tpu.memory_space<vmem>> -> memref<64x100xi32, #tpu.memory_space<vmem>>
    %dma_start3A_36 = arith.constant 0 : i32
    %dma_start3A_37 = tpu.memref_slice %dma_start3A_35[%add3A_31, %dma_start3A_36] : memref<64x100xi32, #tpu.memory_space<vmem>> -> memref<1x100xi32, #tpu.memory_space<vmem>>
    %dma_start3A_38 = tpu.memref_squeeze %dma_start3A_37 : memref<1x100xi32, #tpu.memory_space<vmem>> -> memref<100xi32, #tpu.memory_space<vmem>>
    %dma_start3A_39 = arith.constant 0 : i32
    %dma_start3A_40 = arith.constant 0 : i32
    %dma_start3A_41 = tpu.memref_slice %arg3[%dma_start3A_39, %dma_start3A_40] : memref<101250x64xi32, #tpu.memory_space<hbm>> -> memref<101250x64xi32, #tpu.memory_space<hbm>>
    tpu.enqueue_indirect_dma source(%dma_start3A_41 : memref<101250x64xi32, #tpu.memory_space<hbm>>) target(%arg8 : memref<100x64xi32, #tpu.memory_space<vmem>>) offsets(%dma_start3A_38 : memref<100xi32, #tpu.memory_space<vmem>>) semaphore(%arg23 : memref<!tpu.dma_semaphore, #tpu.memory_space<semaphore_mem>>)
    %div3A_42 = arith.constant 1 : i32
    %div3A_43 = arith.constant 32 : i32
    %div3A_44 = arith.divsi %div3A_42, %div3A_43 : i32
    %rem3A_45 = arith.constant 2 : i32
    %rem3A_46 = arith.remsi %div3A_44, %rem3A_45 : i32
    %rem3A_47 = arith.constant 1 : i32
    %rem3A_48 = arith.constant 32 : i32
    %rem3A_49 = arith.remsi %rem3A_47, %rem3A_48 : i32
    %mul3A_50 = arith.constant 2 : i32
    %mul3A_51 = arith.muli %rem3A_49, %mul3A_50 : i32
    %add3A_52 = arith.constant 0 : i32
    %add3A_53 = arith.addi %mul3A_51, %add3A_52 : i32
    %dma_start3A_54 = arith.constant 0 : i32
    %dma_start3A_55 = arith.constant 0 : i32
    %dma_start3A_56 = tpu.memref_slice %arg5[%rem3A_46, %dma_start3A_54, %dma_start3A_55] : memref<2x64x100xi32, #tpu.memory_space<vmem>> -> memref<1x64x100xi32, #tpu.memory_space<vmem>>
    %dma_start3A_57 = tpu.memref_squeeze %dma_start3A_56 : memref<1x64x100xi32, #tpu.memory_space<vmem>> -> memref<64x100xi32, #tpu.memory_space<vmem>>
    %dma_start3A_58 = arith.constant 0 : i32
    %dma_start3A_59 = tpu.memref_slice %dma_start3A_57[%add3A_53, %dma_start3A_58] : memref<64x100xi32, #tpu.memory_space<vmem>> -> memref<1x100xi32, #tpu.memory_space<vmem>>
    %dma_start3A_60 = tpu.memref_squeeze %dma_start3A_59 : memref<1x100xi32, #tpu.memory_space<vmem>> -> memref<100xi32, #tpu.memory_space<vmem>>
    %dma_start3A_61 = arith.constant 0 : i32
    %dma_start3A_62 = arith.constant 0 : i32
    %dma_start3A_63 = tpu.memref_slice %arg3[%dma_start3A_61, %dma_start3A_62] : memref<101250x64xi32, #tpu.memory_space<hbm>> -> memref<101250x64xi32, #tpu.memory_space<hbm>>
    tpu.enqueue_indirect_dma source(%dma_start3A_63 : memref<101250x64xi32, #tpu.memory_space<hbm>>) target(%arg9 : memref<100x64xi32, #tpu.memory_space<vmem>>) offsets(%dma_start3A_60 : memref<100xi32, #tpu.memory_space<vmem>>) semaphore(%arg24 : memref<!tpu.dma_semaphore, #tpu.memory_space<semaphore_mem>>)
    %add3A_64 = arith.constant 1 : i32
    %add3A_65 = arith.addi %mul3A_51, %add3A_64 : i32
    %dma_start3A_66 = arith.constant 0 : i32
    %dma_start3A_67 = arith.constant 0 : i32
    %dma_start3A_68 = tpu.memref_slice %arg5[%rem3A_46, %dma_start3A_66, %dma_start3A_67] : memref<2x64x100xi32, #tpu.memory_space<vmem>> -> memref<1x64x100xi32, #tpu.memory_space<vmem>>
    %dma_start3A_69 = tpu.memref_squeeze %dma_start3A_68 : memref<1x64x100xi32, #tpu.memory_space<vmem>> -> memref<64x100xi32, #tpu.memory_space<vmem>>
    %dma_start3A_70 = arith.constant 0 : i32
    %dma_start3A_71 = tpu.memref_slice %dma_start3A_69[%add3A_65, %dma_start3A_70] : memref<64x100xi32, #tpu.memory_space<vmem>> -> memref<1x100xi32, #tpu.memory_space<vmem>>
    %dma_start3A_72 = tpu.memref_squeeze %dma_start3A_71 : memref<1x100xi32, #tpu.memory_space<vmem>> -> memref<100xi32, #tpu.memory_space<vmem>>
    %dma_start3A_73 = arith.constant 0 : i32
    %dma_start3A_74 = arith.constant 0 : i32
    %dma_start3A_75 = tpu.memref_slice %arg3[%dma_start3A_73, %dma_start3A_74] : memref<101250x64xi32, #tpu.memory_space<hbm>> -> memref<101250x64xi32, #tpu.memory_space<hbm>>
    tpu.enqueue_indirect_dma source(%dma_start3A_75 : memref<101250x64xi32, #tpu.memory_space<hbm>>) target(%arg10 : memref<100x64xi32, #tpu.memory_space<vmem>>) offsets(%dma_start3A_72 : memref<100xi32, #tpu.memory_space<vmem>>) semaphore(%arg24 : memref<!tpu.dma_semaphore, #tpu.memory_space<semaphore_mem>>)
    %div3A_76 = arith.constant 2 : i32
    %div3A_77 = arith.constant 32 : i32
    %div3A_78 = arith.divsi %div3A_76, %div3A_77 : i32
    %rem3A_79 = arith.constant 2 : i32
    %rem3A_80 = arith.remsi %div3A_78, %rem3A_79 : i32
    %rem3A_81 = arith.constant 2 : i32
    %rem3A_82 = arith.constant 32 : i32
    %rem3A_83 = arith.remsi %rem3A_81, %rem3A_82 : i32
    %mul3A_84 = arith.constant 2 : i32
    %mul3A_85 = arith.muli %rem3A_83, %mul3A_84 : i32
    %add3A_86 = arith.constant 0 : i32
    %add3A_87 = arith.addi %mul3A_85, %add3A_86 : i32
    %dma_start3A_88 = arith.constant 0 : i32
    %dma_start3A_89 = arith.constant 0 : i32
    %dma_start3A_90 = tpu.memref_slice %arg5[%rem3A_80, %dma_start3A_88, %dma_start3A_89] : memref<2x64x100xi32, #tpu.memory_space<vmem>> -> memref<1x64x100xi32, #tpu.memory_space<vmem>>
    %dma_start3A_91 = tpu.memref_squeeze %dma_start3A_90 : memref<1x64x100xi32, #tpu.memory_space<vmem>> -> memref<64x100xi32, #tpu.memory_space<vmem>>
    %dma_start3A_92 = arith.constant 0 : i32
    %dma_start3A_93 = tpu.memref_slice %dma_start3A_91[%add3A_87, %dma_start3A_92] : memref<64x100xi32, #tpu.memory_space<vmem>> -> memref<1x100xi32, #tpu.memory_space<vmem>>
    %dma_start3A_94 = tpu.memref_squeeze %dma_start3A_93 : memref<1x100xi32, #tpu.memory_space<vmem>> -> memref<100xi32, #tpu.memory_space<vmem>>
    %dma_start3A_95 = arith.constant 0 : i32
    %dma_start3A_96 = arith.constant 0 : i32
    %dma_start3A_97 = tpu.memref_slice %arg3[%dma_start3A_95, %dma_start3A_96] : memref<101250x64xi32, #tpu.memory_space<hbm>> -> memref<101250x64xi32, #tpu.memory_space<hbm>>
    tpu.enqueue_indirect_dma source(%dma_start3A_97 : memref<101250x64xi32, #tpu.memory_space<hbm>>) target(%arg11 : memref<100x64xi32, #tpu.memory_space<vmem>>) offsets(%dma_start3A_94 : memref<100xi32, #tpu.memory_space<vmem>>) semaphore(%arg25 : memref<!tpu.dma_semaphore, #tpu.memory_space<semaphore_mem>>)
    %add3A_98 = arith.constant 1 : i32
    %add3A_99 = arith.addi %mul3A_85, %add3A_98 : i32
    %dma_start3A_100 = arith.constant 0 : i32
    %dma_start3A_101 = arith.constant 0 : i32
    %dma_start3A_102 = tpu.memref_slice %arg5[%rem3A_80, %dma_start3A_100, %dma_start3A_101] : memref<2x64x100xi32, #tpu.memory_space<vmem>> -> memref<1x64x100xi32, #tpu.memory_space<vmem>>
    %dma_start3A_103 = tpu.memref_squeeze %dma_start3A_102 : memref<1x64x100xi32, #tpu.memory_space<vmem>> -> memref<64x100xi32, #tpu.memory_space<vmem>>
    %dma_start3A_104 = arith.constant 0 : i32
    %dma_start3A_105 = tpu.memref_slice %dma_start3A_103[%add3A_99, %dma_start3A_104] : memref<64x100xi32, #tpu.memory_space<vmem>> -> memref<1x100xi32, #tpu.memory_space<vmem>>
    %dma_start3A_106 = tpu.memref_squeeze %dma_start3A_105 : memref<1x100xi32, #tpu.memory_space<vmem>> -> memref<100xi32, #tpu.memory_space<vmem>>
    %dma_start3A_107 = arith.constant 0 : i32
    %dma_start3A_108 = arith.constant 0 : i32
    %dma_start3A_109 = tpu.memref_slice %arg3[%dma_start3A_107, %dma_start3A_108] : memref<101250x64xi32, #tpu.memory_space<hbm>> -> memref<101250x64xi32, #tpu.memory_space<hbm>>
    tpu.enqueue_indirect_dma source(%dma_start3A_109 : memref<101250x64xi32, #tpu.memory_space<hbm>>) target(%arg12 : memref<100x64xi32, #tpu.memory_space<vmem>>) offsets(%dma_start3A_106 : memref<100xi32, #tpu.memory_space<vmem>>) semaphore(%arg25 : memref<!tpu.dma_semaphore, #tpu.memory_space<semaphore_mem>>)
    %div3A_110 = arith.constant 3 : i32
    %div3A_111 = arith.constant 32 : i32
    %div3A_112 = arith.divsi %div3A_110, %div3A_111 : i32
    %rem3A_113 = arith.constant 2 : i32
    %rem3A_114 = arith.remsi %div3A_112, %rem3A_113 : i32
    %rem3A_115 = arith.constant 3 : i32
    %rem3A_116 = arith.constant 32 : i32
    %rem3A_117 = arith.remsi %rem3A_115, %rem3A_116 : i32
    %mul3A_118 = arith.constant 2 : i32
    %mul3A_119 = arith.muli %rem3A_117, %mul3A_118 : i32
    %add3A_120 = arith.constant 0 : i32
    %add3A_121 = arith.addi %mul3A_119, %add3A_120 : i32
    %dma_start3A_122 = arith.constant 0 : i32
    %dma_start3A_123 = arith.constant 0 : i32
    %dma_start3A_124 = tpu.memref_slice %arg5[%rem3A_114, %dma_start3A_122, %dma_start3A_123] : memref<2x64x100xi32, #tpu.memory_space<vmem>> -> memref<1x64x100xi32, #tpu.memory_space<vmem>>
    %dma_start3A_125 = tpu.memref_squeeze %dma_start3A_124 : memref<1x64x100xi32, #tpu.memory_space<vmem>> -> memref<64x100xi32, #tpu.memory_space<vmem>>
    %dma_start3A_126 = arith.constant 0 : i32
    %dma_start3A_127 = tpu.memref_slice %dma_start3A_125[%add3A_121, %dma_start3A_126] : memref<64x100xi32, #tpu.memory_space<vmem>> -> memref<1x100xi32, #tpu.memory_space<vmem>>
    %dma_start3A_128 = tpu.memref_squeeze %dma_start3A_127 : memref<1x100xi32, #tpu.memory_space<vmem>> -> memref<100xi32, #tpu.memory_space<vmem>>
    %dma_start3A_129 = arith.constant 0 : i32
    %dma_start3A_130 = arith.constant 0 : i32
    %dma_start3A_131 = tpu.memref_slice %arg3[%dma_start3A_129, %dma_start3A_130] : memref<101250x64xi32, #tpu.memory_space<hbm>> -> memref<101250x64xi32, #tpu.memory_space<hbm>>
    tpu.enqueue_indirect_dma source(%dma_start3A_131 : memref<101250x64xi32, #tpu.memory_space<hbm>>) target(%arg13 : memref<100x64xi32, #tpu.memory_space<vmem>>) offsets(%dma_start3A_128 : memref<100xi32, #tpu.memory_space<vmem>>) semaphore(%arg26 : memref<!tpu.dma_semaphore, #tpu.memory_space<semaphore_mem>>)
    %add3A_132 = arith.constant 1 : i32
    %add3A_133 = arith.addi %mul3A_119, %add3A_132 : i32
    %dma_start3A_134 = arith.constant 0 : i32
    %dma_start3A_135 = arith.constant 0 : i32
    %dma_start3A_136 = tpu.memref_slice %arg5[%rem3A_114, %dma_start3A_134, %dma_start3A_135] : memref<2x64x100xi32, #tpu.memory_space<vmem>> -> memref<1x64x100xi32, #tpu.memory_space<vmem>>
    %dma_start3A_137 = tpu.memref_squeeze %dma_start3A_136 : memref<1x64x100xi32, #tpu.memory_space<vmem>> -> memref<64x100xi32, #tpu.memory_space<vmem>>
    %dma_start3A_138 = arith.constant 0 : i32
    %dma_start3A_139 = tpu.memref_slice %dma_start3A_137[%add3A_133, %dma_start3A_138] : memref<64x100xi32, #tpu.memory_space<vmem>> -> memref<1x100xi32, #tpu.memory_space<vmem>>
    %dma_start3A_140 = tpu.memref_squeeze %dma_start3A_139 : memref<1x100xi32, #tpu.memory_space<vmem>> -> memref<100xi32, #tpu.memory_space<vmem>>
    %dma_start3A_141 = arith.constant 0 : i32
    %dma_start3A_142 = arith.constant 0 : i32
    %dma_start3A_143 = tpu.memref_slice %arg3[%dma_start3A_141, %dma_start3A_142] : memref<101250x64xi32, #tpu.memory_space<hbm>> -> memref<101250x64xi32, #tpu.memory_space<hbm>>
    tpu.enqueue_indirect_dma source(%dma_start3A_143 : memref<101250x64xi32, #tpu.memory_space<hbm>>) target(%arg14 : memref<100x64xi32, #tpu.memory_space<vmem>>) offsets(%dma_start3A_140 : memref<100xi32, #tpu.memory_space<vmem>>) semaphore(%arg26 : memref<!tpu.dma_semaphore, #tpu.memory_space<semaphore_mem>>)
    %div3A_144 = arith.constant 4 : i32
    %div3A_145 = arith.constant 32 : i32
    %div3A_146 = arith.divsi %div3A_144, %div3A_145 : i32
    %rem3A_147 = arith.constant 2 : i32
    %rem3A_148 = arith.remsi %div3A_146, %rem3A_147 : i32
    %rem3A_149 = arith.constant 4 : i32
    %rem3A_150 = arith.constant 32 : i32
    %rem3A_151 = arith.remsi %rem3A_149, %rem3A_150 : i32
    %mul3A_152 = arith.constant 2 : i32
    %mul3A_153 = arith.muli %rem3A_151, %mul3A_152 : i32
    %add3A_154 = arith.constant 0 : i32
    %add3A_155 = arith.addi %mul3A_153, %add3A_154 : i32
    %dma_start3A_156 = arith.constant 0 : i32
    %dma_start3A_157 = arith.constant 0 : i32
    %dma_start3A_158 = tpu.memref_slice %arg5[%rem3A_148, %dma_start3A_156, %dma_start3A_157] : memref<2x64x100xi32, #tpu.memory_space<vmem>> -> memref<1x64x100xi32, #tpu.memory_space<vmem>>
    %dma_start3A_159 = tpu.memref_squeeze %dma_start3A_158 : memref<1x64x100xi32, #tpu.memory_space<vmem>> -> memref<64x100xi32, #tpu.memory_space<vmem>>
    %dma_start3A_160 = arith.constant 0 : i32
    %dma_start3A_161 = tpu.memref_slice %dma_start3A_159[%add3A_155, %dma_start3A_160] : memref<64x100xi32, #tpu.memory_space<vmem>> -> memref<1x100xi32, #tpu.memory_space<vmem>>
    %dma_start3A_162 = tpu.memref_squeeze %dma_start3A_161 : memref<1x100xi32, #tpu.memory_space<vmem>> -> memref<100xi32, #tpu.memory_space<vmem>>
    %dma_start3A_163 = arith.constant 0 : i32
    %dma_start3A_164 = arith.constant 0 : i32
    %dma_start3A_165 = tpu.memref_slice %arg3[%dma_start3A_163, %dma_start3A_164] : memref<101250x64xi32, #tpu.memory_space<hbm>> -> memref<101250x64xi32, #tpu.memory_space<hbm>>
    tpu.enqueue_indirect_dma source(%dma_start3A_165 : memref<101250x64xi32, #tpu.memory_space<hbm>>) target(%arg15 : memref<100x64xi32, #tpu.memory_space<vmem>>) offsets(%dma_start3A_162 : memref<100xi32, #tpu.memory_space<vmem>>) semaphore(%arg27 : memref<!tpu.dma_semaphore, #tpu.memory_space<semaphore_mem>>)
    %add3A_166 = arith.constant 1 : i32
    %add3A_167 = arith.addi %mul3A_153, %add3A_166 : i32
    %dma_start3A_168 = arith.constant 0 : i32
    %dma_start3A_169 = arith.constant 0 : i32
    %dma_start3A_170 = tpu.memref_slice %arg5[%rem3A_148, %dma_start3A_168, %dma_start3A_169] : memref<2x64x100xi32, #tpu.memory_space<vmem>> -> memref<1x64x100xi32, #tpu.memory_space<vmem>>
    %dma_start3A_171 = tpu.memref_squeeze %dma_start3A_170 : memref<1x64x100xi32, #tpu.memory_space<vmem>> -> memref<64x100xi32, #tpu.memory_space<vmem>>
    %dma_start3A_172 = arith.constant 0 : i32
    %dma_start3A_173 = tpu.memref_slice %dma_start3A_171[%add3A_167, %dma_start3A_172] : memref<64x100xi32, #tpu.memory_space<vmem>> -> memref<1x100xi32, #tpu.memory_space<vmem>>
    %dma_start3A_174 = tpu.memref_squeeze %dma_start3A_173 : memref<1x100xi32, #tpu.memory_space<vmem>> -> memref<100xi32, #tpu.memory_space<vmem>>
    %dma_start3A_175 = arith.constant 0 : i32
    %dma_start3A_176 = arith.constant 0 : i32
    %dma_start3A_177 = tpu.memref_slice %arg3[%dma_start3A_175, %dma_start3A_176] : memref<101250x64xi32, #tpu.memory_space<hbm>> -> memref<101250x64xi32, #tpu.memory_space<hbm>>
    tpu.enqueue_indirect_dma source(%dma_start3A_177 : memref<101250x64xi32, #tpu.memory_space<hbm>>) target(%arg16 : memref<100x64xi32, #tpu.memory_space<vmem>>) offsets(%dma_start3A_174 : memref<100xi32, #tpu.memory_space<vmem>>) semaphore(%arg27 : memref<!tpu.dma_semaphore, #tpu.memory_space<semaphore_mem>>)
    %div3A_178 = arith.constant 5 : i32
    %div3A_179 = arith.constant 32 : i32
    %div3A_180 = arith.divsi %div3A_178, %div3A_179 : i32
    %rem3A_181 = arith.constant 2 : i32
    %rem3A_182 = arith.remsi %div3A_180, %rem3A_181 : i32
    %rem3A_183 = arith.constant 5 : i32
    %rem3A_184 = arith.constant 32 : i32
    %rem3A_185 = arith.remsi %rem3A_183, %rem3A_184 : i32
    %mul3A_186 = arith.constant 2 : i32
    %mul3A_187 = arith.muli %rem3A_185, %mul3A_186 : i32
    %add3A_188 = arith.constant 0 : i32
    %add3A_189 = arith.addi %mul3A_187, %add3A_188 : i32
    %dma_start3A_190 = arith.constant 0 : i32
    %dma_start3A_191 = arith.constant 0 : i32
    %dma_start3A_192 = tpu.memref_slice %arg5[%rem3A_182, %dma_start3A_190, %dma_start3A_191] : memref<2x64x100xi32, #tpu.memory_space<vmem>> -> memref<1x64x100xi32, #tpu.memory_space<vmem>>
    %dma_start3A_193 = tpu.memref_squeeze %dma_start3A_192 : memref<1x64x100xi32, #tpu.memory_space<vmem>> -> memref<64x100xi32, #tpu.memory_space<vmem>>
    %dma_start3A_194 = arith.constant 0 : i32
    %dma_start3A_195 = tpu.memref_slice %dma_start3A_193[%add3A_189, %dma_start3A_194] : memref<64x100xi32, #tpu.memory_space<vmem>> -> memref<1x100xi32, #tpu.memory_space<vmem>>
    %dma_start3A_196 = tpu.memref_squeeze %dma_start3A_195 : memref<1x100xi32, #tpu.memory_space<vmem>> -> memref<100xi32, #tpu.memory_space<vmem>>
    %dma_start3A_197 = arith.constant 0 : i32
    %dma_start3A_198 = arith.constant 0 : i32
    %dma_start3A_199 = tpu.memref_slice %arg3[%dma_start3A_197, %dma_start3A_198] : memref<101250x64xi32, #tpu.memory_space<hbm>> -> memref<101250x64xi32, #tpu.memory_space<hbm>>
    tpu.enqueue_indirect_dma source(%dma_start3A_199 : memref<101250x64xi32, #tpu.memory_space<hbm>>) target(%arg17 : memref<100x64xi32, #tpu.memory_space<vmem>>) offsets(%dma_start3A_196 : memref<100xi32, #tpu.memory_space<vmem>>) semaphore(%arg28 : memref<!tpu.dma_semaphore, #tpu.memory_space<semaphore_mem>>)
    %add3A_200 = arith.constant 1 : i32
    %add3A_201 = arith.addi %mul3A_187, %add3A_200 : i32
    %dma_start3A_202 = arith.constant 0 : i32
    %dma_start3A_203 = arith.constant 0 : i32
    %dma_start3A_204 = tpu.memref_slice %arg5[%rem3A_182, %dma_start3A_202, %dma_start3A_203] : memref<2x64x100xi32, #tpu.memory_space<vmem>> -> memref<1x64x100xi32, #tpu.memory_space<vmem>>
    %dma_start3A_205 = tpu.memref_squeeze %dma_start3A_204 : memref<1x64x100xi32, #tpu.memory_space<vmem>> -> memref<64x100xi32, #tpu.memory_space<vmem>>
    %dma_start3A_206 = arith.constant 0 : i32
    %dma_start3A_207 = tpu.memref_slice %dma_start3A_205[%add3A_201, %dma_start3A_206] : memref<64x100xi32, #tpu.memory_space<vmem>> -> memref<1x100xi32, #tpu.memory_space<vmem>>
    %dma_start3A_208 = tpu.memref_squeeze %dma_start3A_207 : memref<1x100xi32, #tpu.memory_space<vmem>> -> memref<100xi32, #tpu.memory_space<vmem>>
    %dma_start3A_209 = arith.constant 0 : i32
    %dma_start3A_210 = arith.constant 0 : i32
    %dma_start3A_211 = tpu.memref_slice %arg3[%dma_start3A_209, %dma_start3A_210] : memref<101250x64xi32, #tpu.memory_space<hbm>> -> memref<101250x64xi32, #tpu.memory_space<hbm>>
    tpu.enqueue_indirect_dma source(%dma_start3A_211 : memref<101250x64xi32, #tpu.memory_space<hbm>>) target(%arg18 : memref<100x64xi32, #tpu.memory_space<vmem>>) offsets(%dma_start3A_208 : memref<100xi32, #tpu.memory_space<vmem>>) semaphore(%arg28 : memref<!tpu.dma_semaphore, #tpu.memory_space<semaphore_mem>>)
    %div3A_212 = arith.constant 6 : i32
    %div3A_213 = arith.constant 32 : i32
    %div3A_214 = arith.divsi %div3A_212, %div3A_213 : i32
    %rem3A_215 = arith.constant 2 : i32
    %rem3A_216 = arith.remsi %div3A_214, %rem3A_215 : i32
    %rem3A_217 = arith.constant 6 : i32
    %rem3A_218 = arith.constant 32 : i32
    %rem3A_219 = arith.remsi %rem3A_217, %rem3A_218 : i32
    %mul3A_220 = arith.constant 2 : i32
    %mul3A_221 = arith.muli %rem3A_219, %mul3A_220 : i32
    %add3A_222 = arith.constant 0 : i32
    %add3A_223 = arith.addi %mul3A_221, %add3A_222 : i32
    %dma_start3A_224 = arith.constant 0 : i32
    %dma_start3A_225 = arith.constant 0 : i32
    %dma_start3A_226 = tpu.memref_slice %arg5[%rem3A_216, %dma_start3A_224, %dma_start3A_225] : memref<2x64x100xi32, #tpu.memory_space<vmem>> -> memref<1x64x100xi32, #tpu.memory_space<vmem>>
    %dma_start3A_227 = tpu.memref_squeeze %dma_start3A_226 : memref<1x64x100xi32, #tpu.memory_space<vmem>> -> memref<64x100xi32, #tpu.memory_space<vmem>>
    %dma_start3A_228 = arith.constant 0 : i32
    %dma_start3A_229 = tpu.memref_slice %dma_start3A_227[%add3A_223, %dma_start3A_228] : memref<64x100xi32, #tpu.memory_space<vmem>> -> memref<1x100xi32, #tpu.memory_space<vmem>>
    %dma_start3A_230 = tpu.memref_squeeze %dma_start3A_229 : memref<1x100xi32, #tpu.memory_space<vmem>> -> memref<100xi32, #tpu.memory_space<vmem>>
    %dma_start3A_231 = arith.constant 0 : i32
    %dma_start3A_232 = arith.constant 0 : i32
    %dma_start3A_233 = tpu.memref_slice %arg3[%dma_start3A_231, %dma_start3A_232] : memref<101250x64xi32, #tpu.memory_space<hbm>> -> memref<101250x64xi32, #tpu.memory_space<hbm>>
    tpu.enqueue_indirect_dma source(%dma_start3A_233 : memref<101250x64xi32, #tpu.memory_space<hbm>>) target(%arg19 : memref<100x64xi32, #tpu.memory_space<vmem>>) offsets(%dma_start3A_230 : memref<100xi32, #tpu.memory_space<vmem>>) semaphore(%arg29 : memref<!tpu.dma_semaphore, #tpu.memory_space<semaphore_mem>>)
    %add3A_234 = arith.constant 1 : i32
    %add3A_235 = arith.addi %mul3A_221, %add3A_234 : i32
    %dma_start3A_236 = arith.constant 0 : i32
    %dma_start3A_237 = arith.constant 0 : i32
    %dma_start3A_238 = tpu.memref_slice %arg5[%rem3A_216, %dma_start3A_236, %dma_start3A_237] : memref<2x64x100xi32, #tpu.memory_space<vmem>> -> memref<1x64x100xi32, #tpu.memory_space<vmem>>
    %dma_start3A_239 = tpu.memref_squeeze %dma_start3A_238 : memref<1x64x100xi32, #tpu.memory_space<vmem>> -> memref<64x100xi32, #tpu.memory_space<vmem>>
    %dma_start3A_240 = arith.constant 0 : i32
    %dma_start3A_241 = tpu.memref_slice %dma_start3A_239[%add3A_235, %dma_start3A_240] : memref<64x100xi32, #tpu.memory_space<vmem>> -> memref<1x100xi32, #tpu.memory_space<vmem>>
    %dma_start3A_242 = tpu.memref_squeeze %dma_start3A_241 : memref<1x100xi32, #tpu.memory_space<vmem>> -> memref<100xi32, #tpu.memory_space<vmem>>
    %dma_start3A_243 = arith.constant 0 : i32
    %dma_start3A_244 = arith.constant 0 : i32
    %dma_start3A_245 = tpu.memref_slice %arg3[%dma_start3A_243, %dma_start3A_244] : memref<101250x64xi32, #tpu.memory_space<hbm>> -> memref<101250x64xi32, #tpu.memory_space<hbm>>
    tpu.enqueue_indirect_dma source(%dma_start3A_245 : memref<101250x64xi32, #tpu.memory_space<hbm>>) target(%arg20 : memref<100x64xi32, #tpu.memory_space<vmem>>) offsets(%dma_start3A_242 : memref<100xi32, #tpu.memory_space<vmem>>) semaphore(%arg29 : memref<!tpu.dma_semaphore, #tpu.memory_space<semaphore_mem>>)
    %div3A_246 = arith.constant 7 : i32
    %div3A_247 = arith.constant 32 : i32
    %div3A_248 = arith.divsi %div3A_246, %div3A_247 : i32
    %rem3A_249 = arith.constant 2 : i32
    %rem3A_250 = arith.remsi %div3A_248, %rem3A_249 : i32
    %rem3A_251 = arith.constant 7 : i32
    %rem3A_252 = arith.constant 32 : i32
    %rem3A_253 = arith.remsi %rem3A_251, %rem3A_252 : i32
    %mul3A_254 = arith.constant 2 : i32
    %mul3A_255 = arith.muli %rem3A_253, %mul3A_254 : i32
    %add3A_256 = arith.constant 0 : i32
    %add3A_257 = arith.addi %mul3A_255, %add3A_256 : i32
    %dma_start3A_258 = arith.constant 0 : i32
    %dma_start3A_259 = arith.constant 0 : i32
    %dma_start3A_260 = tpu.memref_slice %arg5[%rem3A_250, %dma_start3A_258, %dma_start3A_259] : memref<2x64x100xi32, #tpu.memory_space<vmem>> -> memref<1x64x100xi32, #tpu.memory_space<vmem>>
    %dma_start3A_261 = tpu.memref_squeeze %dma_start3A_260 : memref<1x64x100xi32, #tpu.memory_space<vmem>> -> memref<64x100xi32, #tpu.memory_space<vmem>>
    %dma_start3A_262 = arith.constant 0 : i32
    %dma_start3A_263 = tpu.memref_slice %dma_start3A_261[%add3A_257, %dma_start3A_262] : memref<64x100xi32, #tpu.memory_space<vmem>> -> memref<1x100xi32, #tpu.memory_space<vmem>>
    %dma_start3A_264 = tpu.memref_squeeze %dma_start3A_263 : memref<1x100xi32, #tpu.memory_space<vmem>> -> memref<100xi32, #tpu.memory_space<vmem>>
    %dma_start3A_265 = arith.constant 0 : i32
    %dma_start3A_266 = arith.constant 0 : i32
    %dma_start3A_267 = tpu.memref_slice %arg3[%dma_start3A_265, %dma_start3A_266] : memref<101250x64xi32, #tpu.memory_space<hbm>> -> memref<101250x64xi32, #tpu.memory_space<hbm>>
    tpu.enqueue_indirect_dma source(%dma_start3A_267 : memref<101250x64xi32, #tpu.memory_space<hbm>>) target(%arg21 : memref<100x64xi32, #tpu.memory_space<vmem>>) offsets(%dma_start3A_264 : memref<100xi32, #tpu.memory_space<vmem>>) semaphore(%arg30 : memref<!tpu.dma_semaphore, #tpu.memory_space<semaphore_mem>>)
    %add3A_268 = arith.constant 1 : i32
    %add3A_269 = arith.addi %mul3A_255, %add3A_268 : i32
    %dma_start3A_270 = arith.constant 0 : i32
    %dma_start3A_271 = arith.constant 0 : i32
    %dma_start3A_272 = tpu.memref_slice %arg5[%rem3A_250, %dma_start3A_270, %dma_start3A_271] : memref<2x64x100xi32, #tpu.memory_space<vmem>> -> memref<1x64x100xi32, #tpu.memory_space<vmem>>
    %dma_start3A_273 = tpu.memref_squeeze %dma_start3A_272 : memref<1x64x100xi32, #tpu.memory_space<vmem>> -> memref<64x100xi32, #tpu.memory_space<vmem>>
    %dma_start3A_274 = arith.constant 0 : i32
    %dma_start3A_275 = tpu.memref_slice %dma_start3A_273[%add3A_269, %dma_start3A_274] : memref<64x100xi32, #tpu.memory_space<vmem>> -> memref<1x100xi32, #tpu.memory_space<vmem>>
    %dma_start3A_276 = tpu.memref_squeeze %dma_start3A_275 : memref<1x100xi32, #tpu.memory_space<vmem>> -> memref<100xi32, #tpu.memory_space<vmem>>
    %dma_start3A_277 = arith.constant 0 : i32
    %dma_start3A_278 = arith.constant 0 : i32
    %dma_start3A_279 = tpu.memref_slice %arg3[%dma_start3A_277, %dma_start3A_278] : memref<101250x64xi32, #tpu.memory_space<hbm>> -> memref<101250x64xi32, #tpu.memory_space<hbm>>
    tpu.enqueue_indirect_dma source(%dma_start3A_279 : memref<101250x64xi32, #tpu.memory_space<hbm>>) target(%arg22 : memref<100x64xi32, #tpu.memory_space<vmem>>) offsets(%dma_start3A_276 : memref<100xi32, #tpu.memory_space<vmem>>) semaphore(%arg30 : memref<!tpu.dma_semaphore, #tpu.memory_space<semaphore_mem>>)
    %scan3A = arith.constant 0 : i32
    %scan3A_280 = arith.constant 0 : i32
    %scan3A_281 = arith.constant 64 : i32
    %scan3A_282 = arith.addi %scan3A_280, %scan3A_281 : i32
    %scan3A_283 = arith.constant 1 : i32
    scf.for %scan3A_285 = %scan3A_280 to %scan3A_282 step %scan3A_283  : i32 {
      %mul3A_286 = arith.constant 8 : i32
      %mul3A_287 = arith.muli %scan3A_285, %mul3A_286 : i32
      %add3A_288 = arith.constant 0 : i32
      %add3A_289 = arith.addi %mul3A_287, %add3A_288 : i32
      %add3A_290 = arith.constant 8 : i32
      %add3A_291 = arith.addi %add3A_289, %add3A_290 : i32
      %dma_wait3A = arith.constant 0 : i32
      %dma_wait3A_292 = arith.constant 0 : i32
      %dma_wait3A_293 = arith.constant 0 : i32
      %dma_wait3A_294 = arith.constant 0 : i32
      %dma_wait3A_295 = tpu.memref_slice %arg5[%dma_wait3A, %dma_wait3A_293, %dma_wait3A_294] : memref<2x64x100xi32, #tpu.memory_space<vmem>> -> memref<1x64x100xi32, #tpu.memory_space<vmem>>
      %dma_wait3A_296 = tpu.memref_squeeze %dma_wait3A_295 : memref<1x64x100xi32, #tpu.memory_space<vmem>> -> memref<64x100xi32, #tpu.memory_space<vmem>>
      %dma_wait3A_297 = arith.constant 0 : i32
      %dma_wait3A_298 = tpu.memref_slice %dma_wait3A_296[%dma_wait3A_292, %dma_wait3A_297] : memref<64x100xi32, #tpu.memory_space<vmem>> -> memref<1x100xi32, #tpu.memory_space<vmem>>
      %dma_wait3A_299 = tpu.memref_squeeze %dma_wait3A_298 : memref<1x100xi32, #tpu.memory_space<vmem>> -> memref<100xi32, #tpu.memory_space<vmem>>
      %dma_wait3A_300 = arith.constant 0 : i32
      %dma_wait3A_301 = arith.constant 0 : i32
      %dma_wait3A_302 = tpu.memref_slice %arg3[%dma_wait3A_300, %dma_wait3A_301] : memref<101250x64xi32, #tpu.memory_space<hbm>> -> memref<101250x64xi32, #tpu.memory_space<hbm>>
      tpu.wait_indirect_dma semaphore(%arg23 : memref<!tpu.dma_semaphore, #tpu.memory_space<semaphore_mem>>) src(%dma_wait3A_302 : memref<101250x64xi32, #tpu.memory_space<hbm>>) dst(%arg7 : memref<100x64xi32, #tpu.memory_space<vmem>>)
      %dma_wait3A_303 = arith.constant 0 : i32
      %dma_wait3A_304 = arith.constant 0 : i32
      %dma_wait3A_305 = arith.constant 0 : i32
      %dma_wait3A_306 = arith.constant 0 : i32
      %dma_wait3A_307 = tpu.memref_slice %arg5[%dma_wait3A_303, %dma_wait3A_305, %dma_wait3A_306] : memref<2x64x100xi32, #tpu.memory_space<vmem>> -> memref<1x64x100xi32, #tpu.memory_space<vmem>>
      %dma_wait3A_308 = tpu.memref_squeeze %dma_wait3A_307 : memref<1x64x100xi32, #tpu.memory_space<vmem>> -> memref<64x100xi32, #tpu.memory_space<vmem>>
      %dma_wait3A_309 = arith.constant 0 : i32
      %dma_wait3A_310 = tpu.memref_slice %dma_wait3A_308[%dma_wait3A_304, %dma_wait3A_309] : memref<64x100xi32, #tpu.memory_space<vmem>> -> memref<1x100xi32, #tpu.memory_space<vmem>>
      %dma_wait3A_311 = tpu.memref_squeeze %dma_wait3A_310 : memref<1x100xi32, #tpu.memory_space<vmem>> -> memref<100xi32, #tpu.memory_space<vmem>>
      %dma_wait3A_312 = arith.constant 0 : i32
      %dma_wait3A_313 = arith.constant 0 : i32
      %dma_wait3A_314 = tpu.memref_slice %arg3[%dma_wait3A_312, %dma_wait3A_313] : memref<101250x64xi32, #tpu.memory_space<hbm>> -> memref<101250x64xi32, #tpu.memory_space<hbm>>
      tpu.wait_indirect_dma semaphore(%arg23 : memref<!tpu.dma_semaphore, #tpu.memory_space<semaphore_mem>>) src(%dma_wait3A_314 : memref<101250x64xi32, #tpu.memory_space<hbm>>) dst(%arg8 : memref<100x64xi32, #tpu.memory_space<vmem>>)
      %broadcast_in_dim3A_315 = arith.constant 0.000000e+00 : f32
      %broadcast_in_dim3A_316 = vector.broadcast %broadcast_in_dim3A_315 : f32 to vector<16xf32>
      %broadcast_in_dim3A_317 = arith.constant 0.000000e+00 : f32
      %broadcast_in_dim3A_318 = vector.broadcast %broadcast_in_dim3A_317 : f32 to vector<16xf32>
      %broadcast_in_dim3A_319 = arith.constant 0.000000e+00 : f32
      %broadcast_in_dim3A_320 = vector.broadcast %broadcast_in_dim3A_319 : f32 to vector<16xf32>
      %broadcast_in_dim3A_321 = arith.constant 0.000000e+00 : f32
      %broadcast_in_dim3A_322 = vector.broadcast %broadcast_in_dim3A_321 : f32 to vector<16xf32>
      %broadcast_in_dim3A_323 = arith.constant 0.000000e+00 : f32
      %broadcast_in_dim3A_324 = vector.broadcast %broadcast_in_dim3A_323 : f32 to vector<16xf32>
      %broadcast_in_dim3A_325 = arith.constant 0.000000e+00 : f32
      %broadcast_in_dim3A_326 = vector.broadcast %broadcast_in_dim3A_325 : f32 to vector<16xf32>
      %broadcast_in_dim3A_327 = arith.constant 0.000000e+00 : f32
      %broadcast_in_dim3A_328 = vector.broadcast %broadcast_in_dim3A_327 : f32 to vector<16xf32>
      %broadcast_in_dim3A_329 = arith.constant 0.000000e+00 : f32
      %broadcast_in_dim3A_330 = vector.broadcast %broadcast_in_dim3A_329 : f32 to vector<16xf32>
      %scan3A_331 = arith.constant 0 : i32
      %scan3A_332 = arith.constant 50 : i32
      %scan3A_333 = arith.addi %scan3A_331, %scan3A_332 : i32
      %scan3A_334 = arith.constant 1 : i32
      %scan3A_335:8 = scf.for %scan3A_1099 = %scan3A_331 to %scan3A_333 step %scan3A_334 iter_args(%scan3A_1100 = %broadcast_in_dim3A_316, %scan3A_1101 = %broadcast_in_dim3A_318, %scan3A_1102 = %broadcast_in_dim3A_320, %scan3A_1103 = %broadcast_in_dim3A_322, %scan3A_1104 = %broadcast_in_dim3A_324, %scan3A_1105 = %broadcast_in_dim3A_326, %scan3A_1106 = %broadcast_in_dim3A_328, %scan3A_1107 = %broadcast_in_dim3A_330) -> (vector<16xf32>, vector<16xf32>, vector<16xf32>, vector<16xf32>, vector<16xf32>, vector<16xf32>, vector<16xf32>, vector<16xf32>)  : i32 {
        %mul3A_1108 = arith.constant 2 : i32
        %mul3A_1109 = arith.muli %mul3A_1108, %scan3A_1099 : i32
        %add3A_1110 = arith.constant 0 : i32
        %add3A_1111 = arith.addi %mul3A_1109, %add3A_1110 : i32
        %get3A = arith.index_cast %add3A_1111 : i32 to index
        %get3A_1112 = arith.constant 0 : index
        %get3A_1113 = tpu.vector_load %arg7[%get3A, %get3A_1112] {strides = array<i32>} : memref<100x64xi32, #tpu.memory_space<vmem>>, vector<16xi32>,
        %shift_left3A = arith.shli %get3A_1113, %broadcast_in_dim3A_3 : vector<16xi32>
        %bitcast3A = vector.bitcast %shift_left3A : vector<16xi32> to vector<16xf32>
        %bitcast3A_1114 = vector.bitcast %get3A_1113 : vector<16xi32> to vector<16xf32>
        %add3A_1115 = arith.addf %scan3A_1100, %bitcast3A : vector<16xf32>
        %add3A_1116 = arith.addf %scan3A_1101, %bitcast3A_1114 : vector<16xf32>
        %mul3A_1117 = arith.constant 2 : i32
        %mul3A_1118 = arith.muli %mul3A_1117, %scan3A_1099 : i32
        %add3A_1119 = arith.constant 0 : i32
        %add3A_1120 = arith.addi %mul3A_1118, %add3A_1119 : i32
        %get3A_1121 = arith.index_cast %add3A_1120 : i32 to index
        %get3A_1122 = arith.constant 16 : index
        %get3A_1123 = tpu.vector_load %arg7[%get3A_1121, %get3A_1122] {strides = array<i32>} : memref<100x64xi32, #tpu.memory_space<vmem>>, vector<16xi32>,
        %shift_left3A_1124 = arith.shli %get3A_1123, %broadcast_in_dim3A_3 : vector<16xi32>
        %bitcast3A_1125 = vector.bitcast %shift_left3A_1124 : vector<16xi32> to vector<16xf32>
        %bitcast3A_1126 = vector.bitcast %get3A_1123 : vector<16xi32> to vector<16xf32>
        %add3A_1127 = arith.addf %scan3A_1102, %bitcast3A_1125 : vector<16xf32>
        %add3A_1128 = arith.addf %scan3A_1103, %bitcast3A_1126 : vector<16xf32>
        %mul3A_1129 = arith.constant 2 : i32
        %mul3A_1130 = arith.muli %mul3A_1129, %scan3A_1099 : i32
        %add3A_1131 = arith.constant 0 : i32
        %add3A_1132 = arith.addi %mul3A_1130, %add3A_1131 : i32
        %get3A_1133 = arith.index_cast %add3A_1132 : i32 to index
        %get3A_1134 = arith.constant 32 : index
        %get3A_1135 = tpu.vector_load %arg7[%get3A_1133, %get3A_1134] {strides = array<i32>} : memref<100x64xi32, #tpu.memory_space<vmem>>, vector<16xi32>,
        %shift_left3A_1136 = arith.shli %get3A_1135, %broadcast_in_dim3A_3 : vector<16xi32>
        %bitcast3A_1137 = vector.bitcast %shift_left3A_1136 : vector<16xi32> to vector<16xf32>
        %bitcast3A_1138 = vector.bitcast %get3A_1135 : vector<16xi32> to vector<16xf32>
        %add3A_1139 = arith.addf %scan3A_1104, %bitcast3A_1137 : vector<16xf32>
        %add3A_1140 = arith.addf %scan3A_1105, %bitcast3A_1138 : vector<16xf32>
        %mul3A_1141 = arith.constant 2 : i32
        %mul3A_1142 = arith.muli %mul3A_1141, %scan3A_1099 : i32
        %add3A_1143 = arith.constant 0 : i32
        %add3A_1144 = arith.addi %mul3A_1142, %add3A_1143 : i32
        %get3A_1145 = arith.index_cast %add3A_1144 : i32 to index
        %get3A_1146 = arith.constant 48 : index
        %get3A_1147 = tpu.vector_load %arg7[%get3A_1145, %get3A_1146] {strides = array<i32>} : memref<100x64xi32, #tpu.memory_space<vmem>>, vector<16xi32>,
        %shift_left3A_1148 = arith.shli %get3A_1147, %broadcast_in_dim3A_3 : vector<16xi32>
        %bitcast3A_1149 = vector.bitcast %shift_left3A_1148 : vector<16xi32> to vector<16xf32>
        %bitcast3A_1150 = vector.bitcast %get3A_1147 : vector<16xi32> to vector<16xf32>
        %add3A_1151 = arith.addf %scan3A_1106, %bitcast3A_1149 : vector<16xf32>
        %add3A_1152 = arith.addf %scan3A_1107, %bitcast3A_1150 : vector<16xf32>
        %mul3A_1153 = arith.constant 2 : i32
        %mul3A_1154 = arith.muli %mul3A_1153, %scan3A_1099 : i32
        %add3A_1155 = arith.constant 0 : i32
        %add3A_1156 = arith.addi %mul3A_1154, %add3A_1155 : i32
        %get3A_1157 = arith.index_cast %add3A_1156 : i32 to index
        %get3A_1158 = arith.constant 0 : index
        %get3A_1159 = tpu.vector_load %arg8[%get3A_1157, %get3A_1158] {strides = array<i32>} : memref<100x64xi32, #tpu.memory_space<vmem>>, vector<16xi32>,
        %shift_left3A_1160 = arith.shli %get3A_1159, %broadcast_in_dim3A_3 : vector<16xi32>
        %bitcast3A_1161 = vector.bitcast %shift_left3A_1160 : vector<16xi32> to vector<16xf32>
        %bitcast3A_1162 = vector.bitcast %get3A_1159 : vector<16xi32> to vector<16xf32>
        %add3A_1163 = arith.addf %add3A_1115, %bitcast3A_1161 : vector<16xf32>
        %add3A_1164 = arith.addf %add3A_1116, %bitcast3A_1162 : vector<16xf32>
        %mul3A_1165 = arith.constant 2 : i32
        %mul3A_1166 = arith.muli %mul3A_1165, %scan3A_1099 : i32
        %add3A_1167 = arith.constant 0 : i32
        %add3A_1168 = arith.addi %mul3A_1166, %add3A_1167 : i32
        %get3A_1169 = arith.index_cast %add3A_1168 : i32 to index
        %get3A_1170 = arith.constant 16 : index
        %get3A_1171 = tpu.vector_load %arg8[%get3A_1169, %get3A_1170] {strides = array<i32>} : memref<100x64xi32, #tpu.memory_space<vmem>>, vector<16xi32>,
        %shift_left3A_1172 = arith.shli %get3A_1171, %broadcast_in_dim3A_3 : vector<16xi32>
        %bitcast3A_1173 = vector.bitcast %shift_left3A_1172 : vector<16xi32> to vector<16xf32>
        %bitcast3A_1174 = vector.bitcast %get3A_1171 : vector<16xi32> to vector<16xf32>
        %add3A_1175 = arith.addf %add3A_1127, %bitcast3A_1173 : vector<16xf32>
        %add3A_1176 = arith.addf %add3A_1128, %bitcast3A_1174 : vector<16xf32>
        %mul3A_1177 = arith.constant 2 : i32
        %mul3A_1178 = arith.muli %mul3A_1177, %scan3A_1099 : i32
        %add3A_1179 = arith.constant 0 : i32
        %add3A_1180 = arith.addi %mul3A_1178, %add3A_1179 : i32
        %get3A_1181 = arith.index_cast %add3A_1180 : i32 to index
        %get3A_1182 = arith.constant 32 : index
        %get3A_1183 = tpu.vector_load %arg8[%get3A_1181, %get3A_1182] {strides = array<i32>} : memref<100x64xi32, #tpu.memory_space<vmem>>, vector<16xi32>,
        %shift_left3A_1184 = arith.shli %get3A_1183, %broadcast_in_dim3A_3 : vector<16xi32>
        %bitcast3A_1185 = vector.bitcast %shift_left3A_1184 : vector<16xi32> to vector<16xf32>
        %bitcast3A_1186 = vector.bitcast %get3A_1183 : vector<16xi32> to vector<16xf32>
        %add3A_1187 = arith.addf %add3A_1139, %bitcast3A_1185 : vector<16xf32>
        %add3A_1188 = arith.addf %add3A_1140, %bitcast3A_1186 : vector<16xf32>
        %mul3A_1189 = arith.constant 2 : i32
        %mul3A_1190 = arith.muli %mul3A_1189, %scan3A_1099 : i32
        %add3A_1191 = arith.constant 0 : i32
        %add3A_1192 = arith.addi %mul3A_1190, %add3A_1191 : i32
        %get3A_1193 = arith.index_cast %add3A_1192 : i32 to index
        %get3A_1194 = arith.constant 48 : index
        %get3A_1195 = tpu.vector_load %arg8[%get3A_1193, %get3A_1194] {strides = array<i32>} : memref<100x64xi32, #tpu.memory_space<vmem>>, vector<16xi32>,
        %shift_left3A_1196 = arith.shli %get3A_1195, %broadcast_in_dim3A_3 : vector<16xi32>
        %bitcast3A_1197 = vector.bitcast %shift_left3A_1196 : vector<16xi32> to vector<16xf32>
        %bitcast3A_1198 = vector.bitcast %get3A_1195 : vector<16xi32> to vector<16xf32>
        %add3A_1199 = arith.addf %add3A_1151, %bitcast3A_1197 : vector<16xf32>
        %add3A_1200 = arith.addf %add3A_1152, %bitcast3A_1198 : vector<16xf32>
        %mul3A_1201 = arith.constant 2 : i32
        %mul3A_1202 = arith.muli %mul3A_1201, %scan3A_1099 : i32
        %add3A_1203 = arith.constant 1 : i32
        %add3A_1204 = arith.addi %mul3A_1202, %add3A_1203 : i32
        %get3A_1205 = arith.index_cast %add3A_1204 : i32 to index
        %get3A_1206 = arith.constant 0 : index
        %get3A_1207 = tpu.vector_load %arg7[%get3A_1205, %get3A_1206] {strides = array<i32>} : memref<100x64xi32, #tpu.memory_space<vmem>>, vector<16xi32>,
        %shift_left3A_1208 = arith.shli %get3A_1207, %broadcast_in_dim3A_3 : vector<16xi32>
        %bitcast3A_1209 = vector.bitcast %shift_left3A_1208 : vector<16xi32> to vector<16xf32>
        %bitcast3A_1210 = vector.bitcast %get3A_1207 : vector<16xi32> to vector<16xf32>
        %add3A_1211 = arith.addf %add3A_1163, %bitcast3A_1209 : vector<16xf32>
        %add3A_1212 = arith.addf %add3A_1164, %bitcast3A_1210 : vector<16xf32>
        %mul3A_1213 = arith.constant 2 : i32
        %mul3A_1214 = arith.muli %mul3A_1213, %scan3A_1099 : i32
        %add3A_1215 = arith.constant 1 : i32
        %add3A_1216 = arith.addi %mul3A_1214, %add3A_1215 : i32
        %get3A_1217 = arith.index_cast %add3A_1216 : i32 to index
        %get3A_1218 = arith.constant 16 : index
        %get3A_1219 = tpu.vector_load %arg7[%get3A_1217, %get3A_1218] {strides = array<i32>} : memref<100x64xi32, #tpu.memory_space<vmem>>, vector<16xi32>,
        %shift_left3A_1220 = arith.shli %get3A_1219, %broadcast_in_dim3A_3 : vector<16xi32>
        %bitcast3A_1221 = vector.bitcast %shift_left3A_1220 : vector<16xi32> to vector<16xf32>
        %bitcast3A_1222 = vector.bitcast %get3A_1219 : vector<16xi32> to vector<16xf32>
        %add3A_1223 = arith.addf %add3A_1175, %bitcast3A_1221 : vector<16xf32>
        %add3A_1224 = arith.addf %add3A_1176, %bitcast3A_1222 : vector<16xf32>
        %mul3A_1225 = arith.constant 2 : i32
        %mul3A_1226 = arith.muli %mul3A_1225, %scan3A_1099 : i32
        %add3A_1227 = arith.constant 1 : i32
        %add3A_1228 = arith.addi %mul3A_1226, %add3A_1227 : i32
        %get3A_1229 = arith.index_cast %add3A_1228 : i32 to index
        %get3A_1230 = arith.constant 32 : index
        %get3A_1231 = tpu.vector_load %arg7[%get3A_1229, %get3A_1230] {strides = array<i32>} : memref<100x64xi32, #tpu.memory_space<vmem>>, vector<16xi32>,
        %shift_left3A_1232 = arith.shli %get3A_1231, %broadcast_in_dim3A_3 : vector<16xi32>
        %bitcast3A_1233 = vector.bitcast %shift_left3A_1232 : vector<16xi32> to vector<16xf32>
        %bitcast3A_1234 = vector.bitcast %get3A_1231 : vector<16xi32> to vector<16xf32>
        %add3A_1235 = arith.addf %add3A_1187, %bitcast3A_1233 : vector<16xf32>
        %add3A_1236 = arith.addf %add3A_1188, %bitcast3A_1234 : vector<16xf32>
        %mul3A_1237 = arith.constant 2 : i32
        %mul3A_1238 = arith.muli %mul3A_1237, %scan3A_1099 : i32
        %add3A_1239 = arith.constant 1 : i32
        %add3A_1240 = arith.addi %mul3A_1238, %add3A_1239 : i32
        %get3A_1241 = arith.index_cast %add3A_1240 : i32 to index
        %get3A_1242 = arith.constant 48 : index
        %get3A_1243 = tpu.vector_load %arg7[%get3A_1241, %get3A_1242] {strides = array<i32>} : memref<100x64xi32, #tpu.memory_space<vmem>>, vector<16xi32>,
        %shift_left3A_1244 = arith.shli %get3A_1243, %broadcast_in_dim3A_3 : vector<16xi32>
        %bitcast3A_1245 = vector.bitcast %shift_left3A_1244 : vector<16xi32> to vector<16xf32>
        %bitcast3A_1246 = vector.bitcast %get3A_1243 : vector<16xi32> to vector<16xf32>
        %add3A_1247 = arith.addf %add3A_1199, %bitcast3A_1245 : vector<16xf32>
        %add3A_1248 = arith.addf %add3A_1200, %bitcast3A_1246 : vector<16xf32>
        %mul3A_1249 = arith.constant 2 : i32
        %mul3A_1250 = arith.muli %mul3A_1249, %scan3A_1099 : i32
        %add3A_1251 = arith.constant 1 : i32
        %add3A_1252 = arith.addi %mul3A_1250, %add3A_1251 : i32
        %get3A_1253 = arith.index_cast %add3A_1252 : i32 to index
        %get3A_1254 = arith.constant 0 : index
        %get3A_1255 = tpu.vector_load %arg8[%get3A_1253, %get3A_1254] {strides = array<i32>} : memref<100x64xi32, #tpu.memory_space<vmem>>, vector<16xi32>,
        %shift_left3A_1256 = arith.shli %get3A_1255, %broadcast_in_dim3A_3 : vector<16xi32>
        %bitcast3A_1257 = vector.bitcast %shift_left3A_1256 : vector<16xi32> to vector<16xf32>
        %bitcast3A_1258 = vector.bitcast %get3A_1255 : vector<16xi32> to vector<16xf32>
        %add3A_1259 = arith.addf %add3A_1211, %bitcast3A_1257 : vector<16xf32>
        %add3A_1260 = arith.addf %add3A_1212, %bitcast3A_1258 : vector<16xf32>
        %mul3A_1261 = arith.constant 2 : i32
        %mul3A_1262 = arith.muli %mul3A_1261, %scan3A_1099 : i32
        %add3A_1263 = arith.constant 1 : i32
        %add3A_1264 = arith.addi %mul3A_1262, %add3A_1263 : i32
        %get3A_1265 = arith.index_cast %add3A_1264 : i32 to index
        %get3A_1266 = arith.constant 16 : index
        %get3A_1267 = tpu.vector_load %arg8[%get3A_1265, %get3A_1266] {strides = array<i32>} : memref<100x64xi32, #tpu.memory_space<vmem>>, vector<16xi32>,
        %shift_left3A_1268 = arith.shli %get3A_1267, %broadcast_in_dim3A_3 : vector<16xi32>
        %bitcast3A_1269 = vector.bitcast %shift_left3A_1268 : vector<16xi32> to vector<16xf32>
        %bitcast3A_1270 = vector.bitcast %get3A_1267 : vector<16xi32> to vector<16xf32>
        %add3A_1271 = arith.addf %add3A_1223, %bitcast3A_1269 : vector<16xf32>
        %add3A_1272 = arith.addf %add3A_1224, %bitcast3A_1270 : vector<16xf32>
        %mul3A_1273 = arith.constant 2 : i32
        %mul3A_1274 = arith.muli %mul3A_1273, %scan3A_1099 : i32
        %add3A_1275 = arith.constant 1 : i32
        %add3A_1276 = arith.addi %mul3A_1274, %add3A_1275 : i32
        %get3A_1277 = arith.index_cast %add3A_1276 : i32 to index
        %get3A_1278 = arith.constant 32 : index
        %get3A_1279 = tpu.vector_load %arg8[%get3A_1277, %get3A_1278] {strides = array<i32>} : memref<100x64xi32, #tpu.memory_space<vmem>>, vector<16xi32>,
        %shift_left3A_1280 = arith.shli %get3A_1279, %broadcast_in_dim3A_3 : vector<16xi32>
        %bitcast3A_1281 = vector.bitcast %shift_left3A_1280 : vector<16xi32> to vector<16xf32>
        %bitcast3A_1282 = vector.bitcast %get3A_1279 : vector<16xi32> to vector<16xf32>
        %add3A_1283 = arith.addf %add3A_1235, %bitcast3A_1281 : vector<16xf32>
        %add3A_1284 = arith.addf %add3A_1236, %bitcast3A_1282 : vector<16xf32>
        %mul3A_1285 = arith.constant 2 : i32
        %mul3A_1286 = arith.muli %mul3A_1285, %scan3A_1099 : i32
        %add3A_1287 = arith.constant 1 : i32
        %add3A_1288 = arith.addi %mul3A_1286, %add3A_1287 : i32
        %get3A_1289 = arith.index_cast %add3A_1288 : i32 to index
        %get3A_1290 = arith.constant 48 : index
        %get3A_1291 = tpu.vector_load %arg8[%get3A_1289, %get3A_1290] {strides = array<i32>} : memref<100x64xi32, #tpu.memory_space<vmem>>, vector<16xi32>,
        %shift_left3A_1292 = arith.shli %get3A_1291, %broadcast_in_dim3A_3 : vector<16xi32>
        %bitcast3A_1293 = vector.bitcast %shift_left3A_1292 : vector<16xi32> to vector<16xf32>
        %bitcast3A_1294 = vector.bitcast %get3A_1291 : vector<16xi32> to vector<16xf32>
        %add3A_1295 = arith.addf %add3A_1247, %bitcast3A_1293 : vector<16xf32>
        %add3A_1296 = arith.addf %add3A_1248, %bitcast3A_1294 : vector<16xf32>
        scf.yield %add3A_1259, %add3A_1260, %add3A_1271, %add3A_1272, %add3A_1283, %add3A_1284, %add3A_1295, %add3A_1296 : vector<16xf32>, vector<16xf32>, vector<16xf32>, vector<16xf32>, vector<16xf32>, vector<16xf32>, vector<16xf32>, vector<16xf32>
      }
      %scan3A_336 = arith.constant 50 : i32
      %rem3A_337 = arith.constant 32 : i32
      %rem3A_338 = arith.remsi %add3A_289, %rem3A_337 : i32
      %mul3A_339 = arith.constant 128 : i32
      %mul3A_340 = arith.muli %rem3A_338, %mul3A_339 : i32
      %add3A_341 = arith.constant 0 : i32
      %add3A_342 = arith.addi %mul3A_340, %add3A_341 : i32
      %swap3A = arith.index_cast %add3A_342 : i32 to index
      %swap3A_343 = tpu.vector_load %arg6[%swap3A] {strides = array<i32>} : memref<4096xf32, #tpu.memory_space<vmem>>, vector<16xf32>,
      tpu.vector_store %arg6[%swap3A], %scan3A_335#0 {strides = array<i32>} : memref<4096xf32, #tpu.memory_space<vmem>>, vector<16xf32>,
      %add3A_344 = arith.constant 16 : i32
      %add3A_345 = arith.addi %mul3A_340, %add3A_344 : i32
      %swap3A_346 = arith.index_cast %add3A_345 : i32 to index
      %swap3A_347 = tpu.vector_load %arg6[%swap3A_346] {strides = array<i32>} : memref<4096xf32, #tpu.memory_space<vmem>>, vector<16xf32>,
      tpu.vector_store %arg6[%swap3A_346], %scan3A_335#1 {strides = array<i32>} : memref<4096xf32, #tpu.memory_space<vmem>>, vector<16xf32>,
      %add3A_348 = arith.constant 32 : i32
      %add3A_349 = arith.addi %mul3A_340, %add3A_348 : i32
      %swap3A_350 = arith.index_cast %add3A_349 : i32 to index
      %swap3A_351 = tpu.vector_load %arg6[%swap3A_350] {strides = array<i32>} : memref<4096xf32, #tpu.memory_space<vmem>>, vector<16xf32>,
      tpu.vector_store %arg6[%swap3A_350], %scan3A_335#2 {strides = array<i32>} : memref<4096xf32, #tpu.memory_space<vmem>>, vector<16xf32>,
      %add3A_352 = arith.constant 48 : i32
      %add3A_353 = arith.addi %mul3A_340, %add3A_352 : i32
      %swap3A_354 = arith.index_cast %add3A_353 : i32 to index
      %swap3A_355 = tpu.vector_load %arg6[%swap3A_354] {strides = array<i32>} : memref<4096xf32, #tpu.memory_space<vmem>>, vector<16xf32>,
      tpu.vector_store %arg6[%swap3A_354], %scan3A_335#3 {strides = array<i32>} : memref<4096xf32, #tpu.memory_space<vmem>>, vector<16xf32>,
      %add3A_356 = arith.constant 64 : i32
      %add3A_357 = arith.addi %mul3A_340, %add3A_356 : i32
      %swap3A_358 = arith.index_cast %add3A_357 : i32 to index
      %swap3A_359 = tpu.vector_load %arg6[%swap3A_358] {strides = array<i32>} : memref<4096xf32, #tpu.memory_space<vmem>>, vector<16xf32>,
      tpu.vector_store %arg6[%swap3A_358], %scan3A_335#4 {strides = array<i32>} : memref<4096xf32, #tpu.memory_space<vmem>>, vector<16xf32>,
      %add3A_360 = arith.constant 80 : i32
      %add3A_361 = arith.addi %mul3A_340, %add3A_360 : i32
      %swap3A_362 = arith.index_cast %add3A_361 : i32 to index
      %swap3A_363 = tpu.vector_load %arg6[%swap3A_362] {strides = array<i32>} : memref<4096xf32, #tpu.memory_space<vmem>>, vector<16xf32>,
      tpu.vector_store %arg6[%swap3A_362], %scan3A_335#5 {strides = array<i32>} : memref<4096xf32, #tpu.memory_space<vmem>>, vector<16xf32>,
      %add3A_364 = arith.constant 96 : i32
      %add3A_365 = arith.addi %mul3A_340, %add3A_364 : i32
      %swap3A_366 = arith.index_cast %add3A_365 : i32 to index
      %swap3A_367 = tpu.vector_load %arg6[%swap3A_366] {strides = array<i32>} : memref<4096xf32, #tpu.memory_space<vmem>>, vector<16xf32>,
      tpu.vector_store %arg6[%swap3A_366], %scan3A_335#6 {strides = array<i32>} : memref<4096xf32, #tpu.memory_space<vmem>>, vector<16xf32>,
      %add3A_368 = arith.constant 112 : i32
      %add3A_369 = arith.addi %mul3A_340, %add3A_368 : i32
      %swap3A_370 = arith.index_cast %add3A_369 : i32 to index
      %swap3A_371 = tpu.vector_load %arg6[%swap3A_370] {strides = array<i32>} : memref<4096xf32, #tpu.memory_space<vmem>>, vector<16xf32>,
      tpu.vector_store %arg6[%swap3A_370], %scan3A_335#7 {strides = array<i32>} : memref<4096xf32, #tpu.memory_space<vmem>>, vector<16xf32>,
      %rem3A_372 = arith.constant 32 : i32
      %rem3A_373 = arith.remsi %add3A_291, %rem3A_372 : i32
      %eq3A = arith.constant 0 : i32
      %eq3A_374 = arith.cmpi eq, %rem3A_373, %eq3A : i32
      %lt3A = arith.constant 512 : i32
      %lt3A_375 = arith.cmpi slt, %add3A_291, %lt3A : i32
      %and3A = arith.andi %eq3A_374, %lt3A_375 : i1
      %convert_element_type3A = arith.extui %and3A : i1 to i32
      %cond3A = arith.constant 0 : i32
      %cond3A_376 = arith.cmpi ne, %convert_element_type3A, %cond3A : i32
      scf.if %cond3A_376 {
        %jit3A = arith.constant 32 : i32
        %div3A_1099 = arith.divsi %add3A_291, %jit3A : i32
        %sign3A = arith.constant 0 : i32
        %sign3A_1100 = arith.cmpi sgt, %add3A_291, %sign3A : i32
        %sign3A_1101 = arith.extui %sign3A_1100 : i1 to i32
        %sign3A_1102 = arith.constant 0 : i32
        %sign3A_1103 = arith.cmpi slt, %add3A_291, %sign3A_1102 : i32
        %sign3A_1104 = arith.extui %sign3A_1103 : i1 to i32
        %sign3A_1105 = arith.subi %sign3A_1101, %sign3A_1104 : i32
        %sign3A_1106 = arith.constant 0 : i32
        %sign3A_1107 = arith.cmpi sgt, %jit3A, %sign3A_1106 : i32
        %sign3A_1108 = arith.extui %sign3A_1107 : i1 to i32
        %sign3A_1109 = arith.constant 0 : i32
        %sign3A_1110 = arith.cmpi slt, %jit3A, %sign3A_1109 : i32
        %sign3A_1111 = arith.extui %sign3A_1110 : i1 to i32
        %sign3A_1112 = arith.subi %sign3A_1108, %sign3A_1111 : i32
        %ne3A = arith.cmpi ne, %sign3A_1105, %sign3A_1112 : i32
        %rem3A_1113 = arith.remsi %add3A_291, %jit3A : i32
        %ne3A_1114 = arith.constant 0 : i32
        %ne3A_1115 = arith.cmpi ne, %rem3A_1113, %ne3A_1114 : i32
        %and3A_1116 = arith.andi %ne3A, %ne3A_1115 : i1
        %sub3A_1117 = arith.constant 1 : i32
        %sub3A_1118 = arith.subi %div3A_1099, %sub3A_1117 : i32
        %select_n3A = arith.select %and3A_1116, %sub3A_1118, %div3A_1099 : i32
        %rem3A_1119 = arith.constant 2 : i32
        %rem3A_1120 = arith.remsi %select_n3A, %rem3A_1119 : i32
        %mul3A_1121 = arith.constant 16 : i32
        %mul3A_1122 = arith.muli %add3A, %mul3A_1121 : i32
        %add3A_1123 = arith.addi %mul3A_1122, %select_n3A : i32
        "tpu.region"() ({
          %run_scoped3A = tpu.sem_alloc : memref<!tpu.dma_semaphore, #tpu.memory_space<semaphore_mem>>
          %dma_start3A_1124 = arith.constant 0 : i32
          %dma_start3A_1125 = arith.constant 0 : i32
          %dma_start3A_1126 = tpu.memref_slice %arg5[%rem3A_1120, %dma_start3A_1124, %dma_start3A_1125] : memref<2x64x100xi32, #tpu.memory_space<vmem>> -> memref<1x64x100xi32, #tpu.memory_space<vmem>>
          %dma_start3A_1127 = tpu.memref_squeeze %dma_start3A_1126 : memref<1x64x100xi32, #tpu.memory_space<vmem>> -> memref<64x100xi32, #tpu.memory_space<vmem>>
          %dma_start3A_1128 = arith.constant 0 : i32
          %dma_start3A_1129 = arith.constant 0 : i32
          %dma_start3A_1130 = tpu.memref_slice %arg2[%add3A_1123, %dma_start3A_1128, %dma_start3A_1129] : memref<512x64x100xi32, #tpu.memory_space<hbm>> -> memref<1x64x100xi32, #tpu.memory_space<hbm>>
          %dma_start3A_1131 = tpu.memref_squeeze %dma_start3A_1130 : memref<1x64x100xi32, #tpu.memory_space<hbm>> -> memref<64x100xi32, #tpu.memory_space<hbm>>
          %dma_start3A_1132 = arith.constant 0 : i32
          %dma_start3A_1133 = arith.constant 0 : i32
          %dma_start3A_1134 = tpu.memref_slice %arg5[%rem3A_1120, %dma_start3A_1132, %dma_start3A_1133] : memref<2x64x100xi32, #tpu.memory_space<vmem>> -> memref<1x64x100xi32, #tpu.memory_space<vmem>>
          %dma_start3A_1135 = tpu.memref_squeeze %dma_start3A_1134 : memref<1x64x100xi32, #tpu.memory_space<vmem>> -> memref<64x100xi32, #tpu.memory_space<vmem>>
          %dma_start3A_1136 = arith.constant 0 : i32
          %dma_start3A_1137 = arith.constant 0 : i32
          %dma_start3A_1138 = tpu.memref_slice %arg2[%add3A_1123, %dma_start3A_1136, %dma_start3A_1137] : memref<512x64x100xi32, #tpu.memory_space<hbm>> -> memref<1x64x100xi32, #tpu.memory_space<hbm>>
          %dma_start3A_1139 = tpu.memref_squeeze %dma_start3A_1138 : memref<1x64x100xi32, #tpu.memory_space<hbm>> -> memref<64x100xi32, #tpu.memory_space<hbm>>
          tpu.enqueue_dma source(%dma_start3A_1139 : memref<64x100xi32, #tpu.memory_space<hbm>>) target(%dma_start3A_1135 : memref<64x100xi32, #tpu.memory_space<vmem>>) target_semaphore(%run_scoped3A : memref<!tpu.dma_semaphore, #tpu.memory_space<semaphore_mem>>)
          %dma_wait3A_1140 = arith.constant 0 : i32
          %dma_wait3A_1141 = arith.constant 0 : i32
          %dma_wait3A_1142 = tpu.memref_slice %arg5[%rem3A_1120, %dma_wait3A_1140, %dma_wait3A_1141] : memref<2x64x100xi32, #tpu.memory_space<vmem>> -> memref<1x64x100xi32, #tpu.memory_space<vmem>>
          %dma_wait3A_1143 = tpu.memref_squeeze %dma_wait3A_1142 : memref<1x64x100xi32, #tpu.memory_space<vmem>> -> memref<64x100xi32, #tpu.memory_space<vmem>>
          %dma_wait3A_1144 = arith.constant 0 : i32
          %dma_wait3A_1145 = arith.constant 0 : i32
          %dma_wait3A_1146 = tpu.memref_slice %arg2[%add3A_1123, %dma_wait3A_1144, %dma_wait3A_1145] : memref<512x64x100xi32, #tpu.memory_space<hbm>> -> memref<1x64x100xi32, #tpu.memory_space<hbm>>
          %dma_wait3A_1147 = tpu.memref_squeeze %dma_wait3A_1146 : memref<1x64x100xi32, #tpu.memory_space<hbm>> -> memref<64x100xi32, #tpu.memory_space<hbm>>
          %dma_wait3A_1148 = arith.constant 0 : i32
          %dma_wait3A_1149 = arith.constant 0 : i32
          %dma_wait3A_1150 = tpu.memref_slice %arg5[%rem3A_1120, %dma_wait3A_1148, %dma_wait3A_1149] : memref<2x64x100xi32, #tpu.memory_space<vmem>> -> memref<1x64x100xi32, #tpu.memory_space<vmem>>
          %dma_wait3A_1151 = tpu.memref_squeeze %dma_wait3A_1150 : memref<1x64x100xi32, #tpu.memory_space<vmem>> -> memref<64x100xi32, #tpu.memory_space<vmem>>
          %dma_wait3A_1152 = arith.constant 0 : i32
          %dma_wait3A_1153 = arith.constant 0 : i32
          %dma_wait3A_1154 = tpu.memref_slice %arg2[%add3A_1123, %dma_wait3A_1152, %dma_wait3A_1153] : memref<512x64x100xi32, #tpu.memory_space<hbm>> -> memref<1x64x100xi32, #tpu.memory_space<hbm>>
          %dma_wait3A_1155 = tpu.memref_squeeze %dma_wait3A_1154 : memref<1x64x100xi32, #tpu.memory_space<hbm>> -> memref<64x100xi32, #tpu.memory_space<hbm>>
          tpu.wait_dma2 semaphore(%run_scoped3A : memref<!tpu.dma_semaphore, #tpu.memory_space<semaphore_mem>>) src(%dma_wait3A_1155 : memref<64x100xi32, #tpu.memory_space<hbm>>) dst(%dma_wait3A_1151 : memref<64x100xi32, #tpu.memory_space<vmem>>)
          tpu.yield
        }) : () -> ()
      } else {
      }
      %lt3A_377 = arith.constant 512 : i32
      %lt3A_378 = arith.cmpi slt, %add3A_291, %lt3A_377 : i32
      %convert_element_type3A_379 = arith.extui %lt3A_378 : i1 to i32
      %cond3A_380 = arith.constant 0 : i32
      %cond3A_381 = arith.cmpi ne, %convert_element_type3A_379, %cond3A_380 : i32
      scf.if %cond3A_381 {
        %div3A_1099 = arith.constant 32 : i32
        %div3A_1100 = arith.divsi %add3A_291, %div3A_1099 : i32
        %rem3A_1101 = arith.constant 2 : i32
        %rem3A_1102 = arith.remsi %div3A_1100, %rem3A_1101 : i32
        %rem3A_1103 = arith.constant 32 : i32
        %rem3A_1104 = arith.remsi %add3A_291, %rem3A_1103 : i32
        %mul3A_1105 = arith.constant 2 : i32
        %mul3A_1106 = arith.muli %rem3A_1104, %mul3A_1105 : i32
        %add3A_1107 = arith.constant 0 : i32
        %add3A_1108 = arith.addi %mul3A_1106, %add3A_1107 : i32
        %dma_start3A_1109 = arith.constant 0 : i32
        %dma_start3A_1110 = arith.constant 0 : i32
        %dma_start3A_1111 = tpu.memref_slice %arg5[%rem3A_1102, %dma_start3A_1109, %dma_start3A_1110] : memref<2x64x100xi32, #tpu.memory_space<vmem>> -> memref<1x64x100xi32, #tpu.memory_space<vmem>>
        %dma_start3A_1112 = tpu.memref_squeeze %dma_start3A_1111 : memref<1x64x100xi32, #tpu.memory_space<vmem>> -> memref<64x100xi32, #tpu.memory_space<vmem>>
        %dma_start3A_1113 = arith.constant 0 : i32
        %dma_start3A_1114 = tpu.memref_slice %dma_start3A_1112[%add3A_1108, %dma_start3A_1113] : memref<64x100xi32, #tpu.memory_space<vmem>> -> memref<1x100xi32, #tpu.memory_space<vmem>>
        %dma_start3A_1115 = tpu.memref_squeeze %dma_start3A_1114 : memref<1x100xi32, #tpu.memory_space<vmem>> -> memref<100xi32, #tpu.memory_space<vmem>>
        %dma_start3A_1116 = arith.constant 0 : i32
        %dma_start3A_1117 = arith.constant 0 : i32
        %dma_start3A_1118 = tpu.memref_slice %arg3[%dma_start3A_1116, %dma_start3A_1117] : memref<101250x64xi32, #tpu.memory_space<hbm>> -> memref<101250x64xi32, #tpu.memory_space<hbm>>
        tpu.enqueue_indirect_dma source(%dma_start3A_1118 : memref<101250x64xi32, #tpu.memory_space<hbm>>) target(%arg7 : memref<100x64xi32, #tpu.memory_space<vmem>>) offsets(%dma_start3A_1115 : memref<100xi32, #tpu.memory_space<vmem>>) semaphore(%arg23 : memref<!tpu.dma_semaphore, #tpu.memory_space<semaphore_mem>>)
        %add3A_1119 = arith.constant 1 : i32
        %add3A_1120 = arith.addi %mul3A_1106, %add3A_1119 : i32
        %dma_start3A_1121 = arith.constant 0 : i32
        %dma_start3A_1122 = arith.constant 0 : i32
        %dma_start3A_1123 = tpu.memref_slice %arg5[%rem3A_1102, %dma_start3A_1121, %dma_start3A_1122] : memref<2x64x100xi32, #tpu.memory_space<vmem>> -> memref<1x64x100xi32, #tpu.memory_space<vmem>>
        %dma_start3A_1124 = tpu.memref_squeeze %dma_start3A_1123 : memref<1x64x100xi32, #tpu.memory_space<vmem>> -> memref<64x100xi32, #tpu.memory_space<vmem>>
        %dma_start3A_1125 = arith.constant 0 : i32
        %dma_start3A_1126 = tpu.memref_slice %dma_start3A_1124[%add3A_1120, %dma_start3A_1125] : memref<64x100xi32, #tpu.memory_space<vmem>> -> memref<1x100xi32, #tpu.memory_space<vmem>>
        %dma_start3A_1127 = tpu.memref_squeeze %dma_start3A_1126 : memref<1x100xi32, #tpu.memory_space<vmem>> -> memref<100xi32, #tpu.memory_space<vmem>>
        %dma_start3A_1128 = arith.constant 0 : i32
        %dma_start3A_1129 = arith.constant 0 : i32
        %dma_start3A_1130 = tpu.memref_slice %arg3[%dma_start3A_1128, %dma_start3A_1129] : memref<101250x64xi32, #tpu.memory_space<hbm>> -> memref<101250x64xi32, #tpu.memory_space<hbm>>
        tpu.enqueue_indirect_dma source(%dma_start3A_1130 : memref<101250x64xi32, #tpu.memory_space<hbm>>) target(%arg8 : memref<100x64xi32, #tpu.memory_space<vmem>>) offsets(%dma_start3A_1127 : memref<100xi32, #tpu.memory_space<vmem>>) semaphore(%arg23 : memref<!tpu.dma_semaphore, #tpu.memory_space<semaphore_mem>>)
      } else {
      }
      %add3A_382 = arith.constant 1 : i32
      %add3A_383 = arith.addi %mul3A_287, %add3A_382 : i32
      %add3A_384 = arith.constant 8 : i32
      %add3A_385 = arith.addi %add3A_383, %add3A_384 : i32
      %dma_wait3A_386 = arith.constant 0 : i32
      %dma_wait3A_387 = arith.constant 0 : i32
      %dma_wait3A_388 = arith.constant 0 : i32
      %dma_wait3A_389 = arith.constant 0 : i32
      %dma_wait3A_390 = tpu.memref_slice %arg5[%dma_wait3A_386, %dma_wait3A_388, %dma_wait3A_389] : memref<2x64x100xi32, #tpu.memory_space<vmem>> -> memref<1x64x100xi32, #tpu.memory_space<vmem>>
      %dma_wait3A_391 = tpu.memref_squeeze %dma_wait3A_390 : memref<1x64x100xi32, #tpu.memory_space<vmem>> -> memref<64x100xi32, #tpu.memory_space<vmem>>
      %dma_wait3A_392 = arith.constant 0 : i32
      %dma_wait3A_393 = tpu.memref_slice %dma_wait3A_391[%dma_wait3A_387, %dma_wait3A_392] : memref<64x100xi32, #tpu.memory_space<vmem>> -> memref<1x100xi32, #tpu.memory_space<vmem>>
      %dma_wait3A_394 = tpu.memref_squeeze %dma_wait3A_393 : memref<1x100xi32, #tpu.memory_space<vmem>> -> memref<100xi32, #tpu.memory_space<vmem>>
      %dma_wait3A_395 = arith.constant 0 : i32
      %dma_wait3A_396 = arith.constant 0 : i32
      %dma_wait3A_397 = tpu.memref_slice %arg3[%dma_wait3A_395, %dma_wait3A_396] : memref<101250x64xi32, #tpu.memory_space<hbm>> -> memref<101250x64xi32, #tpu.memory_space<hbm>>
      tpu.wait_indirect_dma semaphore(%arg24 : memref<!tpu.dma_semaphore, #tpu.memory_space<semaphore_mem>>) src(%dma_wait3A_397 : memref<101250x64xi32, #tpu.memory_space<hbm>>) dst(%arg9 : memref<100x64xi32, #tpu.memory_space<vmem>>)
      %dma_wait3A_398 = arith.constant 0 : i32
      %dma_wait3A_399 = arith.constant 0 : i32
      %dma_wait3A_400 = arith.constant 0 : i32
      %dma_wait3A_401 = arith.constant 0 : i32
      %dma_wait3A_402 = tpu.memref_slice %arg5[%dma_wait3A_398, %dma_wait3A_400, %dma_wait3A_401] : memref<2x64x100xi32, #tpu.memory_space<vmem>> -> memref<1x64x100xi32, #tpu.memory_space<vmem>>
      %dma_wait3A_403 = tpu.memref_squeeze %dma_wait3A_402 : memref<1x64x100xi32, #tpu.memory_space<vmem>> -> memref<64x100xi32, #tpu.memory_space<vmem>>
      %dma_wait3A_404 = arith.constant 0 : i32
      %dma_wait3A_405 = tpu.memref_slice %dma_wait3A_403[%dma_wait3A_399, %dma_wait3A_404] : memref<64x100xi32, #tpu.memory_space<vmem>> -> memref<1x100xi32, #tpu.memory_space<vmem>>
      %dma_wait3A_406 = tpu.memref_squeeze %dma_wait3A_405 : memref<1x100xi32, #tpu.memory_space<vmem>> -> memref<100xi32, #tpu.memory_space<vmem>>
      %dma_wait3A_407 = arith.constant 0 : i32
      %dma_wait3A_408 = arith.constant 0 : i32
      %dma_wait3A_409 = tpu.memref_slice %arg3[%dma_wait3A_407, %dma_wait3A_408] : memref<101250x64xi32, #tpu.memory_space<hbm>> -> memref<101250x64xi32, #tpu.memory_space<hbm>>
      tpu.wait_indirect_dma semaphore(%arg24 : memref<!tpu.dma_semaphore, #tpu.memory_space<semaphore_mem>>) src(%dma_wait3A_409 : memref<101250x64xi32, #tpu.memory_space<hbm>>) dst(%arg10 : memref<100x64xi32, #tpu.memory_space<vmem>>)
      %broadcast_in_dim3A_410 = arith.constant 0.000000e+00 : f32
      %broadcast_in_dim3A_411 = vector.broadcast %broadcast_in_dim3A_410 : f32 to vector<16xf32>
      %broadcast_in_dim3A_412 = arith.constant 0.000000e+00 : f32
      %broadcast_in_dim3A_413 = vector.broadcast %broadcast_in_dim3A_412 : f32 to vector<16xf32>
      %broadcast_in_dim3A_414 = arith.constant 0.000000e+00 : f32
      %broadcast_in_dim3A_415 = vector.broadcast %broadcast_in_dim3A_414 : f32 to vector<16xf32>
      %broadcast_in_dim3A_416 = arith.constant 0.000000e+00 : f32
      %broadcast_in_dim3A_417 = vector.broadcast %broadcast_in_dim3A_416 : f32 to vector<16xf32>
      %broadcast_in_dim3A_418 = arith.constant 0.000000e+00 : f32
      %broadcast_in_dim3A_419 = vector.broadcast %broadcast_in_dim3A_418 : f32 to vector<16xf32>
      %broadcast_in_dim3A_420 = arith.constant 0.000000e+00 : f32
      %broadcast_in_dim3A_421 = vector.broadcast %broadcast_in_dim3A_420 : f32 to vector<16xf32>
      %broadcast_in_dim3A_422 = arith.constant 0.000000e+00 : f32
      %broadcast_in_dim3A_423 = vector.broadcast %broadcast_in_dim3A_422 : f32 to vector<16xf32>
      %broadcast_in_dim3A_424 = arith.constant 0.000000e+00 : f32
      %broadcast_in_dim3A_425 = vector.broadcast %broadcast_in_dim3A_424 : f32 to vector<16xf32>
      %scan3A_426 = arith.constant 0 : i32
      %scan3A_427 = arith.constant 50 : i32
      %scan3A_428 = arith.addi %scan3A_426, %scan3A_427 : i32
      %scan3A_429 = arith.constant 1 : i32
      %scan3A_430:8 = scf.for %scan3A_1099 = %scan3A_426 to %scan3A_428 step %scan3A_429 iter_args(%scan3A_1100 = %broadcast_in_dim3A_411, %scan3A_1101 = %broadcast_in_dim3A_413, %scan3A_1102 = %broadcast_in_dim3A_415, %scan3A_1103 = %broadcast_in_dim3A_417, %scan3A_1104 = %broadcast_in_dim3A_419, %scan3A_1105 = %broadcast_in_dim3A_421, %scan3A_1106 = %broadcast_in_dim3A_423, %scan3A_1107 = %broadcast_in_dim3A_425) -> (vector<16xf32>, vector<16xf32>, vector<16xf32>, vector<16xf32>, vector<16xf32>, vector<16xf32>, vector<16xf32>, vector<16xf32>)  : i32 {
        %mul3A_1108 = arith.constant 2 : i32
        %mul3A_1109 = arith.muli %mul3A_1108, %scan3A_1099 : i32
        %add3A_1110 = arith.constant 0 : i32
        %add3A_1111 = arith.addi %mul3A_1109, %add3A_1110 : i32
        %get3A = arith.index_cast %add3A_1111 : i32 to index
        %get3A_1112 = arith.constant 0 : index
        %get3A_1113 = tpu.vector_load %arg9[%get3A, %get3A_1112] {strides = array<i32>} : memref<100x64xi32, #tpu.memory_space<vmem>>, vector<16xi32>,
        %shift_left3A = arith.shli %get3A_1113, %broadcast_in_dim3A_3 : vector<16xi32>
        %bitcast3A = vector.bitcast %shift_left3A : vector<16xi32> to vector<16xf32>
        %bitcast3A_1114 = vector.bitcast %get3A_1113 : vector<16xi32> to vector<16xf32>
        %add3A_1115 = arith.addf %scan3A_1100, %bitcast3A : vector<16xf32>
        %add3A_1116 = arith.addf %scan3A_1101, %bitcast3A_1114 : vector<16xf32>
        %mul3A_1117 = arith.constant 2 : i32
        %mul3A_1118 = arith.muli %mul3A_1117, %scan3A_1099 : i32
        %add3A_1119 = arith.constant 0 : i32
        %add3A_1120 = arith.addi %mul3A_1118, %add3A_1119 : i32
        %get3A_1121 = arith.index_cast %add3A_1120 : i32 to index
        %get3A_1122 = arith.constant 16 : index
        %get3A_1123 = tpu.vector_load %arg9[%get3A_1121, %get3A_1122] {strides = array<i32>} : memref<100x64xi32, #tpu.memory_space<vmem>>, vector<16xi32>,
        %shift_left3A_1124 = arith.shli %get3A_1123, %broadcast_in_dim3A_3 : vector<16xi32>
        %bitcast3A_1125 = vector.bitcast %shift_left3A_1124 : vector<16xi32> to vector<16xf32>
        %bitcast3A_1126 = vector.bitcast %get3A_1123 : vector<16xi32> to vector<16xf32>
        %add3A_1127 = arith.addf %scan3A_1102, %bitcast3A_1125 : vector<16xf32>
        %add3A_1128 = arith.addf %scan3A_1103, %bitcast3A_1126 : vector<16xf32>
        %mul3A_1129 = arith.constant 2 : i32
        %mul3A_1130 = arith.muli %mul3A_1129, %scan3A_1099 : i32
        %add3A_1131 = arith.constant 0 : i32
        %add3A_1132 = arith.addi %mul3A_1130, %add3A_1131 : i32
        %get3A_1133 = arith.index_cast %add3A_1132 : i32 to index
        %get3A_1134 = arith.constant 32 : index
        %get3A_1135 = tpu.vector_load %arg9[%get3A_1133, %get3A_1134] {strides = array<i32>} : memref<100x64xi32, #tpu.memory_space<vmem>>, vector<16xi32>,
        %shift_left3A_1136 = arith.shli %get3A_1135, %broadcast_in_dim3A_3 : vector<16xi32>
        %bitcast3A_1137 = vector.bitcast %shift_left3A_1136 : vector<16xi32> to vector<16xf32>
        %bitcast3A_1138 = vector.bitcast %get3A_1135 : vector<16xi32> to vector<16xf32>
        %add3A_1139 = arith.addf %scan3A_1104, %bitcast3A_1137 : vector<16xf32>
        %add3A_1140 = arith.addf %scan3A_1105, %bitcast3A_1138 : vector<16xf32>
        %mul3A_1141 = arith.constant 2 : i32
        %mul3A_1142 = arith.muli %mul3A_1141, %scan3A_1099 : i32
        %add3A_1143 = arith.constant 0 : i32
        %add3A_1144 = arith.addi %mul3A_1142, %add3A_1143 : i32
        %get3A_1145 = arith.index_cast %add3A_1144 : i32 to index
        %get3A_1146 = arith.constant 48 : index
        %get3A_1147 = tpu.vector_load %arg9[%get3A_1145, %get3A_1146] {strides = array<i32>} : memref<100x64xi32, #tpu.memory_space<vmem>>, vector<16xi32>,
        %shift_left3A_1148 = arith.shli %get3A_1147, %broadcast_in_dim3A_3 : vector<16xi32>
        %bitcast3A_1149 = vector.bitcast %shift_left3A_1148 : vector<16xi32> to vector<16xf32>
        %bitcast3A_1150 = vector.bitcast %get3A_1147 : vector<16xi32> to vector<16xf32>
        %add3A_1151 = arith.addf %scan3A_1106, %bitcast3A_1149 : vector<16xf32>
        %add3A_1152 = arith.addf %scan3A_1107, %bitcast3A_1150 : vector<16xf32>
        %mul3A_1153 = arith.constant 2 : i32
        %mul3A_1154 = arith.muli %mul3A_1153, %scan3A_1099 : i32
        %add3A_1155 = arith.constant 0 : i32
        %add3A_1156 = arith.addi %mul3A_1154, %add3A_1155 : i32
        %get3A_1157 = arith.index_cast %add3A_1156 : i32 to index
        %get3A_1158 = arith.constant 0 : index
        %get3A_1159 = tpu.vector_load %arg10[%get3A_1157, %get3A_1158] {strides = array<i32>} : memref<100x64xi32, #tpu.memory_space<vmem>>, vector<16xi32>,
        %shift_left3A_1160 = arith.shli %get3A_1159, %broadcast_in_dim3A_3 : vector<16xi32>
        %bitcast3A_1161 = vector.bitcast %shift_left3A_1160 : vector<16xi32> to vector<16xf32>
        %bitcast3A_1162 = vector.bitcast %get3A_1159 : vector<16xi32> to vector<16xf32>
        %add3A_1163 = arith.addf %add3A_1115, %bitcast3A_1161 : vector<16xf32>
        %add3A_1164 = arith.addf %add3A_1116, %bitcast3A_1162 : vector<16xf32>
        %mul3A_1165 = arith.constant 2 : i32
        %mul3A_1166 = arith.muli %mul3A_1165, %scan3A_1099 : i32
        %add3A_1167 = arith.constant 0 : i32
        %add3A_1168 = arith.addi %mul3A_1166, %add3A_1167 : i32
        %get3A_1169 = arith.index_cast %add3A_1168 : i32 to index
        %get3A_1170 = arith.constant 16 : index
        %get3A_1171 = tpu.vector_load %arg10[%get3A_1169, %get3A_1170] {strides = array<i32>} : memref<100x64xi32, #tpu.memory_space<vmem>>, vector<16xi32>,
        %shift_left3A_1172 = arith.shli %get3A_1171, %broadcast_in_dim3A_3 : vector<16xi32>
        %bitcast3A_1173 = vector.bitcast %shift_left3A_1172 : vector<16xi32> to vector<16xf32>
        %bitcast3A_1174 = vector.bitcast %get3A_1171 : vector<16xi32> to vector<16xf32>
        %add3A_1175 = arith.addf %add3A_1127, %bitcast3A_1173 : vector<16xf32>
        %add3A_1176 = arith.addf %add3A_1128, %bitcast3A_1174 : vector<16xf32>
        %mul3A_1177 = arith.constant 2 : i32
        %mul3A_1178 = arith.muli %mul3A_1177, %scan3A_1099 : i32
        %add3A_1179 = arith.constant 0 : i32
        %add3A_1180 = arith.addi %mul3A_1178, %add3A_1179 : i32
        %get3A_1181 = arith.index_cast %add3A_1180 : i32 to index
        %get3A_1182 = arith.constant 32 : index
        %get3A_1183 = tpu.vector_load %arg10[%get3A_1181, %get3A_1182] {strides = array<i32>} : memref<100x64xi32, #tpu.memory_space<vmem>>, vector<16xi32>,
        %shift_left3A_1184 = arith.shli %get3A_1183, %broadcast_in_dim3A_3 : vector<16xi32>
        %bitcast3A_1185 = vector.bitcast %shift_left3A_1184 : vector<16xi32> to vector<16xf32>
        %bitcast3A_1186 = vector.bitcast %get3A_1183 : vector<16xi32> to vector<16xf32>
        %add3A_1187 = arith.addf %add3A_1139, %bitcast3A_1185 : vector<16xf32>
        %add3A_1188 = arith.addf %add3A_1140, %bitcast3A_1186 : vector<16xf32>
        %mul3A_1189 = arith.constant 2 : i32
        %mul3A_1190 = arith.muli %mul3A_1189, %scan3A_1099 : i32
        %add3A_1191 = arith.constant 0 : i32
        %add3A_1192 = arith.addi %mul3A_1190, %add3A_1191 : i32
        %get3A_1193 = arith.index_cast %add3A_1192 : i32 to index
        %get3A_1194 = arith.constant 48 : index
        %get3A_1195 = tpu.vector_load %arg10[%get3A_1193, %get3A_1194] {strides = array<i32>} : memref<100x64xi32, #tpu.memory_space<vmem>>, vector<16xi32>,
        %shift_left3A_1196 = arith.shli %get3A_1195, %broadcast_in_dim3A_3 : vector<16xi32>
        %bitcast3A_1197 = vector.bitcast %shift_left3A_1196 : vector<16xi32> to vector<16xf32>
        %bitcast3A_1198 = vector.bitcast %get3A_1195 : vector<16xi32> to vector<16xf32>
        %add3A_1199 = arith.addf %add3A_1151, %bitcast3A_1197 : vector<16xf32>
        %add3A_1200 = arith.addf %add3A_1152, %bitcast3A_1198 : vector<16xf32>
        %mul3A_1201 = arith.constant 2 : i32
        %mul3A_1202 = arith.muli %mul3A_1201, %scan3A_1099 : i32
        %add3A_1203 = arith.constant 1 : i32
        %add3A_1204 = arith.addi %mul3A_1202, %add3A_1203 : i32
        %get3A_1205 = arith.index_cast %add3A_1204 : i32 to index
        %get3A_1206 = arith.constant 0 : index
        %get3A_1207 = tpu.vector_load %arg9[%get3A_1205, %get3A_1206] {strides = array<i32>} : memref<100x64xi32, #tpu.memory_space<vmem>>, vector<16xi32>,
        %shift_left3A_1208 = arith.shli %get3A_1207, %broadcast_in_dim3A_3 : vector<16xi32>
        %bitcast3A_1209 = vector.bitcast %shift_left3A_1208 : vector<16xi32> to vector<16xf32>
        %bitcast3A_1210 = vector.bitcast %get3A_1207 : vector<16xi32> to vector<16xf32>
        %add3A_1211 = arith.addf %add3A_1163, %bitcast3A_1209 : vector<16xf32>
        %add3A_1212 = arith.addf %add3A_1164, %bitcast3A_1210 : vector<16xf32>
        %mul3A_1213 = arith.constant 2 : i32
        %mul3A_1214 = arith.muli %mul3A_1213, %scan3A_1099 : i32
        %add3A_1215 = arith.constant 1 : i32
        %add3A_1216 = arith.addi %mul3A_1214, %add3A_1215 : i32
        %get3A_1217 = arith.index_cast %add3A_1216 : i32 to index
        %get3A_1218 = arith.constant 16 : index
        %get3A_1219 = tpu.vector_load %arg9[%get3A_1217, %get3A_1218] {strides = array<i32>} : memref<100x64xi32, #tpu.memory_space<vmem>>, vector<16xi32>,
        %shift_left3A_1220 = arith.shli %get3A_1219, %broadcast_in_dim3A_3 : vector<16xi32>
        %bitcast3A_1221 = vector.bitcast %shift_left3A_1220 : vector<16xi32> to vector<16xf32>
        %bitcast3A_1222 = vector.bitcast %get3A_1219 : vector<16xi32> to vector<16xf32>
        %add3A_1223 = arith.addf %add3A_1175, %bitcast3A_1221 : vector<16xf32>
        %add3A_1224 = arith.addf %add3A_1176, %bitcast3A_1222 : vector<16xf32>
        %mul3A_1225 = arith.constant 2 : i32
        %mul3A_1226 = arith.muli %mul3A_1225, %scan3A_1099 : i32
        %add3A_1227 = arith.constant 1 : i32
        %add3A_1228 = arith.addi %mul3A_1226, %add3A_1227 : i32
        %get3A_1229 = arith.index_cast %add3A_1228 : i32 to index
        %get3A_1230 = arith.constant 32 : index
        %get3A_1231 = tpu.vector_load %arg9[%get3A_1229, %get3A_1230] {strides = array<i32>} : memref<100x64xi32, #tpu.memory_space<vmem>>, vector<16xi32>,
        %shift_left3A_1232 = arith.shli %get3A_1231, %broadcast_in_dim3A_3 : vector<16xi32>
        %bitcast3A_1233 = vector.bitcast %shift_left3A_1232 : vector<16xi32> to vector<16xf32>
        %bitcast3A_1234 = vector.bitcast %get3A_1231 : vector<16xi32> to vector<16xf32>
        %add3A_1235 = arith.addf %add3A_1187, %bitcast3A_1233 : vector<16xf32>
        %add3A_1236 = arith.addf %add3A_1188, %bitcast3A_1234 : vector<16xf32>
        %mul3A_1237 = arith.constant 2 : i32
        %mul3A_1238 = arith.muli %mul3A_1237, %scan3A_1099 : i32
        %add3A_1239 = arith.constant 1 : i32
        %add3A_1240 = arith.addi %mul3A_1238, %add3A_1239 : i32
        %get3A_1241 = arith.index_cast %add3A_1240 : i32 to index
        %get3A_1242 = arith.constant 48 : index
        %get3A_1243 = tpu.vector_load %arg9[%get3A_1241, %get3A_1242] {strides = array<i32>} : memref<100x64xi32, #tpu.memory_space<vmem>>, vector<16xi32>,
        %shift_left3A_1244 = arith.shli %get3A_1243, %broadcast_in_dim3A_3 : vector<16xi32>
        %bitcast3A_1245 = vector.bitcast %shift_left3A_1244 : vector<16xi32> to vector<16xf32>
        %bitcast3A_1246 = vector.bitcast %get3A_1243 : vector<16xi32> to vector<16xf32>
        %add3A_1247 = arith.addf %add3A_1199, %bitcast3A_1245 : vector<16xf32>
        %add3A_1248 = arith.addf %add3A_1200, %bitcast3A_1246 : vector<16xf32>
        %mul3A_1249 = arith.constant 2 : i32
        %mul3A_1250 = arith.muli %mul3A_1249, %scan3A_1099 : i32
        %add3A_1251 = arith.constant 1 : i32
        %add3A_1252 = arith.addi %mul3A_1250, %add3A_1251 : i32
        %get3A_1253 = arith.index_cast %add3A_1252 : i32 to index
        %get3A_1254 = arith.constant 0 : index
        %get3A_1255 = tpu.vector_load %arg10[%get3A_1253, %get3A_1254] {strides = array<i32>} : memref<100x64xi32, #tpu.memory_space<vmem>>, vector<16xi32>,
        %shift_left3A_1256 = arith.shli %get3A_1255, %broadcast_in_dim3A_3 : vector<16xi32>
        %bitcast3A_1257 = vector.bitcast %shift_left3A_1256 : vector<16xi32> to vector<16xf32>
        %bitcast3A_1258 = vector.bitcast %get3A_1255 : vector<16xi32> to vector<16xf32>
        %add3A_1259 = arith.addf %add3A_1211, %bitcast3A_1257 : vector<16xf32>
        %add3A_1260 = arith.addf %add3A_1212, %bitcast3A_1258 : vector<16xf32>
        %mul3A_1261 = arith.constant 2 : i32
        %mul3A_1262 = arith.muli %mul3A_1261, %scan3A_1099 : i32
        %add3A_1263 = arith.constant 1 : i32
        %add3A_1264 = arith.addi %mul3A_1262, %add3A_1263 : i32
        %get3A_1265 = arith.index_cast %add3A_1264 : i32 to index
        %get3A_1266 = arith.constant 16 : index
        %get3A_1267 = tpu.vector_load %arg10[%get3A_1265, %get3A_1266] {strides = array<i32>} : memref<100x64xi32, #tpu.memory_space<vmem>>, vector<16xi32>,
        %shift_left3A_1268 = arith.shli %get3A_1267, %broadcast_in_dim3A_3 : vector<16xi32>
        %bitcast3A_1269 = vector.bitcast %shift_left3A_1268 : vector<16xi32> to vector<16xf32>
        %bitcast3A_1270 = vector.bitcast %get3A_1267 : vector<16xi32> to vector<16xf32>
        %add3A_1271 = arith.addf %add3A_1223, %bitcast3A_1269 : vector<16xf32>
        %add3A_1272 = arith.addf %add3A_1224, %bitcast3A_1270 : vector<16xf32>
        %mul3A_1273 = arith.constant 2 : i32
        %mul3A_1274 = arith.muli %mul3A_1273, %scan3A_1099 : i32
        %add3A_1275 = arith.constant 1 : i32
        %add3A_1276 = arith.addi %mul3A_1274, %add3A_1275 : i32
        %get3A_1277 = arith.index_cast %add3A_1276 : i32 to index
        %get3A_1278 = arith.constant 32 : index
        %get3A_1279 = tpu.vector_load %arg10[%get3A_1277, %get3A_1278] {strides = array<i32>} : memref<100x64xi32, #tpu.memory_space<vmem>>, vector<16xi32>,
        %shift_left3A_1280 = arith.shli %get3A_1279, %broadcast_in_dim3A_3 : vector<16xi32>
        %bitcast3A_1281 = vector.bitcast %shift_left3A_1280 : vector<16xi32> to vector<16xf32>
        %bitcast3A_1282 = vector.bitcast %get3A_1279 : vector<16xi32> to vector<16xf32>
        %add3A_1283 = arith.addf %add3A_1235, %bitcast3A_1281 : vector<16xf32>
        %add3A_1284 = arith.addf %add3A_1236, %bitcast3A_1282 : vector<16xf32>
        %mul3A_1285 = arith.constant 2 : i32
        %mul3A_1286 = arith.muli %mul3A_1285, %scan3A_1099 : i32
        %add3A_1287 = arith.constant 1 : i32
        %add3A_1288 = arith.addi %mul3A_1286, %add3A_1287 : i32
        %get3A_1289 = arith.index_cast %add3A_1288 : i32 to index
        %get3A_1290 = arith.constant 48 : index
        %get3A_1291 = tpu.vector_load %arg10[%get3A_1289, %get3A_1290] {strides = array<i32>} : memref<100x64xi32, #tpu.memory_space<vmem>>, vector<16xi32>,
        %shift_left3A_1292 = arith.shli %get3A_1291, %broadcast_in_dim3A_3 : vector<16xi32>
        %bitcast3A_1293 = vector.bitcast %shift_left3A_1292 : vector<16xi32> to vector<16xf32>
        %bitcast3A_1294 = vector.bitcast %get3A_1291 : vector<16xi32> to vector<16xf32>
        %add3A_1295 = arith.addf %add3A_1247, %bitcast3A_1293 : vector<16xf32>
        %add3A_1296 = arith.addf %add3A_1248, %bitcast3A_1294 : vector<16xf32>
        scf.yield %add3A_1259, %add3A_1260, %add3A_1271, %add3A_1272, %add3A_1283, %add3A_1284, %add3A_1295, %add3A_1296 : vector<16xf32>, vector<16xf32>, vector<16xf32>, vector<16xf32>, vector<16xf32>, vector<16xf32>, vector<16xf32>, vector<16xf32>
      }
      %scan3A_431 = arith.constant 50 : i32
      %rem3A_432 = arith.constant 32 : i32
      %rem3A_433 = arith.remsi %add3A_383, %rem3A_432 : i32
      %mul3A_434 = arith.constant 128 : i32
      %mul3A_435 = arith.muli %rem3A_433, %mul3A_434 : i32
      %add3A_436 = arith.constant 0 : i32
      %add3A_437 = arith.addi %mul3A_435, %add3A_436 : i32
      %swap3A_438 = arith.index_cast %add3A_437 : i32 to index
      %swap3A_439 = tpu.vector_load %arg6[%swap3A_438] {strides = array<i32>} : memref<4096xf32, #tpu.memory_space<vmem>>, vector<16xf32>,
      tpu.vector_store %arg6[%swap3A_438], %scan3A_430#0 {strides = array<i32>} : memref<4096xf32, #tpu.memory_space<vmem>>, vector<16xf32>,
      %add3A_440 = arith.constant 16 : i32
      %add3A_441 = arith.addi %mul3A_435, %add3A_440 : i32
      %swap3A_442 = arith.index_cast %add3A_441 : i32 to index
      %swap3A_443 = tpu.vector_load %arg6[%swap3A_442] {strides = array<i32>} : memref<4096xf32, #tpu.memory_space<vmem>>, vector<16xf32>,
      tpu.vector_store %arg6[%swap3A_442], %scan3A_430#1 {strides = array<i32>} : memref<4096xf32, #tpu.memory_space<vmem>>, vector<16xf32>,
      %add3A_444 = arith.constant 32 : i32
      %add3A_445 = arith.addi %mul3A_435, %add3A_444 : i32
      %swap3A_446 = arith.index_cast %add3A_445 : i32 to index
      %swap3A_447 = tpu.vector_load %arg6[%swap3A_446] {strides = array<i32>} : memref<4096xf32, #tpu.memory_space<vmem>>, vector<16xf32>,
      tpu.vector_store %arg6[%swap3A_446], %scan3A_430#2 {strides = array<i32>} : memref<4096xf32, #tpu.memory_space<vmem>>, vector<16xf32>,
      %add3A_448 = arith.constant 48 : i32
      %add3A_449 = arith.addi %mul3A_435, %add3A_448 : i32
      %swap3A_450 = arith.index_cast %add3A_449 : i32 to index
      %swap3A_451 = tpu.vector_load %arg6[%swap3A_450] {strides = array<i32>} : memref<4096xf32, #tpu.memory_space<vmem>>, vector<16xf32>,
      tpu.vector_store %arg6[%swap3A_450], %scan3A_430#3 {strides = array<i32>} : memref<4096xf32, #tpu.memory_space<vmem>>, vector<16xf32>,
      %add3A_452 = arith.constant 64 : i32
      %add3A_453 = arith.addi %mul3A_435, %add3A_452 : i32
      %swap3A_454 = arith.index_cast %add3A_453 : i32 to index
      %swap3A_455 = tpu.vector_load %arg6[%swap3A_454] {strides = array<i32>} : memref<4096xf32, #tpu.memory_space<vmem>>, vector<16xf32>,
      tpu.vector_store %arg6[%swap3A_454], %scan3A_430#4 {strides = array<i32>} : memref<4096xf32, #tpu.memory_space<vmem>>, vector<16xf32>,
      %add3A_456 = arith.constant 80 : i32
      %add3A_457 = arith.addi %mul3A_435, %add3A_456 : i32
      %swap3A_458 = arith.index_cast %add3A_457 : i32 to index
      %swap3A_459 = tpu.vector_load %arg6[%swap3A_458] {strides = array<i32>} : memref<4096xf32, #tpu.memory_space<vmem>>, vector<16xf32>,
      tpu.vector_store %arg6[%swap3A_458], %scan3A_430#5 {strides = array<i32>} : memref<4096xf32, #tpu.memory_space<vmem>>, vector<16xf32>,
      %add3A_460 = arith.constant 96 : i32
      %add3A_461 = arith.addi %mul3A_435, %add3A_460 : i32
      %swap3A_462 = arith.index_cast %add3A_461 : i32 to index
      %swap3A_463 = tpu.vector_load %arg6[%swap3A_462] {strides = array<i32>} : memref<4096xf32, #tpu.memory_space<vmem>>, vector<16xf32>,
      tpu.vector_store %arg6[%swap3A_462], %scan3A_430#6 {strides = array<i32>} : memref<4096xf32, #tpu.memory_space<vmem>>, vector<16xf32>,
      %add3A_464 = arith.constant 112 : i32
      %add3A_465 = arith.addi %mul3A_435, %add3A_464 : i32
      %swap3A_466 = arith.index_cast %add3A_465 : i32 to index
      %swap3A_467 = tpu.vector_load %arg6[%swap3A_466] {strides = array<i32>} : memref<4096xf32, #tpu.memory_space<vmem>>, vector<16xf32>,
      tpu.vector_store %arg6[%swap3A_466], %scan3A_430#7 {strides = array<i32>} : memref<4096xf32, #tpu.memory_space<vmem>>, vector<16xf32>,
      %rem3A_468 = arith.constant 32 : i32
      %rem3A_469 = arith.remsi %add3A_385, %rem3A_468 : i32
      %eq3A_470 = arith.constant 0 : i32
      %eq3A_471 = arith.cmpi eq, %rem3A_469, %eq3A_470 : i32
      %lt3A_472 = arith.constant 512 : i32
      %lt3A_473 = arith.cmpi slt, %add3A_385, %lt3A_472 : i32
      %and3A_474 = arith.andi %eq3A_471, %lt3A_473 : i1
      %convert_element_type3A_475 = arith.extui %and3A_474 : i1 to i32
      %cond3A_476 = arith.constant 0 : i32
      %cond3A_477 = arith.cmpi ne, %convert_element_type3A_475, %cond3A_476 : i32
      scf.if %cond3A_477 {
        %jit3A = arith.constant 32 : i32
        %div3A_1099 = arith.divsi %add3A_385, %jit3A : i32
        %sign3A = arith.constant 0 : i32
        %sign3A_1100 = arith.cmpi sgt, %add3A_385, %sign3A : i32
        %sign3A_1101 = arith.extui %sign3A_1100 : i1 to i32
        %sign3A_1102 = arith.constant 0 : i32
        %sign3A_1103 = arith.cmpi slt, %add3A_385, %sign3A_1102 : i32
        %sign3A_1104 = arith.extui %sign3A_1103 : i1 to i32
        %sign3A_1105 = arith.subi %sign3A_1101, %sign3A_1104 : i32
        %sign3A_1106 = arith.constant 0 : i32
        %sign3A_1107 = arith.cmpi sgt, %jit3A, %sign3A_1106 : i32
        %sign3A_1108 = arith.extui %sign3A_1107 : i1 to i32
        %sign3A_1109 = arith.constant 0 : i32
        %sign3A_1110 = arith.cmpi slt, %jit3A, %sign3A_1109 : i32
        %sign3A_1111 = arith.extui %sign3A_1110 : i1 to i32
        %sign3A_1112 = arith.subi %sign3A_1108, %sign3A_1111 : i32
        %ne3A = arith.cmpi ne, %sign3A_1105, %sign3A_1112 : i32
        %rem3A_1113 = arith.remsi %add3A_385, %jit3A : i32
        %ne3A_1114 = arith.constant 0 : i32
        %ne3A_1115 = arith.cmpi ne, %rem3A_1113, %ne3A_1114 : i32
        %and3A_1116 = arith.andi %ne3A, %ne3A_1115 : i1
        %sub3A_1117 = arith.constant 1 : i32
        %sub3A_1118 = arith.subi %div3A_1099, %sub3A_1117 : i32
        %select_n3A = arith.select %and3A_1116, %sub3A_1118, %div3A_1099 : i32
        %rem3A_1119 = arith.constant 2 : i32
        %rem3A_1120 = arith.remsi %select_n3A, %rem3A_1119 : i32
        %mul3A_1121 = arith.constant 16 : i32
        %mul3A_1122 = arith.muli %add3A, %mul3A_1121 : i32
        %add3A_1123 = arith.addi %mul3A_1122, %select_n3A : i32
        "tpu.region"() ({
          %run_scoped3A = tpu.sem_alloc : memref<!tpu.dma_semaphore, #tpu.memory_space<semaphore_mem>>
          %dma_start3A_1124 = arith.constant 0 : i32
          %dma_start3A_1125 = arith.constant 0 : i32
          %dma_start3A_1126 = tpu.memref_slice %arg5[%rem3A_1120, %dma_start3A_1124, %dma_start3A_1125] : memref<2x64x100xi32, #tpu.memory_space<vmem>> -> memref<1x64x100xi32, #tpu.memory_space<vmem>>
          %dma_start3A_1127 = tpu.memref_squeeze %dma_start3A_1126 : memref<1x64x100xi32, #tpu.memory_space<vmem>> -> memref<64x100xi32, #tpu.memory_space<vmem>>
          %dma_start3A_1128 = arith.constant 0 : i32
          %dma_start3A_1129 = arith.constant 0 : i32
          %dma_start3A_1130 = tpu.memref_slice %arg2[%add3A_1123, %dma_start3A_1128, %dma_start3A_1129] : memref<512x64x100xi32, #tpu.memory_space<hbm>> -> memref<1x64x100xi32, #tpu.memory_space<hbm>>
          %dma_start3A_1131 = tpu.memref_squeeze %dma_start3A_1130 : memref<1x64x100xi32, #tpu.memory_space<hbm>> -> memref<64x100xi32, #tpu.memory_space<hbm>>
          %dma_start3A_1132 = arith.constant 0 : i32
          %dma_start3A_1133 = arith.constant 0 : i32
          %dma_start3A_1134 = tpu.memref_slice %arg5[%rem3A_1120, %dma_start3A_1132, %dma_start3A_1133] : memref<2x64x100xi32, #tpu.memory_space<vmem>> -> memref<1x64x100xi32, #tpu.memory_space<vmem>>
          %dma_start3A_1135 = tpu.memref_squeeze %dma_start3A_1134 : memref<1x64x100xi32, #tpu.memory_space<vmem>> -> memref<64x100xi32, #tpu.memory_space<vmem>>
          %dma_start3A_1136 = arith.constant 0 : i32
          %dma_start3A_1137 = arith.constant 0 : i32
          %dma_start3A_1138 = tpu.memref_slice %arg2[%add3A_1123, %dma_start3A_1136, %dma_start3A_1137] : memref<512x64x100xi32, #tpu.memory_space<hbm>> -> memref<1x64x100xi32, #tpu.memory_space<hbm>>
          %dma_start3A_1139 = tpu.memref_squeeze %dma_start3A_1138 : memref<1x64x100xi32, #tpu.memory_space<hbm>> -> memref<64x100xi32, #tpu.memory_space<hbm>>
          tpu.enqueue_dma source(%dma_start3A_1139 : memref<64x100xi32, #tpu.memory_space<hbm>>) target(%dma_start3A_1135 : memref<64x100xi32, #tpu.memory_space<vmem>>) target_semaphore(%run_scoped3A : memref<!tpu.dma_semaphore, #tpu.memory_space<semaphore_mem>>)
          %dma_wait3A_1140 = arith.constant 0 : i32
          %dma_wait3A_1141 = arith.constant 0 : i32
          %dma_wait3A_1142 = tpu.memref_slice %arg5[%rem3A_1120, %dma_wait3A_1140, %dma_wait3A_1141] : memref<2x64x100xi32, #tpu.memory_space<vmem>> -> memref<1x64x100xi32, #tpu.memory_space<vmem>>
          %dma_wait3A_1143 = tpu.memref_squeeze %dma_wait3A_1142 : memref<1x64x100xi32, #tpu.memory_space<vmem>> -> memref<64x100xi32, #tpu.memory_space<vmem>>
          %dma_wait3A_1144 = arith.constant 0 : i32
          %dma_wait3A_1145 = arith.constant 0 : i32
          %dma_wait3A_1146 = tpu.memref_slice %arg2[%add3A_1123, %dma_wait3A_1144, %dma_wait3A_1145] : memref<512x64x100xi32, #tpu.memory_space<hbm>> -> memref<1x64x100xi32, #tpu.memory_space<hbm>>
          %dma_wait3A_1147 = tpu.memref_squeeze %dma_wait3A_1146 : memref<1x64x100xi32, #tpu.memory_space<hbm>> -> memref<64x100xi32, #tpu.memory_space<hbm>>
          %dma_wait3A_1148 = arith.constant 0 : i32
          %dma_wait3A_1149 = arith.constant 0 : i32
          %dma_wait3A_1150 = tpu.memref_slice %arg5[%rem3A_1120, %dma_wait3A_1148, %dma_wait3A_1149] : memref<2x64x100xi32, #tpu.memory_space<vmem>> -> memref<1x64x100xi32, #tpu.memory_space<vmem>>
          %dma_wait3A_1151 = tpu.memref_squeeze %dma_wait3A_1150 : memref<1x64x100xi32, #tpu.memory_space<vmem>> -> memref<64x100xi32, #tpu.memory_space<vmem>>
          %dma_wait3A_1152 = arith.constant 0 : i32
          %dma_wait3A_1153 = arith.constant 0 : i32
          %dma_wait3A_1154 = tpu.memref_slice %arg2[%add3A_1123, %dma_wait3A_1152, %dma_wait3A_1153] : memref<512x64x100xi32, #tpu.memory_space<hbm>> -> memref<1x64x100xi32, #tpu.memory_space<hbm>>
          %dma_wait3A_1155 = tpu.memref_squeeze %dma_wait3A_1154 : memref<1x64x100xi32, #tpu.memory_space<hbm>> -> memref<64x100xi32, #tpu.memory_space<hbm>>
          tpu.wait_dma2 semaphore(%run_scoped3A : memref<!tpu.dma_semaphore, #tpu.memory_space<semaphore_mem>>) src(%dma_wait3A_1155 : memref<64x100xi32, #tpu.memory_space<hbm>>) dst(%dma_wait3A_1151 : memref<64x100xi32, #tpu.memory_space<vmem>>)
          tpu.yield
        }) : () -> ()
      } else {
      }
      %lt3A_478 = arith.constant 512 : i32
      %lt3A_479 = arith.cmpi slt, %add3A_385, %lt3A_478 : i32
      %convert_element_type3A_480 = arith.extui %lt3A_479 : i1 to i32
      %cond3A_481 = arith.constant 0 : i32
      %cond3A_482 = arith.cmpi ne, %convert_element_type3A_480, %cond3A_481 : i32
      scf.if %cond3A_482 {
        %div3A_1099 = arith.constant 32 : i32
        %div3A_1100 = arith.divsi %add3A_385, %div3A_1099 : i32
        %rem3A_1101 = arith.constant 2 : i32
        %rem3A_1102 = arith.remsi %div3A_1100, %rem3A_1101 : i32
        %rem3A_1103 = arith.constant 32 : i32
        %rem3A_1104 = arith.remsi %add3A_385, %rem3A_1103 : i32
        %mul3A_1105 = arith.constant 2 : i32
        %mul3A_1106 = arith.muli %rem3A_1104, %mul3A_1105 : i32
        %add3A_1107 = arith.constant 0 : i32
        %add3A_1108 = arith.addi %mul3A_1106, %add3A_1107 : i32
        %dma_start3A_1109 = arith.constant 0 : i32
        %dma_start3A_1110 = arith.constant 0 : i32
        %dma_start3A_1111 = tpu.memref_slice %arg5[%rem3A_1102, %dma_start3A_1109, %dma_start3A_1110] : memref<2x64x100xi32, #tpu.memory_space<vmem>> -> memref<1x64x100xi32, #tpu.memory_space<vmem>>
        %dma_start3A_1112 = tpu.memref_squeeze %dma_start3A_1111 : memref<1x64x100xi32, #tpu.memory_space<vmem>> -> memref<64x100xi32, #tpu.memory_space<vmem>>
        %dma_start3A_1113 = arith.constant 0 : i32
        %dma_start3A_1114 = tpu.memref_slice %dma_start3A_1112[%add3A_1108, %dma_start3A_1113] : memref<64x100xi32, #tpu.memory_space<vmem>> -> memref<1x100xi32, #tpu.memory_space<vmem>>
        %dma_start3A_1115 = tpu.memref_squeeze %dma_start3A_1114 : memref<1x100xi32, #tpu.memory_space<vmem>> -> memref<100xi32, #tpu.memory_space<vmem>>
        %dma_start3A_1116 = arith.constant 0 : i32
        %dma_start3A_1117 = arith.constant 0 : i32
        %dma_start3A_1118 = tpu.memref_slice %arg3[%dma_start3A_1116, %dma_start3A_1117] : memref<101250x64xi32, #tpu.memory_space<hbm>> -> memref<101250x64xi32, #tpu.memory_space<hbm>>
        tpu.enqueue_indirect_dma source(%dma_start3A_1118 : memref<101250x64xi32, #tpu.memory_space<hbm>>) target(%arg9 : memref<100x64xi32, #tpu.memory_space<vmem>>) offsets(%dma_start3A_1115 : memref<100xi32, #tpu.memory_space<vmem>>) semaphore(%arg24 : memref<!tpu.dma_semaphore, #tpu.memory_space<semaphore_mem>>)
        %add3A_1119 = arith.constant 1 : i32
        %add3A_1120 = arith.addi %mul3A_1106, %add3A_1119 : i32
        %dma_start3A_1121 = arith.constant 0 : i32
        %dma_start3A_1122 = arith.constant 0 : i32
        %dma_start3A_1123 = tpu.memref_slice %arg5[%rem3A_1102, %dma_start3A_1121, %dma_start3A_1122] : memref<2x64x100xi32, #tpu.memory_space<vmem>> -> memref<1x64x100xi32, #tpu.memory_space<vmem>>
        %dma_start3A_1124 = tpu.memref_squeeze %dma_start3A_1123 : memref<1x64x100xi32, #tpu.memory_space<vmem>> -> memref<64x100xi32, #tpu.memory_space<vmem>>
        %dma_start3A_1125 = arith.constant 0 : i32
        %dma_start3A_1126 = tpu.memref_slice %dma_start3A_1124[%add3A_1120, %dma_start3A_1125] : memref<64x100xi32, #tpu.memory_space<vmem>> -> memref<1x100xi32, #tpu.memory_space<vmem>>
        %dma_start3A_1127 = tpu.memref_squeeze %dma_start3A_1126 : memref<1x100xi32, #tpu.memory_space<vmem>> -> memref<100xi32, #tpu.memory_space<vmem>>
        %dma_start3A_1128 = arith.constant 0 : i32
        %dma_start3A_1129 = arith.constant 0 : i32
        %dma_start3A_1130 = tpu.memref_slice %arg3[%dma_start3A_1128, %dma_start3A_1129] : memref<101250x64xi32, #tpu.memory_space<hbm>> -> memref<101250x64xi32, #tpu.memory_space<hbm>>
        tpu.enqueue_indirect_dma source(%dma_start3A_1130 : memref<101250x64xi32, #tpu.memory_space<hbm>>) target(%arg10 : memref<100x64xi32, #tpu.memory_space<vmem>>) offsets(%dma_start3A_1127 : memref<100xi32, #tpu.memory_space<vmem>>) semaphore(%arg24 : memref<!tpu.dma_semaphore, #tpu.memory_space<semaphore_mem>>)
      } else {
      }
      %add3A_483 = arith.constant 2 : i32
      %add3A_484 = arith.addi %mul3A_287, %add3A_483 : i32
      %add3A_485 = arith.constant 8 : i32
      %add3A_486 = arith.addi %add3A_484, %add3A_485 : i32
      %dma_wait3A_487 = arith.constant 0 : i32
      %dma_wait3A_488 = arith.constant 0 : i32
      %dma_wait3A_489 = arith.constant 0 : i32
      %dma_wait3A_490 = arith.constant 0 : i32
      %dma_wait3A_491 = tpu.memref_slice %arg5[%dma_wait3A_487, %dma_wait3A_489, %dma_wait3A_490] : memref<2x64x100xi32, #tpu.memory_space<vmem>> -> memref<1x64x100xi32, #tpu.memory_space<vmem>>
      %dma_wait3A_492 = tpu.memref_squeeze %dma_wait3A_491 : memref<1x64x100xi32, #tpu.memory_space<vmem>> -> memref<64x100xi32, #tpu.memory_space<vmem>>
      %dma_wait3A_493 = arith.constant 0 : i32
      %dma_wait3A_494 = tpu.memref_slice %dma_wait3A_492[%dma_wait3A_488, %dma_wait3A_493] : memref<64x100xi32, #tpu.memory_space<vmem>> -> memref<1x100xi32, #tpu.memory_space<vmem>>
      %dma_wait3A_495 = tpu.memref_squeeze %dma_wait3A_494 : memref<1x100xi32, #tpu.memory_space<vmem>> -> memref<100xi32, #tpu.memory_space<vmem>>
      %dma_wait3A_496 = arith.constant 0 : i32
      %dma_wait3A_497 = arith.constant 0 : i32
      %dma_wait3A_498 = tpu.memref_slice %arg3[%dma_wait3A_496, %dma_wait3A_497] : memref<101250x64xi32, #tpu.memory_space<hbm>> -> memref<101250x64xi32, #tpu.memory_space<hbm>>
      tpu.wait_indirect_dma semaphore(%arg25 : memref<!tpu.dma_semaphore, #tpu.memory_space<semaphore_mem>>) src(%dma_wait3A_498 : memref<101250x64xi32, #tpu.memory_space<hbm>>) dst(%arg11 : memref<100x64xi32, #tpu.memory_space<vmem>>)
      %dma_wait3A_499 = arith.constant 0 : i32
      %dma_wait3A_500 = arith.constant 0 : i32
      %dma_wait3A_501 = arith.constant 0 : i32
      %dma_wait3A_502 = arith.constant 0 : i32
      %dma_wait3A_503 = tpu.memref_slice %arg5[%dma_wait3A_499, %dma_wait3A_501, %dma_wait3A_502] : memref<2x64x100xi32, #tpu.memory_space<vmem>> -> memref<1x64x100xi32, #tpu.memory_space<vmem>>
      %dma_wait3A_504 = tpu.memref_squeeze %dma_wait3A_503 : memref<1x64x100xi32, #tpu.memory_space<vmem>> -> memref<64x100xi32, #tpu.memory_space<vmem>>
      %dma_wait3A_505 = arith.constant 0 : i32
      %dma_wait3A_506 = tpu.memref_slice %dma_wait3A_504[%dma_wait3A_500, %dma_wait3A_505] : memref<64x100xi32, #tpu.memory_space<vmem>> -> memref<1x100xi32, #tpu.memory_space<vmem>>
      %dma_wait3A_507 = tpu.memref_squeeze %dma_wait3A_506 : memref<1x100xi32, #tpu.memory_space<vmem>> -> memref<100xi32, #tpu.memory_space<vmem>>
      %dma_wait3A_508 = arith.constant 0 : i32
      %dma_wait3A_509 = arith.constant 0 : i32
      %dma_wait3A_510 = tpu.memref_slice %arg3[%dma_wait3A_508, %dma_wait3A_509] : memref<101250x64xi32, #tpu.memory_space<hbm>> -> memref<101250x64xi32, #tpu.memory_space<hbm>>
      tpu.wait_indirect_dma semaphore(%arg25 : memref<!tpu.dma_semaphore, #tpu.memory_space<semaphore_mem>>) src(%dma_wait3A_510 : memref<101250x64xi32, #tpu.memory_space<hbm>>) dst(%arg12 : memref<100x64xi32, #tpu.memory_space<vmem>>)
      %broadcast_in_dim3A_511 = arith.constant 0.000000e+00 : f32
      %broadcast_in_dim3A_512 = vector.broadcast %broadcast_in_dim3A_511 : f32 to vector<16xf32>
      %broadcast_in_dim3A_513 = arith.constant 0.000000e+00 : f32
      %broadcast_in_dim3A_514 = vector.broadcast %broadcast_in_dim3A_513 : f32 to vector<16xf32>
      %broadcast_in_dim3A_515 = arith.constant 0.000000e+00 : f32
      %broadcast_in_dim3A_516 = vector.broadcast %broadcast_in_dim3A_515 : f32 to vector<16xf32>
      %broadcast_in_dim3A_517 = arith.constant 0.000000e+00 : f32
      %broadcast_in_dim3A_518 = vector.broadcast %broadcast_in_dim3A_517 : f32 to vector<16xf32>
      %broadcast_in_dim3A_519 = arith.constant 0.000000e+00 : f32
      %broadcast_in_dim3A_520 = vector.broadcast %broadcast_in_dim3A_519 : f32 to vector<16xf32>
      %broadcast_in_dim3A_521 = arith.constant 0.000000e+00 : f32
      %broadcast_in_dim3A_522 = vector.broadcast %broadcast_in_dim3A_521 : f32 to vector<16xf32>
      %broadcast_in_dim3A_523 = arith.constant 0.000000e+00 : f32
      %broadcast_in_dim3A_524 = vector.broadcast %broadcast_in_dim3A_523 : f32 to vector<16xf32>
      %broadcast_in_dim3A_525 = arith.constant 0.000000e+00 : f32
      %broadcast_in_dim3A_526 = vector.broadcast %broadcast_in_dim3A_525 : f32 to vector<16xf32>
      %scan3A_527 = arith.constant 0 : i32
      %scan3A_528 = arith.constant 50 : i32
      %scan3A_529 = arith.addi %scan3A_527, %scan3A_528 : i32
      %scan3A_530 = arith.constant 1 : i32
      %scan3A_531:8 = scf.for %scan3A_1099 = %scan3A_527 to %scan3A_529 step %scan3A_530 iter_args(%scan3A_1100 = %broadcast_in_dim3A_512, %scan3A_1101 = %broadcast_in_dim3A_514, %scan3A_1102 = %broadcast_in_dim3A_516, %scan3A_1103 = %broadcast_in_dim3A_518, %scan3A_1104 = %broadcast_in_dim3A_520, %scan3A_1105 = %broadcast_in_dim3A_522, %scan3A_1106 = %broadcast_in_dim3A_524, %scan3A_1107 = %broadcast_in_dim3A_526) -> (vector<16xf32>, vector<16xf32>, vector<16xf32>, vector<16xf32>, vector<16xf32>, vector<16xf32>, vector<16xf32>, vector<16xf32>)  : i32 {
        %mul3A_1108 = arith.constant 2 : i32
        %mul3A_1109 = arith.muli %mul3A_1108, %scan3A_1099 : i32
        %add3A_1110 = arith.constant 0 : i32
        %add3A_1111 = arith.addi %mul3A_1109, %add3A_1110 : i32
        %get3A = arith.index_cast %add3A_1111 : i32 to index
        %get3A_1112 = arith.constant 0 : index
        %get3A_1113 = tpu.vector_load %arg11[%get3A, %get3A_1112] {strides = array<i32>} : memref<100x64xi32, #tpu.memory_space<vmem>>, vector<16xi32>,
        %shift_left3A = arith.shli %get3A_1113, %broadcast_in_dim3A_3 : vector<16xi32>
        %bitcast3A = vector.bitcast %shift_left3A : vector<16xi32> to vector<16xf32>
        %bitcast3A_1114 = vector.bitcast %get3A_1113 : vector<16xi32> to vector<16xf32>
        %add3A_1115 = arith.addf %scan3A_1100, %bitcast3A : vector<16xf32>
        %add3A_1116 = arith.addf %scan3A_1101, %bitcast3A_1114 : vector<16xf32>
        %mul3A_1117 = arith.constant 2 : i32
        %mul3A_1118 = arith.muli %mul3A_1117, %scan3A_1099 : i32
        %add3A_1119 = arith.constant 0 : i32
        %add3A_1120 = arith.addi %mul3A_1118, %add3A_1119 : i32
        %get3A_1121 = arith.index_cast %add3A_1120 : i32 to index
        %get3A_1122 = arith.constant 16 : index
        %get3A_1123 = tpu.vector_load %arg11[%get3A_1121, %get3A_1122] {strides = array<i32>} : memref<100x64xi32, #tpu.memory_space<vmem>>, vector<16xi32>,
        %shift_left3A_1124 = arith.shli %get3A_1123, %broadcast_in_dim3A_3 : vector<16xi32>
        %bitcast3A_1125 = vector.bitcast %shift_left3A_1124 : vector<16xi32> to vector<16xf32>
        %bitcast3A_1126 = vector.bitcast %get3A_1123 : vector<16xi32> to vector<16xf32>
        %add3A_1127 = arith.addf %scan3A_1102, %bitcast3A_1125 : vector<16xf32>
        %add3A_1128 = arith.addf %scan3A_1103, %bitcast3A_1126 : vector<16xf32>
        %mul3A_1129 = arith.constant 2 : i32
        %mul3A_1130 = arith.muli %mul3A_1129, %scan3A_1099 : i32
        %add3A_1131 = arith.constant 0 : i32
        %add3A_1132 = arith.addi %mul3A_1130, %add3A_1131 : i32
        %get3A_1133 = arith.index_cast %add3A_1132 : i32 to index
        %get3A_1134 = arith.constant 32 : index
        %get3A_1135 = tpu.vector_load %arg11[%get3A_1133, %get3A_1134] {strides = array<i32>} : memref<100x64xi32, #tpu.memory_space<vmem>>, vector<16xi32>,
        %shift_left3A_1136 = arith.shli %get3A_1135, %broadcast_in_dim3A_3 : vector<16xi32>
        %bitcast3A_1137 = vector.bitcast %shift_left3A_1136 : vector<16xi32> to vector<16xf32>
        %bitcast3A_1138 = vector.bitcast %get3A_1135 : vector<16xi32> to vector<16xf32>
        %add3A_1139 = arith.addf %scan3A_1104, %bitcast3A_1137 : vector<16xf32>
        %add3A_1140 = arith.addf %scan3A_1105, %bitcast3A_1138 : vector<16xf32>
        %mul3A_1141 = arith.constant 2 : i32
        %mul3A_1142 = arith.muli %mul3A_1141, %scan3A_1099 : i32
        %add3A_1143 = arith.constant 0 : i32
        %add3A_1144 = arith.addi %mul3A_1142, %add3A_1143 : i32
        %get3A_1145 = arith.index_cast %add3A_1144 : i32 to index
        %get3A_1146 = arith.constant 48 : index
        %get3A_1147 = tpu.vector_load %arg11[%get3A_1145, %get3A_1146] {strides = array<i32>} : memref<100x64xi32, #tpu.memory_space<vmem>>, vector<16xi32>,
        %shift_left3A_1148 = arith.shli %get3A_1147, %broadcast_in_dim3A_3 : vector<16xi32>
        %bitcast3A_1149 = vector.bitcast %shift_left3A_1148 : vector<16xi32> to vector<16xf32>
        %bitcast3A_1150 = vector.bitcast %get3A_1147 : vector<16xi32> to vector<16xf32>
        %add3A_1151 = arith.addf %scan3A_1106, %bitcast3A_1149 : vector<16xf32>
        %add3A_1152 = arith.addf %scan3A_1107, %bitcast3A_1150 : vector<16xf32>
        %mul3A_1153 = arith.constant 2 : i32
        %mul3A_1154 = arith.muli %mul3A_1153, %scan3A_1099 : i32
        %add3A_1155 = arith.constant 0 : i32
        %add3A_1156 = arith.addi %mul3A_1154, %add3A_1155 : i32
        %get3A_1157 = arith.index_cast %add3A_1156 : i32 to index
        %get3A_1158 = arith.constant 0 : index
        %get3A_1159 = tpu.vector_load %arg12[%get3A_1157, %get3A_1158] {strides = array<i32>} : memref<100x64xi32, #tpu.memory_space<vmem>>, vector<16xi32>,
        %shift_left3A_1160 = arith.shli %get3A_1159, %broadcast_in_dim3A_3 : vector<16xi32>
        %bitcast3A_1161 = vector.bitcast %shift_left3A_1160 : vector<16xi32> to vector<16xf32>
        %bitcast3A_1162 = vector.bitcast %get3A_1159 : vector<16xi32> to vector<16xf32>
        %add3A_1163 = arith.addf %add3A_1115, %bitcast3A_1161 : vector<16xf32>
        %add3A_1164 = arith.addf %add3A_1116, %bitcast3A_1162 : vector<16xf32>
        %mul3A_1165 = arith.constant 2 : i32
        %mul3A_1166 = arith.muli %mul3A_1165, %scan3A_1099 : i32
        %add3A_1167 = arith.constant 0 : i32
        %add3A_1168 = arith.addi %mul3A_1166, %add3A_1167 : i32
        %get3A_1169 = arith.index_cast %add3A_1168 : i32 to index
        %get3A_1170 = arith.constant 16 : index
        %get3A_1171 = tpu.vector_load %arg12[%get3A_1169, %get3A_1170] {strides = array<i32>} : memref<100x64xi32, #tpu.memory_space<vmem>>, vector<16xi32>,
        %shift_left3A_1172 = arith.shli %get3A_1171, %broadcast_in_dim3A_3 : vector<16xi32>
        %bitcast3A_1173 = vector.bitcast %shift_left3A_1172 : vector<16xi32> to vector<16xf32>
        %bitcast3A_1174 = vector.bitcast %get3A_1171 : vector<16xi32> to vector<16xf32>
        %add3A_1175 = arith.addf %add3A_1127, %bitcast3A_1173 : vector<16xf32>
        %add3A_1176 = arith.addf %add3A_1128, %bitcast3A_1174 : vector<16xf32>
        %mul3A_1177 = arith.constant 2 : i32
        %mul3A_1178 = arith.muli %mul3A_1177, %scan3A_1099 : i32
        %add3A_1179 = arith.constant 0 : i32
        %add3A_1180 = arith.addi %mul3A_1178, %add3A_1179 : i32
        %get3A_1181 = arith.index_cast %add3A_1180 : i32 to index
        %get3A_1182 = arith.constant 32 : index
        %get3A_1183 = tpu.vector_load %arg12[%get3A_1181, %get3A_1182] {strides = array<i32>} : memref<100x64xi32, #tpu.memory_space<vmem>>, vector<16xi32>,
        %shift_left3A_1184 = arith.shli %get3A_1183, %broadcast_in_dim3A_3 : vector<16xi32>
        %bitcast3A_1185 = vector.bitcast %shift_left3A_1184 : vector<16xi32> to vector<16xf32>
        %bitcast3A_1186 = vector.bitcast %get3A_1183 : vector<16xi32> to vector<16xf32>
        %add3A_1187 = arith.addf %add3A_1139, %bitcast3A_1185 : vector<16xf32>
        %add3A_1188 = arith.addf %add3A_1140, %bitcast3A_1186 : vector<16xf32>
        %mul3A_1189 = arith.constant 2 : i32
        %mul3A_1190 = arith.muli %mul3A_1189, %scan3A_1099 : i32
        %add3A_1191 = arith.constant 0 : i32
        %add3A_1192 = arith.addi %mul3A_1190, %add3A_1191 : i32
        %get3A_1193 = arith.index_cast %add3A_1192 : i32 to index
        %get3A_1194 = arith.constant 48 : index
        %get3A_1195 = tpu.vector_load %arg12[%get3A_1193, %get3A_1194] {strides = array<i32>} : memref<100x64xi32, #tpu.memory_space<vmem>>, vector<16xi32>,
        %shift_left3A_1196 = arith.shli %get3A_1195, %broadcast_in_dim3A_3 : vector<16xi32>
        %bitcast3A_1197 = vector.bitcast %shift_left3A_1196 : vector<16xi32> to vector<16xf32>
        %bitcast3A_1198 = vector.bitcast %get3A_1195 : vector<16xi32> to vector<16xf32>
        %add3A_1199 = arith.addf %add3A_1151, %bitcast3A_1197 : vector<16xf32>
        %add3A_1200 = arith.addf %add3A_1152, %bitcast3A_1198 : vector<16xf32>
        %mul3A_1201 = arith.constant 2 : i32
        %mul3A_1202 = arith.muli %mul3A_1201, %scan3A_1099 : i32
        %add3A_1203 = arith.constant 1 : i32
        %add3A_1204 = arith.addi %mul3A_1202, %add3A_1203 : i32
        %get3A_1205 = arith.index_cast %add3A_1204 : i32 to index
        %get3A_1206 = arith.constant 0 : index
        %get3A_1207 = tpu.vector_load %arg11[%get3A_1205, %get3A_1206] {strides = array<i32>} : memref<100x64xi32, #tpu.memory_space<vmem>>, vector<16xi32>,
        %shift_left3A_1208 = arith.shli %get3A_1207, %broadcast_in_dim3A_3 : vector<16xi32>
        %bitcast3A_1209 = vector.bitcast %shift_left3A_1208 : vector<16xi32> to vector<16xf32>
        %bitcast3A_1210 = vector.bitcast %get3A_1207 : vector<16xi32> to vector<16xf32>
        %add3A_1211 = arith.addf %add3A_1163, %bitcast3A_1209 : vector<16xf32>
        %add3A_1212 = arith.addf %add3A_1164, %bitcast3A_1210 : vector<16xf32>
        %mul3A_1213 = arith.constant 2 : i32
        %mul3A_1214 = arith.muli %mul3A_1213, %scan3A_1099 : i32
        %add3A_1215 = arith.constant 1 : i32
        %add3A_1216 = arith.addi %mul3A_1214, %add3A_1215 : i32
        %get3A_1217 = arith.index_cast %add3A_1216 : i32 to index
        %get3A_1218 = arith.constant 16 : index
        %get3A_1219 = tpu.vector_load %arg11[%get3A_1217, %get3A_1218] {strides = array<i32>} : memref<100x64xi32, #tpu.memory_space<vmem>>, vector<16xi32>,
        %shift_left3A_1220 = arith.shli %get3A_1219, %broadcast_in_dim3A_3 : vector<16xi32>
        %bitcast3A_1221 = vector.bitcast %shift_left3A_1220 : vector<16xi32> to vector<16xf32>
        %bitcast3A_1222 = vector.bitcast %get3A_1219 : vector<16xi32> to vector<16xf32>
        %add3A_1223 = arith.addf %add3A_1175, %bitcast3A_1221 : vector<16xf32>
        %add3A_1224 = arith.addf %add3A_1176, %bitcast3A_1222 : vector<16xf32>
        %mul3A_1225 = arith.constant 2 : i32
        %mul3A_1226 = arith.muli %mul3A_1225, %scan3A_1099 : i32
        %add3A_1227 = arith.constant 1 : i32
        %add3A_1228 = arith.addi %mul3A_1226, %add3A_1227 : i32
        %get3A_1229 = arith.index_cast %add3A_1228 : i32 to index
        %get3A_1230 = arith.constant 32 : index
        %get3A_1231 = tpu.vector_load %arg11[%get3A_1229, %get3A_1230] {strides = array<i32>} : memref<100x64xi32, #tpu.memory_space<vmem>>, vector<16xi32>,
        %shift_left3A_1232 = arith.shli %get3A_1231, %broadcast_in_dim3A_3 : vector<16xi32>
        %bitcast3A_1233 = vector.bitcast %shift_left3A_1232 : vector<16xi32> to vector<16xf32>
        %bitcast3A_1234 = vector.bitcast %get3A_1231 : vector<16xi32> to vector<16xf32>
        %add3A_1235 = arith.addf %add3A_1187, %bitcast3A_1233 : vector<16xf32>
        %add3A_1236 = arith.addf %add3A_1188, %bitcast3A_1234 : vector<16xf32>
        %mul3A_1237 = arith.constant 2 : i32
        %mul3A_1238 = arith.muli %mul3A_1237, %scan3A_1099 : i32
        %add3A_1239 = arith.constant 1 : i32
        %add3A_1240 = arith.addi %mul3A_1238, %add3A_1239 : i32
        %get3A_1241 = arith.index_cast %add3A_1240 : i32 to index
        %get3A_1242 = arith.constant 48 : index
        %get3A_1243 = tpu.vector_load %arg11[%get3A_1241, %get3A_1242] {strides = array<i32>} : memref<100x64xi32, #tpu.memory_space<vmem>>, vector<16xi32>,
        %shift_left3A_1244 = arith.shli %get3A_1243, %broadcast_in_dim3A_3 : vector<16xi32>
        %bitcast3A_1245 = vector.bitcast %shift_left3A_1244 : vector<16xi32> to vector<16xf32>
        %bitcast3A_1246 = vector.bitcast %get3A_1243 : vector<16xi32> to vector<16xf32>
        %add3A_1247 = arith.addf %add3A_1199, %bitcast3A_1245 : vector<16xf32>
        %add3A_1248 = arith.addf %add3A_1200, %bitcast3A_1246 : vector<16xf32>
        %mul3A_1249 = arith.constant 2 : i32
        %mul3A_1250 = arith.muli %mul3A_1249, %scan3A_1099 : i32
        %add3A_1251 = arith.constant 1 : i32
        %add3A_1252 = arith.addi %mul3A_1250, %add3A_1251 : i32
        %get3A_1253 = arith.index_cast %add3A_1252 : i32 to index
        %get3A_1254 = arith.constant 0 : index
        %get3A_1255 = tpu.vector_load %arg12[%get3A_1253, %get3A_1254] {strides = array<i32>} : memref<100x64xi32, #tpu.memory_space<vmem>>, vector<16xi32>,
        %shift_left3A_1256 = arith.shli %get3A_1255, %broadcast_in_dim3A_3 : vector<16xi32>
        %bitcast3A_1257 = vector.bitcast %shift_left3A_1256 : vector<16xi32> to vector<16xf32>
        %bitcast3A_1258 = vector.bitcast %get3A_1255 : vector<16xi32> to vector<16xf32>
        %add3A_1259 = arith.addf %add3A_1211, %bitcast3A_1257 : vector<16xf32>
        %add3A_1260 = arith.addf %add3A_1212, %bitcast3A_1258 : vector<16xf32>
        %mul3A_1261 = arith.constant 2 : i32
        %mul3A_1262 = arith.muli %mul3A_1261, %scan3A_1099 : i32
        %add3A_1263 = arith.constant 1 : i32
        %add3A_1264 = arith.addi %mul3A_1262, %add3A_1263 : i32
        %get3A_1265 = arith.index_cast %add3A_1264 : i32 to index
        %get3A_1266 = arith.constant 16 : index
        %get3A_1267 = tpu.vector_load %arg12[%get3A_1265, %get3A_1266] {strides = array<i32>} : memref<100x64xi32, #tpu.memory_space<vmem>>, vector<16xi32>,
        %shift_left3A_1268 = arith.shli %get3A_1267, %broadcast_in_dim3A_3 : vector<16xi32>
        %bitcast3A_1269 = vector.bitcast %shift_left3A_1268 : vector<16xi32> to vector<16xf32>
        %bitcast3A_1270 = vector.bitcast %get3A_1267 : vector<16xi32> to vector<16xf32>
        %add3A_1271 = arith.addf %add3A_1223, %bitcast3A_1269 : vector<16xf32>
        %add3A_1272 = arith.addf %add3A_1224, %bitcast3A_1270 : vector<16xf32>
        %mul3A_1273 = arith.constant 2 : i32
        %mul3A_1274 = arith.muli %mul3A_1273, %scan3A_1099 : i32
        %add3A_1275 = arith.constant 1 : i32
        %add3A_1276 = arith.addi %mul3A_1274, %add3A_1275 : i32
        %get3A_1277 = arith.index_cast %add3A_1276 : i32 to index
        %get3A_1278 = arith.constant 32 : index
        %get3A_1279 = tpu.vector_load %arg12[%get3A_1277, %get3A_1278] {strides = array<i32>} : memref<100x64xi32, #tpu.memory_space<vmem>>, vector<16xi32>,
        %shift_left3A_1280 = arith.shli %get3A_1279, %broadcast_in_dim3A_3 : vector<16xi32>
        %bitcast3A_1281 = vector.bitcast %shift_left3A_1280 : vector<16xi32> to vector<16xf32>
        %bitcast3A_1282 = vector.bitcast %get3A_1279 : vector<16xi32> to vector<16xf32>
        %add3A_1283 = arith.addf %add3A_1235, %bitcast3A_1281 : vector<16xf32>
        %add3A_1284 = arith.addf %add3A_1236, %bitcast3A_1282 : vector<16xf32>
        %mul3A_1285 = arith.constant 2 : i32
        %mul3A_1286 = arith.muli %mul3A_1285, %scan3A_1099 : i32
        %add3A_1287 = arith.constant 1 : i32
        %add3A_1288 = arith.addi %mul3A_1286, %add3A_1287 : i32
        %get3A_1289 = arith.index_cast %add3A_1288 : i32 to index
        %get3A_1290 = arith.constant 48 : index
        %get3A_1291 = tpu.vector_load %arg12[%get3A_1289, %get3A_1290] {strides = array<i32>} : memref<100x64xi32, #tpu.memory_space<vmem>>, vector<16xi32>,
        %shift_left3A_1292 = arith.shli %get3A_1291, %broadcast_in_dim3A_3 : vector<16xi32>
        %bitcast3A_1293 = vector.bitcast %shift_left3A_1292 : vector<16xi32> to vector<16xf32>
        %bitcast3A_1294 = vector.bitcast %get3A_1291 : vector<16xi32> to vector<16xf32>
        %add3A_1295 = arith.addf %add3A_1247, %bitcast3A_1293 : vector<16xf32>
        %add3A_1296 = arith.addf %add3A_1248, %bitcast3A_1294 : vector<16xf32>
        scf.yield %add3A_1259, %add3A_1260, %add3A_1271, %add3A_1272, %add3A_1283, %add3A_1284, %add3A_1295, %add3A_1296 : vector<16xf32>, vector<16xf32>, vector<16xf32>, vector<16xf32>, vector<16xf32>, vector<16xf32>, vector<16xf32>, vector<16xf32>
      }
      %scan3A_532 = arith.constant 50 : i32
      %rem3A_533 = arith.constant 32 : i32
      %rem3A_534 = arith.remsi %add3A_484, %rem3A_533 : i32
      %mul3A_535 = arith.constant 128 : i32
      %mul3A_536 = arith.muli %rem3A_534, %mul3A_535 : i32
      %add3A_537 = arith.constant 0 : i32
      %add3A_538 = arith.addi %mul3A_536, %add3A_537 : i32
      %swap3A_539 = arith.index_cast %add3A_538 : i32 to index
      %swap3A_540 = tpu.vector_load %arg6[%swap3A_539] {strides = array<i32>} : memref<4096xf32, #tpu.memory_space<vmem>>, vector<16xf32>,
      tpu.vector_store %arg6[%swap3A_539], %scan3A_531#0 {strides = array<i32>} : memref<4096xf32, #tpu.memory_space<vmem>>, vector<16xf32>,
      %add3A_541 = arith.constant 16 : i32
      %add3A_542 = arith.addi %mul3A_536, %add3A_541 : i32
      %swap3A_543 = arith.index_cast %add3A_542 : i32 to index
      %swap3A_544 = tpu.vector_load %arg6[%swap3A_543] {strides = array<i32>} : memref<4096xf32, #tpu.memory_space<vmem>>, vector<16xf32>,
      tpu.vector_store %arg6[%swap3A_543], %scan3A_531#1 {strides = array<i32>} : memref<4096xf32, #tpu.memory_space<vmem>>, vector<16xf32>,
      %add3A_545 = arith.constant 32 : i32
      %add3A_546 = arith.addi %mul3A_536, %add3A_545 : i32
      %swap3A_547 = arith.index_cast %add3A_546 : i32 to index
      %swap3A_548 = tpu.vector_load %arg6[%swap3A_547] {strides = array<i32>} : memref<4096xf32, #tpu.memory_space<vmem>>, vector<16xf32>,
      tpu.vector_store %arg6[%swap3A_547], %scan3A_531#2 {strides = array<i32>} : memref<4096xf32, #tpu.memory_space<vmem>>, vector<16xf32>,
      %add3A_549 = arith.constant 48 : i32
      %add3A_550 = arith.addi %mul3A_536, %add3A_549 : i32
      %swap3A_551 = arith.index_cast %add3A_550 : i32 to index
      %swap3A_552 = tpu.vector_load %arg6[%swap3A_551] {strides = array<i32>} : memref<4096xf32, #tpu.memory_space<vmem>>, vector<16xf32>,
      tpu.vector_store %arg6[%swap3A_551], %scan3A_531#3 {strides = array<i32>} : memref<4096xf32, #tpu.memory_space<vmem>>, vector<16xf32>,
      %add3A_553 = arith.constant 64 : i32
      %add3A_554 = arith.addi %mul3A_536, %add3A_553 : i32
      %swap3A_555 = arith.index_cast %add3A_554 : i32 to index
      %swap3A_556 = tpu.vector_load %arg6[%swap3A_555] {strides = array<i32>} : memref<4096xf32, #tpu.memory_space<vmem>>, vector<16xf32>,
      tpu.vector_store %arg6[%swap3A_555], %scan3A_531#4 {strides = array<i32>} : memref<4096xf32, #tpu.memory_space<vmem>>, vector<16xf32>,
      %add3A_557 = arith.constant 80 : i32
      %add3A_558 = arith.addi %mul3A_536, %add3A_557 : i32
      %swap3A_559 = arith.index_cast %add3A_558 : i32 to index
      %swap3A_560 = tpu.vector_load %arg6[%swap3A_559] {strides = array<i32>} : memref<4096xf32, #tpu.memory_space<vmem>>, vector<16xf32>,
      tpu.vector_store %arg6[%swap3A_559], %scan3A_531#5 {strides = array<i32>} : memref<4096xf32, #tpu.memory_space<vmem>>, vector<16xf32>,
      %add3A_561 = arith.constant 96 : i32
      %add3A_562 = arith.addi %mul3A_536, %add3A_561 : i32
      %swap3A_563 = arith.index_cast %add3A_562 : i32 to index
      %swap3A_564 = tpu.vector_load %arg6[%swap3A_563] {strides = array<i32>} : memref<4096xf32, #tpu.memory_space<vmem>>, vector<16xf32>,
      tpu.vector_store %arg6[%swap3A_563], %scan3A_531#6 {strides = array<i32>} : memref<4096xf32, #tpu.memory_space<vmem>>, vector<16xf32>,
      %add3A_565 = arith.constant 112 : i32
      %add3A_566 = arith.addi %mul3A_536, %add3A_565 : i32
      %swap3A_567 = arith.index_cast %add3A_566 : i32 to index
      %swap3A_568 = tpu.vector_load %arg6[%swap3A_567] {strides = array<i32>} : memref<4096xf32, #tpu.memory_space<vmem>>, vector<16xf32>,
      tpu.vector_store %arg6[%swap3A_567], %scan3A_531#7 {strides = array<i32>} : memref<4096xf32, #tpu.memory_space<vmem>>, vector<16xf32>,
      %rem3A_569 = arith.constant 32 : i32
      %rem3A_570 = arith.remsi %add3A_486, %rem3A_569 : i32
      %eq3A_571 = arith.constant 0 : i32
      %eq3A_572 = arith.cmpi eq, %rem3A_570, %eq3A_571 : i32
      %lt3A_573 = arith.constant 512 : i32
      %lt3A_574 = arith.cmpi slt, %add3A_486, %lt3A_573 : i32
      %and3A_575 = arith.andi %eq3A_572, %lt3A_574 : i1
      %convert_element_type3A_576 = arith.extui %and3A_575 : i1 to i32
      %cond3A_577 = arith.constant 0 : i32
      %cond3A_578 = arith.cmpi ne, %convert_element_type3A_576, %cond3A_577 : i32
      scf.if %cond3A_578 {
        %jit3A = arith.constant 32 : i32
        %div3A_1099 = arith.divsi %add3A_486, %jit3A : i32
        %sign3A = arith.constant 0 : i32
        %sign3A_1100 = arith.cmpi sgt, %add3A_486, %sign3A : i32
        %sign3A_1101 = arith.extui %sign3A_1100 : i1 to i32
        %sign3A_1102 = arith.constant 0 : i32
        %sign3A_1103 = arith.cmpi slt, %add3A_486, %sign3A_1102 : i32
        %sign3A_1104 = arith.extui %sign3A_1103 : i1 to i32
        %sign3A_1105 = arith.subi %sign3A_1101, %sign3A_1104 : i32
        %sign3A_1106 = arith.constant 0 : i32
        %sign3A_1107 = arith.cmpi sgt, %jit3A, %sign3A_1106 : i32
        %sign3A_1108 = arith.extui %sign3A_1107 : i1 to i32
        %sign3A_1109 = arith.constant 0 : i32
        %sign3A_1110 = arith.cmpi slt, %jit3A, %sign3A_1109 : i32
        %sign3A_1111 = arith.extui %sign3A_1110 : i1 to i32
        %sign3A_1112 = arith.subi %sign3A_1108, %sign3A_1111 : i32
        %ne3A = arith.cmpi ne, %sign3A_1105, %sign3A_1112 : i32
        %rem3A_1113 = arith.remsi %add3A_486, %jit3A : i32
        %ne3A_1114 = arith.constant 0 : i32
        %ne3A_1115 = arith.cmpi ne, %rem3A_1113, %ne3A_1114 : i32
        %and3A_1116 = arith.andi %ne3A, %ne3A_1115 : i1
        %sub3A_1117 = arith.constant 1 : i32
        %sub3A_1118 = arith.subi %div3A_1099, %sub3A_1117 : i32
        %select_n3A = arith.select %and3A_1116, %sub3A_1118, %div3A_1099 : i32
        %rem3A_1119 = arith.constant 2 : i32
        %rem3A_1120 = arith.remsi %select_n3A, %rem3A_1119 : i32
        %mul3A_1121 = arith.constant 16 : i32
        %mul3A_1122 = arith.muli %add3A, %mul3A_1121 : i32
        %add3A_1123 = arith.addi %mul3A_1122, %select_n3A : i32
        "tpu.region"() ({
          %run_scoped3A = tpu.sem_alloc : memref<!tpu.dma_semaphore, #tpu.memory_space<semaphore_mem>>
          %dma_start3A_1124 = arith.constant 0 : i32
          %dma_start3A_1125 = arith.constant 0 : i32
          %dma_start3A_1126 = tpu.memref_slice %arg5[%rem3A_1120, %dma_start3A_1124, %dma_start3A_1125] : memref<2x64x100xi32, #tpu.memory_space<vmem>> -> memref<1x64x100xi32, #tpu.memory_space<vmem>>
          %dma_start3A_1127 = tpu.memref_squeeze %dma_start3A_1126 : memref<1x64x100xi32, #tpu.memory_space<vmem>> -> memref<64x100xi32, #tpu.memory_space<vmem>>
          %dma_start3A_1128 = arith.constant 0 : i32
          %dma_start3A_1129 = arith.constant 0 : i32
          %dma_start3A_1130 = tpu.memref_slice %arg2[%add3A_1123, %dma_start3A_1128, %dma_start3A_1129] : memref<512x64x100xi32, #tpu.memory_space<hbm>> -> memref<1x64x100xi32, #tpu.memory_space<hbm>>
          %dma_start3A_1131 = tpu.memref_squeeze %dma_start3A_1130 : memref<1x64x100xi32, #tpu.memory_space<hbm>> -> memref<64x100xi32, #tpu.memory_space<hbm>>
          %dma_start3A_1132 = arith.constant 0 : i32
          %dma_start3A_1133 = arith.constant 0 : i32
          %dma_start3A_1134 = tpu.memref_slice %arg5[%rem3A_1120, %dma_start3A_1132, %dma_start3A_1133] : memref<2x64x100xi32, #tpu.memory_space<vmem>> -> memref<1x64x100xi32, #tpu.memory_space<vmem>>
          %dma_start3A_1135 = tpu.memref_squeeze %dma_start3A_1134 : memref<1x64x100xi32, #tpu.memory_space<vmem>> -> memref<64x100xi32, #tpu.memory_space<vmem>>
          %dma_start3A_1136 = arith.constant 0 : i32
          %dma_start3A_1137 = arith.constant 0 : i32
          %dma_start3A_1138 = tpu.memref_slice %arg2[%add3A_1123, %dma_start3A_1136, %dma_start3A_1137] : memref<512x64x100xi32, #tpu.memory_space<hbm>> -> memref<1x64x100xi32, #tpu.memory_space<hbm>>
          %dma_start3A_1139 = tpu.memref_squeeze %dma_start3A_1138 : memref<1x64x100xi32, #tpu.memory_space<hbm>> -> memref<64x100xi32, #tpu.memory_space<hbm>>
          tpu.enqueue_dma source(%dma_start3A_1139 : memref<64x100xi32, #tpu.memory_space<hbm>>) target(%dma_start3A_1135 : memref<64x100xi32, #tpu.memory_space<vmem>>) target_semaphore(%run_scoped3A : memref<!tpu.dma_semaphore, #tpu.memory_space<semaphore_mem>>)
          %dma_wait3A_1140 = arith.constant 0 : i32
          %dma_wait3A_1141 = arith.constant 0 : i32
          %dma_wait3A_1142 = tpu.memref_slice %arg5[%rem3A_1120, %dma_wait3A_1140, %dma_wait3A_1141] : memref<2x64x100xi32, #tpu.memory_space<vmem>> -> memref<1x64x100xi32, #tpu.memory_space<vmem>>
          %dma_wait3A_1143 = tpu.memref_squeeze %dma_wait3A_1142 : memref<1x64x100xi32, #tpu.memory_space<vmem>> -> memref<64x100xi32, #tpu.memory_space<vmem>>
          %dma_wait3A_1144 = arith.constant 0 : i32
          %dma_wait3A_1145 = arith.constant 0 : i32
          %dma_wait3A_1146 = tpu.memref_slice %arg2[%add3A_1123, %dma_wait3A_1144, %dma_wait3A_1145] : memref<512x64x100xi32, #tpu.memory_space<hbm>> -> memref<1x64x100xi32, #tpu.memory_space<hbm>>
          %dma_wait3A_1147 = tpu.memref_squeeze %dma_wait3A_1146 : memref<1x64x100xi32, #tpu.memory_space<hbm>> -> memref<64x100xi32, #tpu.memory_space<hbm>>
          %dma_wait3A_1148 = arith.constant 0 : i32
          %dma_wait3A_1149 = arith.constant 0 : i32
          %dma_wait3A_1150 = tpu.memref_slice %arg5[%rem3A_1120, %dma_wait3A_1148, %dma_wait3A_1149] : memref<2x64x100xi32, #tpu.memory_space<vmem>> -> memref<1x64x100xi32, #tpu.memory_space<vmem>>
          %dma_wait3A_1151 = tpu.memref_squeeze %dma_wait3A_1150 : memref<1x64x100xi32, #tpu.memory_space<vmem>> -> memref<64x100xi32, #tpu.memory_space<vmem>>
          %dma_wait3A_1152 = arith.constant 0 : i32
          %dma_wait3A_1153 = arith.constant 0 : i32
          %dma_wait3A_1154 = tpu.memref_slice %arg2[%add3A_1123, %dma_wait3A_1152, %dma_wait3A_1153] : memref<512x64x100xi32, #tpu.memory_space<hbm>> -> memref<1x64x100xi32, #tpu.memory_space<hbm>>
          %dma_wait3A_1155 = tpu.memref_squeeze %dma_wait3A_1154 : memref<1x64x100xi32, #tpu.memory_space<hbm>> -> memref<64x100xi32, #tpu.memory_space<hbm>>
          tpu.wait_dma2 semaphore(%run_scoped3A : memref<!tpu.dma_semaphore, #tpu.memory_space<semaphore_mem>>) src(%dma_wait3A_1155 : memref<64x100xi32, #tpu.memory_space<hbm>>) dst(%dma_wait3A_1151 : memref<64x100xi32, #tpu.memory_space<vmem>>)
          tpu.yield
        }) : () -> ()
      } else {
      }
      %lt3A_579 = arith.constant 512 : i32
      %lt3A_580 = arith.cmpi slt, %add3A_486, %lt3A_579 : i32
      %convert_element_type3A_581 = arith.extui %lt3A_580 : i1 to i32
      %cond3A_582 = arith.constant 0 : i32
      %cond3A_583 = arith.cmpi ne, %convert_element_type3A_581, %cond3A_582 : i32
      scf.if %cond3A_583 {
        %div3A_1099 = arith.constant 32 : i32
        %div3A_1100 = arith.divsi %add3A_486, %div3A_1099 : i32
        %rem3A_1101 = arith.constant 2 : i32
        %rem3A_1102 = arith.remsi %div3A_1100, %rem3A_1101 : i32
        %rem3A_1103 = arith.constant 32 : i32
        %rem3A_1104 = arith.remsi %add3A_486, %rem3A_1103 : i32
        %mul3A_1105 = arith.constant 2 : i32
        %mul3A_1106 = arith.muli %rem3A_1104, %mul3A_1105 : i32
        %add3A_1107 = arith.constant 0 : i32
        %add3A_1108 = arith.addi %mul3A_1106, %add3A_1107 : i32
        %dma_start3A_1109 = arith.constant 0 : i32
        %dma_start3A_1110 = arith.constant 0 : i32
        %dma_start3A_1111 = tpu.memref_slice %arg5[%rem3A_1102, %dma_start3A_1109, %dma_start3A_1110] : memref<2x64x100xi32, #tpu.memory_space<vmem>> -> memref<1x64x100xi32, #tpu.memory_space<vmem>>
        %dma_start3A_1112 = tpu.memref_squeeze %dma_start3A_1111 : memref<1x64x100xi32, #tpu.memory_space<vmem>> -> memref<64x100xi32, #tpu.memory_space<vmem>>
        %dma_start3A_1113 = arith.constant 0 : i32
        %dma_start3A_1114 = tpu.memref_slice %dma_start3A_1112[%add3A_1108, %dma_start3A_1113] : memref<64x100xi32, #tpu.memory_space<vmem>> -> memref<1x100xi32, #tpu.memory_space<vmem>>
        %dma_start3A_1115 = tpu.memref_squeeze %dma_start3A_1114 : memref<1x100xi32, #tpu.memory_space<vmem>> -> memref<100xi32, #tpu.memory_space<vmem>>
        %dma_start3A_1116 = arith.constant 0 : i32
        %dma_start3A_1117 = arith.constant 0 : i32
        %dma_start3A_1118 = tpu.memref_slice %arg3[%dma_start3A_1116, %dma_start3A_1117] : memref<101250x64xi32, #tpu.memory_space<hbm>> -> memref<101250x64xi32, #tpu.memory_space<hbm>>
        tpu.enqueue_indirect_dma source(%dma_start3A_1118 : memref<101250x64xi32, #tpu.memory_space<hbm>>) target(%arg11 : memref<100x64xi32, #tpu.memory_space<vmem>>) offsets(%dma_start3A_1115 : memref<100xi32, #tpu.memory_space<vmem>>) semaphore(%arg25 : memref<!tpu.dma_semaphore, #tpu.memory_space<semaphore_mem>>)
        %add3A_1119 = arith.constant 1 : i32
        %add3A_1120 = arith.addi %mul3A_1106, %add3A_1119 : i32
        %dma_start3A_1121 = arith.constant 0 : i32
        %dma_start3A_1122 = arith.constant 0 : i32
        %dma_start3A_1123 = tpu.memref_slice %arg5[%rem3A_1102, %dma_start3A_1121, %dma_start3A_1122] : memref<2x64x100xi32, #tpu.memory_space<vmem>> -> memref<1x64x100xi32, #tpu.memory_space<vmem>>
        %dma_start3A_1124 = tpu.memref_squeeze %dma_start3A_1123 : memref<1x64x100xi32, #tpu.memory_space<vmem>> -> memref<64x100xi32, #tpu.memory_space<vmem>>
        %dma_start3A_1125 = arith.constant 0 : i32
        %dma_start3A_1126 = tpu.memref_slice %dma_start3A_1124[%add3A_1120, %dma_start3A_1125] : memref<64x100xi32, #tpu.memory_space<vmem>> -> memref<1x100xi32, #tpu.memory_space<vmem>>
        %dma_start3A_1127 = tpu.memref_squeeze %dma_start3A_1126 : memref<1x100xi32, #tpu.memory_space<vmem>> -> memref<100xi32, #tpu.memory_space<vmem>>
        %dma_start3A_1128 = arith.constant 0 : i32
        %dma_start3A_1129 = arith.constant 0 : i32
        %dma_start3A_1130 = tpu.memref_slice %arg3[%dma_start3A_1128, %dma_start3A_1129] : memref<101250x64xi32, #tpu.memory_space<hbm>> -> memref<101250x64xi32, #tpu.memory_space<hbm>>
        tpu.enqueue_indirect_dma source(%dma_start3A_1130 : memref<101250x64xi32, #tpu.memory_space<hbm>>) target(%arg12 : memref<100x64xi32, #tpu.memory_space<vmem>>) offsets(%dma_start3A_1127 : memref<100xi32, #tpu.memory_space<vmem>>) semaphore(%arg25 : memref<!tpu.dma_semaphore, #tpu.memory_space<semaphore_mem>>)
      } else {
      }
      %add3A_584 = arith.constant 3 : i32
      %add3A_585 = arith.addi %mul3A_287, %add3A_584 : i32
      %add3A_586 = arith.constant 8 : i32
      %add3A_587 = arith.addi %add3A_585, %add3A_586 : i32
      %dma_wait3A_588 = arith.constant 0 : i32
      %dma_wait3A_589 = arith.constant 0 : i32
      %dma_wait3A_590 = arith.constant 0 : i32
      %dma_wait3A_591 = arith.constant 0 : i32
      %dma_wait3A_592 = tpu.memref_slice %arg5[%dma_wait3A_588, %dma_wait3A_590, %dma_wait3A_591] : memref<2x64x100xi32, #tpu.memory_space<vmem>> -> memref<1x64x100xi32, #tpu.memory_space<vmem>>
      %dma_wait3A_593 = tpu.memref_squeeze %dma_wait3A_592 : memref<1x64x100xi32, #tpu.memory_space<vmem>> -> memref<64x100xi32, #tpu.memory_space<vmem>>
      %dma_wait3A_594 = arith.constant 0 : i32
      %dma_wait3A_595 = tpu.memref_slice %dma_wait3A_593[%dma_wait3A_589, %dma_wait3A_594] : memref<64x100xi32, #tpu.memory_space<vmem>> -> memref<1x100xi32, #tpu.memory_space<vmem>>
      %dma_wait3A_596 = tpu.memref_squeeze %dma_wait3A_595 : memref<1x100xi32, #tpu.memory_space<vmem>> -> memref<100xi32, #tpu.memory_space<vmem>>
      %dma_wait3A_597 = arith.constant 0 : i32
      %dma_wait3A_598 = arith.constant 0 : i32
      %dma_wait3A_599 = tpu.memref_slice %arg3[%dma_wait3A_597, %dma_wait3A_598] : memref<101250x64xi32, #tpu.memory_space<hbm>> -> memref<101250x64xi32, #tpu.memory_space<hbm>>
      tpu.wait_indirect_dma semaphore(%arg26 : memref<!tpu.dma_semaphore, #tpu.memory_space<semaphore_mem>>) src(%dma_wait3A_599 : memref<101250x64xi32, #tpu.memory_space<hbm>>) dst(%arg13 : memref<100x64xi32, #tpu.memory_space<vmem>>)
      %dma_wait3A_600 = arith.constant 0 : i32
      %dma_wait3A_601 = arith.constant 0 : i32
      %dma_wait3A_602 = arith.constant 0 : i32
      %dma_wait3A_603 = arith.constant 0 : i32
      %dma_wait3A_604 = tpu.memref_slice %arg5[%dma_wait3A_600, %dma_wait3A_602, %dma_wait3A_603] : memref<2x64x100xi32, #tpu.memory_space<vmem>> -> memref<1x64x100xi32, #tpu.memory_space<vmem>>
      %dma_wait3A_605 = tpu.memref_squeeze %dma_wait3A_604 : memref<1x64x100xi32, #tpu.memory_space<vmem>> -> memref<64x100xi32, #tpu.memory_space<vmem>>
      %dma_wait3A_606 = arith.constant 0 : i32
      %dma_wait3A_607 = tpu.memref_slice %dma_wait3A_605[%dma_wait3A_601, %dma_wait3A_606] : memref<64x100xi32, #tpu.memory_space<vmem>> -> memref<1x100xi32, #tpu.memory_space<vmem>>
      %dma_wait3A_608 = tpu.memref_squeeze %dma_wait3A_607 : memref<1x100xi32, #tpu.memory_space<vmem>> -> memref<100xi32, #tpu.memory_space<vmem>>
      %dma_wait3A_609 = arith.constant 0 : i32
      %dma_wait3A_610 = arith.constant 0 : i32
      %dma_wait3A_611 = tpu.memref_slice %arg3[%dma_wait3A_609, %dma_wait3A_610] : memref<101250x64xi32, #tpu.memory_space<hbm>> -> memref<101250x64xi32, #tpu.memory_space<hbm>>
      tpu.wait_indirect_dma semaphore(%arg26 : memref<!tpu.dma_semaphore, #tpu.memory_space<semaphore_mem>>) src(%dma_wait3A_611 : memref<101250x64xi32, #tpu.memory_space<hbm>>) dst(%arg14 : memref<100x64xi32, #tpu.memory_space<vmem>>)
      %broadcast_in_dim3A_612 = arith.constant 0.000000e+00 : f32
      %broadcast_in_dim3A_613 = vector.broadcast %broadcast_in_dim3A_612 : f32 to vector<16xf32>
      %broadcast_in_dim3A_614 = arith.constant 0.000000e+00 : f32
      %broadcast_in_dim3A_615 = vector.broadcast %broadcast_in_dim3A_614 : f32 to vector<16xf32>
      %broadcast_in_dim3A_616 = arith.constant 0.000000e+00 : f32
      %broadcast_in_dim3A_617 = vector.broadcast %broadcast_in_dim3A_616 : f32 to vector<16xf32>
      %broadcast_in_dim3A_618 = arith.constant 0.000000e+00 : f32
      %broadcast_in_dim3A_619 = vector.broadcast %broadcast_in_dim3A_618 : f32 to vector<16xf32>
      %broadcast_in_dim3A_620 = arith.constant 0.000000e+00 : f32
      %broadcast_in_dim3A_621 = vector.broadcast %broadcast_in_dim3A_620 : f32 to vector<16xf32>
      %broadcast_in_dim3A_622 = arith.constant 0.000000e+00 : f32
      %broadcast_in_dim3A_623 = vector.broadcast %broadcast_in_dim3A_622 : f32 to vector<16xf32>
      %broadcast_in_dim3A_624 = arith.constant 0.000000e+00 : f32
      %broadcast_in_dim3A_625 = vector.broadcast %broadcast_in_dim3A_624 : f32 to vector<16xf32>
      %broadcast_in_dim3A_626 = arith.constant 0.000000e+00 : f32
      %broadcast_in_dim3A_627 = vector.broadcast %broadcast_in_dim3A_626 : f32 to vector<16xf32>
      %scan3A_628 = arith.constant 0 : i32
      %scan3A_629 = arith.constant 50 : i32
      %scan3A_630 = arith.addi %scan3A_628, %scan3A_629 : i32
      %scan3A_631 = arith.constant 1 : i32
      %scan3A_632:8 = scf.for %scan3A_1099 = %scan3A_628 to %scan3A_630 step %scan3A_631 iter_args(%scan3A_1100 = %broadcast_in_dim3A_613, %scan3A_1101 = %broadcast_in_dim3A_615, %scan3A_1102 = %broadcast_in_dim3A_617, %scan3A_1103 = %broadcast_in_dim3A_619, %scan3A_1104 = %broadcast_in_dim3A_621, %scan3A_1105 = %broadcast_in_dim3A_623, %scan3A_1106 = %broadcast_in_dim3A_625, %scan3A_1107 = %broadcast_in_dim3A_627) -> (vector<16xf32>, vector<16xf32>, vector<16xf32>, vector<16xf32>, vector<16xf32>, vector<16xf32>, vector<16xf32>, vector<16xf32>)  : i32 {
        %mul3A_1108 = arith.constant 2 : i32
        %mul3A_1109 = arith.muli %mul3A_1108, %scan3A_1099 : i32
        %add3A_1110 = arith.constant 0 : i32
        %add3A_1111 = arith.addi %mul3A_1109, %add3A_1110 : i32
        %get3A = arith.index_cast %add3A_1111 : i32 to index
        %get3A_1112 = arith.constant 0 : index
        %get3A_1113 = tpu.vector_load %arg13[%get3A, %get3A_1112] {strides = array<i32>} : memref<100x64xi32, #tpu.memory_space<vmem>>, vector<16xi32>,
        %shift_left3A = arith.shli %get3A_1113, %broadcast_in_dim3A_3 : vector<16xi32>
        %bitcast3A = vector.bitcast %shift_left3A : vector<16xi32> to vector<16xf32>
        %bitcast3A_1114 = vector.bitcast %get3A_1113 : vector<16xi32> to vector<16xf32>
        %add3A_1115 = arith.addf %scan3A_1100, %bitcast3A : vector<16xf32>
        %add3A_1116 = arith.addf %scan3A_1101, %bitcast3A_1114 : vector<16xf32>
        %mul3A_1117 = arith.constant 2 : i32
        %mul3A_1118 = arith.muli %mul3A_1117, %scan3A_1099 : i32
        %add3A_1119 = arith.constant 0 : i32
        %add3A_1120 = arith.addi %mul3A_1118, %add3A_1119 : i32
        %get3A_1121 = arith.index_cast %add3A_1120 : i32 to index
        %get3A_1122 = arith.constant 16 : index
        %get3A_1123 = tpu.vector_load %arg13[%get3A_1121, %get3A_1122] {strides = array<i32>} : memref<100x64xi32, #tpu.memory_space<vmem>>, vector<16xi32>,
        %shift_left3A_1124 = arith.shli %get3A_1123, %broadcast_in_dim3A_3 : vector<16xi32>
        %bitcast3A_1125 = vector.bitcast %shift_left3A_1124 : vector<16xi32> to vector<16xf32>
        %bitcast3A_1126 = vector.bitcast %get3A_1123 : vector<16xi32> to vector<16xf32>
        %add3A_1127 = arith.addf %scan3A_1102, %bitcast3A_1125 : vector<16xf32>
        %add3A_1128 = arith.addf %scan3A_1103, %bitcast3A_1126 : vector<16xf32>
        %mul3A_1129 = arith.constant 2 : i32
        %mul3A_1130 = arith.muli %mul3A_1129, %scan3A_1099 : i32
        %add3A_1131 = arith.constant 0 : i32
        %add3A_1132 = arith.addi %mul3A_1130, %add3A_1131 : i32
        %get3A_1133 = arith.index_cast %add3A_1132 : i32 to index
        %get3A_1134 = arith.constant 32 : index
        %get3A_1135 = tpu.vector_load %arg13[%get3A_1133, %get3A_1134] {strides = array<i32>} : memref<100x64xi32, #tpu.memory_space<vmem>>, vector<16xi32>,
        %shift_left3A_1136 = arith.shli %get3A_1135, %broadcast_in_dim3A_3 : vector<16xi32>
        %bitcast3A_1137 = vector.bitcast %shift_left3A_1136 : vector<16xi32> to vector<16xf32>
        %bitcast3A_1138 = vector.bitcast %get3A_1135 : vector<16xi32> to vector<16xf32>
        %add3A_1139 = arith.addf %scan3A_1104, %bitcast3A_1137 : vector<16xf32>
        %add3A_1140 = arith.addf %scan3A_1105, %bitcast3A_1138 : vector<16xf32>
        %mul3A_1141 = arith.constant 2 : i32
        %mul3A_1142 = arith.muli %mul3A_1141, %scan3A_1099 : i32
        %add3A_1143 = arith.constant 0 : i32
        %add3A_1144 = arith.addi %mul3A_1142, %add3A_1143 : i32
        %get3A_1145 = arith.index_cast %add3A_1144 : i32 to index
        %get3A_1146 = arith.constant 48 : index
        %get3A_1147 = tpu.vector_load %arg13[%get3A_1145, %get3A_1146] {strides = array<i32>} : memref<100x64xi32, #tpu.memory_space<vmem>>, vector<16xi32>,
        %shift_left3A_1148 = arith.shli %get3A_1147, %broadcast_in_dim3A_3 : vector<16xi32>
        %bitcast3A_1149 = vector.bitcast %shift_left3A_1148 : vector<16xi32> to vector<16xf32>
        %bitcast3A_1150 = vector.bitcast %get3A_1147 : vector<16xi32> to vector<16xf32>
        %add3A_1151 = arith.addf %scan3A_1106, %bitcast3A_1149 : vector<16xf32>
        %add3A_1152 = arith.addf %scan3A_1107, %bitcast3A_1150 : vector<16xf32>
        %mul3A_1153 = arith.constant 2 : i32
        %mul3A_1154 = arith.muli %mul3A_1153, %scan3A_1099 : i32
        %add3A_1155 = arith.constant 0 : i32
        %add3A_1156 = arith.addi %mul3A_1154, %add3A_1155 : i32
        %get3A_1157 = arith.index_cast %add3A_1156 : i32 to index
        %get3A_1158 = arith.constant 0 : index
        %get3A_1159 = tpu.vector_load %arg14[%get3A_1157, %get3A_1158] {strides = array<i32>} : memref<100x64xi32, #tpu.memory_space<vmem>>, vector<16xi32>,
        %shift_left3A_1160 = arith.shli %get3A_1159, %broadcast_in_dim3A_3 : vector<16xi32>
        %bitcast3A_1161 = vector.bitcast %shift_left3A_1160 : vector<16xi32> to vector<16xf32>
        %bitcast3A_1162 = vector.bitcast %get3A_1159 : vector<16xi32> to vector<16xf32>
        %add3A_1163 = arith.addf %add3A_1115, %bitcast3A_1161 : vector<16xf32>
        %add3A_1164 = arith.addf %add3A_1116, %bitcast3A_1162 : vector<16xf32>
        %mul3A_1165 = arith.constant 2 : i32
        %mul3A_1166 = arith.muli %mul3A_1165, %scan3A_1099 : i32
        %add3A_1167 = arith.constant 0 : i32
        %add3A_1168 = arith.addi %mul3A_1166, %add3A_1167 : i32
        %get3A_1169 = arith.index_cast %add3A_1168 : i32 to index
        %get3A_1170 = arith.constant 16 : index
        %get3A_1171 = tpu.vector_load %arg14[%get3A_1169, %get3A_1170] {strides = array<i32>} : memref<100x64xi32, #tpu.memory_space<vmem>>, vector<16xi32>,
        %shift_left3A_1172 = arith.shli %get3A_1171, %broadcast_in_dim3A_3 : vector<16xi32>
        %bitcast3A_1173 = vector.bitcast %shift_left3A_1172 : vector<16xi32> to vector<16xf32>
        %bitcast3A_1174 = vector.bitcast %get3A_1171 : vector<16xi32> to vector<16xf32>
        %add3A_1175 = arith.addf %add3A_1127, %bitcast3A_1173 : vector<16xf32>
        %add3A_1176 = arith.addf %add3A_1128, %bitcast3A_1174 : vector<16xf32>
        %mul3A_1177 = arith.constant 2 : i32
        %mul3A_1178 = arith.muli %mul3A_1177, %scan3A_1099 : i32
        %add3A_1179 = arith.constant 0 : i32
        %add3A_1180 = arith.addi %mul3A_1178, %add3A_1179 : i32
        %get3A_1181 = arith.index_cast %add3A_1180 : i32 to index
        %get3A_1182 = arith.constant 32 : index
        %get3A_1183 = tpu.vector_load %arg14[%get3A_1181, %get3A_1182] {strides = array<i32>} : memref<100x64xi32, #tpu.memory_space<vmem>>, vector<16xi32>,
        %shift_left3A_1184 = arith.shli %get3A_1183, %broadcast_in_dim3A_3 : vector<16xi32>
        %bitcast3A_1185 = vector.bitcast %shift_left3A_1184 : vector<16xi32> to vector<16xf32>
        %bitcast3A_1186 = vector.bitcast %get3A_1183 : vector<16xi32> to vector<16xf32>
        %add3A_1187 = arith.addf %add3A_1139, %bitcast3A_1185 : vector<16xf32>
        %add3A_1188 = arith.addf %add3A_1140, %bitcast3A_1186 : vector<16xf32>
        %mul3A_1189 = arith.constant 2 : i32
        %mul3A_1190 = arith.muli %mul3A_1189, %scan3A_1099 : i32
        %add3A_1191 = arith.constant 0 : i32
        %add3A_1192 = arith.addi %mul3A_1190, %add3A_1191 : i32
        %get3A_1193 = arith.index_cast %add3A_1192 : i32 to index
        %get3A_1194 = arith.constant 48 : index
        %get3A_1195 = tpu.vector_load %arg14[%get3A_1193, %get3A_1194] {strides = array<i32>} : memref<100x64xi32, #tpu.memory_space<vmem>>, vector<16xi32>,
        %shift_left3A_1196 = arith.shli %get3A_1195, %broadcast_in_dim3A_3 : vector<16xi32>
        %bitcast3A_1197 = vector.bitcast %shift_left3A_1196 : vector<16xi32> to vector<16xf32>
        %bitcast3A_1198 = vector.bitcast %get3A_1195 : vector<16xi32> to vector<16xf32>
        %add3A_1199 = arith.addf %add3A_1151, %bitcast3A_1197 : vector<16xf32>
        %add3A_1200 = arith.addf %add3A_1152, %bitcast3A_1198 : vector<16xf32>
        %mul3A_1201 = arith.constant 2 : i32
        %mul3A_1202 = arith.muli %mul3A_1201, %scan3A_1099 : i32
        %add3A_1203 = arith.constant 1 : i32
        %add3A_1204 = arith.addi %mul3A_1202, %add3A_1203 : i32
        %get3A_1205 = arith.index_cast %add3A_1204 : i32 to index
        %get3A_1206 = arith.constant 0 : index
        %get3A_1207 = tpu.vector_load %arg13[%get3A_1205, %get3A_1206] {strides = array<i32>} : memref<100x64xi32, #tpu.memory_space<vmem>>, vector<16xi32>,
        %shift_left3A_1208 = arith.shli %get3A_1207, %broadcast_in_dim3A_3 : vector<16xi32>
        %bitcast3A_1209 = vector.bitcast %shift_left3A_1208 : vector<16xi32> to vector<16xf32>
        %bitcast3A_1210 = vector.bitcast %get3A_1207 : vector<16xi32> to vector<16xf32>
        %add3A_1211 = arith.addf %add3A_1163, %bitcast3A_1209 : vector<16xf32>
        %add3A_1212 = arith.addf %add3A_1164, %bitcast3A_1210 : vector<16xf32>
        %mul3A_1213 = arith.constant 2 : i32
        %mul3A_1214 = arith.muli %mul3A_1213, %scan3A_1099 : i32
        %add3A_1215 = arith.constant 1 : i32
        %add3A_1216 = arith.addi %mul3A_1214, %add3A_1215 : i32
        %get3A_1217 = arith.index_cast %add3A_1216 : i32 to index
        %get3A_1218 = arith.constant 16 : index
        %get3A_1219 = tpu.vector_load %arg13[%get3A_1217, %get3A_1218] {strides = array<i32>} : memref<100x64xi32, #tpu.memory_space<vmem>>, vector<16xi32>,
        %shift_left3A_1220 = arith.shli %get3A_1219, %broadcast_in_dim3A_3 : vector<16xi32>
        %bitcast3A_1221 = vector.bitcast %shift_left3A_1220 : vector<16xi32> to vector<16xf32>
        %bitcast3A_1222 = vector.bitcast %get3A_1219 : vector<16xi32> to vector<16xf32>
        %add3A_1223 = arith.addf %add3A_1175, %bitcast3A_1221 : vector<16xf32>
        %add3A_1224 = arith.addf %add3A_1176, %bitcast3A_1222 : vector<16xf32>
        %mul3A_1225 = arith.constant 2 : i32
        %mul3A_1226 = arith.muli %mul3A_1225, %scan3A_1099 : i32
        %add3A_1227 = arith.constant 1 : i32
        %add3A_1228 = arith.addi %mul3A_1226, %add3A_1227 : i32
        %get3A_1229 = arith.index_cast %add3A_1228 : i32 to index
        %get3A_1230 = arith.constant 32 : index
        %get3A_1231 = tpu.vector_load %arg13[%get3A_1229, %get3A_1230] {strides = array<i32>} : memref<100x64xi32, #tpu.memory_space<vmem>>, vector<16xi32>,
        %shift_left3A_1232 = arith.shli %get3A_1231, %broadcast_in_dim3A_3 : vector<16xi32>
        %bitcast3A_1233 = vector.bitcast %shift_left3A_1232 : vector<16xi32> to vector<16xf32>
        %bitcast3A_1234 = vector.bitcast %get3A_1231 : vector<16xi32> to vector<16xf32>
        %add3A_1235 = arith.addf %add3A_1187, %bitcast3A_1233 : vector<16xf32>
        %add3A_1236 = arith.addf %add3A_1188, %bitcast3A_1234 : vector<16xf32>
        %mul3A_1237 = arith.constant 2 : i32
        %mul3A_1238 = arith.muli %mul3A_1237, %scan3A_1099 : i32
        %add3A_1239 = arith.constant 1 : i32
        %add3A_1240 = arith.addi %mul3A_1238, %add3A_1239 : i32
        %get3A_1241 = arith.index_cast %add3A_1240 : i32 to index
        %get3A_1242 = arith.constant 48 : index
        %get3A_1243 = tpu.vector_load %arg13[%get3A_1241, %get3A_1242] {strides = array<i32>} : memref<100x64xi32, #tpu.memory_space<vmem>>, vector<16xi32>,
        %shift_left3A_1244 = arith.shli %get3A_1243, %broadcast_in_dim3A_3 : vector<16xi32>
        %bitcast3A_1245 = vector.bitcast %shift_left3A_1244 : vector<16xi32> to vector<16xf32>
        %bitcast3A_1246 = vector.bitcast %get3A_1243 : vector<16xi32> to vector<16xf32>
        %add3A_1247 = arith.addf %add3A_1199, %bitcast3A_1245 : vector<16xf32>
        %add3A_1248 = arith.addf %add3A_1200, %bitcast3A_1246 : vector<16xf32>
        %mul3A_1249 = arith.constant 2 : i32
        %mul3A_1250 = arith.muli %mul3A_1249, %scan3A_1099 : i32
        %add3A_1251 = arith.constant 1 : i32
        %add3A_1252 = arith.addi %mul3A_1250, %add3A_1251 : i32
        %get3A_1253 = arith.index_cast %add3A_1252 : i32 to index
        %get3A_1254 = arith.constant 0 : index
        %get3A_1255 = tpu.vector_load %arg14[%get3A_1253, %get3A_1254] {strides = array<i32>} : memref<100x64xi32, #tpu.memory_space<vmem>>, vector<16xi32>,
        %shift_left3A_1256 = arith.shli %get3A_1255, %broadcast_in_dim3A_3 : vector<16xi32>
        %bitcast3A_1257 = vector.bitcast %shift_left3A_1256 : vector<16xi32> to vector<16xf32>
        %bitcast3A_1258 = vector.bitcast %get3A_1255 : vector<16xi32> to vector<16xf32>
        %add3A_1259 = arith.addf %add3A_1211, %bitcast3A_1257 : vector<16xf32>
        %add3A_1260 = arith.addf %add3A_1212, %bitcast3A_1258 : vector<16xf32>
        %mul3A_1261 = arith.constant 2 : i32
        %mul3A_1262 = arith.muli %mul3A_1261, %scan3A_1099 : i32
        %add3A_1263 = arith.constant 1 : i32
        %add3A_1264 = arith.addi %mul3A_1262, %add3A_1263 : i32
        %get3A_1265 = arith.index_cast %add3A_1264 : i32 to index
        %get3A_1266 = arith.constant 16 : index
        %get3A_1267 = tpu.vector_load %arg14[%get3A_1265, %get3A_1266] {strides = array<i32>} : memref<100x64xi32, #tpu.memory_space<vmem>>, vector<16xi32>,
        %shift_left3A_1268 = arith.shli %get3A_1267, %broadcast_in_dim3A_3 : vector<16xi32>
        %bitcast3A_1269 = vector.bitcast %shift_left3A_1268 : vector<16xi32> to vector<16xf32>
        %bitcast3A_1270 = vector.bitcast %get3A_1267 : vector<16xi32> to vector<16xf32>
        %add3A_1271 = arith.addf %add3A_1223, %bitcast3A_1269 : vector<16xf32>
        %add3A_1272 = arith.addf %add3A_1224, %bitcast3A_1270 : vector<16xf32>
        %mul3A_1273 = arith.constant 2 : i32
        %mul3A_1274 = arith.muli %mul3A_1273, %scan3A_1099 : i32
        %add3A_1275 = arith.constant 1 : i32
        %add3A_1276 = arith.addi %mul3A_1274, %add3A_1275 : i32
        %get3A_1277 = arith.index_cast %add3A_1276 : i32 to index
        %get3A_1278 = arith.constant 32 : index
        %get3A_1279 = tpu.vector_load %arg14[%get3A_1277, %get3A_1278] {strides = array<i32>} : memref<100x64xi32, #tpu.memory_space<vmem>>, vector<16xi32>,
        %shift_left3A_1280 = arith.shli %get3A_1279, %broadcast_in_dim3A_3 : vector<16xi32>
        %bitcast3A_1281 = vector.bitcast %shift_left3A_1280 : vector<16xi32> to vector<16xf32>
        %bitcast3A_1282 = vector.bitcast %get3A_1279 : vector<16xi32> to vector<16xf32>
        %add3A_1283 = arith.addf %add3A_1235, %bitcast3A_1281 : vector<16xf32>
        %add3A_1284 = arith.addf %add3A_1236, %bitcast3A_1282 : vector<16xf32>
        %mul3A_1285 = arith.constant 2 : i32
        %mul3A_1286 = arith.muli %mul3A_1285, %scan3A_1099 : i32
        %add3A_1287 = arith.constant 1 : i32
        %add3A_1288 = arith.addi %mul3A_1286, %add3A_1287 : i32
        %get3A_1289 = arith.index_cast %add3A_1288 : i32 to index
        %get3A_1290 = arith.constant 48 : index
        %get3A_1291 = tpu.vector_load %arg14[%get3A_1289, %get3A_1290] {strides = array<i32>} : memref<100x64xi32, #tpu.memory_space<vmem>>, vector<16xi32>,
        %shift_left3A_1292 = arith.shli %get3A_1291, %broadcast_in_dim3A_3 : vector<16xi32>
        %bitcast3A_1293 = vector.bitcast %shift_left3A_1292 : vector<16xi32> to vector<16xf32>
        %bitcast3A_1294 = vector.bitcast %get3A_1291 : vector<16xi32> to vector<16xf32>
        %add3A_1295 = arith.addf %add3A_1247, %bitcast3A_1293 : vector<16xf32>
        %add3A_1296 = arith.addf %add3A_1248, %bitcast3A_1294 : vector<16xf32>
        scf.yield %add3A_1259, %add3A_1260, %add3A_1271, %add3A_1272, %add3A_1283, %add3A_1284, %add3A_1295, %add3A_1296 : vector<16xf32>, vector<16xf32>, vector<16xf32>, vector<16xf32>, vector<16xf32>, vector<16xf32>, vector<16xf32>, vector<16xf32>
      }
      %scan3A_633 = arith.constant 50 : i32
      %rem3A_634 = arith.constant 32 : i32
      %rem3A_635 = arith.remsi %add3A_585, %rem3A_634 : i32
      %mul3A_636 = arith.constant 128 : i32
      %mul3A_637 = arith.muli %rem3A_635, %mul3A_636 : i32
      %add3A_638 = arith.constant 0 : i32
      %add3A_639 = arith.addi %mul3A_637, %add3A_638 : i32
      %swap3A_640 = arith.index_cast %add3A_639 : i32 to index
      %swap3A_641 = tpu.vector_load %arg6[%swap3A_640] {strides = array<i32>} : memref<4096xf32, #tpu.memory_space<vmem>>, vector<16xf32>,
      tpu.vector_store %arg6[%swap3A_640], %scan3A_632#0 {strides = array<i32>} : memref<4096xf32, #tpu.memory_space<vmem>>, vector<16xf32>,
      %add3A_642 = arith.constant 16 : i32
      %add3A_643 = arith.addi %mul3A_637, %add3A_642 : i32
      %swap3A_644 = arith.index_cast %add3A_643 : i32 to index
      %swap3A_645 = tpu.vector_load %arg6[%swap3A_644] {strides = array<i32>} : memref<4096xf32, #tpu.memory_space<vmem>>, vector<16xf32>,
      tpu.vector_store %arg6[%swap3A_644], %scan3A_632#1 {strides = array<i32>} : memref<4096xf32, #tpu.memory_space<vmem>>, vector<16xf32>,
      %add3A_646 = arith.constant 32 : i32
      %add3A_647 = arith.addi %mul3A_637, %add3A_646 : i32
      %swap3A_648 = arith.index_cast %add3A_647 : i32 to index
      %swap3A_649 = tpu.vector_load %arg6[%swap3A_648] {strides = array<i32>} : memref<4096xf32, #tpu.memory_space<vmem>>, vector<16xf32>,
      tpu.vector_store %arg6[%swap3A_648], %scan3A_632#2 {strides = array<i32>} : memref<4096xf32, #tpu.memory_space<vmem>>, vector<16xf32>,
      %add3A_650 = arith.constant 48 : i32
      %add3A_651 = arith.addi %mul3A_637, %add3A_650 : i32
      %swap3A_652 = arith.index_cast %add3A_651 : i32 to index
      %swap3A_653 = tpu.vector_load %arg6[%swap3A_652] {strides = array<i32>} : memref<4096xf32, #tpu.memory_space<vmem>>, vector<16xf32>,
      tpu.vector_store %arg6[%swap3A_652], %scan3A_632#3 {strides = array<i32>} : memref<4096xf32, #tpu.memory_space<vmem>>, vector<16xf32>,
      %add3A_654 = arith.constant 64 : i32
      %add3A_655 = arith.addi %mul3A_637, %add3A_654 : i32
      %swap3A_656 = arith.index_cast %add3A_655 : i32 to index
      %swap3A_657 = tpu.vector_load %arg6[%swap3A_656] {strides = array<i32>} : memref<4096xf32, #tpu.memory_space<vmem>>, vector<16xf32>,
      tpu.vector_store %arg6[%swap3A_656], %scan3A_632#4 {strides = array<i32>} : memref<4096xf32, #tpu.memory_space<vmem>>, vector<16xf32>,
      %add3A_658 = arith.constant 80 : i32
      %add3A_659 = arith.addi %mul3A_637, %add3A_658 : i32
      %swap3A_660 = arith.index_cast %add3A_659 : i32 to index
      %swap3A_661 = tpu.vector_load %arg6[%swap3A_660] {strides = array<i32>} : memref<4096xf32, #tpu.memory_space<vmem>>, vector<16xf32>,
      tpu.vector_store %arg6[%swap3A_660], %scan3A_632#5 {strides = array<i32>} : memref<4096xf32, #tpu.memory_space<vmem>>, vector<16xf32>,
      %add3A_662 = arith.constant 96 : i32
      %add3A_663 = arith.addi %mul3A_637, %add3A_662 : i32
      %swap3A_664 = arith.index_cast %add3A_663 : i32 to index
      %swap3A_665 = tpu.vector_load %arg6[%swap3A_664] {strides = array<i32>} : memref<4096xf32, #tpu.memory_space<vmem>>, vector<16xf32>,
      tpu.vector_store %arg6[%swap3A_664], %scan3A_632#6 {strides = array<i32>} : memref<4096xf32, #tpu.memory_space<vmem>>, vector<16xf32>,
      %add3A_666 = arith.constant 112 : i32
      %add3A_667 = arith.addi %mul3A_637, %add3A_666 : i32
      %swap3A_668 = arith.index_cast %add3A_667 : i32 to index
      %swap3A_669 = tpu.vector_load %arg6[%swap3A_668] {strides = array<i32>} : memref<4096xf32, #tpu.memory_space<vmem>>, vector<16xf32>,
      tpu.vector_store %arg6[%swap3A_668], %scan3A_632#7 {strides = array<i32>} : memref<4096xf32, #tpu.memory_space<vmem>>, vector<16xf32>,
      %rem3A_670 = arith.constant 32 : i32
      %rem3A_671 = arith.remsi %add3A_587, %rem3A_670 : i32
      %eq3A_672 = arith.constant 0 : i32
      %eq3A_673 = arith.cmpi eq, %rem3A_671, %eq3A_672 : i32
      %lt3A_674 = arith.constant 512 : i32
      %lt3A_675 = arith.cmpi slt, %add3A_587, %lt3A_674 : i32
      %and3A_676 = arith.andi %eq3A_673, %lt3A_675 : i1
      %convert_element_type3A_677 = arith.extui %and3A_676 : i1 to i32
      %cond3A_678 = arith.constant 0 : i32
      %cond3A_679 = arith.cmpi ne, %convert_element_type3A_677, %cond3A_678 : i32
      scf.if %cond3A_679 {
        %jit3A = arith.constant 32 : i32
        %div3A_1099 = arith.divsi %add3A_587, %jit3A : i32
        %sign3A = arith.constant 0 : i32
        %sign3A_1100 = arith.cmpi sgt, %add3A_587, %sign3A : i32
        %sign3A_1101 = arith.extui %sign3A_1100 : i1 to i32
        %sign3A_1102 = arith.constant 0 : i32
        %sign3A_1103 = arith.cmpi slt, %add3A_587, %sign3A_1102 : i32
        %sign3A_1104 = arith.extui %sign3A_1103 : i1 to i32
        %sign3A_1105 = arith.subi %sign3A_1101, %sign3A_1104 : i32
        %sign3A_1106 = arith.constant 0 : i32
        %sign3A_1107 = arith.cmpi sgt, %jit3A, %sign3A_1106 : i32
        %sign3A_1108 = arith.extui %sign3A_1107 : i1 to i32
        %sign3A_1109 = arith.constant 0 : i32
        %sign3A_1110 = arith.cmpi slt, %jit3A, %sign3A_1109 : i32
        %sign3A_1111 = arith.extui %sign3A_1110 : i1 to i32
        %sign3A_1112 = arith.subi %sign3A_1108, %sign3A_1111 : i32
        %ne3A = arith.cmpi ne, %sign3A_1105, %sign3A_1112 : i32
        %rem3A_1113 = arith.remsi %add3A_587, %jit3A : i32
        %ne3A_1114 = arith.constant 0 : i32
        %ne3A_1115 = arith.cmpi ne, %rem3A_1113, %ne3A_1114 : i32
        %and3A_1116 = arith.andi %ne3A, %ne3A_1115 : i1
        %sub3A_1117 = arith.constant 1 : i32
        %sub3A_1118 = arith.subi %div3A_1099, %sub3A_1117 : i32
        %select_n3A = arith.select %and3A_1116, %sub3A_1118, %div3A_1099 : i32
        %rem3A_1119 = arith.constant 2 : i32
        %rem3A_1120 = arith.remsi %select_n3A, %rem3A_1119 : i32
        %mul3A_1121 = arith.constant 16 : i32
        %mul3A_1122 = arith.muli %add3A, %mul3A_1121 : i32
        %add3A_1123 = arith.addi %mul3A_1122, %select_n3A : i32
        "tpu.region"() ({
          %run_scoped3A = tpu.sem_alloc : memref<!tpu.dma_semaphore, #tpu.memory_space<semaphore_mem>>
          %dma_start3A_1124 = arith.constant 0 : i32
          %dma_start3A_1125 = arith.constant 0 : i32
          %dma_start3A_1126 = tpu.memref_slice %arg5[%rem3A_1120, %dma_start3A_1124, %dma_start3A_1125] : memref<2x64x100xi32, #tpu.memory_space<vmem>> -> memref<1x64x100xi32, #tpu.memory_space<vmem>>
          %dma_start3A_1127 = tpu.memref_squeeze %dma_start3A_1126 : memref<1x64x100xi32, #tpu.memory_space<vmem>> -> memref<64x100xi32, #tpu.memory_space<vmem>>
          %dma_start3A_1128 = arith.constant 0 : i32
          %dma_start3A_1129 = arith.constant 0 : i32
          %dma_start3A_1130 = tpu.memref_slice %arg2[%add3A_1123, %dma_start3A_1128, %dma_start3A_1129] : memref<512x64x100xi32, #tpu.memory_space<hbm>> -> memref<1x64x100xi32, #tpu.memory_space<hbm>>
          %dma_start3A_1131 = tpu.memref_squeeze %dma_start3A_1130 : memref<1x64x100xi32, #tpu.memory_space<hbm>> -> memref<64x100xi32, #tpu.memory_space<hbm>>
          %dma_start3A_1132 = arith.constant 0 : i32
          %dma_start3A_1133 = arith.constant 0 : i32
          %dma_start3A_1134 = tpu.memref_slice %arg5[%rem3A_1120, %dma_start3A_1132, %dma_start3A_1133] : memref<2x64x100xi32, #tpu.memory_space<vmem>> -> memref<1x64x100xi32, #tpu.memory_space<vmem>>
          %dma_start3A_1135 = tpu.memref_squeeze %dma_start3A_1134 : memref<1x64x100xi32, #tpu.memory_space<vmem>> -> memref<64x100xi32, #tpu.memory_space<vmem>>
          %dma_start3A_1136 = arith.constant 0 : i32
          %dma_start3A_1137 = arith.constant 0 : i32
          %dma_start3A_1138 = tpu.memref_slice %arg2[%add3A_1123, %dma_start3A_1136, %dma_start3A_1137] : memref<512x64x100xi32, #tpu.memory_space<hbm>> -> memref<1x64x100xi32, #tpu.memory_space<hbm>>
          %dma_start3A_1139 = tpu.memref_squeeze %dma_start3A_1138 : memref<1x64x100xi32, #tpu.memory_space<hbm>> -> memref<64x100xi32, #tpu.memory_space<hbm>>
          tpu.enqueue_dma source(%dma_start3A_1139 : memref<64x100xi32, #tpu.memory_space<hbm>>) target(%dma_start3A_1135 : memref<64x100xi32, #tpu.memory_space<vmem>>) target_semaphore(%run_scoped3A : memref<!tpu.dma_semaphore, #tpu.memory_space<semaphore_mem>>)
          %dma_wait3A_1140 = arith.constant 0 : i32
          %dma_wait3A_1141 = arith.constant 0 : i32
          %dma_wait3A_1142 = tpu.memref_slice %arg5[%rem3A_1120, %dma_wait3A_1140, %dma_wait3A_1141] : memref<2x64x100xi32, #tpu.memory_space<vmem>> -> memref<1x64x100xi32, #tpu.memory_space<vmem>>
          %dma_wait3A_1143 = tpu.memref_squeeze %dma_wait3A_1142 : memref<1x64x100xi32, #tpu.memory_space<vmem>> -> memref<64x100xi32, #tpu.memory_space<vmem>>
          %dma_wait3A_1144 = arith.constant 0 : i32
          %dma_wait3A_1145 = arith.constant 0 : i32
          %dma_wait3A_1146 = tpu.memref_slice %arg2[%add3A_1123, %dma_wait3A_1144, %dma_wait3A_1145] : memref<512x64x100xi32, #tpu.memory_space<hbm>> -> memref<1x64x100xi32, #tpu.memory_space<hbm>>
          %dma_wait3A_1147 = tpu.memref_squeeze %dma_wait3A_1146 : memref<1x64x100xi32, #tpu.memory_space<hbm>> -> memref<64x100xi32, #tpu.memory_space<hbm>>
          %dma_wait3A_1148 = arith.constant 0 : i32
          %dma_wait3A_1149 = arith.constant 0 : i32
          %dma_wait3A_1150 = tpu.memref_slice %arg5[%rem3A_1120, %dma_wait3A_1148, %dma_wait3A_1149] : memref<2x64x100xi32, #tpu.memory_space<vmem>> -> memref<1x64x100xi32, #tpu.memory_space<vmem>>
          %dma_wait3A_1151 = tpu.memref_squeeze %dma_wait3A_1150 : memref<1x64x100xi32, #tpu.memory_space<vmem>> -> memref<64x100xi32, #tpu.memory_space<vmem>>
          %dma_wait3A_1152 = arith.constant 0 : i32
          %dma_wait3A_1153 = arith.constant 0 : i32
          %dma_wait3A_1154 = tpu.memref_slice %arg2[%add3A_1123, %dma_wait3A_1152, %dma_wait3A_1153] : memref<512x64x100xi32, #tpu.memory_space<hbm>> -> memref<1x64x100xi32, #tpu.memory_space<hbm>>
          %dma_wait3A_1155 = tpu.memref_squeeze %dma_wait3A_1154 : memref<1x64x100xi32, #tpu.memory_space<hbm>> -> memref<64x100xi32, #tpu.memory_space<hbm>>
          tpu.wait_dma2 semaphore(%run_scoped3A : memref<!tpu.dma_semaphore, #tpu.memory_space<semaphore_mem>>) src(%dma_wait3A_1155 : memref<64x100xi32, #tpu.memory_space<hbm>>) dst(%dma_wait3A_1151 : memref<64x100xi32, #tpu.memory_space<vmem>>)
          tpu.yield
        }) : () -> ()
      } else {
      }
      %lt3A_680 = arith.constant 512 : i32
      %lt3A_681 = arith.cmpi slt, %add3A_587, %lt3A_680 : i32
      %convert_element_type3A_682 = arith.extui %lt3A_681 : i1 to i32
      %cond3A_683 = arith.constant 0 : i32
      %cond3A_684 = arith.cmpi ne, %convert_element_type3A_682, %cond3A_683 : i32
      scf.if %cond3A_684 {
        %div3A_1099 = arith.constant 32 : i32
        %div3A_1100 = arith.divsi %add3A_587, %div3A_1099 : i32
        %rem3A_1101 = arith.constant 2 : i32
        %rem3A_1102 = arith.remsi %div3A_1100, %rem3A_1101 : i32
        %rem3A_1103 = arith.constant 32 : i32
        %rem3A_1104 = arith.remsi %add3A_587, %rem3A_1103 : i32
        %mul3A_1105 = arith.constant 2 : i32
        %mul3A_1106 = arith.muli %rem3A_1104, %mul3A_1105 : i32
        %add3A_1107 = arith.constant 0 : i32
        %add3A_1108 = arith.addi %mul3A_1106, %add3A_1107 : i32
        %dma_start3A_1109 = arith.constant 0 : i32
        %dma_start3A_1110 = arith.constant 0 : i32
        %dma_start3A_1111 = tpu.memref_slice %arg5[%rem3A_1102, %dma_start3A_1109, %dma_start3A_1110] : memref<2x64x100xi32, #tpu.memory_space<vmem>> -> memref<1x64x100xi32, #tpu.memory_space<vmem>>
        %dma_start3A_1112 = tpu.memref_squeeze %dma_start3A_1111 : memref<1x64x100xi32, #tpu.memory_space<vmem>> -> memref<64x100xi32, #tpu.memory_space<vmem>>
        %dma_start3A_1113 = arith.constant 0 : i32
        %dma_start3A_1114 = tpu.memref_slice %dma_start3A_1112[%add3A_1108, %dma_start3A_1113] : memref<64x100xi32, #tpu.memory_space<vmem>> -> memref<1x100xi32, #tpu.memory_space<vmem>>
        %dma_start3A_1115 = tpu.memref_squeeze %dma_start3A_1114 : memref<1x100xi32, #tpu.memory_space<vmem>> -> memref<100xi32, #tpu.memory_space<vmem>>
        %dma_start3A_1116 = arith.constant 0 : i32
        %dma_start3A_1117 = arith.constant 0 : i32
        %dma_start3A_1118 = tpu.memref_slice %arg3[%dma_start3A_1116, %dma_start3A_1117] : memref<101250x64xi32, #tpu.memory_space<hbm>> -> memref<101250x64xi32, #tpu.memory_space<hbm>>
        tpu.enqueue_indirect_dma source(%dma_start3A_1118 : memref<101250x64xi32, #tpu.memory_space<hbm>>) target(%arg13 : memref<100x64xi32, #tpu.memory_space<vmem>>) offsets(%dma_start3A_1115 : memref<100xi32, #tpu.memory_space<vmem>>) semaphore(%arg26 : memref<!tpu.dma_semaphore, #tpu.memory_space<semaphore_mem>>)
        %add3A_1119 = arith.constant 1 : i32
        %add3A_1120 = arith.addi %mul3A_1106, %add3A_1119 : i32
        %dma_start3A_1121 = arith.constant 0 : i32
        %dma_start3A_1122 = arith.constant 0 : i32
        %dma_start3A_1123 = tpu.memref_slice %arg5[%rem3A_1102, %dma_start3A_1121, %dma_start3A_1122] : memref<2x64x100xi32, #tpu.memory_space<vmem>> -> memref<1x64x100xi32, #tpu.memory_space<vmem>>
        %dma_start3A_1124 = tpu.memref_squeeze %dma_start3A_1123 : memref<1x64x100xi32, #tpu.memory_space<vmem>> -> memref<64x100xi32, #tpu.memory_space<vmem>>
        %dma_start3A_1125 = arith.constant 0 : i32
        %dma_start3A_1126 = tpu.memref_slice %dma_start3A_1124[%add3A_1120, %dma_start3A_1125] : memref<64x100xi32, #tpu.memory_space<vmem>> -> memref<1x100xi32, #tpu.memory_space<vmem>>
        %dma_start3A_1127 = tpu.memref_squeeze %dma_start3A_1126 : memref<1x100xi32, #tpu.memory_space<vmem>> -> memref<100xi32, #tpu.memory_space<vmem>>
        %dma_start3A_1128 = arith.constant 0 : i32
        %dma_start3A_1129 = arith.constant 0 : i32
        %dma_start3A_1130 = tpu.memref_slice %arg3[%dma_start3A_1128, %dma_start3A_1129] : memref<101250x64xi32, #tpu.memory_space<hbm>> -> memref<101250x64xi32, #tpu.memory_space<hbm>>
        tpu.enqueue_indirect_dma source(%dma_start3A_1130 : memref<101250x64xi32, #tpu.memory_space<hbm>>) target(%arg14 : memref<100x64xi32, #tpu.memory_space<vmem>>) offsets(%dma_start3A_1127 : memref<100xi32, #tpu.memory_space<vmem>>) semaphore(%arg26 : memref<!tpu.dma_semaphore, #tpu.memory_space<semaphore_mem>>)
      } else {
      }
      %add3A_685 = arith.constant 4 : i32
      %add3A_686 = arith.addi %mul3A_287, %add3A_685 : i32
      %add3A_687 = arith.constant 8 : i32
      %add3A_688 = arith.addi %add3A_686, %add3A_687 : i32
      %dma_wait3A_689 = arith.constant 0 : i32
      %dma_wait3A_690 = arith.constant 0 : i32
      %dma_wait3A_691 = arith.constant 0 : i32
      %dma_wait3A_692 = arith.constant 0 : i32
      %dma_wait3A_693 = tpu.memref_slice %arg5[%dma_wait3A_689, %dma_wait3A_691, %dma_wait3A_692] : memref<2x64x100xi32, #tpu.memory_space<vmem>> -> memref<1x64x100xi32, #tpu.memory_space<vmem>>
      %dma_wait3A_694 = tpu.memref_squeeze %dma_wait3A_693 : memref<1x64x100xi32, #tpu.memory_space<vmem>> -> memref<64x100xi32, #tpu.memory_space<vmem>>
      %dma_wait3A_695 = arith.constant 0 : i32
      %dma_wait3A_696 = tpu.memref_slice %dma_wait3A_694[%dma_wait3A_690, %dma_wait3A_695] : memref<64x100xi32, #tpu.memory_space<vmem>> -> memref<1x100xi32, #tpu.memory_space<vmem>>
      %dma_wait3A_697 = tpu.memref_squeeze %dma_wait3A_696 : memref<1x100xi32, #tpu.memory_space<vmem>> -> memref<100xi32, #tpu.memory_space<vmem>>
      %dma_wait3A_698 = arith.constant 0 : i32
      %dma_wait3A_699 = arith.constant 0 : i32
      %dma_wait3A_700 = tpu.memref_slice %arg3[%dma_wait3A_698, %dma_wait3A_699] : memref<101250x64xi32, #tpu.memory_space<hbm>> -> memref<101250x64xi32, #tpu.memory_space<hbm>>
      tpu.wait_indirect_dma semaphore(%arg27 : memref<!tpu.dma_semaphore, #tpu.memory_space<semaphore_mem>>) src(%dma_wait3A_700 : memref<101250x64xi32, #tpu.memory_space<hbm>>) dst(%arg15 : memref<100x64xi32, #tpu.memory_space<vmem>>)
      %dma_wait3A_701 = arith.constant 0 : i32
      %dma_wait3A_702 = arith.constant 0 : i32
      %dma_wait3A_703 = arith.constant 0 : i32
      %dma_wait3A_704 = arith.constant 0 : i32
      %dma_wait3A_705 = tpu.memref_slice %arg5[%dma_wait3A_701, %dma_wait3A_703, %dma_wait3A_704] : memref<2x64x100xi32, #tpu.memory_space<vmem>> -> memref<1x64x100xi32, #tpu.memory_space<vmem>>
      %dma_wait3A_706 = tpu.memref_squeeze %dma_wait3A_705 : memref<1x64x100xi32, #tpu.memory_space<vmem>> -> memref<64x100xi32, #tpu.memory_space<vmem>>
      %dma_wait3A_707 = arith.constant 0 : i32
      %dma_wait3A_708 = tpu.memref_slice %dma_wait3A_706[%dma_wait3A_702, %dma_wait3A_707] : memref<64x100xi32, #tpu.memory_space<vmem>> -> memref<1x100xi32, #tpu.memory_space<vmem>>
      %dma_wait3A_709 = tpu.memref_squeeze %dma_wait3A_708 : memref<1x100xi32, #tpu.memory_space<vmem>> -> memref<100xi32, #tpu.memory_space<vmem>>
      %dma_wait3A_710 = arith.constant 0 : i32
      %dma_wait3A_711 = arith.constant 0 : i32
      %dma_wait3A_712 = tpu.memref_slice %arg3[%dma_wait3A_710, %dma_wait3A_711] : memref<101250x64xi32, #tpu.memory_space<hbm>> -> memref<101250x64xi32, #tpu.memory_space<hbm>>
      tpu.wait_indirect_dma semaphore(%arg27 : memref<!tpu.dma_semaphore, #tpu.memory_space<semaphore_mem>>) src(%dma_wait3A_712 : memref<101250x64xi32, #tpu.memory_space<hbm>>) dst(%arg16 : memref<100x64xi32, #tpu.memory_space<vmem>>)
      %broadcast_in_dim3A_713 = arith.constant 0.000000e+00 : f32
      %broadcast_in_dim3A_714 = vector.broadcast %broadcast_in_dim3A_713 : f32 to vector<16xf32>
      %broadcast_in_dim3A_715 = arith.constant 0.000000e+00 : f32
      %broadcast_in_dim3A_716 = vector.broadcast %broadcast_in_dim3A_715 : f32 to vector<16xf32>
      %broadcast_in_dim3A_717 = arith.constant 0.000000e+00 : f32
      %broadcast_in_dim3A_718 = vector.broadcast %broadcast_in_dim3A_717 : f32 to vector<16xf32>
      %broadcast_in_dim3A_719 = arith.constant 0.000000e+00 : f32
      %broadcast_in_dim3A_720 = vector.broadcast %broadcast_in_dim3A_719 : f32 to vector<16xf32>
      %broadcast_in_dim3A_721 = arith.constant 0.000000e+00 : f32
      %broadcast_in_dim3A_722 = vector.broadcast %broadcast_in_dim3A_721 : f32 to vector<16xf32>
      %broadcast_in_dim3A_723 = arith.constant 0.000000e+00 : f32
      %broadcast_in_dim3A_724 = vector.broadcast %broadcast_in_dim3A_723 : f32 to vector<16xf32>
      %broadcast_in_dim3A_725 = arith.constant 0.000000e+00 : f32
      %broadcast_in_dim3A_726 = vector.broadcast %broadcast_in_dim3A_725 : f32 to vector<16xf32>
      %broadcast_in_dim3A_727 = arith.constant 0.000000e+00 : f32
      %broadcast_in_dim3A_728 = vector.broadcast %broadcast_in_dim3A_727 : f32 to vector<16xf32>
      %scan3A_729 = arith.constant 0 : i32
      %scan3A_730 = arith.constant 50 : i32
      %scan3A_731 = arith.addi %scan3A_729, %scan3A_730 : i32
      %scan3A_732 = arith.constant 1 : i32
      %scan3A_733:8 = scf.for %scan3A_1099 = %scan3A_729 to %scan3A_731 step %scan3A_732 iter_args(%scan3A_1100 = %broadcast_in_dim3A_714, %scan3A_1101 = %broadcast_in_dim3A_716, %scan3A_1102 = %broadcast_in_dim3A_718, %scan3A_1103 = %broadcast_in_dim3A_720, %scan3A_1104 = %broadcast_in_dim3A_722, %scan3A_1105 = %broadcast_in_dim3A_724, %scan3A_1106 = %broadcast_in_dim3A_726, %scan3A_1107 = %broadcast_in_dim3A_728) -> (vector<16xf32>, vector<16xf32>, vector<16xf32>, vector<16xf32>, vector<16xf32>, vector<16xf32>, vector<16xf32>, vector<16xf32>)  : i32 {
        %mul3A_1108 = arith.constant 2 : i32
        %mul3A_1109 = arith.muli %mul3A_1108, %scan3A_1099 : i32
        %add3A_1110 = arith.constant 0 : i32
        %add3A_1111 = arith.addi %mul3A_1109, %add3A_1110 : i32
        %get3A = arith.index_cast %add3A_1111 : i32 to index
        %get3A_1112 = arith.constant 0 : index
        %get3A_1113 = tpu.vector_load %arg15[%get3A, %get3A_1112] {strides = array<i32>} : memref<100x64xi32, #tpu.memory_space<vmem>>, vector<16xi32>,
        %shift_left3A = arith.shli %get3A_1113, %broadcast_in_dim3A_3 : vector<16xi32>
        %bitcast3A = vector.bitcast %shift_left3A : vector<16xi32> to vector<16xf32>
        %bitcast3A_1114 = vector.bitcast %get3A_1113 : vector<16xi32> to vector<16xf32>
        %add3A_1115 = arith.addf %scan3A_1100, %bitcast3A : vector<16xf32>
        %add3A_1116 = arith.addf %scan3A_1101, %bitcast3A_1114 : vector<16xf32>
        %mul3A_1117 = arith.constant 2 : i32
        %mul3A_1118 = arith.muli %mul3A_1117, %scan3A_1099 : i32
        %add3A_1119 = arith.constant 0 : i32
        %add3A_1120 = arith.addi %mul3A_1118, %add3A_1119 : i32
        %get3A_1121 = arith.index_cast %add3A_1120 : i32 to index
        %get3A_1122 = arith.constant 16 : index
        %get3A_1123 = tpu.vector_load %arg15[%get3A_1121, %get3A_1122] {strides = array<i32>} : memref<100x64xi32, #tpu.memory_space<vmem>>, vector<16xi32>,
        %shift_left3A_1124 = arith.shli %get3A_1123, %broadcast_in_dim3A_3 : vector<16xi32>
        %bitcast3A_1125 = vector.bitcast %shift_left3A_1124 : vector<16xi32> to vector<16xf32>
        %bitcast3A_1126 = vector.bitcast %get3A_1123 : vector<16xi32> to vector<16xf32>
        %add3A_1127 = arith.addf %scan3A_1102, %bitcast3A_1125 : vector<16xf32>
        %add3A_1128 = arith.addf %scan3A_1103, %bitcast3A_1126 : vector<16xf32>
        %mul3A_1129 = arith.constant 2 : i32
        %mul3A_1130 = arith.muli %mul3A_1129, %scan3A_1099 : i32
        %add3A_1131 = arith.constant 0 : i32
        %add3A_1132 = arith.addi %mul3A_1130, %add3A_1131 : i32
        %get3A_1133 = arith.index_cast %add3A_1132 : i32 to index
        %get3A_1134 = arith.constant 32 : index
        %get3A_1135 = tpu.vector_load %arg15[%get3A_1133, %get3A_1134] {strides = array<i32>} : memref<100x64xi32, #tpu.memory_space<vmem>>, vector<16xi32>,
        %shift_left3A_1136 = arith.shli %get3A_1135, %broadcast_in_dim3A_3 : vector<16xi32>
        %bitcast3A_1137 = vector.bitcast %shift_left3A_1136 : vector<16xi32> to vector<16xf32>
        %bitcast3A_1138 = vector.bitcast %get3A_1135 : vector<16xi32> to vector<16xf32>
        %add3A_1139 = arith.addf %scan3A_1104, %bitcast3A_1137 : vector<16xf32>
        %add3A_1140 = arith.addf %scan3A_1105, %bitcast3A_1138 : vector<16xf32>
        %mul3A_1141 = arith.constant 2 : i32
        %mul3A_1142 = arith.muli %mul3A_1141, %scan3A_1099 : i32
        %add3A_1143 = arith.constant 0 : i32
        %add3A_1144 = arith.addi %mul3A_1142, %add3A_1143 : i32
        %get3A_1145 = arith.index_cast %add3A_1144 : i32 to index
        %get3A_1146 = arith.constant 48 : index
        %get3A_1147 = tpu.vector_load %arg15[%get3A_1145, %get3A_1146] {strides = array<i32>} : memref<100x64xi32, #tpu.memory_space<vmem>>, vector<16xi32>,
        %shift_left3A_1148 = arith.shli %get3A_1147, %broadcast_in_dim3A_3 : vector<16xi32>
        %bitcast3A_1149 = vector.bitcast %shift_left3A_1148 : vector<16xi32> to vector<16xf32>
        %bitcast3A_1150 = vector.bitcast %get3A_1147 : vector<16xi32> to vector<16xf32>
        %add3A_1151 = arith.addf %scan3A_1106, %bitcast3A_1149 : vector<16xf32>
        %add3A_1152 = arith.addf %scan3A_1107, %bitcast3A_1150 : vector<16xf32>
        %mul3A_1153 = arith.constant 2 : i32
        %mul3A_1154 = arith.muli %mul3A_1153, %scan3A_1099 : i32
        %add3A_1155 = arith.constant 0 : i32
        %add3A_1156 = arith.addi %mul3A_1154, %add3A_1155 : i32
        %get3A_1157 = arith.index_cast %add3A_1156 : i32 to index
        %get3A_1158 = arith.constant 0 : index
        %get3A_1159 = tpu.vector_load %arg16[%get3A_1157, %get3A_1158] {strides = array<i32>} : memref<100x64xi32, #tpu.memory_space<vmem>>, vector<16xi32>,
        %shift_left3A_1160 = arith.shli %get3A_1159, %broadcast_in_dim3A_3 : vector<16xi32>
        %bitcast3A_1161 = vector.bitcast %shift_left3A_1160 : vector<16xi32> to vector<16xf32>
        %bitcast3A_1162 = vector.bitcast %get3A_1159 : vector<16xi32> to vector<16xf32>
        %add3A_1163 = arith.addf %add3A_1115, %bitcast3A_1161 : vector<16xf32>
        %add3A_1164 = arith.addf %add3A_1116, %bitcast3A_1162 : vector<16xf32>
        %mul3A_1165 = arith.constant 2 : i32
        %mul3A_1166 = arith.muli %mul3A_1165, %scan3A_1099 : i32
        %add3A_1167 = arith.constant 0 : i32
        %add3A_1168 = arith.addi %mul3A_1166, %add3A_1167 : i32
        %get3A_1169 = arith.index_cast %add3A_1168 : i32 to index
        %get3A_1170 = arith.constant 16 : index
        %get3A_1171 = tpu.vector_load %arg16[%get3A_1169, %get3A_1170] {strides = array<i32>} : memref<100x64xi32, #tpu.memory_space<vmem>>, vector<16xi32>,
        %shift_left3A_1172 = arith.shli %get3A_1171, %broadcast_in_dim3A_3 : vector<16xi32>
        %bitcast3A_1173 = vector.bitcast %shift_left3A_1172 : vector<16xi32> to vector<16xf32>
        %bitcast3A_1174 = vector.bitcast %get3A_1171 : vector<16xi32> to vector<16xf32>
        %add3A_1175 = arith.addf %add3A_1127, %bitcast3A_1173 : vector<16xf32>
        %add3A_1176 = arith.addf %add3A_1128, %bitcast3A_1174 : vector<16xf32>
        %mul3A_1177 = arith.constant 2 : i32
        %mul3A_1178 = arith.muli %mul3A_1177, %scan3A_1099 : i32
        %add3A_1179 = arith.constant 0 : i32
        %add3A_1180 = arith.addi %mul3A_1178, %add3A_1179 : i32
        %get3A_1181 = arith.index_cast %add3A_1180 : i32 to index
        %get3A_1182 = arith.constant 32 : index
        %get3A_1183 = tpu.vector_load %arg16[%get3A_1181, %get3A_1182] {strides = array<i32>} : memref<100x64xi32, #tpu.memory_space<vmem>>, vector<16xi32>,
        %shift_left3A_1184 = arith.shli %get3A_1183, %broadcast_in_dim3A_3 : vector<16xi32>
        %bitcast3A_1185 = vector.bitcast %shift_left3A_1184 : vector<16xi32> to vector<16xf32>
        %bitcast3A_1186 = vector.bitcast %get3A_1183 : vector<16xi32> to vector<16xf32>
        %add3A_1187 = arith.addf %add3A_1139, %bitcast3A_1185 : vector<16xf32>
        %add3A_1188 = arith.addf %add3A_1140, %bitcast3A_1186 : vector<16xf32>
        %mul3A_1189 = arith.constant 2 : i32
        %mul3A_1190 = arith.muli %mul3A_1189, %scan3A_1099 : i32
        %add3A_1191 = arith.constant 0 : i32
        %add3A_1192 = arith.addi %mul3A_1190, %add3A_1191 : i32
        %get3A_1193 = arith.index_cast %add3A_1192 : i32 to index
        %get3A_1194 = arith.constant 48 : index
        %get3A_1195 = tpu.vector_load %arg16[%get3A_1193, %get3A_1194] {strides = array<i32>} : memref<100x64xi32, #tpu.memory_space<vmem>>, vector<16xi32>,
        %shift_left3A_1196 = arith.shli %get3A_1195, %broadcast_in_dim3A_3 : vector<16xi32>
        %bitcast3A_1197 = vector.bitcast %shift_left3A_1196 : vector<16xi32> to vector<16xf32>
        %bitcast3A_1198 = vector.bitcast %get3A_1195 : vector<16xi32> to vector<16xf32>
        %add3A_1199 = arith.addf %add3A_1151, %bitcast3A_1197 : vector<16xf32>
        %add3A_1200 = arith.addf %add3A_1152, %bitcast3A_1198 : vector<16xf32>
        %mul3A_1201 = arith.constant 2 : i32
        %mul3A_1202 = arith.muli %mul3A_1201, %scan3A_1099 : i32
        %add3A_1203 = arith.constant 1 : i32
        %add3A_1204 = arith.addi %mul3A_1202, %add3A_1203 : i32
        %get3A_1205 = arith.index_cast %add3A_1204 : i32 to index
        %get3A_1206 = arith.constant 0 : index
        %get3A_1207 = tpu.vector_load %arg15[%get3A_1205, %get3A_1206] {strides = array<i32>} : memref<100x64xi32, #tpu.memory_space<vmem>>, vector<16xi32>,
        %shift_left3A_1208 = arith.shli %get3A_1207, %broadcast_in_dim3A_3 : vector<16xi32>
        %bitcast3A_1209 = vector.bitcast %shift_left3A_1208 : vector<16xi32> to vector<16xf32>
        %bitcast3A_1210 = vector.bitcast %get3A_1207 : vector<16xi32> to vector<16xf32>
        %add3A_1211 = arith.addf %add3A_1163, %bitcast3A_1209 : vector<16xf32>
        %add3A_1212 = arith.addf %add3A_1164, %bitcast3A_1210 : vector<16xf32>
        %mul3A_1213 = arith.constant 2 : i32
        %mul3A_1214 = arith.muli %mul3A_1213, %scan3A_1099 : i32
        %add3A_1215 = arith.constant 1 : i32
        %add3A_1216 = arith.addi %mul3A_1214, %add3A_1215 : i32
        %get3A_1217 = arith.index_cast %add3A_1216 : i32 to index
        %get3A_1218 = arith.constant 16 : index
        %get3A_1219 = tpu.vector_load %arg15[%get3A_1217, %get3A_1218] {strides = array<i32>} : memref<100x64xi32, #tpu.memory_space<vmem>>, vector<16xi32>,
        %shift_left3A_1220 = arith.shli %get3A_1219, %broadcast_in_dim3A_3 : vector<16xi32>
        %bitcast3A_1221 = vector.bitcast %shift_left3A_1220 : vector<16xi32> to vector<16xf32>
        %bitcast3A_1222 = vector.bitcast %get3A_1219 : vector<16xi32> to vector<16xf32>
        %add3A_1223 = arith.addf %add3A_1175, %bitcast3A_1221 : vector<16xf32>
        %add3A_1224 = arith.addf %add3A_1176, %bitcast3A_1222 : vector<16xf32>
        %mul3A_1225 = arith.constant 2 : i32
        %mul3A_1226 = arith.muli %mul3A_1225, %scan3A_1099 : i32
        %add3A_1227 = arith.constant 1 : i32
        %add3A_1228 = arith.addi %mul3A_1226, %add3A_1227 : i32
        %get3A_1229 = arith.index_cast %add3A_1228 : i32 to index
        %get3A_1230 = arith.constant 32 : index
        %get3A_1231 = tpu.vector_load %arg15[%get3A_1229, %get3A_1230] {strides = array<i32>} : memref<100x64xi32, #tpu.memory_space<vmem>>, vector<16xi32>,
        %shift_left3A_1232 = arith.shli %get3A_1231, %broadcast_in_dim3A_3 : vector<16xi32>
        %bitcast3A_1233 = vector.bitcast %shift_left3A_1232 : vector<16xi32> to vector<16xf32>
        %bitcast3A_1234 = vector.bitcast %get3A_1231 : vector<16xi32> to vector<16xf32>
        %add3A_1235 = arith.addf %add3A_1187, %bitcast3A_1233 : vector<16xf32>
        %add3A_1236 = arith.addf %add3A_1188, %bitcast3A_1234 : vector<16xf32>
        %mul3A_1237 = arith.constant 2 : i32
        %mul3A_1238 = arith.muli %mul3A_1237, %scan3A_1099 : i32
        %add3A_1239 = arith.constant 1 : i32
        %add3A_1240 = arith.addi %mul3A_1238, %add3A_1239 : i32
        %get3A_1241 = arith.index_cast %add3A_1240 : i32 to index
        %get3A_1242 = arith.constant 48 : index
        %get3A_1243 = tpu.vector_load %arg15[%get3A_1241, %get3A_1242] {strides = array<i32>} : memref<100x64xi32, #tpu.memory_space<vmem>>, vector<16xi32>,
        %shift_left3A_1244 = arith.shli %get3A_1243, %broadcast_in_dim3A_3 : vector<16xi32>
        %bitcast3A_1245 = vector.bitcast %shift_left3A_1244 : vector<16xi32> to vector<16xf32>
        %bitcast3A_1246 = vector.bitcast %get3A_1243 : vector<16xi32> to vector<16xf32>
        %add3A_1247 = arith.addf %add3A_1199, %bitcast3A_1245 : vector<16xf32>
        %add3A_1248 = arith.addf %add3A_1200, %bitcast3A_1246 : vector<16xf32>
        %mul3A_1249 = arith.constant 2 : i32
        %mul3A_1250 = arith.muli %mul3A_1249, %scan3A_1099 : i32
        %add3A_1251 = arith.constant 1 : i32
        %add3A_1252 = arith.addi %mul3A_1250, %add3A_1251 : i32
        %get3A_1253 = arith.index_cast %add3A_1252 : i32 to index
        %get3A_1254 = arith.constant 0 : index
        %get3A_1255 = tpu.vector_load %arg16[%get3A_1253, %get3A_1254] {strides = array<i32>} : memref<100x64xi32, #tpu.memory_space<vmem>>, vector<16xi32>,
        %shift_left3A_1256 = arith.shli %get3A_1255, %broadcast_in_dim3A_3 : vector<16xi32>
        %bitcast3A_1257 = vector.bitcast %shift_left3A_1256 : vector<16xi32> to vector<16xf32>
        %bitcast3A_1258 = vector.bitcast %get3A_1255 : vector<16xi32> to vector<16xf32>
        %add3A_1259 = arith.addf %add3A_1211, %bitcast3A_1257 : vector<16xf32>
        %add3A_1260 = arith.addf %add3A_1212, %bitcast3A_1258 : vector<16xf32>
        %mul3A_1261 = arith.constant 2 : i32
        %mul3A_1262 = arith.muli %mul3A_1261, %scan3A_1099 : i32
        %add3A_1263 = arith.constant 1 : i32
        %add3A_1264 = arith.addi %mul3A_1262, %add3A_1263 : i32
        %get3A_1265 = arith.index_cast %add3A_1264 : i32 to index
        %get3A_1266 = arith.constant 16 : index
        %get3A_1267 = tpu.vector_load %arg16[%get3A_1265, %get3A_1266] {strides = array<i32>} : memref<100x64xi32, #tpu.memory_space<vmem>>, vector<16xi32>,
        %shift_left3A_1268 = arith.shli %get3A_1267, %broadcast_in_dim3A_3 : vector<16xi32>
        %bitcast3A_1269 = vector.bitcast %shift_left3A_1268 : vector<16xi32> to vector<16xf32>
        %bitcast3A_1270 = vector.bitcast %get3A_1267 : vector<16xi32> to vector<16xf32>
        %add3A_1271 = arith.addf %add3A_1223, %bitcast3A_1269 : vector<16xf32>
        %add3A_1272 = arith.addf %add3A_1224, %bitcast3A_1270 : vector<16xf32>
        %mul3A_1273 = arith.constant 2 : i32
        %mul3A_1274 = arith.muli %mul3A_1273, %scan3A_1099 : i32
        %add3A_1275 = arith.constant 1 : i32
        %add3A_1276 = arith.addi %mul3A_1274, %add3A_1275 : i32
        %get3A_1277 = arith.index_cast %add3A_1276 : i32 to index
        %get3A_1278 = arith.constant 32 : index
        %get3A_1279 = tpu.vector_load %arg16[%get3A_1277, %get3A_1278] {strides = array<i32>} : memref<100x64xi32, #tpu.memory_space<vmem>>, vector<16xi32>,
        %shift_left3A_1280 = arith.shli %get3A_1279, %broadcast_in_dim3A_3 : vector<16xi32>
        %bitcast3A_1281 = vector.bitcast %shift_left3A_1280 : vector<16xi32> to vector<16xf32>
        %bitcast3A_1282 = vector.bitcast %get3A_1279 : vector<16xi32> to vector<16xf32>
        %add3A_1283 = arith.addf %add3A_1235, %bitcast3A_1281 : vector<16xf32>
        %add3A_1284 = arith.addf %add3A_1236, %bitcast3A_1282 : vector<16xf32>
        %mul3A_1285 = arith.constant 2 : i32
        %mul3A_1286 = arith.muli %mul3A_1285, %scan3A_1099 : i32
        %add3A_1287 = arith.constant 1 : i32
        %add3A_1288 = arith.addi %mul3A_1286, %add3A_1287 : i32
        %get3A_1289 = arith.index_cast %add3A_1288 : i32 to index
        %get3A_1290 = arith.constant 48 : index
        %get3A_1291 = tpu.vector_load %arg16[%get3A_1289, %get3A_1290] {strides = array<i32>} : memref<100x64xi32, #tpu.memory_space<vmem>>, vector<16xi32>,
        %shift_left3A_1292 = arith.shli %get3A_1291, %broadcast_in_dim3A_3 : vector<16xi32>
        %bitcast3A_1293 = vector.bitcast %shift_left3A_1292 : vector<16xi32> to vector<16xf32>
        %bitcast3A_1294 = vector.bitcast %get3A_1291 : vector<16xi32> to vector<16xf32>
        %add3A_1295 = arith.addf %add3A_1247, %bitcast3A_1293 : vector<16xf32>
        %add3A_1296 = arith.addf %add3A_1248, %bitcast3A_1294 : vector<16xf32>
        scf.yield %add3A_1259, %add3A_1260, %add3A_1271, %add3A_1272, %add3A_1283, %add3A_1284, %add3A_1295, %add3A_1296 : vector<16xf32>, vector<16xf32>, vector<16xf32>, vector<16xf32>, vector<16xf32>, vector<16xf32>, vector<16xf32>, vector<16xf32>
      }
      %scan3A_734 = arith.constant 50 : i32
      %rem3A_735 = arith.constant 32 : i32
      %rem3A_736 = arith.remsi %add3A_686, %rem3A_735 : i32
      %mul3A_737 = arith.constant 128 : i32
      %mul3A_738 = arith.muli %rem3A_736, %mul3A_737 : i32
      %add3A_739 = arith.constant 0 : i32
      %add3A_740 = arith.addi %mul3A_738, %add3A_739 : i32
      %swap3A_741 = arith.index_cast %add3A_740 : i32 to index
      %swap3A_742 = tpu.vector_load %arg6[%swap3A_741] {strides = array<i32>} : memref<4096xf32, #tpu.memory_space<vmem>>, vector<16xf32>,
      tpu.vector_store %arg6[%swap3A_741], %scan3A_733#0 {strides = array<i32>} : memref<4096xf32, #tpu.memory_space<vmem>>, vector<16xf32>,
      %add3A_743 = arith.constant 16 : i32
      %add3A_744 = arith.addi %mul3A_738, %add3A_743 : i32
      %swap3A_745 = arith.index_cast %add3A_744 : i32 to index
      %swap3A_746 = tpu.vector_load %arg6[%swap3A_745] {strides = array<i32>} : memref<4096xf32, #tpu.memory_space<vmem>>, vector<16xf32>,
      tpu.vector_store %arg6[%swap3A_745], %scan3A_733#1 {strides = array<i32>} : memref<4096xf32, #tpu.memory_space<vmem>>, vector<16xf32>,
      %add3A_747 = arith.constant 32 : i32
      %add3A_748 = arith.addi %mul3A_738, %add3A_747 : i32
      %swap3A_749 = arith.index_cast %add3A_748 : i32 to index
      %swap3A_750 = tpu.vector_load %arg6[%swap3A_749] {strides = array<i32>} : memref<4096xf32, #tpu.memory_space<vmem>>, vector<16xf32>,
      tpu.vector_store %arg6[%swap3A_749], %scan3A_733#2 {strides = array<i32>} : memref<4096xf32, #tpu.memory_space<vmem>>, vector<16xf32>,
      %add3A_751 = arith.constant 48 : i32
      %add3A_752 = arith.addi %mul3A_738, %add3A_751 : i32
      %swap3A_753 = arith.index_cast %add3A_752 : i32 to index
      %swap3A_754 = tpu.vector_load %arg6[%swap3A_753] {strides = array<i32>} : memref<4096xf32, #tpu.memory_space<vmem>>, vector<16xf32>,
      tpu.vector_store %arg6[%swap3A_753], %scan3A_733#3 {strides = array<i32>} : memref<4096xf32, #tpu.memory_space<vmem>>, vector<16xf32>,
      %add3A_755 = arith.constant 64 : i32
      %add3A_756 = arith.addi %mul3A_738, %add3A_755 : i32
      %swap3A_757 = arith.index_cast %add3A_756 : i32 to index
      %swap3A_758 = tpu.vector_load %arg6[%swap3A_757] {strides = array<i32>} : memref<4096xf32, #tpu.memory_space<vmem>>, vector<16xf32>,
      tpu.vector_store %arg6[%swap3A_757], %scan3A_733#4 {strides = array<i32>} : memref<4096xf32, #tpu.memory_space<vmem>>, vector<16xf32>,
      %add3A_759 = arith.constant 80 : i32
      %add3A_760 = arith.addi %mul3A_738, %add3A_759 : i32
      %swap3A_761 = arith.index_cast %add3A_760 : i32 to index
      %swap3A_762 = tpu.vector_load %arg6[%swap3A_761] {strides = array<i32>} : memref<4096xf32, #tpu.memory_space<vmem>>, vector<16xf32>,
      tpu.vector_store %arg6[%swap3A_761], %scan3A_733#5 {strides = array<i32>} : memref<4096xf32, #tpu.memory_space<vmem>>, vector<16xf32>,
      %add3A_763 = arith.constant 96 : i32
      %add3A_764 = arith.addi %mul3A_738, %add3A_763 : i32
      %swap3A_765 = arith.index_cast %add3A_764 : i32 to index
      %swap3A_766 = tpu.vector_load %arg6[%swap3A_765] {strides = array<i32>} : memref<4096xf32, #tpu.memory_space<vmem>>, vector<16xf32>,
      tpu.vector_store %arg6[%swap3A_765], %scan3A_733#6 {strides = array<i32>} : memref<4096xf32, #tpu.memory_space<vmem>>, vector<16xf32>,
      %add3A_767 = arith.constant 112 : i32
      %add3A_768 = arith.addi %mul3A_738, %add3A_767 : i32
      %swap3A_769 = arith.index_cast %add3A_768 : i32 to index
      %swap3A_770 = tpu.vector_load %arg6[%swap3A_769] {strides = array<i32>} : memref<4096xf32, #tpu.memory_space<vmem>>, vector<16xf32>,
      tpu.vector_store %arg6[%swap3A_769], %scan3A_733#7 {strides = array<i32>} : memref<4096xf32, #tpu.memory_space<vmem>>, vector<16xf32>,
      %rem3A_771 = arith.constant 32 : i32
      %rem3A_772 = arith.remsi %add3A_688, %rem3A_771 : i32
      %eq3A_773 = arith.constant 0 : i32
      %eq3A_774 = arith.cmpi eq, %rem3A_772, %eq3A_773 : i32
      %lt3A_775 = arith.constant 512 : i32
      %lt3A_776 = arith.cmpi slt, %add3A_688, %lt3A_775 : i32
      %and3A_777 = arith.andi %eq3A_774, %lt3A_776 : i1
      %convert_element_type3A_778 = arith.extui %and3A_777 : i1 to i32
      %cond3A_779 = arith.constant 0 : i32
      %cond3A_780 = arith.cmpi ne, %convert_element_type3A_778, %cond3A_779 : i32
      scf.if %cond3A_780 {
        %jit3A = arith.constant 32 : i32
        %div3A_1099 = arith.divsi %add3A_688, %jit3A : i32
        %sign3A = arith.constant 0 : i32
        %sign3A_1100 = arith.cmpi sgt, %add3A_688, %sign3A : i32
        %sign3A_1101 = arith.extui %sign3A_1100 : i1 to i32
        %sign3A_1102 = arith.constant 0 : i32
        %sign3A_1103 = arith.cmpi slt, %add3A_688, %sign3A_1102 : i32
        %sign3A_1104 = arith.extui %sign3A_1103 : i1 to i32
        %sign3A_1105 = arith.subi %sign3A_1101, %sign3A_1104 : i32
        %sign3A_1106 = arith.constant 0 : i32
        %sign3A_1107 = arith.cmpi sgt, %jit3A, %sign3A_1106 : i32
        %sign3A_1108 = arith.extui %sign3A_1107 : i1 to i32
        %sign3A_1109 = arith.constant 0 : i32
        %sign3A_1110 = arith.cmpi slt, %jit3A, %sign3A_1109 : i32
        %sign3A_1111 = arith.extui %sign3A_1110 : i1 to i32
        %sign3A_1112 = arith.subi %sign3A_1108, %sign3A_1111 : i32
        %ne3A = arith.cmpi ne, %sign3A_1105, %sign3A_1112 : i32
        %rem3A_1113 = arith.remsi %add3A_688, %jit3A : i32
        %ne3A_1114 = arith.constant 0 : i32
        %ne3A_1115 = arith.cmpi ne, %rem3A_1113, %ne3A_1114 : i32
        %and3A_1116 = arith.andi %ne3A, %ne3A_1115 : i1
        %sub3A_1117 = arith.constant 1 : i32
        %sub3A_1118 = arith.subi %div3A_1099, %sub3A_1117 : i32
        %select_n3A = arith.select %and3A_1116, %sub3A_1118, %div3A_1099 : i32
        %rem3A_1119 = arith.constant 2 : i32
        %rem3A_1120 = arith.remsi %select_n3A, %rem3A_1119 : i32
        %mul3A_1121 = arith.constant 16 : i32
        %mul3A_1122 = arith.muli %add3A, %mul3A_1121 : i32
        %add3A_1123 = arith.addi %mul3A_1122, %select_n3A : i32
        "tpu.region"() ({
          %run_scoped3A = tpu.sem_alloc : memref<!tpu.dma_semaphore, #tpu.memory_space<semaphore_mem>>
          %dma_start3A_1124 = arith.constant 0 : i32
          %dma_start3A_1125 = arith.constant 0 : i32
          %dma_start3A_1126 = tpu.memref_slice %arg5[%rem3A_1120, %dma_start3A_1124, %dma_start3A_1125] : memref<2x64x100xi32, #tpu.memory_space<vmem>> -> memref<1x64x100xi32, #tpu.memory_space<vmem>>
          %dma_start3A_1127 = tpu.memref_squeeze %dma_start3A_1126 : memref<1x64x100xi32, #tpu.memory_space<vmem>> -> memref<64x100xi32, #tpu.memory_space<vmem>>
          %dma_start3A_1128 = arith.constant 0 : i32
          %dma_start3A_1129 = arith.constant 0 : i32
          %dma_start3A_1130 = tpu.memref_slice %arg2[%add3A_1123, %dma_start3A_1128, %dma_start3A_1129] : memref<512x64x100xi32, #tpu.memory_space<hbm>> -> memref<1x64x100xi32, #tpu.memory_space<hbm>>
          %dma_start3A_1131 = tpu.memref_squeeze %dma_start3A_1130 : memref<1x64x100xi32, #tpu.memory_space<hbm>> -> memref<64x100xi32, #tpu.memory_space<hbm>>
          %dma_start3A_1132 = arith.constant 0 : i32
          %dma_start3A_1133 = arith.constant 0 : i32
          %dma_start3A_1134 = tpu.memref_slice %arg5[%rem3A_1120, %dma_start3A_1132, %dma_start3A_1133] : memref<2x64x100xi32, #tpu.memory_space<vmem>> -> memref<1x64x100xi32, #tpu.memory_space<vmem>>
          %dma_start3A_1135 = tpu.memref_squeeze %dma_start3A_1134 : memref<1x64x100xi32, #tpu.memory_space<vmem>> -> memref<64x100xi32, #tpu.memory_space<vmem>>
          %dma_start3A_1136 = arith.constant 0 : i32
          %dma_start3A_1137 = arith.constant 0 : i32
          %dma_start3A_1138 = tpu.memref_slice %arg2[%add3A_1123, %dma_start3A_1136, %dma_start3A_1137] : memref<512x64x100xi32, #tpu.memory_space<hbm>> -> memref<1x64x100xi32, #tpu.memory_space<hbm>>
          %dma_start3A_1139 = tpu.memref_squeeze %dma_start3A_1138 : memref<1x64x100xi32, #tpu.memory_space<hbm>> -> memref<64x100xi32, #tpu.memory_space<hbm>>
          tpu.enqueue_dma source(%dma_start3A_1139 : memref<64x100xi32, #tpu.memory_space<hbm>>) target(%dma_start3A_1135 : memref<64x100xi32, #tpu.memory_space<vmem>>) target_semaphore(%run_scoped3A : memref<!tpu.dma_semaphore, #tpu.memory_space<semaphore_mem>>)
          %dma_wait3A_1140 = arith.constant 0 : i32
          %dma_wait3A_1141 = arith.constant 0 : i32
          %dma_wait3A_1142 = tpu.memref_slice %arg5[%rem3A_1120, %dma_wait3A_1140, %dma_wait3A_1141] : memref<2x64x100xi32, #tpu.memory_space<vmem>> -> memref<1x64x100xi32, #tpu.memory_space<vmem>>
          %dma_wait3A_1143 = tpu.memref_squeeze %dma_wait3A_1142 : memref<1x64x100xi32, #tpu.memory_space<vmem>> -> memref<64x100xi32, #tpu.memory_space<vmem>>
          %dma_wait3A_1144 = arith.constant 0 : i32
          %dma_wait3A_1145 = arith.constant 0 : i32
          %dma_wait3A_1146 = tpu.memref_slice %arg2[%add3A_1123, %dma_wait3A_1144, %dma_wait3A_1145] : memref<512x64x100xi32, #tpu.memory_space<hbm>> -> memref<1x64x100xi32, #tpu.memory_space<hbm>>
          %dma_wait3A_1147 = tpu.memref_squeeze %dma_wait3A_1146 : memref<1x64x100xi32, #tpu.memory_space<hbm>> -> memref<64x100xi32, #tpu.memory_space<hbm>>
          %dma_wait3A_1148 = arith.constant 0 : i32
          %dma_wait3A_1149 = arith.constant 0 : i32
          %dma_wait3A_1150 = tpu.memref_slice %arg5[%rem3A_1120, %dma_wait3A_1148, %dma_wait3A_1149] : memref<2x64x100xi32, #tpu.memory_space<vmem>> -> memref<1x64x100xi32, #tpu.memory_space<vmem>>
          %dma_wait3A_1151 = tpu.memref_squeeze %dma_wait3A_1150 : memref<1x64x100xi32, #tpu.memory_space<vmem>> -> memref<64x100xi32, #tpu.memory_space<vmem>>
          %dma_wait3A_1152 = arith.constant 0 : i32
          %dma_wait3A_1153 = arith.constant 0 : i32
          %dma_wait3A_1154 = tpu.memref_slice %arg2[%add3A_1123, %dma_wait3A_1152, %dma_wait3A_1153] : memref<512x64x100xi32, #tpu.memory_space<hbm>> -> memref<1x64x100xi32, #tpu.memory_space<hbm>>
          %dma_wait3A_1155 = tpu.memref_squeeze %dma_wait3A_1154 : memref<1x64x100xi32, #tpu.memory_space<hbm>> -> memref<64x100xi32, #tpu.memory_space<hbm>>
          tpu.wait_dma2 semaphore(%run_scoped3A : memref<!tpu.dma_semaphore, #tpu.memory_space<semaphore_mem>>) src(%dma_wait3A_1155 : memref<64x100xi32, #tpu.memory_space<hbm>>) dst(%dma_wait3A_1151 : memref<64x100xi32, #tpu.memory_space<vmem>>)
          tpu.yield
        }) : () -> ()
      } else {
      }
      %lt3A_781 = arith.constant 512 : i32
      %lt3A_782 = arith.cmpi slt, %add3A_688, %lt3A_781 : i32
      %convert_element_type3A_783 = arith.extui %lt3A_782 : i1 to i32
      %cond3A_784 = arith.constant 0 : i32
      %cond3A_785 = arith.cmpi ne, %convert_element_type3A_783, %cond3A_784 : i32
      scf.if %cond3A_785 {
        %div3A_1099 = arith.constant 32 : i32
        %div3A_1100 = arith.divsi %add3A_688, %div3A_1099 : i32
        %rem3A_1101 = arith.constant 2 : i32
        %rem3A_1102 = arith.remsi %div3A_1100, %rem3A_1101 : i32
        %rem3A_1103 = arith.constant 32 : i32
        %rem3A_1104 = arith.remsi %add3A_688, %rem3A_1103 : i32
        %mul3A_1105 = arith.constant 2 : i32
        %mul3A_1106 = arith.muli %rem3A_1104, %mul3A_1105 : i32
        %add3A_1107 = arith.constant 0 : i32
        %add3A_1108 = arith.addi %mul3A_1106, %add3A_1107 : i32
        %dma_start3A_1109 = arith.constant 0 : i32
        %dma_start3A_1110 = arith.constant 0 : i32
        %dma_start3A_1111 = tpu.memref_slice %arg5[%rem3A_1102, %dma_start3A_1109, %dma_start3A_1110] : memref<2x64x100xi32, #tpu.memory_space<vmem>> -> memref<1x64x100xi32, #tpu.memory_space<vmem>>
        %dma_start3A_1112 = tpu.memref_squeeze %dma_start3A_1111 : memref<1x64x100xi32, #tpu.memory_space<vmem>> -> memref<64x100xi32, #tpu.memory_space<vmem>>
        %dma_start3A_1113 = arith.constant 0 : i32
        %dma_start3A_1114 = tpu.memref_slice %dma_start3A_1112[%add3A_1108, %dma_start3A_1113] : memref<64x100xi32, #tpu.memory_space<vmem>> -> memref<1x100xi32, #tpu.memory_space<vmem>>
        %dma_start3A_1115 = tpu.memref_squeeze %dma_start3A_1114 : memref<1x100xi32, #tpu.memory_space<vmem>> -> memref<100xi32, #tpu.memory_space<vmem>>
        %dma_start3A_1116 = arith.constant 0 : i32
        %dma_start3A_1117 = arith.constant 0 : i32
        %dma_start3A_1118 = tpu.memref_slice %arg3[%dma_start3A_1116, %dma_start3A_1117] : memref<101250x64xi32, #tpu.memory_space<hbm>> -> memref<101250x64xi32, #tpu.memory_space<hbm>>
        tpu.enqueue_indirect_dma source(%dma_start3A_1118 : memref<101250x64xi32, #tpu.memory_space<hbm>>) target(%arg15 : memref<100x64xi32, #tpu.memory_space<vmem>>) offsets(%dma_start3A_1115 : memref<100xi32, #tpu.memory_space<vmem>>) semaphore(%arg27 : memref<!tpu.dma_semaphore, #tpu.memory_space<semaphore_mem>>)
        %add3A_1119 = arith.constant 1 : i32
        %add3A_1120 = arith.addi %mul3A_1106, %add3A_1119 : i32
        %dma_start3A_1121 = arith.constant 0 : i32
        %dma_start3A_1122 = arith.constant 0 : i32
        %dma_start3A_1123 = tpu.memref_slice %arg5[%rem3A_1102, %dma_start3A_1121, %dma_start3A_1122] : memref<2x64x100xi32, #tpu.memory_space<vmem>> -> memref<1x64x100xi32, #tpu.memory_space<vmem>>
        %dma_start3A_1124 = tpu.memref_squeeze %dma_start3A_1123 : memref<1x64x100xi32, #tpu.memory_space<vmem>> -> memref<64x100xi32, #tpu.memory_space<vmem>>
        %dma_start3A_1125 = arith.constant 0 : i32
        %dma_start3A_1126 = tpu.memref_slice %dma_start3A_1124[%add3A_1120, %dma_start3A_1125] : memref<64x100xi32, #tpu.memory_space<vmem>> -> memref<1x100xi32, #tpu.memory_space<vmem>>
        %dma_start3A_1127 = tpu.memref_squeeze %dma_start3A_1126 : memref<1x100xi32, #tpu.memory_space<vmem>> -> memref<100xi32, #tpu.memory_space<vmem>>
        %dma_start3A_1128 = arith.constant 0 : i32
        %dma_start3A_1129 = arith.constant 0 : i32
        %dma_start3A_1130 = tpu.memref_slice %arg3[%dma_start3A_1128, %dma_start3A_1129] : memref<101250x64xi32, #tpu.memory_space<hbm>> -> memref<101250x64xi32, #tpu.memory_space<hbm>>
        tpu.enqueue_indirect_dma source(%dma_start3A_1130 : memref<101250x64xi32, #tpu.memory_space<hbm>>) target(%arg16 : memref<100x64xi32, #tpu.memory_space<vmem>>) offsets(%dma_start3A_1127 : memref<100xi32, #tpu.memory_space<vmem>>) semaphore(%arg27 : memref<!tpu.dma_semaphore, #tpu.memory_space<semaphore_mem>>)
      } else {
      }
      %add3A_786 = arith.constant 5 : i32
      %add3A_787 = arith.addi %mul3A_287, %add3A_786 : i32
      %add3A_788 = arith.constant 8 : i32
      %add3A_789 = arith.addi %add3A_787, %add3A_788 : i32
      %dma_wait3A_790 = arith.constant 0 : i32
      %dma_wait3A_791 = arith.constant 0 : i32
      %dma_wait3A_792 = arith.constant 0 : i32
      %dma_wait3A_793 = arith.constant 0 : i32
      %dma_wait3A_794 = tpu.memref_slice %arg5[%dma_wait3A_790, %dma_wait3A_792, %dma_wait3A_793] : memref<2x64x100xi32, #tpu.memory_space<vmem>> -> memref<1x64x100xi32, #tpu.memory_space<vmem>>
      %dma_wait3A_795 = tpu.memref_squeeze %dma_wait3A_794 : memref<1x64x100xi32, #tpu.memory_space<vmem>> -> memref<64x100xi32, #tpu.memory_space<vmem>>
      %dma_wait3A_796 = arith.constant 0 : i32
      %dma_wait3A_797 = tpu.memref_slice %dma_wait3A_795[%dma_wait3A_791, %dma_wait3A_796] : memref<64x100xi32, #tpu.memory_space<vmem>> -> memref<1x100xi32, #tpu.memory_space<vmem>>
      %dma_wait3A_798 = tpu.memref_squeeze %dma_wait3A_797 : memref<1x100xi32, #tpu.memory_space<vmem>> -> memref<100xi32, #tpu.memory_space<vmem>>
      %dma_wait3A_799 = arith.constant 0 : i32
      %dma_wait3A_800 = arith.constant 0 : i32
      %dma_wait3A_801 = tpu.memref_slice %arg3[%dma_wait3A_799, %dma_wait3A_800] : memref<101250x64xi32, #tpu.memory_space<hbm>> -> memref<101250x64xi32, #tpu.memory_space<hbm>>
      tpu.wait_indirect_dma semaphore(%arg28 : memref<!tpu.dma_semaphore, #tpu.memory_space<semaphore_mem>>) src(%dma_wait3A_801 : memref<101250x64xi32, #tpu.memory_space<hbm>>) dst(%arg17 : memref<100x64xi32, #tpu.memory_space<vmem>>)
      %dma_wait3A_802 = arith.constant 0 : i32
      %dma_wait3A_803 = arith.constant 0 : i32
      %dma_wait3A_804 = arith.constant 0 : i32
      %dma_wait3A_805 = arith.constant 0 : i32
      %dma_wait3A_806 = tpu.memref_slice %arg5[%dma_wait3A_802, %dma_wait3A_804, %dma_wait3A_805] : memref<2x64x100xi32, #tpu.memory_space<vmem>> -> memref<1x64x100xi32, #tpu.memory_space<vmem>>
      %dma_wait3A_807 = tpu.memref_squeeze %dma_wait3A_806 : memref<1x64x100xi32, #tpu.memory_space<vmem>> -> memref<64x100xi32, #tpu.memory_space<vmem>>
      %dma_wait3A_808 = arith.constant 0 : i32
      %dma_wait3A_809 = tpu.memref_slice %dma_wait3A_807[%dma_wait3A_803, %dma_wait3A_808] : memref<64x100xi32, #tpu.memory_space<vmem>> -> memref<1x100xi32, #tpu.memory_space<vmem>>
      %dma_wait3A_810 = tpu.memref_squeeze %dma_wait3A_809 : memref<1x100xi32, #tpu.memory_space<vmem>> -> memref<100xi32, #tpu.memory_space<vmem>>
      %dma_wait3A_811 = arith.constant 0 : i32
      %dma_wait3A_812 = arith.constant 0 : i32
      %dma_wait3A_813 = tpu.memref_slice %arg3[%dma_wait3A_811, %dma_wait3A_812] : memref<101250x64xi32, #tpu.memory_space<hbm>> -> memref<101250x64xi32, #tpu.memory_space<hbm>>
      tpu.wait_indirect_dma semaphore(%arg28 : memref<!tpu.dma_semaphore, #tpu.memory_space<semaphore_mem>>) src(%dma_wait3A_813 : memref<101250x64xi32, #tpu.memory_space<hbm>>) dst(%arg18 : memref<100x64xi32, #tpu.memory_space<vmem>>)
      %broadcast_in_dim3A_814 = arith.constant 0.000000e+00 : f32
      %broadcast_in_dim3A_815 = vector.broadcast %broadcast_in_dim3A_814 : f32 to vector<16xf32>
      %broadcast_in_dim3A_816 = arith.constant 0.000000e+00 : f32
      %broadcast_in_dim3A_817 = vector.broadcast %broadcast_in_dim3A_816 : f32 to vector<16xf32>
      %broadcast_in_dim3A_818 = arith.constant 0.000000e+00 : f32
      %broadcast_in_dim3A_819 = vector.broadcast %broadcast_in_dim3A_818 : f32 to vector<16xf32>
      %broadcast_in_dim3A_820 = arith.constant 0.000000e+00 : f32
      %broadcast_in_dim3A_821 = vector.broadcast %broadcast_in_dim3A_820 : f32 to vector<16xf32>
      %broadcast_in_dim3A_822 = arith.constant 0.000000e+00 : f32
      %broadcast_in_dim3A_823 = vector.broadcast %broadcast_in_dim3A_822 : f32 to vector<16xf32>
      %broadcast_in_dim3A_824 = arith.constant 0.000000e+00 : f32
      %broadcast_in_dim3A_825 = vector.broadcast %broadcast_in_dim3A_824 : f32 to vector<16xf32>
      %broadcast_in_dim3A_826 = arith.constant 0.000000e+00 : f32
      %broadcast_in_dim3A_827 = vector.broadcast %broadcast_in_dim3A_826 : f32 to vector<16xf32>
      %broadcast_in_dim3A_828 = arith.constant 0.000000e+00 : f32
      %broadcast_in_dim3A_829 = vector.broadcast %broadcast_in_dim3A_828 : f32 to vector<16xf32>
      %scan3A_830 = arith.constant 0 : i32
      %scan3A_831 = arith.constant 50 : i32
      %scan3A_832 = arith.addi %scan3A_830, %scan3A_831 : i32
      %scan3A_833 = arith.constant 1 : i32
      %scan3A_834:8 = scf.for %scan3A_1099 = %scan3A_830 to %scan3A_832 step %scan3A_833 iter_args(%scan3A_1100 = %broadcast_in_dim3A_815, %scan3A_1101 = %broadcast_in_dim3A_817, %scan3A_1102 = %broadcast_in_dim3A_819, %scan3A_1103 = %broadcast_in_dim3A_821, %scan3A_1104 = %broadcast_in_dim3A_823, %scan3A_1105 = %broadcast_in_dim3A_825, %scan3A_1106 = %broadcast_in_dim3A_827, %scan3A_1107 = %broadcast_in_dim3A_829) -> (vector<16xf32>, vector<16xf32>, vector<16xf32>, vector<16xf32>, vector<16xf32>, vector<16xf32>, vector<16xf32>, vector<16xf32>)  : i32 {
        %mul3A_1108 = arith.constant 2 : i32
        %mul3A_1109 = arith.muli %mul3A_1108, %scan3A_1099 : i32
        %add3A_1110 = arith.constant 0 : i32
        %add3A_1111 = arith.addi %mul3A_1109, %add3A_1110 : i32
        %get3A = arith.index_cast %add3A_1111 : i32 to index
        %get3A_1112 = arith.constant 0 : index
        %get3A_1113 = tpu.vector_load %arg17[%get3A, %get3A_1112] {strides = array<i32>} : memref<100x64xi32, #tpu.memory_space<vmem>>, vector<16xi32>,
        %shift_left3A = arith.shli %get3A_1113, %broadcast_in_dim3A_3 : vector<16xi32>
        %bitcast3A = vector.bitcast %shift_left3A : vector<16xi32> to vector<16xf32>
        %bitcast3A_1114 = vector.bitcast %get3A_1113 : vector<16xi32> to vector<16xf32>
        %add3A_1115 = arith.addf %scan3A_1100, %bitcast3A : vector<16xf32>
        %add3A_1116 = arith.addf %scan3A_1101, %bitcast3A_1114 : vector<16xf32>
        %mul3A_1117 = arith.constant 2 : i32
        %mul3A_1118 = arith.muli %mul3A_1117, %scan3A_1099 : i32
        %add3A_1119 = arith.constant 0 : i32
        %add3A_1120 = arith.addi %mul3A_1118, %add3A_1119 : i32
        %get3A_1121 = arith.index_cast %add3A_1120 : i32 to index
        %get3A_1122 = arith.constant 16 : index
        %get3A_1123 = tpu.vector_load %arg17[%get3A_1121, %get3A_1122] {strides = array<i32>} : memref<100x64xi32, #tpu.memory_space<vmem>>, vector<16xi32>,
        %shift_left3A_1124 = arith.shli %get3A_1123, %broadcast_in_dim3A_3 : vector<16xi32>
        %bitcast3A_1125 = vector.bitcast %shift_left3A_1124 : vector<16xi32> to vector<16xf32>
        %bitcast3A_1126 = vector.bitcast %get3A_1123 : vector<16xi32> to vector<16xf32>
        %add3A_1127 = arith.addf %scan3A_1102, %bitcast3A_1125 : vector<16xf32>
        %add3A_1128 = arith.addf %scan3A_1103, %bitcast3A_1126 : vector<16xf32>
        %mul3A_1129 = arith.constant 2 : i32
        %mul3A_1130 = arith.muli %mul3A_1129, %scan3A_1099 : i32
        %add3A_1131 = arith.constant 0 : i32
        %add3A_1132 = arith.addi %mul3A_1130, %add3A_1131 : i32
        %get3A_1133 = arith.index_cast %add3A_1132 : i32 to index
        %get3A_1134 = arith.constant 32 : index
        %get3A_1135 = tpu.vector_load %arg17[%get3A_1133, %get3A_1134] {strides = array<i32>} : memref<100x64xi32, #tpu.memory_space<vmem>>, vector<16xi32>,
        %shift_left3A_1136 = arith.shli %get3A_1135, %broadcast_in_dim3A_3 : vector<16xi32>
        %bitcast3A_1137 = vector.bitcast %shift_left3A_1136 : vector<16xi32> to vector<16xf32>
        %bitcast3A_1138 = vector.bitcast %get3A_1135 : vector<16xi32> to vector<16xf32>
        %add3A_1139 = arith.addf %scan3A_1104, %bitcast3A_1137 : vector<16xf32>
        %add3A_1140 = arith.addf %scan3A_1105, %bitcast3A_1138 : vector<16xf32>
        %mul3A_1141 = arith.constant 2 : i32
        %mul3A_1142 = arith.muli %mul3A_1141, %scan3A_1099 : i32
        %add3A_1143 = arith.constant 0 : i32
        %add3A_1144 = arith.addi %mul3A_1142, %add3A_1143 : i32
        %get3A_1145 = arith.index_cast %add3A_1144 : i32 to index
        %get3A_1146 = arith.constant 48 : index
        %get3A_1147 = tpu.vector_load %arg17[%get3A_1145, %get3A_1146] {strides = array<i32>} : memref<100x64xi32, #tpu.memory_space<vmem>>, vector<16xi32>,
        %shift_left3A_1148 = arith.shli %get3A_1147, %broadcast_in_dim3A_3 : vector<16xi32>
        %bitcast3A_1149 = vector.bitcast %shift_left3A_1148 : vector<16xi32> to vector<16xf32>
        %bitcast3A_1150 = vector.bitcast %get3A_1147 : vector<16xi32> to vector<16xf32>
        %add3A_1151 = arith.addf %scan3A_1106, %bitcast3A_1149 : vector<16xf32>
        %add3A_1152 = arith.addf %scan3A_1107, %bitcast3A_1150 : vector<16xf32>
        %mul3A_1153 = arith.constant 2 : i32
        %mul3A_1154 = arith.muli %mul3A_1153, %scan3A_1099 : i32
        %add3A_1155 = arith.constant 0 : i32
        %add3A_1156 = arith.addi %mul3A_1154, %add3A_1155 : i32
        %get3A_1157 = arith.index_cast %add3A_1156 : i32 to index
        %get3A_1158 = arith.constant 0 : index
        %get3A_1159 = tpu.vector_load %arg18[%get3A_1157, %get3A_1158] {strides = array<i32>} : memref<100x64xi32, #tpu.memory_space<vmem>>, vector<16xi32>,
        %shift_left3A_1160 = arith.shli %get3A_1159, %broadcast_in_dim3A_3 : vector<16xi32>
        %bitcast3A_1161 = vector.bitcast %shift_left3A_1160 : vector<16xi32> to vector<16xf32>
        %bitcast3A_1162 = vector.bitcast %get3A_1159 : vector<16xi32> to vector<16xf32>
        %add3A_1163 = arith.addf %add3A_1115, %bitcast3A_1161 : vector<16xf32>
        %add3A_1164 = arith.addf %add3A_1116, %bitcast3A_1162 : vector<16xf32>
        %mul3A_1165 = arith.constant 2 : i32
        %mul3A_1166 = arith.muli %mul3A_1165, %scan3A_1099 : i32
        %add3A_1167 = arith.constant 0 : i32
        %add3A_1168 = arith.addi %mul3A_1166, %add3A_1167 : i32
        %get3A_1169 = arith.index_cast %add3A_1168 : i32 to index
        %get3A_1170 = arith.constant 16 : index
        %get3A_1171 = tpu.vector_load %arg18[%get3A_1169, %get3A_1170] {strides = array<i32>} : memref<100x64xi32, #tpu.memory_space<vmem>>, vector<16xi32>,
        %shift_left3A_1172 = arith.shli %get3A_1171, %broadcast_in_dim3A_3 : vector<16xi32>
        %bitcast3A_1173 = vector.bitcast %shift_left3A_1172 : vector<16xi32> to vector<16xf32>
        %bitcast3A_1174 = vector.bitcast %get3A_1171 : vector<16xi32> to vector<16xf32>
        %add3A_1175 = arith.addf %add3A_1127, %bitcast3A_1173 : vector<16xf32>
        %add3A_1176 = arith.addf %add3A_1128, %bitcast3A_1174 : vector<16xf32>
        %mul3A_1177 = arith.constant 2 : i32
        %mul3A_1178 = arith.muli %mul3A_1177, %scan3A_1099 : i32
        %add3A_1179 = arith.constant 0 : i32
        %add3A_1180 = arith.addi %mul3A_1178, %add3A_1179 : i32
        %get3A_1181 = arith.index_cast %add3A_1180 : i32 to index
        %get3A_1182 = arith.constant 32 : index
        %get3A_1183 = tpu.vector_load %arg18[%get3A_1181, %get3A_1182] {strides = array<i32>} : memref<100x64xi32, #tpu.memory_space<vmem>>, vector<16xi32>,
        %shift_left3A_1184 = arith.shli %get3A_1183, %broadcast_in_dim3A_3 : vector<16xi32>
        %bitcast3A_1185 = vector.bitcast %shift_left3A_1184 : vector<16xi32> to vector<16xf32>
        %bitcast3A_1186 = vector.bitcast %get3A_1183 : vector<16xi32> to vector<16xf32>
        %add3A_1187 = arith.addf %add3A_1139, %bitcast3A_1185 : vector<16xf32>
        %add3A_1188 = arith.addf %add3A_1140, %bitcast3A_1186 : vector<16xf32>
        %mul3A_1189 = arith.constant 2 : i32
        %mul3A_1190 = arith.muli %mul3A_1189, %scan3A_1099 : i32
        %add3A_1191 = arith.constant 0 : i32
        %add3A_1192 = arith.addi %mul3A_1190, %add3A_1191 : i32
        %get3A_1193 = arith.index_cast %add3A_1192 : i32 to index
        %get3A_1194 = arith.constant 48 : index
        %get3A_1195 = tpu.vector_load %arg18[%get3A_1193, %get3A_1194] {strides = array<i32>} : memref<100x64xi32, #tpu.memory_space<vmem>>, vector<16xi32>,
        %shift_left3A_1196 = arith.shli %get3A_1195, %broadcast_in_dim3A_3 : vector<16xi32>
        %bitcast3A_1197 = vector.bitcast %shift_left3A_1196 : vector<16xi32> to vector<16xf32>
        %bitcast3A_1198 = vector.bitcast %get3A_1195 : vector<16xi32> to vector<16xf32>
        %add3A_1199 = arith.addf %add3A_1151, %bitcast3A_1197 : vector<16xf32>
        %add3A_1200 = arith.addf %add3A_1152, %bitcast3A_1198 : vector<16xf32>
        %mul3A_1201 = arith.constant 2 : i32
        %mul3A_1202 = arith.muli %mul3A_1201, %scan3A_1099 : i32
        %add3A_1203 = arith.constant 1 : i32
        %add3A_1204 = arith.addi %mul3A_1202, %add3A_1203 : i32
        %get3A_1205 = arith.index_cast %add3A_1204 : i32 to index
        %get3A_1206 = arith.constant 0 : index
        %get3A_1207 = tpu.vector_load %arg17[%get3A_1205, %get3A_1206] {strides = array<i32>} : memref<100x64xi32, #tpu.memory_space<vmem>>, vector<16xi32>,
        %shift_left3A_1208 = arith.shli %get3A_1207, %broadcast_in_dim3A_3 : vector<16xi32>
        %bitcast3A_1209 = vector.bitcast %shift_left3A_1208 : vector<16xi32> to vector<16xf32>
        %bitcast3A_1210 = vector.bitcast %get3A_1207 : vector<16xi32> to vector<16xf32>
        %add3A_1211 = arith.addf %add3A_1163, %bitcast3A_1209 : vector<16xf32>
        %add3A_1212 = arith.addf %add3A_1164, %bitcast3A_1210 : vector<16xf32>
        %mul3A_1213 = arith.constant 2 : i32
        %mul3A_1214 = arith.muli %mul3A_1213, %scan3A_1099 : i32
        %add3A_1215 = arith.constant 1 : i32
        %add3A_1216 = arith.addi %mul3A_1214, %add3A_1215 : i32
        %get3A_1217 = arith.index_cast %add3A_1216 : i32 to index
        %get3A_1218 = arith.constant 16 : index
        %get3A_1219 = tpu.vector_load %arg17[%get3A_1217, %get3A_1218] {strides = array<i32>} : memref<100x64xi32, #tpu.memory_space<vmem>>, vector<16xi32>,
        %shift_left3A_1220 = arith.shli %get3A_1219, %broadcast_in_dim3A_3 : vector<16xi32>
        %bitcast3A_1221 = vector.bitcast %shift_left3A_1220 : vector<16xi32> to vector<16xf32>
        %bitcast3A_1222 = vector.bitcast %get3A_1219 : vector<16xi32> to vector<16xf32>
        %add3A_1223 = arith.addf %add3A_1175, %bitcast3A_1221 : vector<16xf32>
        %add3A_1224 = arith.addf %add3A_1176, %bitcast3A_1222 : vector<16xf32>
        %mul3A_1225 = arith.constant 2 : i32
        %mul3A_1226 = arith.muli %mul3A_1225, %scan3A_1099 : i32
        %add3A_1227 = arith.constant 1 : i32
        %add3A_1228 = arith.addi %mul3A_1226, %add3A_1227 : i32
        %get3A_1229 = arith.index_cast %add3A_1228 : i32 to index
        %get3A_1230 = arith.constant 32 : index
        %get3A_1231 = tpu.vector_load %arg17[%get3A_1229, %get3A_1230] {strides = array<i32>} : memref<100x64xi32, #tpu.memory_space<vmem>>, vector<16xi32>,
        %shift_left3A_1232 = arith.shli %get3A_1231, %broadcast_in_dim3A_3 : vector<16xi32>
        %bitcast3A_1233 = vector.bitcast %shift_left3A_1232 : vector<16xi32> to vector<16xf32>
        %bitcast3A_1234 = vector.bitcast %get3A_1231 : vector<16xi32> to vector<16xf32>
        %add3A_1235 = arith.addf %add3A_1187, %bitcast3A_1233 : vector<16xf32>
        %add3A_1236 = arith.addf %add3A_1188, %bitcast3A_1234 : vector<16xf32>
        %mul3A_1237 = arith.constant 2 : i32
        %mul3A_1238 = arith.muli %mul3A_1237, %scan3A_1099 : i32
        %add3A_1239 = arith.constant 1 : i32
        %add3A_1240 = arith.addi %mul3A_1238, %add3A_1239 : i32
        %get3A_1241 = arith.index_cast %add3A_1240 : i32 to index
        %get3A_1242 = arith.constant 48 : index
        %get3A_1243 = tpu.vector_load %arg17[%get3A_1241, %get3A_1242] {strides = array<i32>} : memref<100x64xi32, #tpu.memory_space<vmem>>, vector<16xi32>,
        %shift_left3A_1244 = arith.shli %get3A_1243, %broadcast_in_dim3A_3 : vector<16xi32>
        %bitcast3A_1245 = vector.bitcast %shift_left3A_1244 : vector<16xi32> to vector<16xf32>
        %bitcast3A_1246 = vector.bitcast %get3A_1243 : vector<16xi32> to vector<16xf32>
        %add3A_1247 = arith.addf %add3A_1199, %bitcast3A_1245 : vector<16xf32>
        %add3A_1248 = arith.addf %add3A_1200, %bitcast3A_1246 : vector<16xf32>
        %mul3A_1249 = arith.constant 2 : i32
        %mul3A_1250 = arith.muli %mul3A_1249, %scan3A_1099 : i32
        %add3A_1251 = arith.constant 1 : i32
        %add3A_1252 = arith.addi %mul3A_1250, %add3A_1251 : i32
        %get3A_1253 = arith.index_cast %add3A_1252 : i32 to index
        %get3A_1254 = arith.constant 0 : index
        %get3A_1255 = tpu.vector_load %arg18[%get3A_1253, %get3A_1254] {strides = array<i32>} : memref<100x64xi32, #tpu.memory_space<vmem>>, vector<16xi32>,
        %shift_left3A_1256 = arith.shli %get3A_1255, %broadcast_in_dim3A_3 : vector<16xi32>
        %bitcast3A_1257 = vector.bitcast %shift_left3A_1256 : vector<16xi32> to vector<16xf32>
        %bitcast3A_1258 = vector.bitcast %get3A_1255 : vector<16xi32> to vector<16xf32>
        %add3A_1259 = arith.addf %add3A_1211, %bitcast3A_1257 : vector<16xf32>
        %add3A_1260 = arith.addf %add3A_1212, %bitcast3A_1258 : vector<16xf32>
        %mul3A_1261 = arith.constant 2 : i32
        %mul3A_1262 = arith.muli %mul3A_1261, %scan3A_1099 : i32
        %add3A_1263 = arith.constant 1 : i32
        %add3A_1264 = arith.addi %mul3A_1262, %add3A_1263 : i32
        %get3A_1265 = arith.index_cast %add3A_1264 : i32 to index
        %get3A_1266 = arith.constant 16 : index
        %get3A_1267 = tpu.vector_load %arg18[%get3A_1265, %get3A_1266] {strides = array<i32>} : memref<100x64xi32, #tpu.memory_space<vmem>>, vector<16xi32>,
        %shift_left3A_1268 = arith.shli %get3A_1267, %broadcast_in_dim3A_3 : vector<16xi32>
        %bitcast3A_1269 = vector.bitcast %shift_left3A_1268 : vector<16xi32> to vector<16xf32>
        %bitcast3A_1270 = vector.bitcast %get3A_1267 : vector<16xi32> to vector<16xf32>
        %add3A_1271 = arith.addf %add3A_1223, %bitcast3A_1269 : vector<16xf32>
        %add3A_1272 = arith.addf %add3A_1224, %bitcast3A_1270 : vector<16xf32>
        %mul3A_1273 = arith.constant 2 : i32
        %mul3A_1274 = arith.muli %mul3A_1273, %scan3A_1099 : i32
        %add3A_1275 = arith.constant 1 : i32
        %add3A_1276 = arith.addi %mul3A_1274, %add3A_1275 : i32
        %get3A_1277 = arith.index_cast %add3A_1276 : i32 to index
        %get3A_1278 = arith.constant 32 : index
        %get3A_1279 = tpu.vector_load %arg18[%get3A_1277, %get3A_1278] {strides = array<i32>} : memref<100x64xi32, #tpu.memory_space<vmem>>, vector<16xi32>,
        %shift_left3A_1280 = arith.shli %get3A_1279, %broadcast_in_dim3A_3 : vector<16xi32>
        %bitcast3A_1281 = vector.bitcast %shift_left3A_1280 : vector<16xi32> to vector<16xf32>
        %bitcast3A_1282 = vector.bitcast %get3A_1279 : vector<16xi32> to vector<16xf32>
        %add3A_1283 = arith.addf %add3A_1235, %bitcast3A_1281 : vector<16xf32>
        %add3A_1284 = arith.addf %add3A_1236, %bitcast3A_1282 : vector<16xf32>
        %mul3A_1285 = arith.constant 2 : i32
        %mul3A_1286 = arith.muli %mul3A_1285, %scan3A_1099 : i32
        %add3A_1287 = arith.constant 1 : i32
        %add3A_1288 = arith.addi %mul3A_1286, %add3A_1287 : i32
        %get3A_1289 = arith.index_cast %add3A_1288 : i32 to index
        %get3A_1290 = arith.constant 48 : index
        %get3A_1291 = tpu.vector_load %arg18[%get3A_1289, %get3A_1290] {strides = array<i32>} : memref<100x64xi32, #tpu.memory_space<vmem>>, vector<16xi32>,
        %shift_left3A_1292 = arith.shli %get3A_1291, %broadcast_in_dim3A_3 : vector<16xi32>
        %bitcast3A_1293 = vector.bitcast %shift_left3A_1292 : vector<16xi32> to vector<16xf32>
        %bitcast3A_1294 = vector.bitcast %get3A_1291 : vector<16xi32> to vector<16xf32>
        %add3A_1295 = arith.addf %add3A_1247, %bitcast3A_1293 : vector<16xf32>
        %add3A_1296 = arith.addf %add3A_1248, %bitcast3A_1294 : vector<16xf32>
        scf.yield %add3A_1259, %add3A_1260, %add3A_1271, %add3A_1272, %add3A_1283, %add3A_1284, %add3A_1295, %add3A_1296 : vector<16xf32>, vector<16xf32>, vector<16xf32>, vector<16xf32>, vector<16xf32>, vector<16xf32>, vector<16xf32>, vector<16xf32>
      }
      %scan3A_835 = arith.constant 50 : i32
      %rem3A_836 = arith.constant 32 : i32
      %rem3A_837 = arith.remsi %add3A_787, %rem3A_836 : i32
      %mul3A_838 = arith.constant 128 : i32
      %mul3A_839 = arith.muli %rem3A_837, %mul3A_838 : i32
      %add3A_840 = arith.constant 0 : i32
      %add3A_841 = arith.addi %mul3A_839, %add3A_840 : i32
      %swap3A_842 = arith.index_cast %add3A_841 : i32 to index
      %swap3A_843 = tpu.vector_load %arg6[%swap3A_842] {strides = array<i32>} : memref<4096xf32, #tpu.memory_space<vmem>>, vector<16xf32>,
      tpu.vector_store %arg6[%swap3A_842], %scan3A_834#0 {strides = array<i32>} : memref<4096xf32, #tpu.memory_space<vmem>>, vector<16xf32>,
      %add3A_844 = arith.constant 16 : i32
      %add3A_845 = arith.addi %mul3A_839, %add3A_844 : i32
      %swap3A_846 = arith.index_cast %add3A_845 : i32 to index
      %swap3A_847 = tpu.vector_load %arg6[%swap3A_846] {strides = array<i32>} : memref<4096xf32, #tpu.memory_space<vmem>>, vector<16xf32>,
      tpu.vector_store %arg6[%swap3A_846], %scan3A_834#1 {strides = array<i32>} : memref<4096xf32, #tpu.memory_space<vmem>>, vector<16xf32>,
      %add3A_848 = arith.constant 32 : i32
      %add3A_849 = arith.addi %mul3A_839, %add3A_848 : i32
      %swap3A_850 = arith.index_cast %add3A_849 : i32 to index
      %swap3A_851 = tpu.vector_load %arg6[%swap3A_850] {strides = array<i32>} : memref<4096xf32, #tpu.memory_space<vmem>>, vector<16xf32>,
      tpu.vector_store %arg6[%swap3A_850], %scan3A_834#2 {strides = array<i32>} : memref<4096xf32, #tpu.memory_space<vmem>>, vector<16xf32>,
      %add3A_852 = arith.constant 48 : i32
      %add3A_853 = arith.addi %mul3A_839, %add3A_852 : i32
      %swap3A_854 = arith.index_cast %add3A_853 : i32 to index
      %swap3A_855 = tpu.vector_load %arg6[%swap3A_854] {strides = array<i32>} : memref<4096xf32, #tpu.memory_space<vmem>>, vector<16xf32>,
      tpu.vector_store %arg6[%swap3A_854], %scan3A_834#3 {strides = array<i32>} : memref<4096xf32, #tpu.memory_space<vmem>>, vector<16xf32>,
      %add3A_856 = arith.constant 64 : i32
      %add3A_857 = arith.addi %mul3A_839, %add3A_856 : i32
      %swap3A_858 = arith.index_cast %add3A_857 : i32 to index
      %swap3A_859 = tpu.vector_load %arg6[%swap3A_858] {strides = array<i32>} : memref<4096xf32, #tpu.memory_space<vmem>>, vector<16xf32>,
      tpu.vector_store %arg6[%swap3A_858], %scan3A_834#4 {strides = array<i32>} : memref<4096xf32, #tpu.memory_space<vmem>>, vector<16xf32>,
      %add3A_860 = arith.constant 80 : i32
      %add3A_861 = arith.addi %mul3A_839, %add3A_860 : i32
      %swap3A_862 = arith.index_cast %add3A_861 : i32 to index
      %swap3A_863 = tpu.vector_load %arg6[%swap3A_862] {strides = array<i32>} : memref<4096xf32, #tpu.memory_space<vmem>>, vector<16xf32>,
      tpu.vector_store %arg6[%swap3A_862], %scan3A_834#5 {strides = array<i32>} : memref<4096xf32, #tpu.memory_space<vmem>>, vector<16xf32>,
      %add3A_864 = arith.constant 96 : i32
      %add3A_865 = arith.addi %mul3A_839, %add3A_864 : i32
      %swap3A_866 = arith.index_cast %add3A_865 : i32 to index
      %swap3A_867 = tpu.vector_load %arg6[%swap3A_866] {strides = array<i32>} : memref<4096xf32, #tpu.memory_space<vmem>>, vector<16xf32>,
      tpu.vector_store %arg6[%swap3A_866], %scan3A_834#6 {strides = array<i32>} : memref<4096xf32, #tpu.memory_space<vmem>>, vector<16xf32>,
      %add3A_868 = arith.constant 112 : i32
      %add3A_869 = arith.addi %mul3A_839, %add3A_868 : i32
      %swap3A_870 = arith.index_cast %add3A_869 : i32 to index
      %swap3A_871 = tpu.vector_load %arg6[%swap3A_870] {strides = array<i32>} : memref<4096xf32, #tpu.memory_space<vmem>>, vector<16xf32>,
      tpu.vector_store %arg6[%swap3A_870], %scan3A_834#7 {strides = array<i32>} : memref<4096xf32, #tpu.memory_space<vmem>>, vector<16xf32>,
      %rem3A_872 = arith.constant 32 : i32
      %rem3A_873 = arith.remsi %add3A_789, %rem3A_872 : i32
      %eq3A_874 = arith.constant 0 : i32
      %eq3A_875 = arith.cmpi eq, %rem3A_873, %eq3A_874 : i32
      %lt3A_876 = arith.constant 512 : i32
      %lt3A_877 = arith.cmpi slt, %add3A_789, %lt3A_876 : i32
      %and3A_878 = arith.andi %eq3A_875, %lt3A_877 : i1
      %convert_element_type3A_879 = arith.extui %and3A_878 : i1 to i32
      %cond3A_880 = arith.constant 0 : i32
      %cond3A_881 = arith.cmpi ne, %convert_element_type3A_879, %cond3A_880 : i32
      scf.if %cond3A_881 {
        %jit3A = arith.constant 32 : i32
        %div3A_1099 = arith.divsi %add3A_789, %jit3A : i32
        %sign3A = arith.constant 0 : i32
        %sign3A_1100 = arith.cmpi sgt, %add3A_789, %sign3A : i32
        %sign3A_1101 = arith.extui %sign3A_1100 : i1 to i32
        %sign3A_1102 = arith.constant 0 : i32
        %sign3A_1103 = arith.cmpi slt, %add3A_789, %sign3A_1102 : i32
        %sign3A_1104 = arith.extui %sign3A_1103 : i1 to i32
        %sign3A_1105 = arith.subi %sign3A_1101, %sign3A_1104 : i32
        %sign3A_1106 = arith.constant 0 : i32
        %sign3A_1107 = arith.cmpi sgt, %jit3A, %sign3A_1106 : i32
        %sign3A_1108 = arith.extui %sign3A_1107 : i1 to i32
        %sign3A_1109 = arith.constant 0 : i32
        %sign3A_1110 = arith.cmpi slt, %jit3A, %sign3A_1109 : i32
        %sign3A_1111 = arith.extui %sign3A_1110 : i1 to i32
        %sign3A_1112 = arith.subi %sign3A_1108, %sign3A_1111 : i32
        %ne3A = arith.cmpi ne, %sign3A_1105, %sign3A_1112 : i32
        %rem3A_1113 = arith.remsi %add3A_789, %jit3A : i32
        %ne3A_1114 = arith.constant 0 : i32
        %ne3A_1115 = arith.cmpi ne, %rem3A_1113, %ne3A_1114 : i32
        %and3A_1116 = arith.andi %ne3A, %ne3A_1115 : i1
        %sub3A_1117 = arith.constant 1 : i32
        %sub3A_1118 = arith.subi %div3A_1099, %sub3A_1117 : i32
        %select_n3A = arith.select %and3A_1116, %sub3A_1118, %div3A_1099 : i32
        %rem3A_1119 = arith.constant 2 : i32
        %rem3A_1120 = arith.remsi %select_n3A, %rem3A_1119 : i32
        %mul3A_1121 = arith.constant 16 : i32
        %mul3A_1122 = arith.muli %add3A, %mul3A_1121 : i32
        %add3A_1123 = arith.addi %mul3A_1122, %select_n3A : i32
        "tpu.region"() ({
          %run_scoped3A = tpu.sem_alloc : memref<!tpu.dma_semaphore, #tpu.memory_space<semaphore_mem>>
          %dma_start3A_1124 = arith.constant 0 : i32
          %dma_start3A_1125 = arith.constant 0 : i32
          %dma_start3A_1126 = tpu.memref_slice %arg5[%rem3A_1120, %dma_start3A_1124, %dma_start3A_1125] : memref<2x64x100xi32, #tpu.memory_space<vmem>> -> memref<1x64x100xi32, #tpu.memory_space<vmem>>
          %dma_start3A_1127 = tpu.memref_squeeze %dma_start3A_1126 : memref<1x64x100xi32, #tpu.memory_space<vmem>> -> memref<64x100xi32, #tpu.memory_space<vmem>>
          %dma_start3A_1128 = arith.constant 0 : i32
          %dma_start3A_1129 = arith.constant 0 : i32
          %dma_start3A_1130 = tpu.memref_slice %arg2[%add3A_1123, %dma_start3A_1128, %dma_start3A_1129] : memref<512x64x100xi32, #tpu.memory_space<hbm>> -> memref<1x64x100xi32, #tpu.memory_space<hbm>>
          %dma_start3A_1131 = tpu.memref_squeeze %dma_start3A_1130 : memref<1x64x100xi32, #tpu.memory_space<hbm>> -> memref<64x100xi32, #tpu.memory_space<hbm>>
          %dma_start3A_1132 = arith.constant 0 : i32
          %dma_start3A_1133 = arith.constant 0 : i32
          %dma_start3A_1134 = tpu.memref_slice %arg5[%rem3A_1120, %dma_start3A_1132, %dma_start3A_1133] : memref<2x64x100xi32, #tpu.memory_space<vmem>> -> memref<1x64x100xi32, #tpu.memory_space<vmem>>
          %dma_start3A_1135 = tpu.memref_squeeze %dma_start3A_1134 : memref<1x64x100xi32, #tpu.memory_space<vmem>> -> memref<64x100xi32, #tpu.memory_space<vmem>>
          %dma_start3A_1136 = arith.constant 0 : i32
          %dma_start3A_1137 = arith.constant 0 : i32
          %dma_start3A_1138 = tpu.memref_slice %arg2[%add3A_1123, %dma_start3A_1136, %dma_start3A_1137] : memref<512x64x100xi32, #tpu.memory_space<hbm>> -> memref<1x64x100xi32, #tpu.memory_space<hbm>>
          %dma_start3A_1139 = tpu.memref_squeeze %dma_start3A_1138 : memref<1x64x100xi32, #tpu.memory_space<hbm>> -> memref<64x100xi32, #tpu.memory_space<hbm>>
          tpu.enqueue_dma source(%dma_start3A_1139 : memref<64x100xi32, #tpu.memory_space<hbm>>) target(%dma_start3A_1135 : memref<64x100xi32, #tpu.memory_space<vmem>>) target_semaphore(%run_scoped3A : memref<!tpu.dma_semaphore, #tpu.memory_space<semaphore_mem>>)
          %dma_wait3A_1140 = arith.constant 0 : i32
          %dma_wait3A_1141 = arith.constant 0 : i32
          %dma_wait3A_1142 = tpu.memref_slice %arg5[%rem3A_1120, %dma_wait3A_1140, %dma_wait3A_1141] : memref<2x64x100xi32, #tpu.memory_space<vmem>> -> memref<1x64x100xi32, #tpu.memory_space<vmem>>
          %dma_wait3A_1143 = tpu.memref_squeeze %dma_wait3A_1142 : memref<1x64x100xi32, #tpu.memory_space<vmem>> -> memref<64x100xi32, #tpu.memory_space<vmem>>
          %dma_wait3A_1144 = arith.constant 0 : i32
          %dma_wait3A_1145 = arith.constant 0 : i32
          %dma_wait3A_1146 = tpu.memref_slice %arg2[%add3A_1123, %dma_wait3A_1144, %dma_wait3A_1145] : memref<512x64x100xi32, #tpu.memory_space<hbm>> -> memref<1x64x100xi32, #tpu.memory_space<hbm>>
          %dma_wait3A_1147 = tpu.memref_squeeze %dma_wait3A_1146 : memref<1x64x100xi32, #tpu.memory_space<hbm>> -> memref<64x100xi32, #tpu.memory_space<hbm>>
          %dma_wait3A_1148 = arith.constant 0 : i32
          %dma_wait3A_1149 = arith.constant 0 : i32
          %dma_wait3A_1150 = tpu.memref_slice %arg5[%rem3A_1120, %dma_wait3A_1148, %dma_wait3A_1149] : memref<2x64x100xi32, #tpu.memory_space<vmem>> -> memref<1x64x100xi32, #tpu.memory_space<vmem>>
          %dma_wait3A_1151 = tpu.memref_squeeze %dma_wait3A_1150 : memref<1x64x100xi32, #tpu.memory_space<vmem>> -> memref<64x100xi32, #tpu.memory_space<vmem>>
          %dma_wait3A_1152 = arith.constant 0 : i32
          %dma_wait3A_1153 = arith.constant 0 : i32
          %dma_wait3A_1154 = tpu.memref_slice %arg2[%add3A_1123, %dma_wait3A_1152, %dma_wait3A_1153] : memref<512x64x100xi32, #tpu.memory_space<hbm>> -> memref<1x64x100xi32, #tpu.memory_space<hbm>>
          %dma_wait3A_1155 = tpu.memref_squeeze %dma_wait3A_1154 : memref<1x64x100xi32, #tpu.memory_space<hbm>> -> memref<64x100xi32, #tpu.memory_space<hbm>>
          tpu.wait_dma2 semaphore(%run_scoped3A : memref<!tpu.dma_semaphore, #tpu.memory_space<semaphore_mem>>) src(%dma_wait3A_1155 : memref<64x100xi32, #tpu.memory_space<hbm>>) dst(%dma_wait3A_1151 : memref<64x100xi32, #tpu.memory_space<vmem>>)
          tpu.yield
        }) : () -> ()
      } else {
      }
      %lt3A_882 = arith.constant 512 : i32
      %lt3A_883 = arith.cmpi slt, %add3A_789, %lt3A_882 : i32
      %convert_element_type3A_884 = arith.extui %lt3A_883 : i1 to i32
      %cond3A_885 = arith.constant 0 : i32
      %cond3A_886 = arith.cmpi ne, %convert_element_type3A_884, %cond3A_885 : i32
      scf.if %cond3A_886 {
        %div3A_1099 = arith.constant 32 : i32
        %div3A_1100 = arith.divsi %add3A_789, %div3A_1099 : i32
        %rem3A_1101 = arith.constant 2 : i32
        %rem3A_1102 = arith.remsi %div3A_1100, %rem3A_1101 : i32
        %rem3A_1103 = arith.constant 32 : i32
        %rem3A_1104 = arith.remsi %add3A_789, %rem3A_1103 : i32
        %mul3A_1105 = arith.constant 2 : i32
        %mul3A_1106 = arith.muli %rem3A_1104, %mul3A_1105 : i32
        %add3A_1107 = arith.constant 0 : i32
        %add3A_1108 = arith.addi %mul3A_1106, %add3A_1107 : i32
        %dma_start3A_1109 = arith.constant 0 : i32
        %dma_start3A_1110 = arith.constant 0 : i32
        %dma_start3A_1111 = tpu.memref_slice %arg5[%rem3A_1102, %dma_start3A_1109, %dma_start3A_1110] : memref<2x64x100xi32, #tpu.memory_space<vmem>> -> memref<1x64x100xi32, #tpu.memory_space<vmem>>
        %dma_start3A_1112 = tpu.memref_squeeze %dma_start3A_1111 : memref<1x64x100xi32, #tpu.memory_space<vmem>> -> memref<64x100xi32, #tpu.memory_space<vmem>>
        %dma_start3A_1113 = arith.constant 0 : i32
        %dma_start3A_1114 = tpu.memref_slice %dma_start3A_1112[%add3A_1108, %dma_start3A_1113] : memref<64x100xi32, #tpu.memory_space<vmem>> -> memref<1x100xi32, #tpu.memory_space<vmem>>
        %dma_start3A_1115 = tpu.memref_squeeze %dma_start3A_1114 : memref<1x100xi32, #tpu.memory_space<vmem>> -> memref<100xi32, #tpu.memory_space<vmem>>
        %dma_start3A_1116 = arith.constant 0 : i32
        %dma_start3A_1117 = arith.constant 0 : i32
        %dma_start3A_1118 = tpu.memref_slice %arg3[%dma_start3A_1116, %dma_start3A_1117] : memref<101250x64xi32, #tpu.memory_space<hbm>> -> memref<101250x64xi32, #tpu.memory_space<hbm>>
        tpu.enqueue_indirect_dma source(%dma_start3A_1118 : memref<101250x64xi32, #tpu.memory_space<hbm>>) target(%arg17 : memref<100x64xi32, #tpu.memory_space<vmem>>) offsets(%dma_start3A_1115 : memref<100xi32, #tpu.memory_space<vmem>>) semaphore(%arg28 : memref<!tpu.dma_semaphore, #tpu.memory_space<semaphore_mem>>)
        %add3A_1119 = arith.constant 1 : i32
        %add3A_1120 = arith.addi %mul3A_1106, %add3A_1119 : i32
        %dma_start3A_1121 = arith.constant 0 : i32
        %dma_start3A_1122 = arith.constant 0 : i32
        %dma_start3A_1123 = tpu.memref_slice %arg5[%rem3A_1102, %dma_start3A_1121, %dma_start3A_1122] : memref<2x64x100xi32, #tpu.memory_space<vmem>> -> memref<1x64x100xi32, #tpu.memory_space<vmem>>
        %dma_start3A_1124 = tpu.memref_squeeze %dma_start3A_1123 : memref<1x64x100xi32, #tpu.memory_space<vmem>> -> memref<64x100xi32, #tpu.memory_space<vmem>>
        %dma_start3A_1125 = arith.constant 0 : i32
        %dma_start3A_1126 = tpu.memref_slice %dma_start3A_1124[%add3A_1120, %dma_start3A_1125] : memref<64x100xi32, #tpu.memory_space<vmem>> -> memref<1x100xi32, #tpu.memory_space<vmem>>
        %dma_start3A_1127 = tpu.memref_squeeze %dma_start3A_1126 : memref<1x100xi32, #tpu.memory_space<vmem>> -> memref<100xi32, #tpu.memory_space<vmem>>
        %dma_start3A_1128 = arith.constant 0 : i32
        %dma_start3A_1129 = arith.constant 0 : i32
        %dma_start3A_1130 = tpu.memref_slice %arg3[%dma_start3A_1128, %dma_start3A_1129] : memref<101250x64xi32, #tpu.memory_space<hbm>> -> memref<101250x64xi32, #tpu.memory_space<hbm>>
        tpu.enqueue_indirect_dma source(%dma_start3A_1130 : memref<101250x64xi32, #tpu.memory_space<hbm>>) target(%arg18 : memref<100x64xi32, #tpu.memory_space<vmem>>) offsets(%dma_start3A_1127 : memref<100xi32, #tpu.memory_space<vmem>>) semaphore(%arg28 : memref<!tpu.dma_semaphore, #tpu.memory_space<semaphore_mem>>)
      } else {
      }
      %add3A_887 = arith.constant 6 : i32
      %add3A_888 = arith.addi %mul3A_287, %add3A_887 : i32
      %add3A_889 = arith.constant 8 : i32
      %add3A_890 = arith.addi %add3A_888, %add3A_889 : i32
      %dma_wait3A_891 = arith.constant 0 : i32
      %dma_wait3A_892 = arith.constant 0 : i32
      %dma_wait3A_893 = arith.constant 0 : i32
      %dma_wait3A_894 = arith.constant 0 : i32
      %dma_wait3A_895 = tpu.memref_slice %arg5[%dma_wait3A_891, %dma_wait3A_893, %dma_wait3A_894] : memref<2x64x100xi32, #tpu.memory_space<vmem>> -> memref<1x64x100xi32, #tpu.memory_space<vmem>>
      %dma_wait3A_896 = tpu.memref_squeeze %dma_wait3A_895 : memref<1x64x100xi32, #tpu.memory_space<vmem>> -> memref<64x100xi32, #tpu.memory_space<vmem>>
      %dma_wait3A_897 = arith.constant 0 : i32
      %dma_wait3A_898 = tpu.memref_slice %dma_wait3A_896[%dma_wait3A_892, %dma_wait3A_897] : memref<64x100xi32, #tpu.memory_space<vmem>> -> memref<1x100xi32, #tpu.memory_space<vmem>>
      %dma_wait3A_899 = tpu.memref_squeeze %dma_wait3A_898 : memref<1x100xi32, #tpu.memory_space<vmem>> -> memref<100xi32, #tpu.memory_space<vmem>>
      %dma_wait3A_900 = arith.constant 0 : i32
      %dma_wait3A_901 = arith.constant 0 : i32
      %dma_wait3A_902 = tpu.memref_slice %arg3[%dma_wait3A_900, %dma_wait3A_901] : memref<101250x64xi32, #tpu.memory_space<hbm>> -> memref<101250x64xi32, #tpu.memory_space<hbm>>
      tpu.wait_indirect_dma semaphore(%arg29 : memref<!tpu.dma_semaphore, #tpu.memory_space<semaphore_mem>>) src(%dma_wait3A_902 : memref<101250x64xi32, #tpu.memory_space<hbm>>) dst(%arg19 : memref<100x64xi32, #tpu.memory_space<vmem>>)
      %dma_wait3A_903 = arith.constant 0 : i32
      %dma_wait3A_904 = arith.constant 0 : i32
      %dma_wait3A_905 = arith.constant 0 : i32
      %dma_wait3A_906 = arith.constant 0 : i32
      %dma_wait3A_907 = tpu.memref_slice %arg5[%dma_wait3A_903, %dma_wait3A_905, %dma_wait3A_906] : memref<2x64x100xi32, #tpu.memory_space<vmem>> -> memref<1x64x100xi32, #tpu.memory_space<vmem>>
      %dma_wait3A_908 = tpu.memref_squeeze %dma_wait3A_907 : memref<1x64x100xi32, #tpu.memory_space<vmem>> -> memref<64x100xi32, #tpu.memory_space<vmem>>
      %dma_wait3A_909 = arith.constant 0 : i32
      %dma_wait3A_910 = tpu.memref_slice %dma_wait3A_908[%dma_wait3A_904, %dma_wait3A_909] : memref<64x100xi32, #tpu.memory_space<vmem>> -> memref<1x100xi32, #tpu.memory_space<vmem>>
      %dma_wait3A_911 = tpu.memref_squeeze %dma_wait3A_910 : memref<1x100xi32, #tpu.memory_space<vmem>> -> memref<100xi32, #tpu.memory_space<vmem>>
      %dma_wait3A_912 = arith.constant 0 : i32
      %dma_wait3A_913 = arith.constant 0 : i32
      %dma_wait3A_914 = tpu.memref_slice %arg3[%dma_wait3A_912, %dma_wait3A_913] : memref<101250x64xi32, #tpu.memory_space<hbm>> -> memref<101250x64xi32, #tpu.memory_space<hbm>>
      tpu.wait_indirect_dma semaphore(%arg29 : memref<!tpu.dma_semaphore, #tpu.memory_space<semaphore_mem>>) src(%dma_wait3A_914 : memref<101250x64xi32, #tpu.memory_space<hbm>>) dst(%arg20 : memref<100x64xi32, #tpu.memory_space<vmem>>)
      %broadcast_in_dim3A_915 = arith.constant 0.000000e+00 : f32
      %broadcast_in_dim3A_916 = vector.broadcast %broadcast_in_dim3A_915 : f32 to vector<16xf32>
      %broadcast_in_dim3A_917 = arith.constant 0.000000e+00 : f32
      %broadcast_in_dim3A_918 = vector.broadcast %broadcast_in_dim3A_917 : f32 to vector<16xf32>
      %broadcast_in_dim3A_919 = arith.constant 0.000000e+00 : f32
      %broadcast_in_dim3A_920 = vector.broadcast %broadcast_in_dim3A_919 : f32 to vector<16xf32>
      %broadcast_in_dim3A_921 = arith.constant 0.000000e+00 : f32
      %broadcast_in_dim3A_922 = vector.broadcast %broadcast_in_dim3A_921 : f32 to vector<16xf32>
      %broadcast_in_dim3A_923 = arith.constant 0.000000e+00 : f32
      %broadcast_in_dim3A_924 = vector.broadcast %broadcast_in_dim3A_923 : f32 to vector<16xf32>
      %broadcast_in_dim3A_925 = arith.constant 0.000000e+00 : f32
      %broadcast_in_dim3A_926 = vector.broadcast %broadcast_in_dim3A_925 : f32 to vector<16xf32>
      %broadcast_in_dim3A_927 = arith.constant 0.000000e+00 : f32
      %broadcast_in_dim3A_928 = vector.broadcast %broadcast_in_dim3A_927 : f32 to vector<16xf32>
      %broadcast_in_dim3A_929 = arith.constant 0.000000e+00 : f32
      %broadcast_in_dim3A_930 = vector.broadcast %broadcast_in_dim3A_929 : f32 to vector<16xf32>
      %scan3A_931 = arith.constant 0 : i32
      %scan3A_932 = arith.constant 50 : i32
      %scan3A_933 = arith.addi %scan3A_931, %scan3A_932 : i32
      %scan3A_934 = arith.constant 1 : i32
      %scan3A_935:8 = scf.for %scan3A_1099 = %scan3A_931 to %scan3A_933 step %scan3A_934 iter_args(%scan3A_1100 = %broadcast_in_dim3A_916, %scan3A_1101 = %broadcast_in_dim3A_918, %scan3A_1102 = %broadcast_in_dim3A_920, %scan3A_1103 = %broadcast_in_dim3A_922, %scan3A_1104 = %broadcast_in_dim3A_924, %scan3A_1105 = %broadcast_in_dim3A_926, %scan3A_1106 = %broadcast_in_dim3A_928, %scan3A_1107 = %broadcast_in_dim3A_930) -> (vector<16xf32>, vector<16xf32>, vector<16xf32>, vector<16xf32>, vector<16xf32>, vector<16xf32>, vector<16xf32>, vector<16xf32>)  : i32 {
        %mul3A_1108 = arith.constant 2 : i32
        %mul3A_1109 = arith.muli %mul3A_1108, %scan3A_1099 : i32
        %add3A_1110 = arith.constant 0 : i32
        %add3A_1111 = arith.addi %mul3A_1109, %add3A_1110 : i32
        %get3A = arith.index_cast %add3A_1111 : i32 to index
        %get3A_1112 = arith.constant 0 : index
        %get3A_1113 = tpu.vector_load %arg19[%get3A, %get3A_1112] {strides = array<i32>} : memref<100x64xi32, #tpu.memory_space<vmem>>, vector<16xi32>,
        %shift_left3A = arith.shli %get3A_1113, %broadcast_in_dim3A_3 : vector<16xi32>
        %bitcast3A = vector.bitcast %shift_left3A : vector<16xi32> to vector<16xf32>
        %bitcast3A_1114 = vector.bitcast %get3A_1113 : vector<16xi32> to vector<16xf32>
        %add3A_1115 = arith.addf %scan3A_1100, %bitcast3A : vector<16xf32>
        %add3A_1116 = arith.addf %scan3A_1101, %bitcast3A_1114 : vector<16xf32>
        %mul3A_1117 = arith.constant 2 : i32
        %mul3A_1118 = arith.muli %mul3A_1117, %scan3A_1099 : i32
        %add3A_1119 = arith.constant 0 : i32
        %add3A_1120 = arith.addi %mul3A_1118, %add3A_1119 : i32
        %get3A_1121 = arith.index_cast %add3A_1120 : i32 to index
        %get3A_1122 = arith.constant 16 : index
        %get3A_1123 = tpu.vector_load %arg19[%get3A_1121, %get3A_1122] {strides = array<i32>} : memref<100x64xi32, #tpu.memory_space<vmem>>, vector<16xi32>,
        %shift_left3A_1124 = arith.shli %get3A_1123, %broadcast_in_dim3A_3 : vector<16xi32>
        %bitcast3A_1125 = vector.bitcast %shift_left3A_1124 : vector<16xi32> to vector<16xf32>
        %bitcast3A_1126 = vector.bitcast %get3A_1123 : vector<16xi32> to vector<16xf32>
        %add3A_1127 = arith.addf %scan3A_1102, %bitcast3A_1125 : vector<16xf32>
        %add3A_1128 = arith.addf %scan3A_1103, %bitcast3A_1126 : vector<16xf32>
        %mul3A_1129 = arith.constant 2 : i32
        %mul3A_1130 = arith.muli %mul3A_1129, %scan3A_1099 : i32
        %add3A_1131 = arith.constant 0 : i32
        %add3A_1132 = arith.addi %mul3A_1130, %add3A_1131 : i32
        %get3A_1133 = arith.index_cast %add3A_1132 : i32 to index
        %get3A_1134 = arith.constant 32 : index
        %get3A_1135 = tpu.vector_load %arg19[%get3A_1133, %get3A_1134] {strides = array<i32>} : memref<100x64xi32, #tpu.memory_space<vmem>>, vector<16xi32>,
        %shift_left3A_1136 = arith.shli %get3A_1135, %broadcast_in_dim3A_3 : vector<16xi32>
        %bitcast3A_1137 = vector.bitcast %shift_left3A_1136 : vector<16xi32> to vector<16xf32>
        %bitcast3A_1138 = vector.bitcast %get3A_1135 : vector<16xi32> to vector<16xf32>
        %add3A_1139 = arith.addf %scan3A_1104, %bitcast3A_1137 : vector<16xf32>
        %add3A_1140 = arith.addf %scan3A_1105, %bitcast3A_1138 : vector<16xf32>
        %mul3A_1141 = arith.constant 2 : i32
        %mul3A_1142 = arith.muli %mul3A_1141, %scan3A_1099 : i32
        %add3A_1143 = arith.constant 0 : i32
        %add3A_1144 = arith.addi %mul3A_1142, %add3A_1143 : i32
        %get3A_1145 = arith.index_cast %add3A_1144 : i32 to index
        %get3A_1146 = arith.constant 48 : index
        %get3A_1147 = tpu.vector_load %arg19[%get3A_1145, %get3A_1146] {strides = array<i32>} : memref<100x64xi32, #tpu.memory_space<vmem>>, vector<16xi32>,
        %shift_left3A_1148 = arith.shli %get3A_1147, %broadcast_in_dim3A_3 : vector<16xi32>
        %bitcast3A_1149 = vector.bitcast %shift_left3A_1148 : vector<16xi32> to vector<16xf32>
        %bitcast3A_1150 = vector.bitcast %get3A_1147 : vector<16xi32> to vector<16xf32>
        %add3A_1151 = arith.addf %scan3A_1106, %bitcast3A_1149 : vector<16xf32>
        %add3A_1152 = arith.addf %scan3A_1107, %bitcast3A_1150 : vector<16xf32>
        %mul3A_1153 = arith.constant 2 : i32
        %mul3A_1154 = arith.muli %mul3A_1153, %scan3A_1099 : i32
        %add3A_1155 = arith.constant 0 : i32
        %add3A_1156 = arith.addi %mul3A_1154, %add3A_1155 : i32
        %get3A_1157 = arith.index_cast %add3A_1156 : i32 to index
        %get3A_1158 = arith.constant 0 : index
        %get3A_1159 = tpu.vector_load %arg20[%get3A_1157, %get3A_1158] {strides = array<i32>} : memref<100x64xi32, #tpu.memory_space<vmem>>, vector<16xi32>,
        %shift_left3A_1160 = arith.shli %get3A_1159, %broadcast_in_dim3A_3 : vector<16xi32>
        %bitcast3A_1161 = vector.bitcast %shift_left3A_1160 : vector<16xi32> to vector<16xf32>
        %bitcast3A_1162 = vector.bitcast %get3A_1159 : vector<16xi32> to vector<16xf32>
        %add3A_1163 = arith.addf %add3A_1115, %bitcast3A_1161 : vector<16xf32>
        %add3A_1164 = arith.addf %add3A_1116, %bitcast3A_1162 : vector<16xf32>
        %mul3A_1165 = arith.constant 2 : i32
        %mul3A_1166 = arith.muli %mul3A_1165, %scan3A_1099 : i32
        %add3A_1167 = arith.constant 0 : i32
        %add3A_1168 = arith.addi %mul3A_1166, %add3A_1167 : i32
        %get3A_1169 = arith.index_cast %add3A_1168 : i32 to index
        %get3A_1170 = arith.constant 16 : index
        %get3A_1171 = tpu.vector_load %arg20[%get3A_1169, %get3A_1170] {strides = array<i32>} : memref<100x64xi32, #tpu.memory_space<vmem>>, vector<16xi32>,
        %shift_left3A_1172 = arith.shli %get3A_1171, %broadcast_in_dim3A_3 : vector<16xi32>
        %bitcast3A_1173 = vector.bitcast %shift_left3A_1172 : vector<16xi32> to vector<16xf32>
        %bitcast3A_1174 = vector.bitcast %get3A_1171 : vector<16xi32> to vector<16xf32>
        %add3A_1175 = arith.addf %add3A_1127, %bitcast3A_1173 : vector<16xf32>
        %add3A_1176 = arith.addf %add3A_1128, %bitcast3A_1174 : vector<16xf32>
        %mul3A_1177 = arith.constant 2 : i32
        %mul3A_1178 = arith.muli %mul3A_1177, %scan3A_1099 : i32
        %add3A_1179 = arith.constant 0 : i32
        %add3A_1180 = arith.addi %mul3A_1178, %add3A_1179 : i32
        %get3A_1181 = arith.index_cast %add3A_1180 : i32 to index
        %get3A_1182 = arith.constant 32 : index
        %get3A_1183 = tpu.vector_load %arg20[%get3A_1181, %get3A_1182] {strides = array<i32>} : memref<100x64xi32, #tpu.memory_space<vmem>>, vector<16xi32>,
        %shift_left3A_1184 = arith.shli %get3A_1183, %broadcast_in_dim3A_3 : vector<16xi32>
        %bitcast3A_1185 = vector.bitcast %shift_left3A_1184 : vector<16xi32> to vector<16xf32>
        %bitcast3A_1186 = vector.bitcast %get3A_1183 : vector<16xi32> to vector<16xf32>
        %add3A_1187 = arith.addf %add3A_1139, %bitcast3A_1185 : vector<16xf32>
        %add3A_1188 = arith.addf %add3A_1140, %bitcast3A_1186 : vector<16xf32>
        %mul3A_1189 = arith.constant 2 : i32
        %mul3A_1190 = arith.muli %mul3A_1189, %scan3A_1099 : i32
        %add3A_1191 = arith.constant 0 : i32
        %add3A_1192 = arith.addi %mul3A_1190, %add3A_1191 : i32
        %get3A_1193 = arith.index_cast %add3A_1192 : i32 to index
        %get3A_1194 = arith.constant 48 : index
        %get3A_1195 = tpu.vector_load %arg20[%get3A_1193, %get3A_1194] {strides = array<i32>} : memref<100x64xi32, #tpu.memory_space<vmem>>, vector<16xi32>,
        %shift_left3A_1196 = arith.shli %get3A_1195, %broadcast_in_dim3A_3 : vector<16xi32>
        %bitcast3A_1197 = vector.bitcast %shift_left3A_1196 : vector<16xi32> to vector<16xf32>
        %bitcast3A_1198 = vector.bitcast %get3A_1195 : vector<16xi32> to vector<16xf32>
        %add3A_1199 = arith.addf %add3A_1151, %bitcast3A_1197 : vector<16xf32>
        %add3A_1200 = arith.addf %add3A_1152, %bitcast3A_1198 : vector<16xf32>
        %mul3A_1201 = arith.constant 2 : i32
        %mul3A_1202 = arith.muli %mul3A_1201, %scan3A_1099 : i32
        %add3A_1203 = arith.constant 1 : i32
        %add3A_1204 = arith.addi %mul3A_1202, %add3A_1203 : i32
        %get3A_1205 = arith.index_cast %add3A_1204 : i32 to index
        %get3A_1206 = arith.constant 0 : index
        %get3A_1207 = tpu.vector_load %arg19[%get3A_1205, %get3A_1206] {strides = array<i32>} : memref<100x64xi32, #tpu.memory_space<vmem>>, vector<16xi32>,
        %shift_left3A_1208 = arith.shli %get3A_1207, %broadcast_in_dim3A_3 : vector<16xi32>
        %bitcast3A_1209 = vector.bitcast %shift_left3A_1208 : vector<16xi32> to vector<16xf32>
        %bitcast3A_1210 = vector.bitcast %get3A_1207 : vector<16xi32> to vector<16xf32>
        %add3A_1211 = arith.addf %add3A_1163, %bitcast3A_1209 : vector<16xf32>
        %add3A_1212 = arith.addf %add3A_1164, %bitcast3A_1210 : vector<16xf32>
        %mul3A_1213 = arith.constant 2 : i32
        %mul3A_1214 = arith.muli %mul3A_1213, %scan3A_1099 : i32
        %add3A_1215 = arith.constant 1 : i32
        %add3A_1216 = arith.addi %mul3A_1214, %add3A_1215 : i32
        %get3A_1217 = arith.index_cast %add3A_1216 : i32 to index
        %get3A_1218 = arith.constant 16 : index
        %get3A_1219 = tpu.vector_load %arg19[%get3A_1217, %get3A_1218] {strides = array<i32>} : memref<100x64xi32, #tpu.memory_space<vmem>>, vector<16xi32>,
        %shift_left3A_1220 = arith.shli %get3A_1219, %broadcast_in_dim3A_3 : vector<16xi32>
        %bitcast3A_1221 = vector.bitcast %shift_left3A_1220 : vector<16xi32> to vector<16xf32>
        %bitcast3A_1222 = vector.bitcast %get3A_1219 : vector<16xi32> to vector<16xf32>
        %add3A_1223 = arith.addf %add3A_1175, %bitcast3A_1221 : vector<16xf32>
        %add3A_1224 = arith.addf %add3A_1176, %bitcast3A_1222 : vector<16xf32>
        %mul3A_1225 = arith.constant 2 : i32
        %mul3A_1226 = arith.muli %mul3A_1225, %scan3A_1099 : i32
        %add3A_1227 = arith.constant 1 : i32
        %add3A_1228 = arith.addi %mul3A_1226, %add3A_1227 : i32
        %get3A_1229 = arith.index_cast %add3A_1228 : i32 to index
        %get3A_1230 = arith.constant 32 : index
        %get3A_1231 = tpu.vector_load %arg19[%get3A_1229, %get3A_1230] {strides = array<i32>} : memref<100x64xi32, #tpu.memory_space<vmem>>, vector<16xi32>,
        %shift_left3A_1232 = arith.shli %get3A_1231, %broadcast_in_dim3A_3 : vector<16xi32>
        %bitcast3A_1233 = vector.bitcast %shift_left3A_1232 : vector<16xi32> to vector<16xf32>
        %bitcast3A_1234 = vector.bitcast %get3A_1231 : vector<16xi32> to vector<16xf32>
        %add3A_1235 = arith.addf %add3A_1187, %bitcast3A_1233 : vector<16xf32>
        %add3A_1236 = arith.addf %add3A_1188, %bitcast3A_1234 : vector<16xf32>
        %mul3A_1237 = arith.constant 2 : i32
        %mul3A_1238 = arith.muli %mul3A_1237, %scan3A_1099 : i32
        %add3A_1239 = arith.constant 1 : i32
        %add3A_1240 = arith.addi %mul3A_1238, %add3A_1239 : i32
        %get3A_1241 = arith.index_cast %add3A_1240 : i32 to index
        %get3A_1242 = arith.constant 48 : index
        %get3A_1243 = tpu.vector_load %arg19[%get3A_1241, %get3A_1242] {strides = array<i32>} : memref<100x64xi32, #tpu.memory_space<vmem>>, vector<16xi32>,
        %shift_left3A_1244 = arith.shli %get3A_1243, %broadcast_in_dim3A_3 : vector<16xi32>
        %bitcast3A_1245 = vector.bitcast %shift_left3A_1244 : vector<16xi32> to vector<16xf32>
        %bitcast3A_1246 = vector.bitcast %get3A_1243 : vector<16xi32> to vector<16xf32>
        %add3A_1247 = arith.addf %add3A_1199, %bitcast3A_1245 : vector<16xf32>
        %add3A_1248 = arith.addf %add3A_1200, %bitcast3A_1246 : vector<16xf32>
        %mul3A_1249 = arith.constant 2 : i32
        %mul3A_1250 = arith.muli %mul3A_1249, %scan3A_1099 : i32
        %add3A_1251 = arith.constant 1 : i32
        %add3A_1252 = arith.addi %mul3A_1250, %add3A_1251 : i32
        %get3A_1253 = arith.index_cast %add3A_1252 : i32 to index
        %get3A_1254 = arith.constant 0 : index
        %get3A_1255 = tpu.vector_load %arg20[%get3A_1253, %get3A_1254] {strides = array<i32>} : memref<100x64xi32, #tpu.memory_space<vmem>>, vector<16xi32>,
        %shift_left3A_1256 = arith.shli %get3A_1255, %broadcast_in_dim3A_3 : vector<16xi32>
        %bitcast3A_1257 = vector.bitcast %shift_left3A_1256 : vector<16xi32> to vector<16xf32>
        %bitcast3A_1258 = vector.bitcast %get3A_1255 : vector<16xi32> to vector<16xf32>
        %add3A_1259 = arith.addf %add3A_1211, %bitcast3A_1257 : vector<16xf32>
        %add3A_1260 = arith.addf %add3A_1212, %bitcast3A_1258 : vector<16xf32>
        %mul3A_1261 = arith.constant 2 : i32
        %mul3A_1262 = arith.muli %mul3A_1261, %scan3A_1099 : i32
        %add3A_1263 = arith.constant 1 : i32
        %add3A_1264 = arith.addi %mul3A_1262, %add3A_1263 : i32
        %get3A_1265 = arith.index_cast %add3A_1264 : i32 to index
        %get3A_1266 = arith.constant 16 : index
        %get3A_1267 = tpu.vector_load %arg20[%get3A_1265, %get3A_1266] {strides = array<i32>} : memref<100x64xi32, #tpu.memory_space<vmem>>, vector<16xi32>,
        %shift_left3A_1268 = arith.shli %get3A_1267, %broadcast_in_dim3A_3 : vector<16xi32>
        %bitcast3A_1269 = vector.bitcast %shift_left3A_1268 : vector<16xi32> to vector<16xf32>
        %bitcast3A_1270 = vector.bitcast %get3A_1267 : vector<16xi32> to vector<16xf32>
        %add3A_1271 = arith.addf %add3A_1223, %bitcast3A_1269 : vector<16xf32>
        %add3A_1272 = arith.addf %add3A_1224, %bitcast3A_1270 : vector<16xf32>
        %mul3A_1273 = arith.constant 2 : i32
        %mul3A_1274 = arith.muli %mul3A_1273, %scan3A_1099 : i32
        %add3A_1275 = arith.constant 1 : i32
        %add3A_1276 = arith.addi %mul3A_1274, %add3A_1275 : i32
        %get3A_1277 = arith.index_cast %add3A_1276 : i32 to index
        %get3A_1278 = arith.constant 32 : index
        %get3A_1279 = tpu.vector_load %arg20[%get3A_1277, %get3A_1278] {strides = array<i32>} : memref<100x64xi32, #tpu.memory_space<vmem>>, vector<16xi32>,
        %shift_left3A_1280 = arith.shli %get3A_1279, %broadcast_in_dim3A_3 : vector<16xi32>
        %bitcast3A_1281 = vector.bitcast %shift_left3A_1280 : vector<16xi32> to vector<16xf32>
        %bitcast3A_1282 = vector.bitcast %get3A_1279 : vector<16xi32> to vector<16xf32>
        %add3A_1283 = arith.addf %add3A_1235, %bitcast3A_1281 : vector<16xf32>
        %add3A_1284 = arith.addf %add3A_1236, %bitcast3A_1282 : vector<16xf32>
        %mul3A_1285 = arith.constant 2 : i32
        %mul3A_1286 = arith.muli %mul3A_1285, %scan3A_1099 : i32
        %add3A_1287 = arith.constant 1 : i32
        %add3A_1288 = arith.addi %mul3A_1286, %add3A_1287 : i32
        %get3A_1289 = arith.index_cast %add3A_1288 : i32 to index
        %get3A_1290 = arith.constant 48 : index
        %get3A_1291 = tpu.vector_load %arg20[%get3A_1289, %get3A_1290] {strides = array<i32>} : memref<100x64xi32, #tpu.memory_space<vmem>>, vector<16xi32>,
        %shift_left3A_1292 = arith.shli %get3A_1291, %broadcast_in_dim3A_3 : vector<16xi32>
        %bitcast3A_1293 = vector.bitcast %shift_left3A_1292 : vector<16xi32> to vector<16xf32>
        %bitcast3A_1294 = vector.bitcast %get3A_1291 : vector<16xi32> to vector<16xf32>
        %add3A_1295 = arith.addf %add3A_1247, %bitcast3A_1293 : vector<16xf32>
        %add3A_1296 = arith.addf %add3A_1248, %bitcast3A_1294 : vector<16xf32>
        scf.yield %add3A_1259, %add3A_1260, %add3A_1271, %add3A_1272, %add3A_1283, %add3A_1284, %add3A_1295, %add3A_1296 : vector<16xf32>, vector<16xf32>, vector<16xf32>, vector<16xf32>, vector<16xf32>, vector<16xf32>, vector<16xf32>, vector<16xf32>
      }
      %scan3A_936 = arith.constant 50 : i32
      %rem3A_937 = arith.constant 32 : i32
      %rem3A_938 = arith.remsi %add3A_888, %rem3A_937 : i32
      %mul3A_939 = arith.constant 128 : i32
      %mul3A_940 = arith.muli %rem3A_938, %mul3A_939 : i32
      %add3A_941 = arith.constant 0 : i32
      %add3A_942 = arith.addi %mul3A_940, %add3A_941 : i32
      %swap3A_943 = arith.index_cast %add3A_942 : i32 to index
      %swap3A_944 = tpu.vector_load %arg6[%swap3A_943] {strides = array<i32>} : memref<4096xf32, #tpu.memory_space<vmem>>, vector<16xf32>,
      tpu.vector_store %arg6[%swap3A_943], %scan3A_935#0 {strides = array<i32>} : memref<4096xf32, #tpu.memory_space<vmem>>, vector<16xf32>,
      %add3A_945 = arith.constant 16 : i32
      %add3A_946 = arith.addi %mul3A_940, %add3A_945 : i32
      %swap3A_947 = arith.index_cast %add3A_946 : i32 to index
      %swap3A_948 = tpu.vector_load %arg6[%swap3A_947] {strides = array<i32>} : memref<4096xf32, #tpu.memory_space<vmem>>, vector<16xf32>,
      tpu.vector_store %arg6[%swap3A_947], %scan3A_935#1 {strides = array<i32>} : memref<4096xf32, #tpu.memory_space<vmem>>, vector<16xf32>,
      %add3A_949 = arith.constant 32 : i32
      %add3A_950 = arith.addi %mul3A_940, %add3A_949 : i32
      %swap3A_951 = arith.index_cast %add3A_950 : i32 to index
      %swap3A_952 = tpu.vector_load %arg6[%swap3A_951] {strides = array<i32>} : memref<4096xf32, #tpu.memory_space<vmem>>, vector<16xf32>,
      tpu.vector_store %arg6[%swap3A_951], %scan3A_935#2 {strides = array<i32>} : memref<4096xf32, #tpu.memory_space<vmem>>, vector<16xf32>,
      %add3A_953 = arith.constant 48 : i32
      %add3A_954 = arith.addi %mul3A_940, %add3A_953 : i32
      %swap3A_955 = arith.index_cast %add3A_954 : i32 to index
      %swap3A_956 = tpu.vector_load %arg6[%swap3A_955] {strides = array<i32>} : memref<4096xf32, #tpu.memory_space<vmem>>, vector<16xf32>,
      tpu.vector_store %arg6[%swap3A_955], %scan3A_935#3 {strides = array<i32>} : memref<4096xf32, #tpu.memory_space<vmem>>, vector<16xf32>,
      %add3A_957 = arith.constant 64 : i32
      %add3A_958 = arith.addi %mul3A_940, %add3A_957 : i32
      %swap3A_959 = arith.index_cast %add3A_958 : i32 to index
      %swap3A_960 = tpu.vector_load %arg6[%swap3A_959] {strides = array<i32>} : memref<4096xf32, #tpu.memory_space<vmem>>, vector<16xf32>,
      tpu.vector_store %arg6[%swap3A_959], %scan3A_935#4 {strides = array<i32>} : memref<4096xf32, #tpu.memory_space<vmem>>, vector<16xf32>,
      %add3A_961 = arith.constant 80 : i32
      %add3A_962 = arith.addi %mul3A_940, %add3A_961 : i32
      %swap3A_963 = arith.index_cast %add3A_962 : i32 to index
      %swap3A_964 = tpu.vector_load %arg6[%swap3A_963] {strides = array<i32>} : memref<4096xf32, #tpu.memory_space<vmem>>, vector<16xf32>,
      tpu.vector_store %arg6[%swap3A_963], %scan3A_935#5 {strides = array<i32>} : memref<4096xf32, #tpu.memory_space<vmem>>, vector<16xf32>,
      %add3A_965 = arith.constant 96 : i32
      %add3A_966 = arith.addi %mul3A_940, %add3A_965 : i32
      %swap3A_967 = arith.index_cast %add3A_966 : i32 to index
      %swap3A_968 = tpu.vector_load %arg6[%swap3A_967] {strides = array<i32>} : memref<4096xf32, #tpu.memory_space<vmem>>, vector<16xf32>,
      tpu.vector_store %arg6[%swap3A_967], %scan3A_935#6 {strides = array<i32>} : memref<4096xf32, #tpu.memory_space<vmem>>, vector<16xf32>,
      %add3A_969 = arith.constant 112 : i32
      %add3A_970 = arith.addi %mul3A_940, %add3A_969 : i32
      %swap3A_971 = arith.index_cast %add3A_970 : i32 to index
      %swap3A_972 = tpu.vector_load %arg6[%swap3A_971] {strides = array<i32>} : memref<4096xf32, #tpu.memory_space<vmem>>, vector<16xf32>,
      tpu.vector_store %arg6[%swap3A_971], %scan3A_935#7 {strides = array<i32>} : memref<4096xf32, #tpu.memory_space<vmem>>, vector<16xf32>,
      %rem3A_973 = arith.constant 32 : i32
      %rem3A_974 = arith.remsi %add3A_890, %rem3A_973 : i32
      %eq3A_975 = arith.constant 0 : i32
      %eq3A_976 = arith.cmpi eq, %rem3A_974, %eq3A_975 : i32
      %lt3A_977 = arith.constant 512 : i32
      %lt3A_978 = arith.cmpi slt, %add3A_890, %lt3A_977 : i32
      %and3A_979 = arith.andi %eq3A_976, %lt3A_978 : i1
      %convert_element_type3A_980 = arith.extui %and3A_979 : i1 to i32
      %cond3A_981 = arith.constant 0 : i32
      %cond3A_982 = arith.cmpi ne, %convert_element_type3A_980, %cond3A_981 : i32
      scf.if %cond3A_982 {
        %jit3A = arith.constant 32 : i32
        %div3A_1099 = arith.divsi %add3A_890, %jit3A : i32
        %sign3A = arith.constant 0 : i32
        %sign3A_1100 = arith.cmpi sgt, %add3A_890, %sign3A : i32
        %sign3A_1101 = arith.extui %sign3A_1100 : i1 to i32
        %sign3A_1102 = arith.constant 0 : i32
        %sign3A_1103 = arith.cmpi slt, %add3A_890, %sign3A_1102 : i32
        %sign3A_1104 = arith.extui %sign3A_1103 : i1 to i32
        %sign3A_1105 = arith.subi %sign3A_1101, %sign3A_1104 : i32
        %sign3A_1106 = arith.constant 0 : i32
        %sign3A_1107 = arith.cmpi sgt, %jit3A, %sign3A_1106 : i32
        %sign3A_1108 = arith.extui %sign3A_1107 : i1 to i32
        %sign3A_1109 = arith.constant 0 : i32
        %sign3A_1110 = arith.cmpi slt, %jit3A, %sign3A_1109 : i32
        %sign3A_1111 = arith.extui %sign3A_1110 : i1 to i32
        %sign3A_1112 = arith.subi %sign3A_1108, %sign3A_1111 : i32
        %ne3A = arith.cmpi ne, %sign3A_1105, %sign3A_1112 : i32
        %rem3A_1113 = arith.remsi %add3A_890, %jit3A : i32
        %ne3A_1114 = arith.constant 0 : i32
        %ne3A_1115 = arith.cmpi ne, %rem3A_1113, %ne3A_1114 : i32
        %and3A_1116 = arith.andi %ne3A, %ne3A_1115 : i1
        %sub3A_1117 = arith.constant 1 : i32
        %sub3A_1118 = arith.subi %div3A_1099, %sub3A_1117 : i32
        %select_n3A = arith.select %and3A_1116, %sub3A_1118, %div3A_1099 : i32
        %rem3A_1119 = arith.constant 2 : i32
        %rem3A_1120 = arith.remsi %select_n3A, %rem3A_1119 : i32
        %mul3A_1121 = arith.constant 16 : i32
        %mul3A_1122 = arith.muli %add3A, %mul3A_1121 : i32
        %add3A_1123 = arith.addi %mul3A_1122, %select_n3A : i32
        "tpu.region"() ({
          %run_scoped3A = tpu.sem_alloc : memref<!tpu.dma_semaphore, #tpu.memory_space<semaphore_mem>>
          %dma_start3A_1124 = arith.constant 0 : i32
          %dma_start3A_1125 = arith.constant 0 : i32
          %dma_start3A_1126 = tpu.memref_slice %arg5[%rem3A_1120, %dma_start3A_1124, %dma_start3A_1125] : memref<2x64x100xi32, #tpu.memory_space<vmem>> -> memref<1x64x100xi32, #tpu.memory_space<vmem>>
          %dma_start3A_1127 = tpu.memref_squeeze %dma_start3A_1126 : memref<1x64x100xi32, #tpu.memory_space<vmem>> -> memref<64x100xi32, #tpu.memory_space<vmem>>
          %dma_start3A_1128 = arith.constant 0 : i32
          %dma_start3A_1129 = arith.constant 0 : i32
          %dma_start3A_1130 = tpu.memref_slice %arg2[%add3A_1123, %dma_start3A_1128, %dma_start3A_1129] : memref<512x64x100xi32, #tpu.memory_space<hbm>> -> memref<1x64x100xi32, #tpu.memory_space<hbm>>
          %dma_start3A_1131 = tpu.memref_squeeze %dma_start3A_1130 : memref<1x64x100xi32, #tpu.memory_space<hbm>> -> memref<64x100xi32, #tpu.memory_space<hbm>>
          %dma_start3A_1132 = arith.constant 0 : i32
          %dma_start3A_1133 = arith.constant 0 : i32
          %dma_start3A_1134 = tpu.memref_slice %arg5[%rem3A_1120, %dma_start3A_1132, %dma_start3A_1133] : memref<2x64x100xi32, #tpu.memory_space<vmem>> -> memref<1x64x100xi32, #tpu.memory_space<vmem>>
          %dma_start3A_1135 = tpu.memref_squeeze %dma_start3A_1134 : memref<1x64x100xi32, #tpu.memory_space<vmem>> -> memref<64x100xi32, #tpu.memory_space<vmem>>
          %dma_start3A_1136 = arith.constant 0 : i32
          %dma_start3A_1137 = arith.constant 0 : i32
          %dma_start3A_1138 = tpu.memref_slice %arg2[%add3A_1123, %dma_start3A_1136, %dma_start3A_1137] : memref<512x64x100xi32, #tpu.memory_space<hbm>> -> memref<1x64x100xi32, #tpu.memory_space<hbm>>
          %dma_start3A_1139 = tpu.memref_squeeze %dma_start3A_1138 : memref<1x64x100xi32, #tpu.memory_space<hbm>> -> memref<64x100xi32, #tpu.memory_space<hbm>>
          tpu.enqueue_dma source(%dma_start3A_1139 : memref<64x100xi32, #tpu.memory_space<hbm>>) target(%dma_start3A_1135 : memref<64x100xi32, #tpu.memory_space<vmem>>) target_semaphore(%run_scoped3A : memref<!tpu.dma_semaphore, #tpu.memory_space<semaphore_mem>>)
          %dma_wait3A_1140 = arith.constant 0 : i32
          %dma_wait3A_1141 = arith.constant 0 : i32
          %dma_wait3A_1142 = tpu.memref_slice %arg5[%rem3A_1120, %dma_wait3A_1140, %dma_wait3A_1141] : memref<2x64x100xi32, #tpu.memory_space<vmem>> -> memref<1x64x100xi32, #tpu.memory_space<vmem>>
          %dma_wait3A_1143 = tpu.memref_squeeze %dma_wait3A_1142 : memref<1x64x100xi32, #tpu.memory_space<vmem>> -> memref<64x100xi32, #tpu.memory_space<vmem>>
          %dma_wait3A_1144 = arith.constant 0 : i32
          %dma_wait3A_1145 = arith.constant 0 : i32
          %dma_wait3A_1146 = tpu.memref_slice %arg2[%add3A_1123, %dma_wait3A_1144, %dma_wait3A_1145] : memref<512x64x100xi32, #tpu.memory_space<hbm>> -> memref<1x64x100xi32, #tpu.memory_space<hbm>>
          %dma_wait3A_1147 = tpu.memref_squeeze %dma_wait3A_1146 : memref<1x64x100xi32, #tpu.memory_space<hbm>> -> memref<64x100xi32, #tpu.memory_space<hbm>>
          %dma_wait3A_1148 = arith.constant 0 : i32
          %dma_wait3A_1149 = arith.constant 0 : i32
          %dma_wait3A_1150 = tpu.memref_slice %arg5[%rem3A_1120, %dma_wait3A_1148, %dma_wait3A_1149] : memref<2x64x100xi32, #tpu.memory_space<vmem>> -> memref<1x64x100xi32, #tpu.memory_space<vmem>>
          %dma_wait3A_1151 = tpu.memref_squeeze %dma_wait3A_1150 : memref<1x64x100xi32, #tpu.memory_space<vmem>> -> memref<64x100xi32, #tpu.memory_space<vmem>>
          %dma_wait3A_1152 = arith.constant 0 : i32
          %dma_wait3A_1153 = arith.constant 0 : i32
          %dma_wait3A_1154 = tpu.memref_slice %arg2[%add3A_1123, %dma_wait3A_1152, %dma_wait3A_1153] : memref<512x64x100xi32, #tpu.memory_space<hbm>> -> memref<1x64x100xi32, #tpu.memory_space<hbm>>
          %dma_wait3A_1155 = tpu.memref_squeeze %dma_wait3A_1154 : memref<1x64x100xi32, #tpu.memory_space<hbm>> -> memref<64x100xi32, #tpu.memory_space<hbm>>
          tpu.wait_dma2 semaphore(%run_scoped3A : memref<!tpu.dma_semaphore, #tpu.memory_space<semaphore_mem>>) src(%dma_wait3A_1155 : memref<64x100xi32, #tpu.memory_space<hbm>>) dst(%dma_wait3A_1151 : memref<64x100xi32, #tpu.memory_space<vmem>>)
          tpu.yield
        }) : () -> ()
      } else {
      }
      %lt3A_983 = arith.constant 512 : i32
      %lt3A_984 = arith.cmpi slt, %add3A_890, %lt3A_983 : i32
      %convert_element_type3A_985 = arith.extui %lt3A_984 : i1 to i32
      %cond3A_986 = arith.constant 0 : i32
      %cond3A_987 = arith.cmpi ne, %convert_element_type3A_985, %cond3A_986 : i32
      scf.if %cond3A_987 {
        %div3A_1099 = arith.constant 32 : i32
        %div3A_1100 = arith.divsi %add3A_890, %div3A_1099 : i32
        %rem3A_1101 = arith.constant 2 : i32
        %rem3A_1102 = arith.remsi %div3A_1100, %rem3A_1101 : i32
        %rem3A_1103 = arith.constant 32 : i32
        %rem3A_1104 = arith.remsi %add3A_890, %rem3A_1103 : i32
        %mul3A_1105 = arith.constant 2 : i32
        %mul3A_1106 = arith.muli %rem3A_1104, %mul3A_1105 : i32
        %add3A_1107 = arith.constant 0 : i32
        %add3A_1108 = arith.addi %mul3A_1106, %add3A_1107 : i32
        %dma_start3A_1109 = arith.constant 0 : i32
        %dma_start3A_1110 = arith.constant 0 : i32
        %dma_start3A_1111 = tpu.memref_slice %arg5[%rem3A_1102, %dma_start3A_1109, %dma_start3A_1110] : memref<2x64x100xi32, #tpu.memory_space<vmem>> -> memref<1x64x100xi32, #tpu.memory_space<vmem>>
        %dma_start3A_1112 = tpu.memref_squeeze %dma_start3A_1111 : memref<1x64x100xi32, #tpu.memory_space<vmem>> -> memref<64x100xi32, #tpu.memory_space<vmem>>
        %dma_start3A_1113 = arith.constant 0 : i32
        %dma_start3A_1114 = tpu.memref_slice %dma_start3A_1112[%add3A_1108, %dma_start3A_1113] : memref<64x100xi32, #tpu.memory_space<vmem>> -> memref<1x100xi32, #tpu.memory_space<vmem>>
        %dma_start3A_1115 = tpu.memref_squeeze %dma_start3A_1114 : memref<1x100xi32, #tpu.memory_space<vmem>> -> memref<100xi32, #tpu.memory_space<vmem>>
        %dma_start3A_1116 = arith.constant 0 : i32
        %dma_start3A_1117 = arith.constant 0 : i32
        %dma_start3A_1118 = tpu.memref_slice %arg3[%dma_start3A_1116, %dma_start3A_1117] : memref<101250x64xi32, #tpu.memory_space<hbm>> -> memref<101250x64xi32, #tpu.memory_space<hbm>>
        tpu.enqueue_indirect_dma source(%dma_start3A_1118 : memref<101250x64xi32, #tpu.memory_space<hbm>>) target(%arg19 : memref<100x64xi32, #tpu.memory_space<vmem>>) offsets(%dma_start3A_1115 : memref<100xi32, #tpu.memory_space<vmem>>) semaphore(%arg29 : memref<!tpu.dma_semaphore, #tpu.memory_space<semaphore_mem>>)
        %add3A_1119 = arith.constant 1 : i32
        %add3A_1120 = arith.addi %mul3A_1106, %add3A_1119 : i32
        %dma_start3A_1121 = arith.constant 0 : i32
        %dma_start3A_1122 = arith.constant 0 : i32
        %dma_start3A_1123 = tpu.memref_slice %arg5[%rem3A_1102, %dma_start3A_1121, %dma_start3A_1122] : memref<2x64x100xi32, #tpu.memory_space<vmem>> -> memref<1x64x100xi32, #tpu.memory_space<vmem>>
        %dma_start3A_1124 = tpu.memref_squeeze %dma_start3A_1123 : memref<1x64x100xi32, #tpu.memory_space<vmem>> -> memref<64x100xi32, #tpu.memory_space<vmem>>
        %dma_start3A_1125 = arith.constant 0 : i32
        %dma_start3A_1126 = tpu.memref_slice %dma_start3A_1124[%add3A_1120, %dma_start3A_1125] : memref<64x100xi32, #tpu.memory_space<vmem>> -> memref<1x100xi32, #tpu.memory_space<vmem>>
        %dma_start3A_1127 = tpu.memref_squeeze %dma_start3A_1126 : memref<1x100xi32, #tpu.memory_space<vmem>> -> memref<100xi32, #tpu.memory_space<vmem>>
        %dma_start3A_1128 = arith.constant 0 : i32
        %dma_start3A_1129 = arith.constant 0 : i32
        %dma_start3A_1130 = tpu.memref_slice %arg3[%dma_start3A_1128, %dma_start3A_1129] : memref<101250x64xi32, #tpu.memory_space<hbm>> -> memref<101250x64xi32, #tpu.memory_space<hbm>>
        tpu.enqueue_indirect_dma source(%dma_start3A_1130 : memref<101250x64xi32, #tpu.memory_space<hbm>>) target(%arg20 : memref<100x64xi32, #tpu.memory_space<vmem>>) offsets(%dma_start3A_1127 : memref<100xi32, #tpu.memory_space<vmem>>) semaphore(%arg29 : memref<!tpu.dma_semaphore, #tpu.memory_space<semaphore_mem>>)
      } else {
      }
      %add3A_988 = arith.constant 7 : i32
      %add3A_989 = arith.addi %mul3A_287, %add3A_988 : i32
      %add3A_990 = arith.constant 8 : i32
      %add3A_991 = arith.addi %add3A_989, %add3A_990 : i32
      %dma_wait3A_992 = arith.constant 0 : i32
      %dma_wait3A_993 = arith.constant 0 : i32
      %dma_wait3A_994 = arith.constant 0 : i32
      %dma_wait3A_995 = arith.constant 0 : i32
      %dma_wait3A_996 = tpu.memref_slice %arg5[%dma_wait3A_992, %dma_wait3A_994, %dma_wait3A_995] : memref<2x64x100xi32, #tpu.memory_space<vmem>> -> memref<1x64x100xi32, #tpu.memory_space<vmem>>
      %dma_wait3A_997 = tpu.memref_squeeze %dma_wait3A_996 : memref<1x64x100xi32, #tpu.memory_space<vmem>> -> memref<64x100xi32, #tpu.memory_space<vmem>>
      %dma_wait3A_998 = arith.constant 0 : i32
      %dma_wait3A_999 = tpu.memref_slice %dma_wait3A_997[%dma_wait3A_993, %dma_wait3A_998] : memref<64x100xi32, #tpu.memory_space<vmem>> -> memref<1x100xi32, #tpu.memory_space<vmem>>
      %dma_wait3A_1000 = tpu.memref_squeeze %dma_wait3A_999 : memref<1x100xi32, #tpu.memory_space<vmem>> -> memref<100xi32, #tpu.memory_space<vmem>>
      %dma_wait3A_1001 = arith.constant 0 : i32
      %dma_wait3A_1002 = arith.constant 0 : i32
      %dma_wait3A_1003 = tpu.memref_slice %arg3[%dma_wait3A_1001, %dma_wait3A_1002] : memref<101250x64xi32, #tpu.memory_space<hbm>> -> memref<101250x64xi32, #tpu.memory_space<hbm>>
      tpu.wait_indirect_dma semaphore(%arg30 : memref<!tpu.dma_semaphore, #tpu.memory_space<semaphore_mem>>) src(%dma_wait3A_1003 : memref<101250x64xi32, #tpu.memory_space<hbm>>) dst(%arg21 : memref<100x64xi32, #tpu.memory_space<vmem>>)
      %dma_wait3A_1004 = arith.constant 0 : i32
      %dma_wait3A_1005 = arith.constant 0 : i32
      %dma_wait3A_1006 = arith.constant 0 : i32
      %dma_wait3A_1007 = arith.constant 0 : i32
      %dma_wait3A_1008 = tpu.memref_slice %arg5[%dma_wait3A_1004, %dma_wait3A_1006, %dma_wait3A_1007] : memref<2x64x100xi32, #tpu.memory_space<vmem>> -> memref<1x64x100xi32, #tpu.memory_space<vmem>>
      %dma_wait3A_1009 = tpu.memref_squeeze %dma_wait3A_1008 : memref<1x64x100xi32, #tpu.memory_space<vmem>> -> memref<64x100xi32, #tpu.memory_space<vmem>>
      %dma_wait3A_1010 = arith.constant 0 : i32
      %dma_wait3A_1011 = tpu.memref_slice %dma_wait3A_1009[%dma_wait3A_1005, %dma_wait3A_1010] : memref<64x100xi32, #tpu.memory_space<vmem>> -> memref<1x100xi32, #tpu.memory_space<vmem>>
      %dma_wait3A_1012 = tpu.memref_squeeze %dma_wait3A_1011 : memref<1x100xi32, #tpu.memory_space<vmem>> -> memref<100xi32, #tpu.memory_space<vmem>>
      %dma_wait3A_1013 = arith.constant 0 : i32
      %dma_wait3A_1014 = arith.constant 0 : i32
      %dma_wait3A_1015 = tpu.memref_slice %arg3[%dma_wait3A_1013, %dma_wait3A_1014] : memref<101250x64xi32, #tpu.memory_space<hbm>> -> memref<101250x64xi32, #tpu.memory_space<hbm>>
      tpu.wait_indirect_dma semaphore(%arg30 : memref<!tpu.dma_semaphore, #tpu.memory_space<semaphore_mem>>) src(%dma_wait3A_1015 : memref<101250x64xi32, #tpu.memory_space<hbm>>) dst(%arg22 : memref<100x64xi32, #tpu.memory_space<vmem>>)
      %broadcast_in_dim3A_1016 = arith.constant 0.000000e+00 : f32
      %broadcast_in_dim3A_1017 = vector.broadcast %broadcast_in_dim3A_1016 : f32 to vector<16xf32>
      %broadcast_in_dim3A_1018 = arith.constant 0.000000e+00 : f32
      %broadcast_in_dim3A_1019 = vector.broadcast %broadcast_in_dim3A_1018 : f32 to vector<16xf32>
      %broadcast_in_dim3A_1020 = arith.constant 0.000000e+00 : f32
      %broadcast_in_dim3A_1021 = vector.broadcast %broadcast_in_dim3A_1020 : f32 to vector<16xf32>
      %broadcast_in_dim3A_1022 = arith.constant 0.000000e+00 : f32
      %broadcast_in_dim3A_1023 = vector.broadcast %broadcast_in_dim3A_1022 : f32 to vector<16xf32>
      %broadcast_in_dim3A_1024 = arith.constant 0.000000e+00 : f32
      %broadcast_in_dim3A_1025 = vector.broadcast %broadcast_in_dim3A_1024 : f32 to vector<16xf32>
      %broadcast_in_dim3A_1026 = arith.constant 0.000000e+00 : f32
      %broadcast_in_dim3A_1027 = vector.broadcast %broadcast_in_dim3A_1026 : f32 to vector<16xf32>
      %broadcast_in_dim3A_1028 = arith.constant 0.000000e+00 : f32
      %broadcast_in_dim3A_1029 = vector.broadcast %broadcast_in_dim3A_1028 : f32 to vector<16xf32>
      %broadcast_in_dim3A_1030 = arith.constant 0.000000e+00 : f32
      %broadcast_in_dim3A_1031 = vector.broadcast %broadcast_in_dim3A_1030 : f32 to vector<16xf32>
      %scan3A_1032 = arith.constant 0 : i32
      %scan3A_1033 = arith.constant 50 : i32
      %scan3A_1034 = arith.addi %scan3A_1032, %scan3A_1033 : i32
      %scan3A_1035 = arith.constant 1 : i32
      %scan3A_1036:8 = scf.for %scan3A_1099 = %scan3A_1032 to %scan3A_1034 step %scan3A_1035 iter_args(%scan3A_1100 = %broadcast_in_dim3A_1017, %scan3A_1101 = %broadcast_in_dim3A_1019, %scan3A_1102 = %broadcast_in_dim3A_1021, %scan3A_1103 = %broadcast_in_dim3A_1023, %scan3A_1104 = %broadcast_in_dim3A_1025, %scan3A_1105 = %broadcast_in_dim3A_1027, %scan3A_1106 = %broadcast_in_dim3A_1029, %scan3A_1107 = %broadcast_in_dim3A_1031) -> (vector<16xf32>, vector<16xf32>, vector<16xf32>, vector<16xf32>, vector<16xf32>, vector<16xf32>, vector<16xf32>, vector<16xf32>)  : i32 {
        %mul3A_1108 = arith.constant 2 : i32
        %mul3A_1109 = arith.muli %mul3A_1108, %scan3A_1099 : i32
        %add3A_1110 = arith.constant 0 : i32
        %add3A_1111 = arith.addi %mul3A_1109, %add3A_1110 : i32
        %get3A = arith.index_cast %add3A_1111 : i32 to index
        %get3A_1112 = arith.constant 0 : index
        %get3A_1113 = tpu.vector_load %arg21[%get3A, %get3A_1112] {strides = array<i32>} : memref<100x64xi32, #tpu.memory_space<vmem>>, vector<16xi32>,
        %shift_left3A = arith.shli %get3A_1113, %broadcast_in_dim3A_3 : vector<16xi32>
        %bitcast3A = vector.bitcast %shift_left3A : vector<16xi32> to vector<16xf32>
        %bitcast3A_1114 = vector.bitcast %get3A_1113 : vector<16xi32> to vector<16xf32>
        %add3A_1115 = arith.addf %scan3A_1100, %bitcast3A : vector<16xf32>
        %add3A_1116 = arith.addf %scan3A_1101, %bitcast3A_1114 : vector<16xf32>
        %mul3A_1117 = arith.constant 2 : i32
        %mul3A_1118 = arith.muli %mul3A_1117, %scan3A_1099 : i32
        %add3A_1119 = arith.constant 0 : i32
        %add3A_1120 = arith.addi %mul3A_1118, %add3A_1119 : i32
        %get3A_1121 = arith.index_cast %add3A_1120 : i32 to index
        %get3A_1122 = arith.constant 16 : index
        %get3A_1123 = tpu.vector_load %arg21[%get3A_1121, %get3A_1122] {strides = array<i32>} : memref<100x64xi32, #tpu.memory_space<vmem>>, vector<16xi32>,
        %shift_left3A_1124 = arith.shli %get3A_1123, %broadcast_in_dim3A_3 : vector<16xi32>
        %bitcast3A_1125 = vector.bitcast %shift_left3A_1124 : vector<16xi32> to vector<16xf32>
        %bitcast3A_1126 = vector.bitcast %get3A_1123 : vector<16xi32> to vector<16xf32>
        %add3A_1127 = arith.addf %scan3A_1102, %bitcast3A_1125 : vector<16xf32>
        %add3A_1128 = arith.addf %scan3A_1103, %bitcast3A_1126 : vector<16xf32>
        %mul3A_1129 = arith.constant 2 : i32
        %mul3A_1130 = arith.muli %mul3A_1129, %scan3A_1099 : i32
        %add3A_1131 = arith.constant 0 : i32
        %add3A_1132 = arith.addi %mul3A_1130, %add3A_1131 : i32
        %get3A_1133 = arith.index_cast %add3A_1132 : i32 to index
        %get3A_1134 = arith.constant 32 : index
        %get3A_1135 = tpu.vector_load %arg21[%get3A_1133, %get3A_1134] {strides = array<i32>} : memref<100x64xi32, #tpu.memory_space<vmem>>, vector<16xi32>,
        %shift_left3A_1136 = arith.shli %get3A_1135, %broadcast_in_dim3A_3 : vector<16xi32>
        %bitcast3A_1137 = vector.bitcast %shift_left3A_1136 : vector<16xi32> to vector<16xf32>
        %bitcast3A_1138 = vector.bitcast %get3A_1135 : vector<16xi32> to vector<16xf32>
        %add3A_1139 = arith.addf %scan3A_1104, %bitcast3A_1137 : vector<16xf32>
        %add3A_1140 = arith.addf %scan3A_1105, %bitcast3A_1138 : vector<16xf32>
        %mul3A_1141 = arith.constant 2 : i32
        %mul3A_1142 = arith.muli %mul3A_1141, %scan3A_1099 : i32
        %add3A_1143 = arith.constant 0 : i32
        %add3A_1144 = arith.addi %mul3A_1142, %add3A_1143 : i32
        %get3A_1145 = arith.index_cast %add3A_1144 : i32 to index
        %get3A_1146 = arith.constant 48 : index
        %get3A_1147 = tpu.vector_load %arg21[%get3A_1145, %get3A_1146] {strides = array<i32>} : memref<100x64xi32, #tpu.memory_space<vmem>>, vector<16xi32>,
        %shift_left3A_1148 = arith.shli %get3A_1147, %broadcast_in_dim3A_3 : vector<16xi32>
        %bitcast3A_1149 = vector.bitcast %shift_left3A_1148 : vector<16xi32> to vector<16xf32>
        %bitcast3A_1150 = vector.bitcast %get3A_1147 : vector<16xi32> to vector<16xf32>
        %add3A_1151 = arith.addf %scan3A_1106, %bitcast3A_1149 : vector<16xf32>
        %add3A_1152 = arith.addf %scan3A_1107, %bitcast3A_1150 : vector<16xf32>
        %mul3A_1153 = arith.constant 2 : i32
        %mul3A_1154 = arith.muli %mul3A_1153, %scan3A_1099 : i32
        %add3A_1155 = arith.constant 0 : i32
        %add3A_1156 = arith.addi %mul3A_1154, %add3A_1155 : i32
        %get3A_1157 = arith.index_cast %add3A_1156 : i32 to index
        %get3A_1158 = arith.constant 0 : index
        %get3A_1159 = tpu.vector_load %arg22[%get3A_1157, %get3A_1158] {strides = array<i32>} : memref<100x64xi32, #tpu.memory_space<vmem>>, vector<16xi32>,
        %shift_left3A_1160 = arith.shli %get3A_1159, %broadcast_in_dim3A_3 : vector<16xi32>
        %bitcast3A_1161 = vector.bitcast %shift_left3A_1160 : vector<16xi32> to vector<16xf32>
        %bitcast3A_1162 = vector.bitcast %get3A_1159 : vector<16xi32> to vector<16xf32>
        %add3A_1163 = arith.addf %add3A_1115, %bitcast3A_1161 : vector<16xf32>
        %add3A_1164 = arith.addf %add3A_1116, %bitcast3A_1162 : vector<16xf32>
        %mul3A_1165 = arith.constant 2 : i32
        %mul3A_1166 = arith.muli %mul3A_1165, %scan3A_1099 : i32
        %add3A_1167 = arith.constant 0 : i32
        %add3A_1168 = arith.addi %mul3A_1166, %add3A_1167 : i32
        %get3A_1169 = arith.index_cast %add3A_1168 : i32 to index
        %get3A_1170 = arith.constant 16 : index
        %get3A_1171 = tpu.vector_load %arg22[%get3A_1169, %get3A_1170] {strides = array<i32>} : memref<100x64xi32, #tpu.memory_space<vmem>>, vector<16xi32>,
        %shift_left3A_1172 = arith.shli %get3A_1171, %broadcast_in_dim3A_3 : vector<16xi32>
        %bitcast3A_1173 = vector.bitcast %shift_left3A_1172 : vector<16xi32> to vector<16xf32>
        %bitcast3A_1174 = vector.bitcast %get3A_1171 : vector<16xi32> to vector<16xf32>
        %add3A_1175 = arith.addf %add3A_1127, %bitcast3A_1173 : vector<16xf32>
        %add3A_1176 = arith.addf %add3A_1128, %bitcast3A_1174 : vector<16xf32>
        %mul3A_1177 = arith.constant 2 : i32
        %mul3A_1178 = arith.muli %mul3A_1177, %scan3A_1099 : i32
        %add3A_1179 = arith.constant 0 : i32
        %add3A_1180 = arith.addi %mul3A_1178, %add3A_1179 : i32
        %get3A_1181 = arith.index_cast %add3A_1180 : i32 to index
        %get3A_1182 = arith.constant 32 : index
        %get3A_1183 = tpu.vector_load %arg22[%get3A_1181, %get3A_1182] {strides = array<i32>} : memref<100x64xi32, #tpu.memory_space<vmem>>, vector<16xi32>,
        %shift_left3A_1184 = arith.shli %get3A_1183, %broadcast_in_dim3A_3 : vector<16xi32>
        %bitcast3A_1185 = vector.bitcast %shift_left3A_1184 : vector<16xi32> to vector<16xf32>
        %bitcast3A_1186 = vector.bitcast %get3A_1183 : vector<16xi32> to vector<16xf32>
        %add3A_1187 = arith.addf %add3A_1139, %bitcast3A_1185 : vector<16xf32>
        %add3A_1188 = arith.addf %add3A_1140, %bitcast3A_1186 : vector<16xf32>
        %mul3A_1189 = arith.constant 2 : i32
        %mul3A_1190 = arith.muli %mul3A_1189, %scan3A_1099 : i32
        %add3A_1191 = arith.constant 0 : i32
        %add3A_1192 = arith.addi %mul3A_1190, %add3A_1191 : i32
        %get3A_1193 = arith.index_cast %add3A_1192 : i32 to index
        %get3A_1194 = arith.constant 48 : index
        %get3A_1195 = tpu.vector_load %arg22[%get3A_1193, %get3A_1194] {strides = array<i32>} : memref<100x64xi32, #tpu.memory_space<vmem>>, vector<16xi32>,
        %shift_left3A_1196 = arith.shli %get3A_1195, %broadcast_in_dim3A_3 : vector<16xi32>
        %bitcast3A_1197 = vector.bitcast %shift_left3A_1196 : vector<16xi32> to vector<16xf32>
        %bitcast3A_1198 = vector.bitcast %get3A_1195 : vector<16xi32> to vector<16xf32>
        %add3A_1199 = arith.addf %add3A_1151, %bitcast3A_1197 : vector<16xf32>
        %add3A_1200 = arith.addf %add3A_1152, %bitcast3A_1198 : vector<16xf32>
        %mul3A_1201 = arith.constant 2 : i32
        %mul3A_1202 = arith.muli %mul3A_1201, %scan3A_1099 : i32
        %add3A_1203 = arith.constant 1 : i32
        %add3A_1204 = arith.addi %mul3A_1202, %add3A_1203 : i32
        %get3A_1205 = arith.index_cast %add3A_1204 : i32 to index
        %get3A_1206 = arith.constant 0 : index
        %get3A_1207 = tpu.vector_load %arg21[%get3A_1205, %get3A_1206] {strides = array<i32>} : memref<100x64xi32, #tpu.memory_space<vmem>>, vector<16xi32>,
        %shift_left3A_1208 = arith.shli %get3A_1207, %broadcast_in_dim3A_3 : vector<16xi32>
        %bitcast3A_1209 = vector.bitcast %shift_left3A_1208 : vector<16xi32> to vector<16xf32>
        %bitcast3A_1210 = vector.bitcast %get3A_1207 : vector<16xi32> to vector<16xf32>
        %add3A_1211 = arith.addf %add3A_1163, %bitcast3A_1209 : vector<16xf32>
        %add3A_1212 = arith.addf %add3A_1164, %bitcast3A_1210 : vector<16xf32>
        %mul3A_1213 = arith.constant 2 : i32
        %mul3A_1214 = arith.muli %mul3A_1213, %scan3A_1099 : i32
        %add3A_1215 = arith.constant 1 : i32
        %add3A_1216 = arith.addi %mul3A_1214, %add3A_1215 : i32
        %get3A_1217 = arith.index_cast %add3A_1216 : i32 to index
        %get3A_1218 = arith.constant 16 : index
        %get3A_1219 = tpu.vector_load %arg21[%get3A_1217, %get3A_1218] {strides = array<i32>} : memref<100x64xi32, #tpu.memory_space<vmem>>, vector<16xi32>,
        %shift_left3A_1220 = arith.shli %get3A_1219, %broadcast_in_dim3A_3 : vector<16xi32>
        %bitcast3A_1221 = vector.bitcast %shift_left3A_1220 : vector<16xi32> to vector<16xf32>
        %bitcast3A_1222 = vector.bitcast %get3A_1219 : vector<16xi32> to vector<16xf32>
        %add3A_1223 = arith.addf %add3A_1175, %bitcast3A_1221 : vector<16xf32>
        %add3A_1224 = arith.addf %add3A_1176, %bitcast3A_1222 : vector<16xf32>
        %mul3A_1225 = arith.constant 2 : i32
        %mul3A_1226 = arith.muli %mul3A_1225, %scan3A_1099 : i32
        %add3A_1227 = arith.constant 1 : i32
        %add3A_1228 = arith.addi %mul3A_1226, %add3A_1227 : i32
        %get3A_1229 = arith.index_cast %add3A_1228 : i32 to index
        %get3A_1230 = arith.constant 32 : index
        %get3A_1231 = tpu.vector_load %arg21[%get3A_1229, %get3A_1230] {strides = array<i32>} : memref<100x64xi32, #tpu.memory_space<vmem>>, vector<16xi32>,
        %shift_left3A_1232 = arith.shli %get3A_1231, %broadcast_in_dim3A_3 : vector<16xi32>
        %bitcast3A_1233 = vector.bitcast %shift_left3A_1232 : vector<16xi32> to vector<16xf32>
        %bitcast3A_1234 = vector.bitcast %get3A_1231 : vector<16xi32> to vector<16xf32>
        %add3A_1235 = arith.addf %add3A_1187, %bitcast3A_1233 : vector<16xf32>
        %add3A_1236 = arith.addf %add3A_1188, %bitcast3A_1234 : vector<16xf32>
        %mul3A_1237 = arith.constant 2 : i32
        %mul3A_1238 = arith.muli %mul3A_1237, %scan3A_1099 : i32
        %add3A_1239 = arith.constant 1 : i32
        %add3A_1240 = arith.addi %mul3A_1238, %add3A_1239 : i32
        %get3A_1241 = arith.index_cast %add3A_1240 : i32 to index
        %get3A_1242 = arith.constant 48 : index
        %get3A_1243 = tpu.vector_load %arg21[%get3A_1241, %get3A_1242] {strides = array<i32>} : memref<100x64xi32, #tpu.memory_space<vmem>>, vector<16xi32>,
        %shift_left3A_1244 = arith.shli %get3A_1243, %broadcast_in_dim3A_3 : vector<16xi32>
        %bitcast3A_1245 = vector.bitcast %shift_left3A_1244 : vector<16xi32> to vector<16xf32>
        %bitcast3A_1246 = vector.bitcast %get3A_1243 : vector<16xi32> to vector<16xf32>
        %add3A_1247 = arith.addf %add3A_1199, %bitcast3A_1245 : vector<16xf32>
        %add3A_1248 = arith.addf %add3A_1200, %bitcast3A_1246 : vector<16xf32>
        %mul3A_1249 = arith.constant 2 : i32
        %mul3A_1250 = arith.muli %mul3A_1249, %scan3A_1099 : i32
        %add3A_1251 = arith.constant 1 : i32
        %add3A_1252 = arith.addi %mul3A_1250, %add3A_1251 : i32
        %get3A_1253 = arith.index_cast %add3A_1252 : i32 to index
        %get3A_1254 = arith.constant 0 : index
        %get3A_1255 = tpu.vector_load %arg22[%get3A_1253, %get3A_1254] {strides = array<i32>} : memref<100x64xi32, #tpu.memory_space<vmem>>, vector<16xi32>,
        %shift_left3A_1256 = arith.shli %get3A_1255, %broadcast_in_dim3A_3 : vector<16xi32>
        %bitcast3A_1257 = vector.bitcast %shift_left3A_1256 : vector<16xi32> to vector<16xf32>
        %bitcast3A_1258 = vector.bitcast %get3A_1255 : vector<16xi32> to vector<16xf32>
        %add3A_1259 = arith.addf %add3A_1211, %bitcast3A_1257 : vector<16xf32>
        %add3A_1260 = arith.addf %add3A_1212, %bitcast3A_1258 : vector<16xf32>
        %mul3A_1261 = arith.constant 2 : i32
        %mul3A_1262 = arith.muli %mul3A_1261, %scan3A_1099 : i32
        %add3A_1263 = arith.constant 1 : i32
        %add3A_1264 = arith.addi %mul3A_1262, %add3A_1263 : i32
        %get3A_1265 = arith.index_cast %add3A_1264 : i32 to index
        %get3A_1266 = arith.constant 16 : index
        %get3A_1267 = tpu.vector_load %arg22[%get3A_1265, %get3A_1266] {strides = array<i32>} : memref<100x64xi32, #tpu.memory_space<vmem>>, vector<16xi32>,
        %shift_left3A_1268 = arith.shli %get3A_1267, %broadcast_in_dim3A_3 : vector<16xi32>
        %bitcast3A_1269 = vector.bitcast %shift_left3A_1268 : vector<16xi32> to vector<16xf32>
        %bitcast3A_1270 = vector.bitcast %get3A_1267 : vector<16xi32> to vector<16xf32>
        %add3A_1271 = arith.addf %add3A_1223, %bitcast3A_1269 : vector<16xf32>
        %add3A_1272 = arith.addf %add3A_1224, %bitcast3A_1270 : vector<16xf32>
        %mul3A_1273 = arith.constant 2 : i32
        %mul3A_1274 = arith.muli %mul3A_1273, %scan3A_1099 : i32
        %add3A_1275 = arith.constant 1 : i32
        %add3A_1276 = arith.addi %mul3A_1274, %add3A_1275 : i32
        %get3A_1277 = arith.index_cast %add3A_1276 : i32 to index
        %get3A_1278 = arith.constant 32 : index
        %get3A_1279 = tpu.vector_load %arg22[%get3A_1277, %get3A_1278] {strides = array<i32>} : memref<100x64xi32, #tpu.memory_space<vmem>>, vector<16xi32>,
        %shift_left3A_1280 = arith.shli %get3A_1279, %broadcast_in_dim3A_3 : vector<16xi32>
        %bitcast3A_1281 = vector.bitcast %shift_left3A_1280 : vector<16xi32> to vector<16xf32>
        %bitcast3A_1282 = vector.bitcast %get3A_1279 : vector<16xi32> to vector<16xf32>
        %add3A_1283 = arith.addf %add3A_1235, %bitcast3A_1281 : vector<16xf32>
        %add3A_1284 = arith.addf %add3A_1236, %bitcast3A_1282 : vector<16xf32>
        %mul3A_1285 = arith.constant 2 : i32
        %mul3A_1286 = arith.muli %mul3A_1285, %scan3A_1099 : i32
        %add3A_1287 = arith.constant 1 : i32
        %add3A_1288 = arith.addi %mul3A_1286, %add3A_1287 : i32
        %get3A_1289 = arith.index_cast %add3A_1288 : i32 to index
        %get3A_1290 = arith.constant 48 : index
        %get3A_1291 = tpu.vector_load %arg22[%get3A_1289, %get3A_1290] {strides = array<i32>} : memref<100x64xi32, #tpu.memory_space<vmem>>, vector<16xi32>,
        %shift_left3A_1292 = arith.shli %get3A_1291, %broadcast_in_dim3A_3 : vector<16xi32>
        %bitcast3A_1293 = vector.bitcast %shift_left3A_1292 : vector<16xi32> to vector<16xf32>
        %bitcast3A_1294 = vector.bitcast %get3A_1291 : vector<16xi32> to vector<16xf32>
        %add3A_1295 = arith.addf %add3A_1247, %bitcast3A_1293 : vector<16xf32>
        %add3A_1296 = arith.addf %add3A_1248, %bitcast3A_1294 : vector<16xf32>
        scf.yield %add3A_1259, %add3A_1260, %add3A_1271, %add3A_1272, %add3A_1283, %add3A_1284, %add3A_1295, %add3A_1296 : vector<16xf32>, vector<16xf32>, vector<16xf32>, vector<16xf32>, vector<16xf32>, vector<16xf32>, vector<16xf32>, vector<16xf32>
      }
      %scan3A_1037 = arith.constant 50 : i32
      %rem3A_1038 = arith.constant 32 : i32
      %rem3A_1039 = arith.remsi %add3A_989, %rem3A_1038 : i32
      %mul3A_1040 = arith.constant 128 : i32
      %mul3A_1041 = arith.muli %rem3A_1039, %mul3A_1040 : i32
      %add3A_1042 = arith.constant 0 : i32
      %add3A_1043 = arith.addi %mul3A_1041, %add3A_1042 : i32
      %swap3A_1044 = arith.index_cast %add3A_1043 : i32 to index
      %swap3A_1045 = tpu.vector_load %arg6[%swap3A_1044] {strides = array<i32>} : memref<4096xf32, #tpu.memory_space<vmem>>, vector<16xf32>,
      tpu.vector_store %arg6[%swap3A_1044], %scan3A_1036#0 {strides = array<i32>} : memref<4096xf32, #tpu.memory_space<vmem>>, vector<16xf32>,
      %add3A_1046 = arith.constant 16 : i32
      %add3A_1047 = arith.addi %mul3A_1041, %add3A_1046 : i32
      %swap3A_1048 = arith.index_cast %add3A_1047 : i32 to index
      %swap3A_1049 = tpu.vector_load %arg6[%swap3A_1048] {strides = array<i32>} : memref<4096xf32, #tpu.memory_space<vmem>>, vector<16xf32>,
      tpu.vector_store %arg6[%swap3A_1048], %scan3A_1036#1 {strides = array<i32>} : memref<4096xf32, #tpu.memory_space<vmem>>, vector<16xf32>,
      %add3A_1050 = arith.constant 32 : i32
      %add3A_1051 = arith.addi %mul3A_1041, %add3A_1050 : i32
      %swap3A_1052 = arith.index_cast %add3A_1051 : i32 to index
      %swap3A_1053 = tpu.vector_load %arg6[%swap3A_1052] {strides = array<i32>} : memref<4096xf32, #tpu.memory_space<vmem>>, vector<16xf32>,
      tpu.vector_store %arg6[%swap3A_1052], %scan3A_1036#2 {strides = array<i32>} : memref<4096xf32, #tpu.memory_space<vmem>>, vector<16xf32>,
      %add3A_1054 = arith.constant 48 : i32
      %add3A_1055 = arith.addi %mul3A_1041, %add3A_1054 : i32
      %swap3A_1056 = arith.index_cast %add3A_1055 : i32 to index
      %swap3A_1057 = tpu.vector_load %arg6[%swap3A_1056] {strides = array<i32>} : memref<4096xf32, #tpu.memory_space<vmem>>, vector<16xf32>,
      tpu.vector_store %arg6[%swap3A_1056], %scan3A_1036#3 {strides = array<i32>} : memref<4096xf32, #tpu.memory_space<vmem>>, vector<16xf32>,
      %add3A_1058 = arith.constant 64 : i32
      %add3A_1059 = arith.addi %mul3A_1041, %add3A_1058 : i32
      %swap3A_1060 = arith.index_cast %add3A_1059 : i32 to index
      %swap3A_1061 = tpu.vector_load %arg6[%swap3A_1060] {strides = array<i32>} : memref<4096xf32, #tpu.memory_space<vmem>>, vector<16xf32>,
      tpu.vector_store %arg6[%swap3A_1060], %scan3A_1036#4 {strides = array<i32>} : memref<4096xf32, #tpu.memory_space<vmem>>, vector<16xf32>,
      %add3A_1062 = arith.constant 80 : i32
      %add3A_1063 = arith.addi %mul3A_1041, %add3A_1062 : i32
      %swap3A_1064 = arith.index_cast %add3A_1063 : i32 to index
      %swap3A_1065 = tpu.vector_load %arg6[%swap3A_1064] {strides = array<i32>} : memref<4096xf32, #tpu.memory_space<vmem>>, vector<16xf32>,
      tpu.vector_store %arg6[%swap3A_1064], %scan3A_1036#5 {strides = array<i32>} : memref<4096xf32, #tpu.memory_space<vmem>>, vector<16xf32>,
      %add3A_1066 = arith.constant 96 : i32
      %add3A_1067 = arith.addi %mul3A_1041, %add3A_1066 : i32
      %swap3A_1068 = arith.index_cast %add3A_1067 : i32 to index
      %swap3A_1069 = tpu.vector_load %arg6[%swap3A_1068] {strides = array<i32>} : memref<4096xf32, #tpu.memory_space<vmem>>, vector<16xf32>,
      tpu.vector_store %arg6[%swap3A_1068], %scan3A_1036#6 {strides = array<i32>} : memref<4096xf32, #tpu.memory_space<vmem>>, vector<16xf32>,
      %add3A_1070 = arith.constant 112 : i32
      %add3A_1071 = arith.addi %mul3A_1041, %add3A_1070 : i32
      %swap3A_1072 = arith.index_cast %add3A_1071 : i32 to index
      %swap3A_1073 = tpu.vector_load %arg6[%swap3A_1072] {strides = array<i32>} : memref<4096xf32, #tpu.memory_space<vmem>>, vector<16xf32>,
      tpu.vector_store %arg6[%swap3A_1072], %scan3A_1036#7 {strides = array<i32>} : memref<4096xf32, #tpu.memory_space<vmem>>, vector<16xf32>,
      %rem3A_1074 = arith.constant 32 : i32
      %rem3A_1075 = arith.remsi %add3A_991, %rem3A_1074 : i32
      %eq3A_1076 = arith.constant 0 : i32
      %eq3A_1077 = arith.cmpi eq, %rem3A_1075, %eq3A_1076 : i32
      %lt3A_1078 = arith.constant 512 : i32
      %lt3A_1079 = arith.cmpi slt, %add3A_991, %lt3A_1078 : i32
      %and3A_1080 = arith.andi %eq3A_1077, %lt3A_1079 : i1
      %convert_element_type3A_1081 = arith.extui %and3A_1080 : i1 to i32
      %cond3A_1082 = arith.constant 0 : i32
      %cond3A_1083 = arith.cmpi ne, %convert_element_type3A_1081, %cond3A_1082 : i32
      scf.if %cond3A_1083 {
        %jit3A = arith.constant 32 : i32
        %div3A_1099 = arith.divsi %add3A_991, %jit3A : i32
        %sign3A = arith.constant 0 : i32
        %sign3A_1100 = arith.cmpi sgt, %add3A_991, %sign3A : i32
        %sign3A_1101 = arith.extui %sign3A_1100 : i1 to i32
        %sign3A_1102 = arith.constant 0 : i32
        %sign3A_1103 = arith.cmpi slt, %add3A_991, %sign3A_1102 : i32
        %sign3A_1104 = arith.extui %sign3A_1103 : i1 to i32
        %sign3A_1105 = arith.subi %sign3A_1101, %sign3A_1104 : i32
        %sign3A_1106 = arith.constant 0 : i32
        %sign3A_1107 = arith.cmpi sgt, %jit3A, %sign3A_1106 : i32
        %sign3A_1108 = arith.extui %sign3A_1107 : i1 to i32
        %sign3A_1109 = arith.constant 0 : i32
        %sign3A_1110 = arith.cmpi slt, %jit3A, %sign3A_1109 : i32
        %sign3A_1111 = arith.extui %sign3A_1110 : i1 to i32
        %sign3A_1112 = arith.subi %sign3A_1108, %sign3A_1111 : i32
        %ne3A = arith.cmpi ne, %sign3A_1105, %sign3A_1112 : i32
        %rem3A_1113 = arith.remsi %add3A_991, %jit3A : i32
        %ne3A_1114 = arith.constant 0 : i32
        %ne3A_1115 = arith.cmpi ne, %rem3A_1113, %ne3A_1114 : i32
        %and3A_1116 = arith.andi %ne3A, %ne3A_1115 : i1
        %sub3A_1117 = arith.constant 1 : i32
        %sub3A_1118 = arith.subi %div3A_1099, %sub3A_1117 : i32
        %select_n3A = arith.select %and3A_1116, %sub3A_1118, %div3A_1099 : i32
        %rem3A_1119 = arith.constant 2 : i32
        %rem3A_1120 = arith.remsi %select_n3A, %rem3A_1119 : i32
        %mul3A_1121 = arith.constant 16 : i32
        %mul3A_1122 = arith.muli %add3A, %mul3A_1121 : i32
        %add3A_1123 = arith.addi %mul3A_1122, %select_n3A : i32
        "tpu.region"() ({
          %run_scoped3A = tpu.sem_alloc : memref<!tpu.dma_semaphore, #tpu.memory_space<semaphore_mem>>
          %dma_start3A_1124 = arith.constant 0 : i32
          %dma_start3A_1125 = arith.constant 0 : i32
          %dma_start3A_1126 = tpu.memref_slice %arg5[%rem3A_1120, %dma_start3A_1124, %dma_start3A_1125] : memref<2x64x100xi32, #tpu.memory_space<vmem>> -> memref<1x64x100xi32, #tpu.memory_space<vmem>>
          %dma_start3A_1127 = tpu.memref_squeeze %dma_start3A_1126 : memref<1x64x100xi32, #tpu.memory_space<vmem>> -> memref<64x100xi32, #tpu.memory_space<vmem>>
          %dma_start3A_1128 = arith.constant 0 : i32
          %dma_start3A_1129 = arith.constant 0 : i32
          %dma_start3A_1130 = tpu.memref_slice %arg2[%add3A_1123, %dma_start3A_1128, %dma_start3A_1129] : memref<512x64x100xi32, #tpu.memory_space<hbm>> -> memref<1x64x100xi32, #tpu.memory_space<hbm>>
          %dma_start3A_1131 = tpu.memref_squeeze %dma_start3A_1130 : memref<1x64x100xi32, #tpu.memory_space<hbm>> -> memref<64x100xi32, #tpu.memory_space<hbm>>
          %dma_start3A_1132 = arith.constant 0 : i32
          %dma_start3A_1133 = arith.constant 0 : i32
          %dma_start3A_1134 = tpu.memref_slice %arg5[%rem3A_1120, %dma_start3A_1132, %dma_start3A_1133] : memref<2x64x100xi32, #tpu.memory_space<vmem>> -> memref<1x64x100xi32, #tpu.memory_space<vmem>>
          %dma_start3A_1135 = tpu.memref_squeeze %dma_start3A_1134 : memref<1x64x100xi32, #tpu.memory_space<vmem>> -> memref<64x100xi32, #tpu.memory_space<vmem>>
          %dma_start3A_1136 = arith.constant 0 : i32
          %dma_start3A_1137 = arith.constant 0 : i32
          %dma_start3A_1138 = tpu.memref_slice %arg2[%add3A_1123, %dma_start3A_1136, %dma_start3A_1137] : memref<512x64x100xi32, #tpu.memory_space<hbm>> -> memref<1x64x100xi32, #tpu.memory_space<hbm>>
          %dma_start3A_1139 = tpu.memref_squeeze %dma_start3A_1138 : memref<1x64x100xi32, #tpu.memory_space<hbm>> -> memref<64x100xi32, #tpu.memory_space<hbm>>
          tpu.enqueue_dma source(%dma_start3A_1139 : memref<64x100xi32, #tpu.memory_space<hbm>>) target(%dma_start3A_1135 : memref<64x100xi32, #tpu.memory_space<vmem>>) target_semaphore(%run_scoped3A : memref<!tpu.dma_semaphore, #tpu.memory_space<semaphore_mem>>)
          %dma_wait3A_1140 = arith.constant 0 : i32
          %dma_wait3A_1141 = arith.constant 0 : i32
          %dma_wait3A_1142 = tpu.memref_slice %arg5[%rem3A_1120, %dma_wait3A_1140, %dma_wait3A_1141] : memref<2x64x100xi32, #tpu.memory_space<vmem>> -> memref<1x64x100xi32, #tpu.memory_space<vmem>>
          %dma_wait3A_1143 = tpu.memref_squeeze %dma_wait3A_1142 : memref<1x64x100xi32, #tpu.memory_space<vmem>> -> memref<64x100xi32, #tpu.memory_space<vmem>>
          %dma_wait3A_1144 = arith.constant 0 : i32
          %dma_wait3A_1145 = arith.constant 0 : i32
          %dma_wait3A_1146 = tpu.memref_slice %arg2[%add3A_1123, %dma_wait3A_1144, %dma_wait3A_1145] : memref<512x64x100xi32, #tpu.memory_space<hbm>> -> memref<1x64x100xi32, #tpu.memory_space<hbm>>
          %dma_wait3A_1147 = tpu.memref_squeeze %dma_wait3A_1146 : memref<1x64x100xi32, #tpu.memory_space<hbm>> -> memref<64x100xi32, #tpu.memory_space<hbm>>
          %dma_wait3A_1148 = arith.constant 0 : i32
          %dma_wait3A_1149 = arith.constant 0 : i32
          %dma_wait3A_1150 = tpu.memref_slice %arg5[%rem3A_1120, %dma_wait3A_1148, %dma_wait3A_1149] : memref<2x64x100xi32, #tpu.memory_space<vmem>> -> memref<1x64x100xi32, #tpu.memory_space<vmem>>
          %dma_wait3A_1151 = tpu.memref_squeeze %dma_wait3A_1150 : memref<1x64x100xi32, #tpu.memory_space<vmem>> -> memref<64x100xi32, #tpu.memory_space<vmem>>
          %dma_wait3A_1152 = arith.constant 0 : i32
          %dma_wait3A_1153 = arith.constant 0 : i32
          %dma_wait3A_1154 = tpu.memref_slice %arg2[%add3A_1123, %dma_wait3A_1152, %dma_wait3A_1153] : memref<512x64x100xi32, #tpu.memory_space<hbm>> -> memref<1x64x100xi32, #tpu.memory_space<hbm>>
          %dma_wait3A_1155 = tpu.memref_squeeze %dma_wait3A_1154 : memref<1x64x100xi32, #tpu.memory_space<hbm>> -> memref<64x100xi32, #tpu.memory_space<hbm>>
          tpu.wait_dma2 semaphore(%run_scoped3A : memref<!tpu.dma_semaphore, #tpu.memory_space<semaphore_mem>>) src(%dma_wait3A_1155 : memref<64x100xi32, #tpu.memory_space<hbm>>) dst(%dma_wait3A_1151 : memref<64x100xi32, #tpu.memory_space<vmem>>)
          tpu.yield
        }) : () -> ()
      } else {
      }
      %lt3A_1084 = arith.constant 512 : i32
      %lt3A_1085 = arith.cmpi slt, %add3A_991, %lt3A_1084 : i32
      %convert_element_type3A_1086 = arith.extui %lt3A_1085 : i1 to i32
      %cond3A_1087 = arith.constant 0 : i32
      %cond3A_1088 = arith.cmpi ne, %convert_element_type3A_1086, %cond3A_1087 : i32
      scf.if %cond3A_1088 {
        %div3A_1099 = arith.constant 32 : i32
        %div3A_1100 = arith.divsi %add3A_991, %div3A_1099 : i32
        %rem3A_1101 = arith.constant 2 : i32
        %rem3A_1102 = arith.remsi %div3A_1100, %rem3A_1101 : i32
        %rem3A_1103 = arith.constant 32 : i32
        %rem3A_1104 = arith.remsi %add3A_991, %rem3A_1103 : i32
        %mul3A_1105 = arith.constant 2 : i32
        %mul3A_1106 = arith.muli %rem3A_1104, %mul3A_1105 : i32
        %add3A_1107 = arith.constant 0 : i32
        %add3A_1108 = arith.addi %mul3A_1106, %add3A_1107 : i32
        %dma_start3A_1109 = arith.constant 0 : i32
        %dma_start3A_1110 = arith.constant 0 : i32
        %dma_start3A_1111 = tpu.memref_slice %arg5[%rem3A_1102, %dma_start3A_1109, %dma_start3A_1110] : memref<2x64x100xi32, #tpu.memory_space<vmem>> -> memref<1x64x100xi32, #tpu.memory_space<vmem>>
        %dma_start3A_1112 = tpu.memref_squeeze %dma_start3A_1111 : memref<1x64x100xi32, #tpu.memory_space<vmem>> -> memref<64x100xi32, #tpu.memory_space<vmem>>
        %dma_start3A_1113 = arith.constant 0 : i32
        %dma_start3A_1114 = tpu.memref_slice %dma_start3A_1112[%add3A_1108, %dma_start3A_1113] : memref<64x100xi32, #tpu.memory_space<vmem>> -> memref<1x100xi32, #tpu.memory_space<vmem>>
        %dma_start3A_1115 = tpu.memref_squeeze %dma_start3A_1114 : memref<1x100xi32, #tpu.memory_space<vmem>> -> memref<100xi32, #tpu.memory_space<vmem>>
        %dma_start3A_1116 = arith.constant 0 : i32
        %dma_start3A_1117 = arith.constant 0 : i32
        %dma_start3A_1118 = tpu.memref_slice %arg3[%dma_start3A_1116, %dma_start3A_1117] : memref<101250x64xi32, #tpu.memory_space<hbm>> -> memref<101250x64xi32, #tpu.memory_space<hbm>>
        tpu.enqueue_indirect_dma source(%dma_start3A_1118 : memref<101250x64xi32, #tpu.memory_space<hbm>>) target(%arg21 : memref<100x64xi32, #tpu.memory_space<vmem>>) offsets(%dma_start3A_1115 : memref<100xi32, #tpu.memory_space<vmem>>) semaphore(%arg30 : memref<!tpu.dma_semaphore, #tpu.memory_space<semaphore_mem>>)
        %add3A_1119 = arith.constant 1 : i32
        %add3A_1120 = arith.addi %mul3A_1106, %add3A_1119 : i32
        %dma_start3A_1121 = arith.constant 0 : i32
        %dma_start3A_1122 = arith.constant 0 : i32
        %dma_start3A_1123 = tpu.memref_slice %arg5[%rem3A_1102, %dma_start3A_1121, %dma_start3A_1122] : memref<2x64x100xi32, #tpu.memory_space<vmem>> -> memref<1x64x100xi32, #tpu.memory_space<vmem>>
        %dma_start3A_1124 = tpu.memref_squeeze %dma_start3A_1123 : memref<1x64x100xi32, #tpu.memory_space<vmem>> -> memref<64x100xi32, #tpu.memory_space<vmem>>
        %dma_start3A_1125 = arith.constant 0 : i32
        %dma_start3A_1126 = tpu.memref_slice %dma_start3A_1124[%add3A_1120, %dma_start3A_1125] : memref<64x100xi32, #tpu.memory_space<vmem>> -> memref<1x100xi32, #tpu.memory_space<vmem>>
        %dma_start3A_1127 = tpu.memref_squeeze %dma_start3A_1126 : memref<1x100xi32, #tpu.memory_space<vmem>> -> memref<100xi32, #tpu.memory_space<vmem>>
        %dma_start3A_1128 = arith.constant 0 : i32
        %dma_start3A_1129 = arith.constant 0 : i32
        %dma_start3A_1130 = tpu.memref_slice %arg3[%dma_start3A_1128, %dma_start3A_1129] : memref<101250x64xi32, #tpu.memory_space<hbm>> -> memref<101250x64xi32, #tpu.memory_space<hbm>>
        tpu.enqueue_indirect_dma source(%dma_start3A_1130 : memref<101250x64xi32, #tpu.memory_space<hbm>>) target(%arg22 : memref<100x64xi32, #tpu.memory_space<vmem>>) offsets(%dma_start3A_1127 : memref<100xi32, #tpu.memory_space<vmem>>) semaphore(%arg30 : memref<!tpu.dma_semaphore, #tpu.memory_space<semaphore_mem>>)
      } else {
      }
      %add3A_1089 = arith.constant 8 : i32
      %add3A_1090 = arith.addi %mul3A_287, %add3A_1089 : i32
      %sub3A = arith.constant 1 : i32
      %sub3A_1091 = arith.subi %add3A_1090, %sub3A : i32
      %rem3A_1092 = arith.constant 32 : i32
      %rem3A_1093 = arith.remsi %sub3A_1091, %rem3A_1092 : i32
      %eq3A_1094 = arith.constant 31 : i32
      %eq3A_1095 = arith.cmpi eq, %rem3A_1093, %eq3A_1094 : i32
      %convert_element_type3A_1096 = arith.extui %eq3A_1095 : i1 to i32
      %cond3A_1097 = arith.constant 0 : i32
      %cond3A_1098 = arith.cmpi ne, %convert_element_type3A_1096, %cond3A_1097 : i32
      scf.if %cond3A_1098 {
        %mul3A_1099 = arith.constant 512 : i32
        %mul3A_1100 = arith.muli %add3A, %mul3A_1099 : i32
        %add3A_1101 = arith.addi %mul3A_1100, %sub3A_1091 : i32
        %sub3A_1102 = arith.constant 31 : i32
        %sub3A_1103 = arith.subi %add3A_1101, %sub3A_1102 : i32
        %mul3A_1104 = arith.constant 128 : i32
        %mul3A_1105 = arith.muli %sub3A_1103, %mul3A_1104 : i32
        %multiple_of3A = tpu.assume_multiple %mul3A_1105, 4096 : i32
        "tpu.region"() ({
          %run_scoped3A = tpu.sem_alloc : memref<!tpu.dma_semaphore, #tpu.memory_space<semaphore_mem>>
          %dma_start3A_1106 = tpu.memref_slice %arg4[%multiple_of3A] : memref<2097152xf32, #tpu.memory_space<hbm>> -> memref<4096xf32, #tpu.memory_space<hbm>>
          %dma_start3A_1107 = tpu.memref_slice %arg4[%multiple_of3A] : memref<2097152xf32, #tpu.memory_space<hbm>> -> memref<4096xf32, #tpu.memory_space<hbm>>
          tpu.enqueue_dma source(%arg6 : memref<4096xf32, #tpu.memory_space<vmem>>) target(%dma_start3A_1107 : memref<4096xf32, #tpu.memory_space<hbm>>) target_semaphore(%run_scoped3A : memref<!tpu.dma_semaphore, #tpu.memory_space<semaphore_mem>>)
          %dma_wait3A_1108 = tpu.memref_slice %arg4[%multiple_of3A] : memref<2097152xf32, #tpu.memory_space<hbm>> -> memref<4096xf32, #tpu.memory_space<hbm>>
          %dma_wait3A_1109 = tpu.memref_slice %arg4[%multiple_of3A] : memref<2097152xf32, #tpu.memory_space<hbm>> -> memref<4096xf32, #tpu.memory_space<hbm>>
          tpu.wait_dma2 semaphore(%run_scoped3A : memref<!tpu.dma_semaphore, #tpu.memory_space<semaphore_mem>>) src(%arg6 : memref<4096xf32, #tpu.memory_space<vmem>>) dst(%dma_wait3A_1109 : memref<4096xf32, #tpu.memory_space<hbm>>)
          tpu.yield
        }) : () -> ()
      } else {
      }
    }
    %scan3A_284 = arith.constant 64 : i32
    return
  }
}

#map = affine_map<(d0, d1) -> (0, 0)>
#map1 = affine_map<(d0, d1) -> (0)>
module attributes {stable_mosaic.version = 14 : i64} {
  func.func @_pack_body(%arg0: i32, %arg1: i32, %arg2: memref<101250x128xf32, #tpu.memory_space<hbm>>, %arg3: memref<6480000xi32, #tpu.memory_space<hbm>>, %arg4: memref<2x256x128xf32, #tpu.memory_space<vmem>>, %arg5: memref<2x16384xi32, #tpu.memory_space<vmem>>, %arg6: memref<!tpu.dma_semaphore, #tpu.memory_space<semaphore_mem>>, %arg7: memref<!tpu.dma_semaphore, #tpu.memory_space<semaphore_mem>>, %arg8: memref<!tpu.dma_semaphore, #tpu.memory_space<semaphore_mem>>, %arg9: memref<!tpu.dma_semaphore, #tpu.memory_space<semaphore_mem>>) attributes {dimension_semantics = [#tpu.dimension_semantics<core_parallel>, #tpu.dimension_semantics<subcore_parallel>], iteration_bounds = array<i64: 2, 16>, scalar_prefetch = 0 : i64, scratch_operands = 6 : i64, tpu.core_type = #tpu.core_type<sc_vector_subcore>, window_params = [{transform_indices = #map}, {transform_indices = #map1}]} {
    %mul3A = arith.constant 2 : i32
    %mul3A_0 = arith.muli %arg1, %mul3A : i32
    %add3A = arith.addi %mul3A_0, %arg0 : i32
    %broadcast_in_dim3A = arith.constant -65536 : i32
    %broadcast_in_dim3A_1 = vector.broadcast %broadcast_in_dim3A : i32 to vector<16xi32>
    %broadcast_in_dim3A_2 = arith.constant 16 : i32
    %broadcast_in_dim3A_3 = vector.broadcast %broadcast_in_dim3A_2 : i32 to vector<16xi32>
    %broadcast_in_dim3A_4 = arith.constant 1 : i32
    %broadcast_in_dim3A_5 = vector.broadcast %broadcast_in_dim3A_4 : i32 to vector<16xi32>
    %broadcast_in_dim3A_6 = arith.constant 32767 : i32
    %broadcast_in_dim3A_7 = vector.broadcast %broadcast_in_dim3A_6 : i32 to vector<16xi32>
    %mul3A_8 = arith.constant 256 : i32
    %mul3A_9 = arith.muli %add3A, %mul3A_8 : i32
    %dma_start3A = arith.constant 0 : i32
    %dma_start3A_10 = arith.constant 0 : i32
    %dma_start3A_11 = arith.constant 0 : i32
    %dma_start3A_12 = tpu.memref_slice %arg4[%dma_start3A, %dma_start3A_10, %dma_start3A_11] : memref<2x256x128xf32, #tpu.memory_space<vmem>> -> memref<1x256x128xf32, #tpu.memory_space<vmem>>
    %dma_start3A_13 = tpu.memref_squeeze %dma_start3A_12 : memref<1x256x128xf32, #tpu.memory_space<vmem>> -> memref<256x128xf32, #tpu.memory_space<vmem>>
    %dma_start3A_14 = arith.constant 0 : i32
    %dma_start3A_15 = tpu.memref_slice %arg2[%mul3A_9, %dma_start3A_14] : memref<101250x128xf32, #tpu.memory_space<hbm>> -> memref<256x128xf32, #tpu.memory_space<hbm>>
    %dma_start3A_16 = arith.constant 0 : i32
    %dma_start3A_17 = arith.constant 0 : i32
    %dma_start3A_18 = tpu.memref_slice %arg4[%dma_start3A, %dma_start3A_16, %dma_start3A_17] : memref<2x256x128xf32, #tpu.memory_space<vmem>> -> memref<1x256x128xf32, #tpu.memory_space<vmem>>
    %dma_start3A_19 = tpu.memref_squeeze %dma_start3A_18 : memref<1x256x128xf32, #tpu.memory_space<vmem>> -> memref<256x128xf32, #tpu.memory_space<vmem>>
    %dma_start3A_20 = arith.constant 0 : i32
    %dma_start3A_21 = tpu.memref_slice %arg2[%mul3A_9, %dma_start3A_20] : memref<101250x128xf32, #tpu.memory_space<hbm>> -> memref<256x128xf32, #tpu.memory_space<hbm>>
    tpu.enqueue_dma source(%dma_start3A_21 : memref<256x128xf32, #tpu.memory_space<hbm>>) target(%dma_start3A_19 : memref<256x128xf32, #tpu.memory_space<vmem>>) target_semaphore(%arg6 : memref<!tpu.dma_semaphore, #tpu.memory_space<semaphore_mem>>)
    %scan3A = arith.constant 0 : i32
    %scan3A_22 = arith.constant 0 : i32
    %scan3A_23 = arith.constant 6 : i32
    %scan3A_24 = arith.addi %scan3A_22, %scan3A_23 : i32
    %scan3A_25 = arith.constant 1 : i32
    scf.for %scan3A_56 = %scan3A_22 to %scan3A_24 step %scan3A_25  : i32 {
      %mul3A_57 = arith.constant 2 : i32
      %mul3A_58 = arith.muli %mul3A_57, %scan3A_56 : i32
      %mul3A_59 = arith.constant 32 : i32
      %mul3A_60 = arith.muli %mul3A_58, %mul3A_59 : i32
      %add3A_61 = arith.addi %add3A, %mul3A_60 : i32
      %add3A_62 = arith.constant 32 : i32
      %add3A_63 = arith.addi %add3A_61, %add3A_62 : i32
      %lt3A_64 = arith.constant 395 : i32
      %lt3A_65 = arith.cmpi slt, %add3A_63, %lt3A_64 : i32
      %convert_element_type3A_66 = arith.extui %lt3A_65 : i1 to i32
      %cond3A_67 = arith.constant 0 : i32
      %cond3A_68 = arith.cmpi ne, %convert_element_type3A_66, %cond3A_67 : i32
      scf.if %cond3A_68 {
        %add3A_93 = arith.constant 32 : i32
        %add3A_94 = arith.addi %add3A_61, %add3A_93 : i32
        %mul3A_95 = arith.constant 256 : i32
        %mul3A_96 = arith.muli %add3A_94, %mul3A_95 : i32
        %dma_start3A_97 = arith.constant 1 : i32
        %dma_start3A_98 = arith.constant 0 : i32
        %dma_start3A_99 = arith.constant 0 : i32
        %dma_start3A_100 = tpu.memref_slice %arg4[%dma_start3A_97, %dma_start3A_98, %dma_start3A_99] : memref<2x256x128xf32, #tpu.memory_space<vmem>> -> memref<1x256x128xf32, #tpu.memory_space<vmem>>
        %dma_start3A_101 = tpu.memref_squeeze %dma_start3A_100 : memref<1x256x128xf32, #tpu.memory_space<vmem>> -> memref<256x128xf32, #tpu.memory_space<vmem>>
        %dma_start3A_102 = arith.constant 0 : i32
        %dma_start3A_103 = tpu.memref_slice %arg2[%mul3A_96, %dma_start3A_102] : memref<101250x128xf32, #tpu.memory_space<hbm>> -> memref<256x128xf32, #tpu.memory_space<hbm>>
        %dma_start3A_104 = arith.constant 0 : i32
        %dma_start3A_105 = arith.constant 0 : i32
        %dma_start3A_106 = tpu.memref_slice %arg4[%dma_start3A_97, %dma_start3A_104, %dma_start3A_105] : memref<2x256x128xf32, #tpu.memory_space<vmem>> -> memref<1x256x128xf32, #tpu.memory_space<vmem>>
        %dma_start3A_107 = tpu.memref_squeeze %dma_start3A_106 : memref<1x256x128xf32, #tpu.memory_space<vmem>> -> memref<256x128xf32, #tpu.memory_space<vmem>>
        %dma_start3A_108 = arith.constant 0 : i32
        %dma_start3A_109 = tpu.memref_slice %arg2[%mul3A_96, %dma_start3A_108] : memref<101250x128xf32, #tpu.memory_space<hbm>> -> memref<256x128xf32, #tpu.memory_space<hbm>>
        tpu.enqueue_dma source(%dma_start3A_109 : memref<256x128xf32, #tpu.memory_space<hbm>>) target(%dma_start3A_107 : memref<256x128xf32, #tpu.memory_space<vmem>>) target_semaphore(%arg7 : memref<!tpu.dma_semaphore, #tpu.memory_space<semaphore_mem>>)
      } else {
      }
      %lt3A_69 = arith.constant 395 : i32
      %lt3A_70 = arith.cmpi slt, %add3A_61, %lt3A_69 : i32
      %convert_element_type3A_71 = arith.extui %lt3A_70 : i1 to i32
      %cond3A_72 = arith.constant 0 : i32
      %cond3A_73 = arith.cmpi ne, %convert_element_type3A_71, %cond3A_72 : i32
      scf.if %cond3A_73 {
        %dma_wait3A = arith.constant 0 : i32
        %dma_wait3A_93 = arith.constant 0 : i32
        %dma_wait3A_94 = arith.constant 0 : i32
        %dma_wait3A_95 = tpu.memref_slice %arg4[%dma_wait3A, %dma_wait3A_93, %dma_wait3A_94] : memref<2x256x128xf32, #tpu.memory_space<vmem>> -> memref<1x256x128xf32, #tpu.memory_space<vmem>>
        %dma_wait3A_96 = tpu.memref_squeeze %dma_wait3A_95 : memref<1x256x128xf32, #tpu.memory_space<vmem>> -> memref<256x128xf32, #tpu.memory_space<vmem>>
        %dma_wait3A_97 = arith.constant 0 : i32
        %dma_wait3A_98 = arith.constant 0 : i32
        %dma_wait3A_99 = tpu.memref_slice %arg2[%dma_wait3A_97, %dma_wait3A_98] : memref<101250x128xf32, #tpu.memory_space<hbm>> -> memref<256x128xf32, #tpu.memory_space<hbm>>
        %dma_wait3A_100 = arith.constant 0 : i32
        %dma_wait3A_101 = arith.constant 0 : i32
        %dma_wait3A_102 = tpu.memref_slice %arg4[%dma_wait3A, %dma_wait3A_100, %dma_wait3A_101] : memref<2x256x128xf32, #tpu.memory_space<vmem>> -> memref<1x256x128xf32, #tpu.memory_space<vmem>>
        %dma_wait3A_103 = tpu.memref_squeeze %dma_wait3A_102 : memref<1x256x128xf32, #tpu.memory_space<vmem>> -> memref<256x128xf32, #tpu.memory_space<vmem>>
        %dma_wait3A_104 = arith.constant 0 : i32
        %dma_wait3A_105 = arith.constant 0 : i32
        %dma_wait3A_106 = tpu.memref_slice %arg2[%dma_wait3A_104, %dma_wait3A_105] : memref<101250x128xf32, #tpu.memory_space<hbm>> -> memref<256x128xf32, #tpu.memory_space<hbm>>
        tpu.wait_dma2 semaphore(%arg6 : memref<!tpu.dma_semaphore, #tpu.memory_space<semaphore_mem>>) src(%dma_wait3A_106 : memref<256x128xf32, #tpu.memory_space<hbm>>) dst(%dma_wait3A_103 : memref<256x128xf32, #tpu.memory_space<vmem>>)
        %sub3A = arith.constant 64 : i32
        %sub3A_107 = arith.subi %add3A_61, %sub3A : i32
        %ge3A = arith.constant 0 : i32
        %ge3A_108 = arith.cmpi sge, %sub3A_107, %ge3A : i32
        %convert_element_type3A_109 = arith.extui %ge3A_108 : i1 to i32
        %cond3A_110 = arith.constant 0 : i32
        %cond3A_111 = arith.cmpi ne, %convert_element_type3A_109, %cond3A_110 : i32
        scf.if %cond3A_111 {
          %dma_wait3A_131 = arith.constant 0 : i32
          %dma_wait3A_132 = arith.constant 0 : i32
          %dma_wait3A_133 = tpu.memref_slice %arg5[%dma_wait3A_131, %dma_wait3A_132] : memref<2x16384xi32, #tpu.memory_space<vmem>> -> memref<1x16384xi32, #tpu.memory_space<vmem>>
          %dma_wait3A_134 = tpu.memref_squeeze %dma_wait3A_133 : memref<1x16384xi32, #tpu.memory_space<vmem>> -> memref<16384xi32, #tpu.memory_space<vmem>>
          %dma_wait3A_135 = arith.constant 0 : i32
          %dma_wait3A_136 = tpu.memref_slice %arg3[%dma_wait3A_135] : memref<6480000xi32, #tpu.memory_space<hbm>> -> memref<16384xi32, #tpu.memory_space<hbm>>
          %dma_wait3A_137 = arith.constant 0 : i32
          %dma_wait3A_138 = tpu.memref_slice %arg3[%dma_wait3A_137] : memref<6480000xi32, #tpu.memory_space<hbm>> -> memref<16384xi32, #tpu.memory_space<hbm>>
          %dma_wait3A_139 = arith.constant 0 : i32
          %dma_wait3A_140 = tpu.memref_slice %arg5[%dma_wait3A_131, %dma_wait3A_139] : memref<2x16384xi32, #tpu.memory_space<vmem>> -> memref<1x16384xi32, #tpu.memory_space<vmem>>
          %dma_wait3A_141 = tpu.memref_squeeze %dma_wait3A_140 : memref<1x16384xi32, #tpu.memory_space<vmem>> -> memref<16384xi32, #tpu.memory_space<vmem>>
          tpu.wait_dma2 semaphore(%arg8 : memref<!tpu.dma_semaphore, #tpu.memory_space<semaphore_mem>>) src(%dma_wait3A_141 : memref<16384xi32, #tpu.memory_space<vmem>>) dst(%dma_wait3A_138 : memref<16384xi32, #tpu.memory_space<hbm>>)
        } else {
        }
        %scan3A_112 = arith.constant 0 : i32
        %scan3A_113 = arith.constant 0 : i32
        %scan3A_114 = arith.constant 256 : i32
        %scan3A_115 = arith.addi %scan3A_113, %scan3A_114 : i32
        %scan3A_116 = arith.constant 1 : i32
        scf.for %scan3A_131 = %scan3A_113 to %scan3A_115 step %scan3A_116  : i32 {
          %get3A = arith.constant 0 : i32
          %get3A_132 = arith.index_cast %get3A : i32 to index
          %get3A_133 = arith.index_cast %scan3A_131 : i32 to index
          %get3A_134 = arith.constant 0 : index
          %get3A_135 = tpu.vector_load %arg4[%get3A_132, %get3A_133, %get3A_134] {strides = array<i32>} : memref<2x256x128xf32, #tpu.memory_space<vmem>>, vector<16xf32>,
          %get3A_136 = arith.constant 0 : i32
          %get3A_137 = arith.index_cast %get3A_136 : i32 to index
          %get3A_138 = arith.index_cast %scan3A_131 : i32 to index
          %get3A_139 = arith.constant 16 : index
          %get3A_140 = tpu.vector_load %arg4[%get3A_137, %get3A_138, %get3A_139] {strides = array<i32>} : memref<2x256x128xf32, #tpu.memory_space<vmem>>, vector<16xf32>,
          %bitcast3A = vector.bitcast %get3A_135 : vector<16xf32> to vector<16xi32>
          %add3A_141 = arith.addi %bitcast3A, %broadcast_in_dim3A_7 : vector<16xi32>
          %shift_right_logical3A = arith.shrui %bitcast3A, %broadcast_in_dim3A_3 : vector<16xi32>
          %and3A = arith.andi %shift_right_logical3A, %broadcast_in_dim3A_5 : vector<16xi32>
          %add3A_142 = arith.addi %add3A_141, %and3A : vector<16xi32>
          %shift_right_logical3A_143 = arith.shrui %add3A_142, %broadcast_in_dim3A_3 : vector<16xi32>
          %bitcast3A_144 = vector.bitcast %get3A_140 : vector<16xf32> to vector<16xi32>
          %add3A_145 = arith.addi %bitcast3A_144, %broadcast_in_dim3A_7 : vector<16xi32>
          %shift_right_logical3A_146 = arith.shrui %bitcast3A_144, %broadcast_in_dim3A_3 : vector<16xi32>
          %and3A_147 = arith.andi %shift_right_logical3A_146, %broadcast_in_dim3A_5 : vector<16xi32>
          %add3A_148 = arith.addi %add3A_145, %and3A_147 : vector<16xi32>
          %and3A_149 = arith.andi %add3A_148, %broadcast_in_dim3A_1 : vector<16xi32>
          %or3A = arith.ori %shift_right_logical3A_143, %and3A_149 : vector<16xi32>
          %mul3A_150 = arith.constant 64 : i32
          %mul3A_151 = arith.muli %scan3A_131, %mul3A_150 : i32
          %add3A_152 = arith.constant 0 : i32
          %add3A_153 = arith.addi %mul3A_151, %add3A_152 : i32
          %swap3A = arith.constant 0 : i32
          %swap3A_154 = arith.index_cast %swap3A : i32 to index
          %swap3A_155 = arith.index_cast %add3A_153 : i32 to index
          %swap3A_156 = tpu.vector_load %arg5[%swap3A_154, %swap3A_155] {strides = array<i32>} : memref<2x16384xi32, #tpu.memory_space<vmem>>, vector<16xi32>,
          tpu.vector_store %arg5[%swap3A_154, %swap3A_155], %or3A {strides = array<i32>} : memref<2x16384xi32, #tpu.memory_space<vmem>>, vector<16xi32>,
          %get3A_157 = arith.constant 0 : i32
          %get3A_158 = arith.index_cast %get3A_157 : i32 to index
          %get3A_159 = arith.index_cast %scan3A_131 : i32 to index
          %get3A_160 = arith.constant 32 : index
          %get3A_161 = tpu.vector_load %arg4[%get3A_158, %get3A_159, %get3A_160] {strides = array<i32>} : memref<2x256x128xf32, #tpu.memory_space<vmem>>, vector<16xf32>,
          %get3A_162 = arith.constant 0 : i32
          %get3A_163 = arith.index_cast %get3A_162 : i32 to index
          %get3A_164 = arith.index_cast %scan3A_131 : i32 to index
          %get3A_165 = arith.constant 48 : index
          %get3A_166 = tpu.vector_load %arg4[%get3A_163, %get3A_164, %get3A_165] {strides = array<i32>} : memref<2x256x128xf32, #tpu.memory_space<vmem>>, vector<16xf32>,
          %bitcast3A_167 = vector.bitcast %get3A_161 : vector<16xf32> to vector<16xi32>
          %add3A_168 = arith.addi %bitcast3A_167, %broadcast_in_dim3A_7 : vector<16xi32>
          %shift_right_logical3A_169 = arith.shrui %bitcast3A_167, %broadcast_in_dim3A_3 : vector<16xi32>
          %and3A_170 = arith.andi %shift_right_logical3A_169, %broadcast_in_dim3A_5 : vector<16xi32>
          %add3A_171 = arith.addi %add3A_168, %and3A_170 : vector<16xi32>
          %shift_right_logical3A_172 = arith.shrui %add3A_171, %broadcast_in_dim3A_3 : vector<16xi32>
          %bitcast3A_173 = vector.bitcast %get3A_166 : vector<16xf32> to vector<16xi32>
          %add3A_174 = arith.addi %bitcast3A_173, %broadcast_in_dim3A_7 : vector<16xi32>
          %shift_right_logical3A_175 = arith.shrui %bitcast3A_173, %broadcast_in_dim3A_3 : vector<16xi32>
          %and3A_176 = arith.andi %shift_right_logical3A_175, %broadcast_in_dim3A_5 : vector<16xi32>
          %add3A_177 = arith.addi %add3A_174, %and3A_176 : vector<16xi32>
          %and3A_178 = arith.andi %add3A_177, %broadcast_in_dim3A_1 : vector<16xi32>
          %or3A_179 = arith.ori %shift_right_logical3A_172, %and3A_178 : vector<16xi32>
          %mul3A_180 = arith.constant 64 : i32
          %mul3A_181 = arith.muli %scan3A_131, %mul3A_180 : i32
          %add3A_182 = arith.constant 16 : i32
          %add3A_183 = arith.addi %mul3A_181, %add3A_182 : i32
          %swap3A_184 = arith.constant 0 : i32
          %swap3A_185 = arith.index_cast %swap3A_184 : i32 to index
          %swap3A_186 = arith.index_cast %add3A_183 : i32 to index
          %swap3A_187 = tpu.vector_load %arg5[%swap3A_185, %swap3A_186] {strides = array<i32>} : memref<2x16384xi32, #tpu.memory_space<vmem>>, vector<16xi32>,
          tpu.vector_store %arg5[%swap3A_185, %swap3A_186], %or3A_179 {strides = array<i32>} : memref<2x16384xi32, #tpu.memory_space<vmem>>, vector<16xi32>,
          %get3A_188 = arith.constant 0 : i32
          %get3A_189 = arith.index_cast %get3A_188 : i32 to index
          %get3A_190 = arith.index_cast %scan3A_131 : i32 to index
          %get3A_191 = arith.constant 64 : index
          %get3A_192 = tpu.vector_load %arg4[%get3A_189, %get3A_190, %get3A_191] {strides = array<i32>} : memref<2x256x128xf32, #tpu.memory_space<vmem>>, vector<16xf32>,
          %get3A_193 = arith.constant 0 : i32
          %get3A_194 = arith.index_cast %get3A_193 : i32 to index
          %get3A_195 = arith.index_cast %scan3A_131 : i32 to index
          %get3A_196 = arith.constant 80 : index
          %get3A_197 = tpu.vector_load %arg4[%get3A_194, %get3A_195, %get3A_196] {strides = array<i32>} : memref<2x256x128xf32, #tpu.memory_space<vmem>>, vector<16xf32>,
          %bitcast3A_198 = vector.bitcast %get3A_192 : vector<16xf32> to vector<16xi32>
          %add3A_199 = arith.addi %bitcast3A_198, %broadcast_in_dim3A_7 : vector<16xi32>
          %shift_right_logical3A_200 = arith.shrui %bitcast3A_198, %broadcast_in_dim3A_3 : vector<16xi32>
          %and3A_201 = arith.andi %shift_right_logical3A_200, %broadcast_in_dim3A_5 : vector<16xi32>
          %add3A_202 = arith.addi %add3A_199, %and3A_201 : vector<16xi32>
          %shift_right_logical3A_203 = arith.shrui %add3A_202, %broadcast_in_dim3A_3 : vector<16xi32>
          %bitcast3A_204 = vector.bitcast %get3A_197 : vector<16xf32> to vector<16xi32>
          %add3A_205 = arith.addi %bitcast3A_204, %broadcast_in_dim3A_7 : vector<16xi32>
          %shift_right_logical3A_206 = arith.shrui %bitcast3A_204, %broadcast_in_dim3A_3 : vector<16xi32>
          %and3A_207 = arith.andi %shift_right_logical3A_206, %broadcast_in_dim3A_5 : vector<16xi32>
          %add3A_208 = arith.addi %add3A_205, %and3A_207 : vector<16xi32>
          %and3A_209 = arith.andi %add3A_208, %broadcast_in_dim3A_1 : vector<16xi32>
          %or3A_210 = arith.ori %shift_right_logical3A_203, %and3A_209 : vector<16xi32>
          %mul3A_211 = arith.constant 64 : i32
          %mul3A_212 = arith.muli %scan3A_131, %mul3A_211 : i32
          %add3A_213 = arith.constant 32 : i32
          %add3A_214 = arith.addi %mul3A_212, %add3A_213 : i32
          %swap3A_215 = arith.constant 0 : i32
          %swap3A_216 = arith.index_cast %swap3A_215 : i32 to index
          %swap3A_217 = arith.index_cast %add3A_214 : i32 to index
          %swap3A_218 = tpu.vector_load %arg5[%swap3A_216, %swap3A_217] {strides = array<i32>} : memref<2x16384xi32, #tpu.memory_space<vmem>>, vector<16xi32>,
          tpu.vector_store %arg5[%swap3A_216, %swap3A_217], %or3A_210 {strides = array<i32>} : memref<2x16384xi32, #tpu.memory_space<vmem>>, vector<16xi32>,
          %get3A_219 = arith.constant 0 : i32
          %get3A_220 = arith.index_cast %get3A_219 : i32 to index
          %get3A_221 = arith.index_cast %scan3A_131 : i32 to index
          %get3A_222 = arith.constant 96 : index
          %get3A_223 = tpu.vector_load %arg4[%get3A_220, %get3A_221, %get3A_222] {strides = array<i32>} : memref<2x256x128xf32, #tpu.memory_space<vmem>>, vector<16xf32>,
          %get3A_224 = arith.constant 0 : i32
          %get3A_225 = arith.index_cast %get3A_224 : i32 to index
          %get3A_226 = arith.index_cast %scan3A_131 : i32 to index
          %get3A_227 = arith.constant 112 : index
          %get3A_228 = tpu.vector_load %arg4[%get3A_225, %get3A_226, %get3A_227] {strides = array<i32>} : memref<2x256x128xf32, #tpu.memory_space<vmem>>, vector<16xf32>,
          %bitcast3A_229 = vector.bitcast %get3A_223 : vector<16xf32> to vector<16xi32>
          %add3A_230 = arith.addi %bitcast3A_229, %broadcast_in_dim3A_7 : vector<16xi32>
          %shift_right_logical3A_231 = arith.shrui %bitcast3A_229, %broadcast_in_dim3A_3 : vector<16xi32>
          %and3A_232 = arith.andi %shift_right_logical3A_231, %broadcast_in_dim3A_5 : vector<16xi32>
          %add3A_233 = arith.addi %add3A_230, %and3A_232 : vector<16xi32>
          %shift_right_logical3A_234 = arith.shrui %add3A_233, %broadcast_in_dim3A_3 : vector<16xi32>
          %bitcast3A_235 = vector.bitcast %get3A_228 : vector<16xf32> to vector<16xi32>
          %add3A_236 = arith.addi %bitcast3A_235, %broadcast_in_dim3A_7 : vector<16xi32>
          %shift_right_logical3A_237 = arith.shrui %bitcast3A_235, %broadcast_in_dim3A_3 : vector<16xi32>
          %and3A_238 = arith.andi %shift_right_logical3A_237, %broadcast_in_dim3A_5 : vector<16xi32>
          %add3A_239 = arith.addi %add3A_236, %and3A_238 : vector<16xi32>
          %and3A_240 = arith.andi %add3A_239, %broadcast_in_dim3A_1 : vector<16xi32>
          %or3A_241 = arith.ori %shift_right_logical3A_234, %and3A_240 : vector<16xi32>
          %mul3A_242 = arith.constant 64 : i32
          %mul3A_243 = arith.muli %scan3A_131, %mul3A_242 : i32
          %add3A_244 = arith.constant 48 : i32
          %add3A_245 = arith.addi %mul3A_243, %add3A_244 : i32
          %swap3A_246 = arith.constant 0 : i32
          %swap3A_247 = arith.index_cast %swap3A_246 : i32 to index
          %swap3A_248 = arith.index_cast %add3A_245 : i32 to index
          %swap3A_249 = tpu.vector_load %arg5[%swap3A_247, %swap3A_248] {strides = array<i32>} : memref<2x16384xi32, #tpu.memory_space<vmem>>, vector<16xi32>,
          tpu.vector_store %arg5[%swap3A_247, %swap3A_248], %or3A_241 {strides = array<i32>} : memref<2x16384xi32, #tpu.memory_space<vmem>>, vector<16xi32>,
        }
        %scan3A_117 = arith.constant 256 : i32
        %mul3A_118 = arith.constant 256 : i32
        %mul3A_119 = arith.muli %add3A_61, %mul3A_118 : i32
        %mul3A_120 = arith.constant 64 : i32
        %mul3A_121 = arith.muli %mul3A_119, %mul3A_120 : i32
        %dma_start3A_122 = arith.constant 0 : i32
        %dma_start3A_123 = arith.constant 0 : i32
        %dma_start3A_124 = tpu.memref_slice %arg5[%dma_start3A_122, %dma_start3A_123] : memref<2x16384xi32, #tpu.memory_space<vmem>> -> memref<1x16384xi32, #tpu.memory_space<vmem>>
        %dma_start3A_125 = tpu.memref_squeeze %dma_start3A_124 : memref<1x16384xi32, #tpu.memory_space<vmem>> -> memref<16384xi32, #tpu.memory_space<vmem>>
        %dma_start3A_126 = tpu.memref_slice %arg3[%mul3A_121] : memref<6480000xi32, #tpu.memory_space<hbm>> -> memref<16384xi32, #tpu.memory_space<hbm>>
        %dma_start3A_127 = tpu.memref_slice %arg3[%mul3A_121] : memref<6480000xi32, #tpu.memory_space<hbm>> -> memref<16384xi32, #tpu.memory_space<hbm>>
        %dma_start3A_128 = arith.constant 0 : i32
        %dma_start3A_129 = tpu.memref_slice %arg5[%dma_start3A_122, %dma_start3A_128] : memref<2x16384xi32, #tpu.memory_space<vmem>> -> memref<1x16384xi32, #tpu.memory_space<vmem>>
        %dma_start3A_130 = tpu.memref_squeeze %dma_start3A_129 : memref<1x16384xi32, #tpu.memory_space<vmem>> -> memref<16384xi32, #tpu.memory_space<vmem>>
        tpu.enqueue_dma source(%dma_start3A_130 : memref<16384xi32, #tpu.memory_space<vmem>>) target(%dma_start3A_127 : memref<16384xi32, #tpu.memory_space<hbm>>) target_semaphore(%arg8 : memref<!tpu.dma_semaphore, #tpu.memory_space<semaphore_mem>>)
      } else {
      }
      %mul3A_74 = arith.constant 2 : i32
      %mul3A_75 = arith.muli %mul3A_74, %scan3A_56 : i32
      %add3A_76 = arith.constant 1 : i32
      %add3A_77 = arith.addi %mul3A_75, %add3A_76 : i32
      %mul3A_78 = arith.constant 32 : i32
      %mul3A_79 = arith.muli %add3A_77, %mul3A_78 : i32
      %add3A_80 = arith.addi %add3A, %mul3A_79 : i32
      %add3A_81 = arith.constant 32 : i32
      %add3A_82 = arith.addi %add3A_80, %add3A_81 : i32
      %lt3A_83 = arith.constant 395 : i32
      %lt3A_84 = arith.cmpi slt, %add3A_82, %lt3A_83 : i32
      %convert_element_type3A_85 = arith.extui %lt3A_84 : i1 to i32
      %cond3A_86 = arith.constant 0 : i32
      %cond3A_87 = arith.cmpi ne, %convert_element_type3A_85, %cond3A_86 : i32
      scf.if %cond3A_87 {
        %add3A_93 = arith.constant 32 : i32
        %add3A_94 = arith.addi %add3A_80, %add3A_93 : i32
        %mul3A_95 = arith.constant 256 : i32
        %mul3A_96 = arith.muli %add3A_94, %mul3A_95 : i32
        %dma_start3A_97 = arith.constant 0 : i32
        %dma_start3A_98 = arith.constant 0 : i32
        %dma_start3A_99 = arith.constant 0 : i32
        %dma_start3A_100 = tpu.memref_slice %arg4[%dma_start3A_97, %dma_start3A_98, %dma_start3A_99] : memref<2x256x128xf32, #tpu.memory_space<vmem>> -> memref<1x256x128xf32, #tpu.memory_space<vmem>>
        %dma_start3A_101 = tpu.memref_squeeze %dma_start3A_100 : memref<1x256x128xf32, #tpu.memory_space<vmem>> -> memref<256x128xf32, #tpu.memory_space<vmem>>
        %dma_start3A_102 = arith.constant 0 : i32
        %dma_start3A_103 = tpu.memref_slice %arg2[%mul3A_96, %dma_start3A_102] : memref<101250x128xf32, #tpu.memory_space<hbm>> -> memref<256x128xf32, #tpu.memory_space<hbm>>
        %dma_start3A_104 = arith.constant 0 : i32
        %dma_start3A_105 = arith.constant 0 : i32
        %dma_start3A_106 = tpu.memref_slice %arg4[%dma_start3A_97, %dma_start3A_104, %dma_start3A_105] : memref<2x256x128xf32, #tpu.memory_space<vmem>> -> memref<1x256x128xf32, #tpu.memory_space<vmem>>
        %dma_start3A_107 = tpu.memref_squeeze %dma_start3A_106 : memref<1x256x128xf32, #tpu.memory_space<vmem>> -> memref<256x128xf32, #tpu.memory_space<vmem>>
        %dma_start3A_108 = arith.constant 0 : i32
        %dma_start3A_109 = tpu.memref_slice %arg2[%mul3A_96, %dma_start3A_108] : memref<101250x128xf32, #tpu.memory_space<hbm>> -> memref<256x128xf32, #tpu.memory_space<hbm>>
        tpu.enqueue_dma source(%dma_start3A_109 : memref<256x128xf32, #tpu.memory_space<hbm>>) target(%dma_start3A_107 : memref<256x128xf32, #tpu.memory_space<vmem>>) target_semaphore(%arg6 : memref<!tpu.dma_semaphore, #tpu.memory_space<semaphore_mem>>)
      } else {
      }
      %lt3A_88 = arith.constant 395 : i32
      %lt3A_89 = arith.cmpi slt, %add3A_80, %lt3A_88 : i32
      %convert_element_type3A_90 = arith.extui %lt3A_89 : i1 to i32
      %cond3A_91 = arith.constant 0 : i32
      %cond3A_92 = arith.cmpi ne, %convert_element_type3A_90, %cond3A_91 : i32
      scf.if %cond3A_92 {
        %dma_wait3A = arith.constant 1 : i32
        %dma_wait3A_93 = arith.constant 0 : i32
        %dma_wait3A_94 = arith.constant 0 : i32
        %dma_wait3A_95 = tpu.memref_slice %arg4[%dma_wait3A, %dma_wait3A_93, %dma_wait3A_94] : memref<2x256x128xf32, #tpu.memory_space<vmem>> -> memref<1x256x128xf32, #tpu.memory_space<vmem>>
        %dma_wait3A_96 = tpu.memref_squeeze %dma_wait3A_95 : memref<1x256x128xf32, #tpu.memory_space<vmem>> -> memref<256x128xf32, #tpu.memory_space<vmem>>
        %dma_wait3A_97 = arith.constant 0 : i32
        %dma_wait3A_98 = arith.constant 0 : i32
        %dma_wait3A_99 = tpu.memref_slice %arg2[%dma_wait3A_97, %dma_wait3A_98] : memref<101250x128xf32, #tpu.memory_space<hbm>> -> memref<256x128xf32, #tpu.memory_space<hbm>>
        %dma_wait3A_100 = arith.constant 0 : i32
        %dma_wait3A_101 = arith.constant 0 : i32
        %dma_wait3A_102 = tpu.memref_slice %arg4[%dma_wait3A, %dma_wait3A_100, %dma_wait3A_101] : memref<2x256x128xf32, #tpu.memory_space<vmem>> -> memref<1x256x128xf32, #tpu.memory_space<vmem>>
        %dma_wait3A_103 = tpu.memref_squeeze %dma_wait3A_102 : memref<1x256x128xf32, #tpu.memory_space<vmem>> -> memref<256x128xf32, #tpu.memory_space<vmem>>
        %dma_wait3A_104 = arith.constant 0 : i32
        %dma_wait3A_105 = arith.constant 0 : i32
        %dma_wait3A_106 = tpu.memref_slice %arg2[%dma_wait3A_104, %dma_wait3A_105] : memref<101250x128xf32, #tpu.memory_space<hbm>> -> memref<256x128xf32, #tpu.memory_space<hbm>>
        tpu.wait_dma2 semaphore(%arg7 : memref<!tpu.dma_semaphore, #tpu.memory_space<semaphore_mem>>) src(%dma_wait3A_106 : memref<256x128xf32, #tpu.memory_space<hbm>>) dst(%dma_wait3A_103 : memref<256x128xf32, #tpu.memory_space<vmem>>)
        %sub3A = arith.constant 64 : i32
        %sub3A_107 = arith.subi %add3A_80, %sub3A : i32
        %ge3A = arith.constant 0 : i32
        %ge3A_108 = arith.cmpi sge, %sub3A_107, %ge3A : i32
        %convert_element_type3A_109 = arith.extui %ge3A_108 : i1 to i32
        %cond3A_110 = arith.constant 0 : i32
        %cond3A_111 = arith.cmpi ne, %convert_element_type3A_109, %cond3A_110 : i32
        scf.if %cond3A_111 {
          %dma_wait3A_131 = arith.constant 1 : i32
          %dma_wait3A_132 = arith.constant 0 : i32
          %dma_wait3A_133 = tpu.memref_slice %arg5[%dma_wait3A_131, %dma_wait3A_132] : memref<2x16384xi32, #tpu.memory_space<vmem>> -> memref<1x16384xi32, #tpu.memory_space<vmem>>
          %dma_wait3A_134 = tpu.memref_squeeze %dma_wait3A_133 : memref<1x16384xi32, #tpu.memory_space<vmem>> -> memref<16384xi32, #tpu.memory_space<vmem>>
          %dma_wait3A_135 = arith.constant 0 : i32
          %dma_wait3A_136 = tpu.memref_slice %arg3[%dma_wait3A_135] : memref<6480000xi32, #tpu.memory_space<hbm>> -> memref<16384xi32, #tpu.memory_space<hbm>>
          %dma_wait3A_137 = arith.constant 0 : i32
          %dma_wait3A_138 = tpu.memref_slice %arg3[%dma_wait3A_137] : memref<6480000xi32, #tpu.memory_space<hbm>> -> memref<16384xi32, #tpu.memory_space<hbm>>
          %dma_wait3A_139 = arith.constant 0 : i32
          %dma_wait3A_140 = tpu.memref_slice %arg5[%dma_wait3A_131, %dma_wait3A_139] : memref<2x16384xi32, #tpu.memory_space<vmem>> -> memref<1x16384xi32, #tpu.memory_space<vmem>>
          %dma_wait3A_141 = tpu.memref_squeeze %dma_wait3A_140 : memref<1x16384xi32, #tpu.memory_space<vmem>> -> memref<16384xi32, #tpu.memory_space<vmem>>
          tpu.wait_dma2 semaphore(%arg9 : memref<!tpu.dma_semaphore, #tpu.memory_space<semaphore_mem>>) src(%dma_wait3A_141 : memref<16384xi32, #tpu.memory_space<vmem>>) dst(%dma_wait3A_138 : memref<16384xi32, #tpu.memory_space<hbm>>)
        } else {
        }
        %scan3A_112 = arith.constant 0 : i32
        %scan3A_113 = arith.constant 0 : i32
        %scan3A_114 = arith.constant 256 : i32
        %scan3A_115 = arith.addi %scan3A_113, %scan3A_114 : i32
        %scan3A_116 = arith.constant 1 : i32
        scf.for %scan3A_131 = %scan3A_113 to %scan3A_115 step %scan3A_116  : i32 {
          %get3A = arith.constant 1 : i32
          %get3A_132 = arith.index_cast %get3A : i32 to index
          %get3A_133 = arith.index_cast %scan3A_131 : i32 to index
          %get3A_134 = arith.constant 0 : index
          %get3A_135 = tpu.vector_load %arg4[%get3A_132, %get3A_133, %get3A_134] {strides = array<i32>} : memref<2x256x128xf32, #tpu.memory_space<vmem>>, vector<16xf32>,
          %get3A_136 = arith.constant 1 : i32
          %get3A_137 = arith.index_cast %get3A_136 : i32 to index
          %get3A_138 = arith.index_cast %scan3A_131 : i32 to index
          %get3A_139 = arith.constant 16 : index
          %get3A_140 = tpu.vector_load %arg4[%get3A_137, %get3A_138, %get3A_139] {strides = array<i32>} : memref<2x256x128xf32, #tpu.memory_space<vmem>>, vector<16xf32>,
          %bitcast3A = vector.bitcast %get3A_135 : vector<16xf32> to vector<16xi32>
          %add3A_141 = arith.addi %bitcast3A, %broadcast_in_dim3A_7 : vector<16xi32>
          %shift_right_logical3A = arith.shrui %bitcast3A, %broadcast_in_dim3A_3 : vector<16xi32>
          %and3A = arith.andi %shift_right_logical3A, %broadcast_in_dim3A_5 : vector<16xi32>
          %add3A_142 = arith.addi %add3A_141, %and3A : vector<16xi32>
          %shift_right_logical3A_143 = arith.shrui %add3A_142, %broadcast_in_dim3A_3 : vector<16xi32>
          %bitcast3A_144 = vector.bitcast %get3A_140 : vector<16xf32> to vector<16xi32>
          %add3A_145 = arith.addi %bitcast3A_144, %broadcast_in_dim3A_7 : vector<16xi32>
          %shift_right_logical3A_146 = arith.shrui %bitcast3A_144, %broadcast_in_dim3A_3 : vector<16xi32>
          %and3A_147 = arith.andi %shift_right_logical3A_146, %broadcast_in_dim3A_5 : vector<16xi32>
          %add3A_148 = arith.addi %add3A_145, %and3A_147 : vector<16xi32>
          %and3A_149 = arith.andi %add3A_148, %broadcast_in_dim3A_1 : vector<16xi32>
          %or3A = arith.ori %shift_right_logical3A_143, %and3A_149 : vector<16xi32>
          %mul3A_150 = arith.constant 64 : i32
          %mul3A_151 = arith.muli %scan3A_131, %mul3A_150 : i32
          %add3A_152 = arith.constant 0 : i32
          %add3A_153 = arith.addi %mul3A_151, %add3A_152 : i32
          %swap3A = arith.constant 1 : i32
          %swap3A_154 = arith.index_cast %swap3A : i32 to index
          %swap3A_155 = arith.index_cast %add3A_153 : i32 to index
          %swap3A_156 = tpu.vector_load %arg5[%swap3A_154, %swap3A_155] {strides = array<i32>} : memref<2x16384xi32, #tpu.memory_space<vmem>>, vector<16xi32>,
          tpu.vector_store %arg5[%swap3A_154, %swap3A_155], %or3A {strides = array<i32>} : memref<2x16384xi32, #tpu.memory_space<vmem>>, vector<16xi32>,
          %get3A_157 = arith.constant 1 : i32
          %get3A_158 = arith.index_cast %get3A_157 : i32 to index
          %get3A_159 = arith.index_cast %scan3A_131 : i32 to index
          %get3A_160 = arith.constant 32 : index
          %get3A_161 = tpu.vector_load %arg4[%get3A_158, %get3A_159, %get3A_160] {strides = array<i32>} : memref<2x256x128xf32, #tpu.memory_space<vmem>>, vector<16xf32>,
          %get3A_162 = arith.constant 1 : i32
          %get3A_163 = arith.index_cast %get3A_162 : i32 to index
          %get3A_164 = arith.index_cast %scan3A_131 : i32 to index
          %get3A_165 = arith.constant 48 : index
          %get3A_166 = tpu.vector_load %arg4[%get3A_163, %get3A_164, %get3A_165] {strides = array<i32>} : memref<2x256x128xf32, #tpu.memory_space<vmem>>, vector<16xf32>,
          %bitcast3A_167 = vector.bitcast %get3A_161 : vector<16xf32> to vector<16xi32>
          %add3A_168 = arith.addi %bitcast3A_167, %broadcast_in_dim3A_7 : vector<16xi32>
          %shift_right_logical3A_169 = arith.shrui %bitcast3A_167, %broadcast_in_dim3A_3 : vector<16xi32>
          %and3A_170 = arith.andi %shift_right_logical3A_169, %broadcast_in_dim3A_5 : vector<16xi32>
          %add3A_171 = arith.addi %add3A_168, %and3A_170 : vector<16xi32>
          %shift_right_logical3A_172 = arith.shrui %add3A_171, %broadcast_in_dim3A_3 : vector<16xi32>
          %bitcast3A_173 = vector.bitcast %get3A_166 : vector<16xf32> to vector<16xi32>
          %add3A_174 = arith.addi %bitcast3A_173, %broadcast_in_dim3A_7 : vector<16xi32>
          %shift_right_logical3A_175 = arith.shrui %bitcast3A_173, %broadcast_in_dim3A_3 : vector<16xi32>
          %and3A_176 = arith.andi %shift_right_logical3A_175, %broadcast_in_dim3A_5 : vector<16xi32>
          %add3A_177 = arith.addi %add3A_174, %and3A_176 : vector<16xi32>
          %and3A_178 = arith.andi %add3A_177, %broadcast_in_dim3A_1 : vector<16xi32>
          %or3A_179 = arith.ori %shift_right_logical3A_172, %and3A_178 : vector<16xi32>
          %mul3A_180 = arith.constant 64 : i32
          %mul3A_181 = arith.muli %scan3A_131, %mul3A_180 : i32
          %add3A_182 = arith.constant 16 : i32
          %add3A_183 = arith.addi %mul3A_181, %add3A_182 : i32
          %swap3A_184 = arith.constant 1 : i32
          %swap3A_185 = arith.index_cast %swap3A_184 : i32 to index
          %swap3A_186 = arith.index_cast %add3A_183 : i32 to index
          %swap3A_187 = tpu.vector_load %arg5[%swap3A_185, %swap3A_186] {strides = array<i32>} : memref<2x16384xi32, #tpu.memory_space<vmem>>, vector<16xi32>,
          tpu.vector_store %arg5[%swap3A_185, %swap3A_186], %or3A_179 {strides = array<i32>} : memref<2x16384xi32, #tpu.memory_space<vmem>>, vector<16xi32>,
          %get3A_188 = arith.constant 1 : i32
          %get3A_189 = arith.index_cast %get3A_188 : i32 to index
          %get3A_190 = arith.index_cast %scan3A_131 : i32 to index
          %get3A_191 = arith.constant 64 : index
          %get3A_192 = tpu.vector_load %arg4[%get3A_189, %get3A_190, %get3A_191] {strides = array<i32>} : memref<2x256x128xf32, #tpu.memory_space<vmem>>, vector<16xf32>,
          %get3A_193 = arith.constant 1 : i32
          %get3A_194 = arith.index_cast %get3A_193 : i32 to index
          %get3A_195 = arith.index_cast %scan3A_131 : i32 to index
          %get3A_196 = arith.constant 80 : index
          %get3A_197 = tpu.vector_load %arg4[%get3A_194, %get3A_195, %get3A_196] {strides = array<i32>} : memref<2x256x128xf32, #tpu.memory_space<vmem>>, vector<16xf32>,
          %bitcast3A_198 = vector.bitcast %get3A_192 : vector<16xf32> to vector<16xi32>
          %add3A_199 = arith.addi %bitcast3A_198, %broadcast_in_dim3A_7 : vector<16xi32>
          %shift_right_logical3A_200 = arith.shrui %bitcast3A_198, %broadcast_in_dim3A_3 : vector<16xi32>
          %and3A_201 = arith.andi %shift_right_logical3A_200, %broadcast_in_dim3A_5 : vector<16xi32>
          %add3A_202 = arith.addi %add3A_199, %and3A_201 : vector<16xi32>
          %shift_right_logical3A_203 = arith.shrui %add3A_202, %broadcast_in_dim3A_3 : vector<16xi32>
          %bitcast3A_204 = vector.bitcast %get3A_197 : vector<16xf32> to vector<16xi32>
          %add3A_205 = arith.addi %bitcast3A_204, %broadcast_in_dim3A_7 : vector<16xi32>
          %shift_right_logical3A_206 = arith.shrui %bitcast3A_204, %broadcast_in_dim3A_3 : vector<16xi32>
          %and3A_207 = arith.andi %shift_right_logical3A_206, %broadcast_in_dim3A_5 : vector<16xi32>
          %add3A_208 = arith.addi %add3A_205, %and3A_207 : vector<16xi32>
          %and3A_209 = arith.andi %add3A_208, %broadcast_in_dim3A_1 : vector<16xi32>
          %or3A_210 = arith.ori %shift_right_logical3A_203, %and3A_209 : vector<16xi32>
          %mul3A_211 = arith.constant 64 : i32
          %mul3A_212 = arith.muli %scan3A_131, %mul3A_211 : i32
          %add3A_213 = arith.constant 32 : i32
          %add3A_214 = arith.addi %mul3A_212, %add3A_213 : i32
          %swap3A_215 = arith.constant 1 : i32
          %swap3A_216 = arith.index_cast %swap3A_215 : i32 to index
          %swap3A_217 = arith.index_cast %add3A_214 : i32 to index
          %swap3A_218 = tpu.vector_load %arg5[%swap3A_216, %swap3A_217] {strides = array<i32>} : memref<2x16384xi32, #tpu.memory_space<vmem>>, vector<16xi32>,
          tpu.vector_store %arg5[%swap3A_216, %swap3A_217], %or3A_210 {strides = array<i32>} : memref<2x16384xi32, #tpu.memory_space<vmem>>, vector<16xi32>,
          %get3A_219 = arith.constant 1 : i32
          %get3A_220 = arith.index_cast %get3A_219 : i32 to index
          %get3A_221 = arith.index_cast %scan3A_131 : i32 to index
          %get3A_222 = arith.constant 96 : index
          %get3A_223 = tpu.vector_load %arg4[%get3A_220, %get3A_221, %get3A_222] {strides = array<i32>} : memref<2x256x128xf32, #tpu.memory_space<vmem>>, vector<16xf32>,
          %get3A_224 = arith.constant 1 : i32
          %get3A_225 = arith.index_cast %get3A_224 : i32 to index
          %get3A_226 = arith.index_cast %scan3A_131 : i32 to index
          %get3A_227 = arith.constant 112 : index
          %get3A_228 = tpu.vector_load %arg4[%get3A_225, %get3A_226, %get3A_227] {strides = array<i32>} : memref<2x256x128xf32, #tpu.memory_space<vmem>>, vector<16xf32>,
          %bitcast3A_229 = vector.bitcast %get3A_223 : vector<16xf32> to vector<16xi32>
          %add3A_230 = arith.addi %bitcast3A_229, %broadcast_in_dim3A_7 : vector<16xi32>
          %shift_right_logical3A_231 = arith.shrui %bitcast3A_229, %broadcast_in_dim3A_3 : vector<16xi32>
          %and3A_232 = arith.andi %shift_right_logical3A_231, %broadcast_in_dim3A_5 : vector<16xi32>
          %add3A_233 = arith.addi %add3A_230, %and3A_232 : vector<16xi32>
          %shift_right_logical3A_234 = arith.shrui %add3A_233, %broadcast_in_dim3A_3 : vector<16xi32>
          %bitcast3A_235 = vector.bitcast %get3A_228 : vector<16xf32> to vector<16xi32>
          %add3A_236 = arith.addi %bitcast3A_235, %broadcast_in_dim3A_7 : vector<16xi32>
          %shift_right_logical3A_237 = arith.shrui %bitcast3A_235, %broadcast_in_dim3A_3 : vector<16xi32>
          %and3A_238 = arith.andi %shift_right_logical3A_237, %broadcast_in_dim3A_5 : vector<16xi32>
          %add3A_239 = arith.addi %add3A_236, %and3A_238 : vector<16xi32>
          %and3A_240 = arith.andi %add3A_239, %broadcast_in_dim3A_1 : vector<16xi32>
          %or3A_241 = arith.ori %shift_right_logical3A_234, %and3A_240 : vector<16xi32>
          %mul3A_242 = arith.constant 64 : i32
          %mul3A_243 = arith.muli %scan3A_131, %mul3A_242 : i32
          %add3A_244 = arith.constant 48 : i32
          %add3A_245 = arith.addi %mul3A_243, %add3A_244 : i32
          %swap3A_246 = arith.constant 1 : i32
          %swap3A_247 = arith.index_cast %swap3A_246 : i32 to index
          %swap3A_248 = arith.index_cast %add3A_245 : i32 to index
          %swap3A_249 = tpu.vector_load %arg5[%swap3A_247, %swap3A_248] {strides = array<i32>} : memref<2x16384xi32, #tpu.memory_space<vmem>>, vector<16xi32>,
          tpu.vector_store %arg5[%swap3A_247, %swap3A_248], %or3A_241 {strides = array<i32>} : memref<2x16384xi32, #tpu.memory_space<vmem>>, vector<16xi32>,
        }
        %scan3A_117 = arith.constant 256 : i32
        %mul3A_118 = arith.constant 256 : i32
        %mul3A_119 = arith.muli %add3A_80, %mul3A_118 : i32
        %mul3A_120 = arith.constant 64 : i32
        %mul3A_121 = arith.muli %mul3A_119, %mul3A_120 : i32
        %dma_start3A_122 = arith.constant 1 : i32
        %dma_start3A_123 = arith.constant 0 : i32
        %dma_start3A_124 = tpu.memref_slice %arg5[%dma_start3A_122, %dma_start3A_123] : memref<2x16384xi32, #tpu.memory_space<vmem>> -> memref<1x16384xi32, #tpu.memory_space<vmem>>
        %dma_start3A_125 = tpu.memref_squeeze %dma_start3A_124 : memref<1x16384xi32, #tpu.memory_space<vmem>> -> memref<16384xi32, #tpu.memory_space<vmem>>
        %dma_start3A_126 = tpu.memref_slice %arg3[%mul3A_121] : memref<6480000xi32, #tpu.memory_space<hbm>> -> memref<16384xi32, #tpu.memory_space<hbm>>
        %dma_start3A_127 = tpu.memref_slice %arg3[%mul3A_121] : memref<6480000xi32, #tpu.memory_space<hbm>> -> memref<16384xi32, #tpu.memory_space<hbm>>
        %dma_start3A_128 = arith.constant 0 : i32
        %dma_start3A_129 = tpu.memref_slice %arg5[%dma_start3A_122, %dma_start3A_128] : memref<2x16384xi32, #tpu.memory_space<vmem>> -> memref<1x16384xi32, #tpu.memory_space<vmem>>
        %dma_start3A_130 = tpu.memref_squeeze %dma_start3A_129 : memref<1x16384xi32, #tpu.memory_space<vmem>> -> memref<16384xi32, #tpu.memory_space<vmem>>
        tpu.enqueue_dma source(%dma_start3A_130 : memref<16384xi32, #tpu.memory_space<vmem>>) target(%dma_start3A_127 : memref<16384xi32, #tpu.memory_space<hbm>>) target_semaphore(%arg9 : memref<!tpu.dma_semaphore, #tpu.memory_space<semaphore_mem>>)
      } else {
      }
    }
    %scan3A_26 = arith.constant 6 : i32
    %add3A_27 = arith.constant 384 : i32
    %add3A_28 = arith.addi %add3A, %add3A_27 : i32
    %add3A_29 = arith.constant 32 : i32
    %add3A_30 = arith.addi %add3A_28, %add3A_29 : i32
    %lt3A = arith.constant 395 : i32
    %lt3A_31 = arith.cmpi slt, %add3A_30, %lt3A : i32
    %convert_element_type3A = arith.extui %lt3A_31 : i1 to i32
    %cond3A = arith.constant 0 : i32
    %cond3A_32 = arith.cmpi ne, %convert_element_type3A, %cond3A : i32
    scf.if %cond3A_32 {
      %add3A_56 = arith.constant 32 : i32
      %add3A_57 = arith.addi %add3A_28, %add3A_56 : i32
      %mul3A_58 = arith.constant 256 : i32
      %mul3A_59 = arith.muli %add3A_57, %mul3A_58 : i32
      %dma_start3A_60 = arith.constant 1 : i32
      %dma_start3A_61 = arith.constant 0 : i32
      %dma_start3A_62 = arith.constant 0 : i32
      %dma_start3A_63 = tpu.memref_slice %arg4[%dma_start3A_60, %dma_start3A_61, %dma_start3A_62] : memref<2x256x128xf32, #tpu.memory_space<vmem>> -> memref<1x256x128xf32, #tpu.memory_space<vmem>>
      %dma_start3A_64 = tpu.memref_squeeze %dma_start3A_63 : memref<1x256x128xf32, #tpu.memory_space<vmem>> -> memref<256x128xf32, #tpu.memory_space<vmem>>
      %dma_start3A_65 = arith.constant 0 : i32
      %dma_start3A_66 = tpu.memref_slice %arg2[%mul3A_59, %dma_start3A_65] : memref<101250x128xf32, #tpu.memory_space<hbm>> -> memref<256x128xf32, #tpu.memory_space<hbm>>
      %dma_start3A_67 = arith.constant 0 : i32
      %dma_start3A_68 = arith.constant 0 : i32
      %dma_start3A_69 = tpu.memref_slice %arg4[%dma_start3A_60, %dma_start3A_67, %dma_start3A_68] : memref<2x256x128xf32, #tpu.memory_space<vmem>> -> memref<1x256x128xf32, #tpu.memory_space<vmem>>
      %dma_start3A_70 = tpu.memref_squeeze %dma_start3A_69 : memref<1x256x128xf32, #tpu.memory_space<vmem>> -> memref<256x128xf32, #tpu.memory_space<vmem>>
      %dma_start3A_71 = arith.constant 0 : i32
      %dma_start3A_72 = tpu.memref_slice %arg2[%mul3A_59, %dma_start3A_71] : memref<101250x128xf32, #tpu.memory_space<hbm>> -> memref<256x128xf32, #tpu.memory_space<hbm>>
      tpu.enqueue_dma source(%dma_start3A_72 : memref<256x128xf32, #tpu.memory_space<hbm>>) target(%dma_start3A_70 : memref<256x128xf32, #tpu.memory_space<vmem>>) target_semaphore(%arg7 : memref<!tpu.dma_semaphore, #tpu.memory_space<semaphore_mem>>)
    } else {
    }
    %lt3A_33 = arith.constant 395 : i32
    %lt3A_34 = arith.cmpi slt, %add3A_28, %lt3A_33 : i32
    %convert_element_type3A_35 = arith.extui %lt3A_34 : i1 to i32
    %cond3A_36 = arith.constant 0 : i32
    %cond3A_37 = arith.cmpi ne, %convert_element_type3A_35, %cond3A_36 : i32
    scf.if %cond3A_37 {
      %dma_wait3A = arith.constant 0 : i32
      %dma_wait3A_56 = arith.constant 0 : i32
      %dma_wait3A_57 = arith.constant 0 : i32
      %dma_wait3A_58 = tpu.memref_slice %arg4[%dma_wait3A, %dma_wait3A_56, %dma_wait3A_57] : memref<2x256x128xf32, #tpu.memory_space<vmem>> -> memref<1x256x128xf32, #tpu.memory_space<vmem>>
      %dma_wait3A_59 = tpu.memref_squeeze %dma_wait3A_58 : memref<1x256x128xf32, #tpu.memory_space<vmem>> -> memref<256x128xf32, #tpu.memory_space<vmem>>
      %dma_wait3A_60 = arith.constant 0 : i32
      %dma_wait3A_61 = arith.constant 0 : i32
      %dma_wait3A_62 = tpu.memref_slice %arg2[%dma_wait3A_60, %dma_wait3A_61] : memref<101250x128xf32, #tpu.memory_space<hbm>> -> memref<256x128xf32, #tpu.memory_space<hbm>>
      %dma_wait3A_63 = arith.constant 0 : i32
      %dma_wait3A_64 = arith.constant 0 : i32
      %dma_wait3A_65 = tpu.memref_slice %arg4[%dma_wait3A, %dma_wait3A_63, %dma_wait3A_64] : memref<2x256x128xf32, #tpu.memory_space<vmem>> -> memref<1x256x128xf32, #tpu.memory_space<vmem>>
      %dma_wait3A_66 = tpu.memref_squeeze %dma_wait3A_65 : memref<1x256x128xf32, #tpu.memory_space<vmem>> -> memref<256x128xf32, #tpu.memory_space<vmem>>
      %dma_wait3A_67 = arith.constant 0 : i32
      %dma_wait3A_68 = arith.constant 0 : i32
      %dma_wait3A_69 = tpu.memref_slice %arg2[%dma_wait3A_67, %dma_wait3A_68] : memref<101250x128xf32, #tpu.memory_space<hbm>> -> memref<256x128xf32, #tpu.memory_space<hbm>>
      tpu.wait_dma2 semaphore(%arg6 : memref<!tpu.dma_semaphore, #tpu.memory_space<semaphore_mem>>) src(%dma_wait3A_69 : memref<256x128xf32, #tpu.memory_space<hbm>>) dst(%dma_wait3A_66 : memref<256x128xf32, #tpu.memory_space<vmem>>)
      %sub3A = arith.constant 64 : i32
      %sub3A_70 = arith.subi %add3A_28, %sub3A : i32
      %ge3A = arith.constant 0 : i32
      %ge3A_71 = arith.cmpi sge, %sub3A_70, %ge3A : i32
      %convert_element_type3A_72 = arith.extui %ge3A_71 : i1 to i32
      %cond3A_73 = arith.constant 0 : i32
      %cond3A_74 = arith.cmpi ne, %convert_element_type3A_72, %cond3A_73 : i32
      scf.if %cond3A_74 {
        %dma_wait3A_94 = arith.constant 0 : i32
        %dma_wait3A_95 = arith.constant 0 : i32
        %dma_wait3A_96 = tpu.memref_slice %arg5[%dma_wait3A_94, %dma_wait3A_95] : memref<2x16384xi32, #tpu.memory_space<vmem>> -> memref<1x16384xi32, #tpu.memory_space<vmem>>
        %dma_wait3A_97 = tpu.memref_squeeze %dma_wait3A_96 : memref<1x16384xi32, #tpu.memory_space<vmem>> -> memref<16384xi32, #tpu.memory_space<vmem>>
        %dma_wait3A_98 = arith.constant 0 : i32
        %dma_wait3A_99 = tpu.memref_slice %arg3[%dma_wait3A_98] : memref<6480000xi32, #tpu.memory_space<hbm>> -> memref<16384xi32, #tpu.memory_space<hbm>>
        %dma_wait3A_100 = arith.constant 0 : i32
        %dma_wait3A_101 = tpu.memref_slice %arg3[%dma_wait3A_100] : memref<6480000xi32, #tpu.memory_space<hbm>> -> memref<16384xi32, #tpu.memory_space<hbm>>
        %dma_wait3A_102 = arith.constant 0 : i32
        %dma_wait3A_103 = tpu.memref_slice %arg5[%dma_wait3A_94, %dma_wait3A_102] : memref<2x16384xi32, #tpu.memory_space<vmem>> -> memref<1x16384xi32, #tpu.memory_space<vmem>>
        %dma_wait3A_104 = tpu.memref_squeeze %dma_wait3A_103 : memref<1x16384xi32, #tpu.memory_space<vmem>> -> memref<16384xi32, #tpu.memory_space<vmem>>
        tpu.wait_dma2 semaphore(%arg8 : memref<!tpu.dma_semaphore, #tpu.memory_space<semaphore_mem>>) src(%dma_wait3A_104 : memref<16384xi32, #tpu.memory_space<vmem>>) dst(%dma_wait3A_101 : memref<16384xi32, #tpu.memory_space<hbm>>)
      } else {
      }
      %scan3A_75 = arith.constant 0 : i32
      %scan3A_76 = arith.constant 0 : i32
      %scan3A_77 = arith.constant 256 : i32
      %scan3A_78 = arith.addi %scan3A_76, %scan3A_77 : i32
      %scan3A_79 = arith.constant 1 : i32
      scf.for %scan3A_94 = %scan3A_76 to %scan3A_78 step %scan3A_79  : i32 {
        %get3A = arith.constant 0 : i32
        %get3A_95 = arith.index_cast %get3A : i32 to index
        %get3A_96 = arith.index_cast %scan3A_94 : i32 to index
        %get3A_97 = arith.constant 0 : index
        %get3A_98 = tpu.vector_load %arg4[%get3A_95, %get3A_96, %get3A_97] {strides = array<i32>} : memref<2x256x128xf32, #tpu.memory_space<vmem>>, vector<16xf32>,
        %get3A_99 = arith.constant 0 : i32
        %get3A_100 = arith.index_cast %get3A_99 : i32 to index
        %get3A_101 = arith.index_cast %scan3A_94 : i32 to index
        %get3A_102 = arith.constant 16 : index
        %get3A_103 = tpu.vector_load %arg4[%get3A_100, %get3A_101, %get3A_102] {strides = array<i32>} : memref<2x256x128xf32, #tpu.memory_space<vmem>>, vector<16xf32>,
        %bitcast3A = vector.bitcast %get3A_98 : vector<16xf32> to vector<16xi32>
        %add3A_104 = arith.addi %bitcast3A, %broadcast_in_dim3A_7 : vector<16xi32>
        %shift_right_logical3A = arith.shrui %bitcast3A, %broadcast_in_dim3A_3 : vector<16xi32>
        %and3A = arith.andi %shift_right_logical3A, %broadcast_in_dim3A_5 : vector<16xi32>
        %add3A_105 = arith.addi %add3A_104, %and3A : vector<16xi32>
        %shift_right_logical3A_106 = arith.shrui %add3A_105, %broadcast_in_dim3A_3 : vector<16xi32>
        %bitcast3A_107 = vector.bitcast %get3A_103 : vector<16xf32> to vector<16xi32>
        %add3A_108 = arith.addi %bitcast3A_107, %broadcast_in_dim3A_7 : vector<16xi32>
        %shift_right_logical3A_109 = arith.shrui %bitcast3A_107, %broadcast_in_dim3A_3 : vector<16xi32>
        %and3A_110 = arith.andi %shift_right_logical3A_109, %broadcast_in_dim3A_5 : vector<16xi32>
        %add3A_111 = arith.addi %add3A_108, %and3A_110 : vector<16xi32>
        %and3A_112 = arith.andi %add3A_111, %broadcast_in_dim3A_1 : vector<16xi32>
        %or3A = arith.ori %shift_right_logical3A_106, %and3A_112 : vector<16xi32>
        %mul3A_113 = arith.constant 64 : i32
        %mul3A_114 = arith.muli %scan3A_94, %mul3A_113 : i32
        %add3A_115 = arith.constant 0 : i32
        %add3A_116 = arith.addi %mul3A_114, %add3A_115 : i32
        %swap3A = arith.constant 0 : i32
        %swap3A_117 = arith.index_cast %swap3A : i32 to index
        %swap3A_118 = arith.index_cast %add3A_116 : i32 to index
        %swap3A_119 = tpu.vector_load %arg5[%swap3A_117, %swap3A_118] {strides = array<i32>} : memref<2x16384xi32, #tpu.memory_space<vmem>>, vector<16xi32>,
        tpu.vector_store %arg5[%swap3A_117, %swap3A_118], %or3A {strides = array<i32>} : memref<2x16384xi32, #tpu.memory_space<vmem>>, vector<16xi32>,
        %get3A_120 = arith.constant 0 : i32
        %get3A_121 = arith.index_cast %get3A_120 : i32 to index
        %get3A_122 = arith.index_cast %scan3A_94 : i32 to index
        %get3A_123 = arith.constant 32 : index
        %get3A_124 = tpu.vector_load %arg4[%get3A_121, %get3A_122, %get3A_123] {strides = array<i32>} : memref<2x256x128xf32, #tpu.memory_space<vmem>>, vector<16xf32>,
        %get3A_125 = arith.constant 0 : i32
        %get3A_126 = arith.index_cast %get3A_125 : i32 to index
        %get3A_127 = arith.index_cast %scan3A_94 : i32 to index
        %get3A_128 = arith.constant 48 : index
        %get3A_129 = tpu.vector_load %arg4[%get3A_126, %get3A_127, %get3A_128] {strides = array<i32>} : memref<2x256x128xf32, #tpu.memory_space<vmem>>, vector<16xf32>,
        %bitcast3A_130 = vector.bitcast %get3A_124 : vector<16xf32> to vector<16xi32>
        %add3A_131 = arith.addi %bitcast3A_130, %broadcast_in_dim3A_7 : vector<16xi32>
        %shift_right_logical3A_132 = arith.shrui %bitcast3A_130, %broadcast_in_dim3A_3 : vector<16xi32>
        %and3A_133 = arith.andi %shift_right_logical3A_132, %broadcast_in_dim3A_5 : vector<16xi32>
        %add3A_134 = arith.addi %add3A_131, %and3A_133 : vector<16xi32>
        %shift_right_logical3A_135 = arith.shrui %add3A_134, %broadcast_in_dim3A_3 : vector<16xi32>
        %bitcast3A_136 = vector.bitcast %get3A_129 : vector<16xf32> to vector<16xi32>
        %add3A_137 = arith.addi %bitcast3A_136, %broadcast_in_dim3A_7 : vector<16xi32>
        %shift_right_logical3A_138 = arith.shrui %bitcast3A_136, %broadcast_in_dim3A_3 : vector<16xi32>
        %and3A_139 = arith.andi %shift_right_logical3A_138, %broadcast_in_dim3A_5 : vector<16xi32>
        %add3A_140 = arith.addi %add3A_137, %and3A_139 : vector<16xi32>
        %and3A_141 = arith.andi %add3A_140, %broadcast_in_dim3A_1 : vector<16xi32>
        %or3A_142 = arith.ori %shift_right_logical3A_135, %and3A_141 : vector<16xi32>
        %mul3A_143 = arith.constant 64 : i32
        %mul3A_144 = arith.muli %scan3A_94, %mul3A_143 : i32
        %add3A_145 = arith.constant 16 : i32
        %add3A_146 = arith.addi %mul3A_144, %add3A_145 : i32
        %swap3A_147 = arith.constant 0 : i32
        %swap3A_148 = arith.index_cast %swap3A_147 : i32 to index
        %swap3A_149 = arith.index_cast %add3A_146 : i32 to index
        %swap3A_150 = tpu.vector_load %arg5[%swap3A_148, %swap3A_149] {strides = array<i32>} : memref<2x16384xi32, #tpu.memory_space<vmem>>, vector<16xi32>,
        tpu.vector_store %arg5[%swap3A_148, %swap3A_149], %or3A_142 {strides = array<i32>} : memref<2x16384xi32, #tpu.memory_space<vmem>>, vector<16xi32>,
        %get3A_151 = arith.constant 0 : i32
        %get3A_152 = arith.index_cast %get3A_151 : i32 to index
        %get3A_153 = arith.index_cast %scan3A_94 : i32 to index
        %get3A_154 = arith.constant 64 : index
        %get3A_155 = tpu.vector_load %arg4[%get3A_152, %get3A_153, %get3A_154] {strides = array<i32>} : memref<2x256x128xf32, #tpu.memory_space<vmem>>, vector<16xf32>,
        %get3A_156 = arith.constant 0 : i32
        %get3A_157 = arith.index_cast %get3A_156 : i32 to index
        %get3A_158 = arith.index_cast %scan3A_94 : i32 to index
        %get3A_159 = arith.constant 80 : index
        %get3A_160 = tpu.vector_load %arg4[%get3A_157, %get3A_158, %get3A_159] {strides = array<i32>} : memref<2x256x128xf32, #tpu.memory_space<vmem>>, vector<16xf32>,
        %bitcast3A_161 = vector.bitcast %get3A_155 : vector<16xf32> to vector<16xi32>
        %add3A_162 = arith.addi %bitcast3A_161, %broadcast_in_dim3A_7 : vector<16xi32>
        %shift_right_logical3A_163 = arith.shrui %bitcast3A_161, %broadcast_in_dim3A_3 : vector<16xi32>
        %and3A_164 = arith.andi %shift_right_logical3A_163, %broadcast_in_dim3A_5 : vector<16xi32>
        %add3A_165 = arith.addi %add3A_162, %and3A_164 : vector<16xi32>
        %shift_right_logical3A_166 = arith.shrui %add3A_165, %broadcast_in_dim3A_3 : vector<16xi32>
        %bitcast3A_167 = vector.bitcast %get3A_160 : vector<16xf32> to vector<16xi32>
        %add3A_168 = arith.addi %bitcast3A_167, %broadcast_in_dim3A_7 : vector<16xi32>
        %shift_right_logical3A_169 = arith.shrui %bitcast3A_167, %broadcast_in_dim3A_3 : vector<16xi32>
        %and3A_170 = arith.andi %shift_right_logical3A_169, %broadcast_in_dim3A_5 : vector<16xi32>
        %add3A_171 = arith.addi %add3A_168, %and3A_170 : vector<16xi32>
        %and3A_172 = arith.andi %add3A_171, %broadcast_in_dim3A_1 : vector<16xi32>
        %or3A_173 = arith.ori %shift_right_logical3A_166, %and3A_172 : vector<16xi32>
        %mul3A_174 = arith.constant 64 : i32
        %mul3A_175 = arith.muli %scan3A_94, %mul3A_174 : i32
        %add3A_176 = arith.constant 32 : i32
        %add3A_177 = arith.addi %mul3A_175, %add3A_176 : i32
        %swap3A_178 = arith.constant 0 : i32
        %swap3A_179 = arith.index_cast %swap3A_178 : i32 to index
        %swap3A_180 = arith.index_cast %add3A_177 : i32 to index
        %swap3A_181 = tpu.vector_load %arg5[%swap3A_179, %swap3A_180] {strides = array<i32>} : memref<2x16384xi32, #tpu.memory_space<vmem>>, vector<16xi32>,
        tpu.vector_store %arg5[%swap3A_179, %swap3A_180], %or3A_173 {strides = array<i32>} : memref<2x16384xi32, #tpu.memory_space<vmem>>, vector<16xi32>,
        %get3A_182 = arith.constant 0 : i32
        %get3A_183 = arith.index_cast %get3A_182 : i32 to index
        %get3A_184 = arith.index_cast %scan3A_94 : i32 to index
        %get3A_185 = arith.constant 96 : index
        %get3A_186 = tpu.vector_load %arg4[%get3A_183, %get3A_184, %get3A_185] {strides = array<i32>} : memref<2x256x128xf32, #tpu.memory_space<vmem>>, vector<16xf32>,
        %get3A_187 = arith.constant 0 : i32
        %get3A_188 = arith.index_cast %get3A_187 : i32 to index
        %get3A_189 = arith.index_cast %scan3A_94 : i32 to index
        %get3A_190 = arith.constant 112 : index
        %get3A_191 = tpu.vector_load %arg4[%get3A_188, %get3A_189, %get3A_190] {strides = array<i32>} : memref<2x256x128xf32, #tpu.memory_space<vmem>>, vector<16xf32>,
        %bitcast3A_192 = vector.bitcast %get3A_186 : vector<16xf32> to vector<16xi32>
        %add3A_193 = arith.addi %bitcast3A_192, %broadcast_in_dim3A_7 : vector<16xi32>
        %shift_right_logical3A_194 = arith.shrui %bitcast3A_192, %broadcast_in_dim3A_3 : vector<16xi32>
        %and3A_195 = arith.andi %shift_right_logical3A_194, %broadcast_in_dim3A_5 : vector<16xi32>
        %add3A_196 = arith.addi %add3A_193, %and3A_195 : vector<16xi32>
        %shift_right_logical3A_197 = arith.shrui %add3A_196, %broadcast_in_dim3A_3 : vector<16xi32>
        %bitcast3A_198 = vector.bitcast %get3A_191 : vector<16xf32> to vector<16xi32>
        %add3A_199 = arith.addi %bitcast3A_198, %broadcast_in_dim3A_7 : vector<16xi32>
        %shift_right_logical3A_200 = arith.shrui %bitcast3A_198, %broadcast_in_dim3A_3 : vector<16xi32>
        %and3A_201 = arith.andi %shift_right_logical3A_200, %broadcast_in_dim3A_5 : vector<16xi32>
        %add3A_202 = arith.addi %add3A_199, %and3A_201 : vector<16xi32>
        %and3A_203 = arith.andi %add3A_202, %broadcast_in_dim3A_1 : vector<16xi32>
        %or3A_204 = arith.ori %shift_right_logical3A_197, %and3A_203 : vector<16xi32>
        %mul3A_205 = arith.constant 64 : i32
        %mul3A_206 = arith.muli %scan3A_94, %mul3A_205 : i32
        %add3A_207 = arith.constant 48 : i32
        %add3A_208 = arith.addi %mul3A_206, %add3A_207 : i32
        %swap3A_209 = arith.constant 0 : i32
        %swap3A_210 = arith.index_cast %swap3A_209 : i32 to index
        %swap3A_211 = arith.index_cast %add3A_208 : i32 to index
        %swap3A_212 = tpu.vector_load %arg5[%swap3A_210, %swap3A_211] {strides = array<i32>} : memref<2x16384xi32, #tpu.memory_space<vmem>>, vector<16xi32>,
        tpu.vector_store %arg5[%swap3A_210, %swap3A_211], %or3A_204 {strides = array<i32>} : memref<2x16384xi32, #tpu.memory_space<vmem>>, vector<16xi32>,
      }
      %scan3A_80 = arith.constant 256 : i32
      %mul3A_81 = arith.constant 256 : i32
      %mul3A_82 = arith.muli %add3A_28, %mul3A_81 : i32
      %mul3A_83 = arith.constant 64 : i32
      %mul3A_84 = arith.muli %mul3A_82, %mul3A_83 : i32
      %dma_start3A_85 = arith.constant 0 : i32
      %dma_start3A_86 = arith.constant 0 : i32
      %dma_start3A_87 = tpu.memref_slice %arg5[%dma_start3A_85, %dma_start3A_86] : memref<2x16384xi32, #tpu.memory_space<vmem>> -> memref<1x16384xi32, #tpu.memory_space<vmem>>
      %dma_start3A_88 = tpu.memref_squeeze %dma_start3A_87 : memref<1x16384xi32, #tpu.memory_space<vmem>> -> memref<16384xi32, #tpu.memory_space<vmem>>
      %dma_start3A_89 = tpu.memref_slice %arg3[%mul3A_84] : memref<6480000xi32, #tpu.memory_space<hbm>> -> memref<16384xi32, #tpu.memory_space<hbm>>
      %dma_start3A_90 = tpu.memref_slice %arg3[%mul3A_84] : memref<6480000xi32, #tpu.memory_space<hbm>> -> memref<16384xi32, #tpu.memory_space<hbm>>
      %dma_start3A_91 = arith.constant 0 : i32
      %dma_start3A_92 = tpu.memref_slice %arg5[%dma_start3A_85, %dma_start3A_91] : memref<2x16384xi32, #tpu.memory_space<vmem>> -> memref<1x16384xi32, #tpu.memory_space<vmem>>
      %dma_start3A_93 = tpu.memref_squeeze %dma_start3A_92 : memref<1x16384xi32, #tpu.memory_space<vmem>> -> memref<16384xi32, #tpu.memory_space<vmem>>
      tpu.enqueue_dma source(%dma_start3A_93 : memref<16384xi32, #tpu.memory_space<vmem>>) target(%dma_start3A_90 : memref<16384xi32, #tpu.memory_space<hbm>>) target_semaphore(%arg8 : memref<!tpu.dma_semaphore, #tpu.memory_space<semaphore_mem>>)
    } else {
    }
    %add3A_38 = arith.constant 352 : i32
    %add3A_39 = arith.addi %add3A, %add3A_38 : i32
    %lt3A_40 = arith.constant 395 : i32
    %lt3A_41 = arith.cmpi slt, %add3A_39, %lt3A_40 : i32
    %convert_element_type3A_42 = arith.extui %lt3A_41 : i1 to i32
    %cond3A_43 = arith.constant 0 : i32
    %cond3A_44 = arith.cmpi ne, %convert_element_type3A_42, %cond3A_43 : i32
    scf.if %cond3A_44 {
      %dma_wait3A = arith.constant 1 : i32
      %dma_wait3A_56 = arith.constant 0 : i32
      %dma_wait3A_57 = tpu.memref_slice %arg5[%dma_wait3A, %dma_wait3A_56] : memref<2x16384xi32, #tpu.memory_space<vmem>> -> memref<1x16384xi32, #tpu.memory_space<vmem>>
      %dma_wait3A_58 = tpu.memref_squeeze %dma_wait3A_57 : memref<1x16384xi32, #tpu.memory_space<vmem>> -> memref<16384xi32, #tpu.memory_space<vmem>>
      %dma_wait3A_59 = arith.constant 0 : i32
      %dma_wait3A_60 = tpu.memref_slice %arg3[%dma_wait3A_59] : memref<6480000xi32, #tpu.memory_space<hbm>> -> memref<16384xi32, #tpu.memory_space<hbm>>
      %dma_wait3A_61 = arith.constant 0 : i32
      %dma_wait3A_62 = tpu.memref_slice %arg3[%dma_wait3A_61] : memref<6480000xi32, #tpu.memory_space<hbm>> -> memref<16384xi32, #tpu.memory_space<hbm>>
      %dma_wait3A_63 = arith.constant 0 : i32
      %dma_wait3A_64 = tpu.memref_slice %arg5[%dma_wait3A, %dma_wait3A_63] : memref<2x16384xi32, #tpu.memory_space<vmem>> -> memref<1x16384xi32, #tpu.memory_space<vmem>>
      %dma_wait3A_65 = tpu.memref_squeeze %dma_wait3A_64 : memref<1x16384xi32, #tpu.memory_space<vmem>> -> memref<16384xi32, #tpu.memory_space<vmem>>
      tpu.wait_dma2 semaphore(%arg9 : memref<!tpu.dma_semaphore, #tpu.memory_space<semaphore_mem>>) src(%dma_wait3A_65 : memref<16384xi32, #tpu.memory_space<vmem>>) dst(%dma_wait3A_62 : memref<16384xi32, #tpu.memory_space<hbm>>)
    } else {
    }
    %add3A_45 = arith.constant 384 : i32
    %add3A_46 = arith.addi %add3A, %add3A_45 : i32
    %lt3A_47 = arith.constant 395 : i32
    %lt3A_48 = arith.cmpi slt, %add3A_46, %lt3A_47 : i32
    %convert_element_type3A_49 = arith.extui %lt3A_48 : i1 to i32
    %cond3A_50 = arith.constant 0 : i32
    %cond3A_51 = arith.cmpi ne, %convert_element_type3A_49, %cond3A_50 : i32
    scf.if %cond3A_51 {
      %dma_wait3A = arith.constant 0 : i32
      %dma_wait3A_56 = arith.constant 0 : i32
      %dma_wait3A_57 = tpu.memref_slice %arg5[%dma_wait3A, %dma_wait3A_56] : memref<2x16384xi32, #tpu.memory_space<vmem>> -> memref<1x16384xi32, #tpu.memory_space<vmem>>
      %dma_wait3A_58 = tpu.memref_squeeze %dma_wait3A_57 : memref<1x16384xi32, #tpu.memory_space<vmem>> -> memref<16384xi32, #tpu.memory_space<vmem>>
      %dma_wait3A_59 = arith.constant 0 : i32
      %dma_wait3A_60 = tpu.memref_slice %arg3[%dma_wait3A_59] : memref<6480000xi32, #tpu.memory_space<hbm>> -> memref<16384xi32, #tpu.memory_space<hbm>>
      %dma_wait3A_61 = arith.constant 0 : i32
      %dma_wait3A_62 = tpu.memref_slice %arg3[%dma_wait3A_61] : memref<6480000xi32, #tpu.memory_space<hbm>> -> memref<16384xi32, #tpu.memory_space<hbm>>
      %dma_wait3A_63 = arith.constant 0 : i32
      %dma_wait3A_64 = tpu.memref_slice %arg5[%dma_wait3A, %dma_wait3A_63] : memref<2x16384xi32, #tpu.memory_space<vmem>> -> memref<1x16384xi32, #tpu.memory_space<vmem>>
      %dma_wait3A_65 = tpu.memref_squeeze %dma_wait3A_64 : memref<1x16384xi32, #tpu.memory_space<vmem>> -> memref<16384xi32, #tpu.memory_space<vmem>>
      tpu.wait_dma2 semaphore(%arg8 : memref<!tpu.dma_semaphore, #tpu.memory_space<semaphore_mem>>) src(%dma_wait3A_65 : memref<16384xi32, #tpu.memory_space<vmem>>) dst(%dma_wait3A_62 : memref<16384xi32, #tpu.memory_space<hbm>>)
    } else {
    }
    %eq3A = arith.constant 0 : i32
    %eq3A_52 = arith.cmpi eq, %add3A, %eq3A : i32
    %convert_element_type3A_53 = arith.extui %eq3A_52 : i1 to i32
    %cond3A_54 = arith.constant 0 : i32
    %cond3A_55 = arith.cmpi ne, %convert_element_type3A_53, %cond3A_54 : i32
    scf.if %cond3A_55 {
      %run_scoped3A = arith.constant 0 : i32
      "tpu.region"() ({
        %run_scoped3A_63 = tpu.sem_alloc : memref<!tpu.dma_semaphore, #tpu.memory_space<semaphore_mem>>
        %dma_start3A_64 = arith.constant 0 : i32
        %dma_start3A_65 = arith.constant 0 : i32
        %dma_start3A_66 = tpu.memref_slice %arg4[%run_scoped3A, %dma_start3A_64, %dma_start3A_65] : memref<2x256x128xf32, #tpu.memory_space<vmem>> -> memref<1x256x128xf32, #tpu.memory_space<vmem>>
        %dma_start3A_67 = tpu.memref_squeeze %dma_start3A_66 : memref<1x256x128xf32, #tpu.memory_space<vmem>> -> memref<256x128xf32, #tpu.memory_space<vmem>>
        %dma_start3A_68 = arith.constant 0 : i32
        %dma_start3A_69 = arith.constant 0 : i32
        %dma_start3A_70 = tpu.memref_slice %dma_start3A_67[%dma_start3A_68, %dma_start3A_69] : memref<256x128xf32, #tpu.memory_space<vmem>> -> memref<130x128xf32, #tpu.memory_space<vmem>>
        %dma_start3A_71 = arith.constant 101120 : i32
        %dma_start3A_72 = arith.constant 0 : i32
        %dma_start3A_73 = tpu.memref_slice %arg2[%dma_start3A_71, %dma_start3A_72] : memref<101250x128xf32, #tpu.memory_space<hbm>> -> memref<130x128xf32, #tpu.memory_space<hbm>>
        %dma_start3A_74 = arith.constant 0 : i32
        %dma_start3A_75 = arith.constant 0 : i32
        %dma_start3A_76 = tpu.memref_slice %arg4[%run_scoped3A, %dma_start3A_74, %dma_start3A_75] : memref<2x256x128xf32, #tpu.memory_space<vmem>> -> memref<1x256x128xf32, #tpu.memory_space<vmem>>
        %dma_start3A_77 = tpu.memref_squeeze %dma_start3A_76 : memref<1x256x128xf32, #tpu.memory_space<vmem>> -> memref<256x128xf32, #tpu.memory_space<vmem>>
        %dma_start3A_78 = arith.constant 0 : i32
        %dma_start3A_79 = arith.constant 0 : i32
        %dma_start3A_80 = tpu.memref_slice %dma_start3A_77[%dma_start3A_78, %dma_start3A_79] : memref<256x128xf32, #tpu.memory_space<vmem>> -> memref<130x128xf32, #tpu.memory_space<vmem>>
        %dma_start3A_81 = arith.constant 101120 : i32
        %dma_start3A_82 = arith.constant 0 : i32
        %dma_start3A_83 = tpu.memref_slice %arg2[%dma_start3A_81, %dma_start3A_82] : memref<101250x128xf32, #tpu.memory_space<hbm>> -> memref<130x128xf32, #tpu.memory_space<hbm>>
        tpu.enqueue_dma source(%dma_start3A_83 : memref<130x128xf32, #tpu.memory_space<hbm>>) target(%dma_start3A_80 : memref<130x128xf32, #tpu.memory_space<vmem>>) target_semaphore(%run_scoped3A_63 : memref<!tpu.dma_semaphore, #tpu.memory_space<semaphore_mem>>)
        %dma_wait3A = arith.constant 0 : i32
        %dma_wait3A_84 = arith.constant 0 : i32
        %dma_wait3A_85 = tpu.memref_slice %arg4[%run_scoped3A, %dma_wait3A, %dma_wait3A_84] : memref<2x256x128xf32, #tpu.memory_space<vmem>> -> memref<1x256x128xf32, #tpu.memory_space<vmem>>
        %dma_wait3A_86 = tpu.memref_squeeze %dma_wait3A_85 : memref<1x256x128xf32, #tpu.memory_space<vmem>> -> memref<256x128xf32, #tpu.memory_space<vmem>>
        %dma_wait3A_87 = arith.constant 0 : i32
        %dma_wait3A_88 = arith.constant 0 : i32
        %dma_wait3A_89 = tpu.memref_slice %dma_wait3A_86[%dma_wait3A_87, %dma_wait3A_88] : memref<256x128xf32, #tpu.memory_space<vmem>> -> memref<130x128xf32, #tpu.memory_space<vmem>>
        %dma_wait3A_90 = arith.constant 101120 : i32
        %dma_wait3A_91 = arith.constant 0 : i32
        %dma_wait3A_92 = tpu.memref_slice %arg2[%dma_wait3A_90, %dma_wait3A_91] : memref<101250x128xf32, #tpu.memory_space<hbm>> -> memref<130x128xf32, #tpu.memory_space<hbm>>
        %dma_wait3A_93 = arith.constant 0 : i32
        %dma_wait3A_94 = arith.constant 0 : i32
        %dma_wait3A_95 = tpu.memref_slice %arg4[%run_scoped3A, %dma_wait3A_93, %dma_wait3A_94] : memref<2x256x128xf32, #tpu.memory_space<vmem>> -> memref<1x256x128xf32, #tpu.memory_space<vmem>>
        %dma_wait3A_96 = tpu.memref_squeeze %dma_wait3A_95 : memref<1x256x128xf32, #tpu.memory_space<vmem>> -> memref<256x128xf32, #tpu.memory_space<vmem>>
        %dma_wait3A_97 = arith.constant 0 : i32
        %dma_wait3A_98 = arith.constant 0 : i32
        %dma_wait3A_99 = tpu.memref_slice %dma_wait3A_96[%dma_wait3A_97, %dma_wait3A_98] : memref<256x128xf32, #tpu.memory_space<vmem>> -> memref<130x128xf32, #tpu.memory_space<vmem>>
        %dma_wait3A_100 = arith.constant 101120 : i32
        %dma_wait3A_101 = arith.constant 0 : i32
        %dma_wait3A_102 = tpu.memref_slice %arg2[%dma_wait3A_100, %dma_wait3A_101] : memref<101250x128xf32, #tpu.memory_space<hbm>> -> memref<130x128xf32, #tpu.memory_space<hbm>>
        tpu.wait_dma2 semaphore(%run_scoped3A_63 : memref<!tpu.dma_semaphore, #tpu.memory_space<semaphore_mem>>) src(%dma_wait3A_102 : memref<130x128xf32, #tpu.memory_space<hbm>>) dst(%dma_wait3A_99 : memref<130x128xf32, #tpu.memory_space<vmem>>)
        tpu.yield
      }) : () -> ()
      %scan3A_56 = arith.constant 0 : i32
      %scan3A_57 = arith.constant 0 : i32
      %scan3A_58 = arith.constant 130 : i32
      %scan3A_59 = arith.addi %scan3A_57, %scan3A_58 : i32
      %scan3A_60 = arith.constant 1 : i32
      scf.for %scan3A_63 = %scan3A_57 to %scan3A_59 step %scan3A_60  : i32 {
        %get3A = arith.constant 0 : i32
        %get3A_64 = arith.index_cast %get3A : i32 to index
        %get3A_65 = arith.index_cast %scan3A_63 : i32 to index
        %get3A_66 = arith.constant 0 : index
        %get3A_67 = tpu.vector_load %arg4[%get3A_64, %get3A_65, %get3A_66] {strides = array<i32>} : memref<2x256x128xf32, #tpu.memory_space<vmem>>, vector<16xf32>,
        %get3A_68 = arith.constant 0 : i32
        %get3A_69 = arith.index_cast %get3A_68 : i32 to index
        %get3A_70 = arith.index_cast %scan3A_63 : i32 to index
        %get3A_71 = arith.constant 16 : index
        %get3A_72 = tpu.vector_load %arg4[%get3A_69, %get3A_70, %get3A_71] {strides = array<i32>} : memref<2x256x128xf32, #tpu.memory_space<vmem>>, vector<16xf32>,
        %bitcast3A = vector.bitcast %get3A_67 : vector<16xf32> to vector<16xi32>
        %add3A_73 = arith.addi %bitcast3A, %broadcast_in_dim3A_7 : vector<16xi32>
        %shift_right_logical3A = arith.shrui %bitcast3A, %broadcast_in_dim3A_3 : vector<16xi32>
        %and3A = arith.andi %shift_right_logical3A, %broadcast_in_dim3A_5 : vector<16xi32>
        %add3A_74 = arith.addi %add3A_73, %and3A : vector<16xi32>
        %shift_right_logical3A_75 = arith.shrui %add3A_74, %broadcast_in_dim3A_3 : vector<16xi32>
        %bitcast3A_76 = vector.bitcast %get3A_72 : vector<16xf32> to vector<16xi32>
        %add3A_77 = arith.addi %bitcast3A_76, %broadcast_in_dim3A_7 : vector<16xi32>
        %shift_right_logical3A_78 = arith.shrui %bitcast3A_76, %broadcast_in_dim3A_3 : vector<16xi32>
        %and3A_79 = arith.andi %shift_right_logical3A_78, %broadcast_in_dim3A_5 : vector<16xi32>
        %add3A_80 = arith.addi %add3A_77, %and3A_79 : vector<16xi32>
        %and3A_81 = arith.andi %add3A_80, %broadcast_in_dim3A_1 : vector<16xi32>
        %or3A = arith.ori %shift_right_logical3A_75, %and3A_81 : vector<16xi32>
        %mul3A_82 = arith.constant 64 : i32
        %mul3A_83 = arith.muli %scan3A_63, %mul3A_82 : i32
        %add3A_84 = arith.constant 0 : i32
        %add3A_85 = arith.addi %mul3A_83, %add3A_84 : i32
        %swap3A = arith.constant 0 : i32
        %swap3A_86 = arith.index_cast %swap3A : i32 to index
        %swap3A_87 = arith.index_cast %add3A_85 : i32 to index
        %swap3A_88 = tpu.vector_load %arg5[%swap3A_86, %swap3A_87] {strides = array<i32>} : memref<2x16384xi32, #tpu.memory_space<vmem>>, vector<16xi32>,
        tpu.vector_store %arg5[%swap3A_86, %swap3A_87], %or3A {strides = array<i32>} : memref<2x16384xi32, #tpu.memory_space<vmem>>, vector<16xi32>,
        %get3A_89 = arith.constant 0 : i32
        %get3A_90 = arith.index_cast %get3A_89 : i32 to index
        %get3A_91 = arith.index_cast %scan3A_63 : i32 to index
        %get3A_92 = arith.constant 32 : index
        %get3A_93 = tpu.vector_load %arg4[%get3A_90, %get3A_91, %get3A_92] {strides = array<i32>} : memref<2x256x128xf32, #tpu.memory_space<vmem>>, vector<16xf32>,
        %get3A_94 = arith.constant 0 : i32
        %get3A_95 = arith.index_cast %get3A_94 : i32 to index
        %get3A_96 = arith.index_cast %scan3A_63 : i32 to index
        %get3A_97 = arith.constant 48 : index
        %get3A_98 = tpu.vector_load %arg4[%get3A_95, %get3A_96, %get3A_97] {strides = array<i32>} : memref<2x256x128xf32, #tpu.memory_space<vmem>>, vector<16xf32>,
        %bitcast3A_99 = vector.bitcast %get3A_93 : vector<16xf32> to vector<16xi32>
        %add3A_100 = arith.addi %bitcast3A_99, %broadcast_in_dim3A_7 : vector<16xi32>
        %shift_right_logical3A_101 = arith.shrui %bitcast3A_99, %broadcast_in_dim3A_3 : vector<16xi32>
        %and3A_102 = arith.andi %shift_right_logical3A_101, %broadcast_in_dim3A_5 : vector<16xi32>
        %add3A_103 = arith.addi %add3A_100, %and3A_102 : vector<16xi32>
        %shift_right_logical3A_104 = arith.shrui %add3A_103, %broadcast_in_dim3A_3 : vector<16xi32>
        %bitcast3A_105 = vector.bitcast %get3A_98 : vector<16xf32> to vector<16xi32>
        %add3A_106 = arith.addi %bitcast3A_105, %broadcast_in_dim3A_7 : vector<16xi32>
        %shift_right_logical3A_107 = arith.shrui %bitcast3A_105, %broadcast_in_dim3A_3 : vector<16xi32>
        %and3A_108 = arith.andi %shift_right_logical3A_107, %broadcast_in_dim3A_5 : vector<16xi32>
        %add3A_109 = arith.addi %add3A_106, %and3A_108 : vector<16xi32>
        %and3A_110 = arith.andi %add3A_109, %broadcast_in_dim3A_1 : vector<16xi32>
        %or3A_111 = arith.ori %shift_right_logical3A_104, %and3A_110 : vector<16xi32>
        %mul3A_112 = arith.constant 64 : i32
        %mul3A_113 = arith.muli %scan3A_63, %mul3A_112 : i32
        %add3A_114 = arith.constant 16 : i32
        %add3A_115 = arith.addi %mul3A_113, %add3A_114 : i32
        %swap3A_116 = arith.constant 0 : i32
        %swap3A_117 = arith.index_cast %swap3A_116 : i32 to index
        %swap3A_118 = arith.index_cast %add3A_115 : i32 to index
        %swap3A_119 = tpu.vector_load %arg5[%swap3A_117, %swap3A_118] {strides = array<i32>} : memref<2x16384xi32, #tpu.memory_space<vmem>>, vector<16xi32>,
        tpu.vector_store %arg5[%swap3A_117, %swap3A_118], %or3A_111 {strides = array<i32>} : memref<2x16384xi32, #tpu.memory_space<vmem>>, vector<16xi32>,
        %get3A_120 = arith.constant 0 : i32
        %get3A_121 = arith.index_cast %get3A_120 : i32 to index
        %get3A_122 = arith.index_cast %scan3A_63 : i32 to index
        %get3A_123 = arith.constant 64 : index
        %get3A_124 = tpu.vector_load %arg4[%get3A_121, %get3A_122, %get3A_123] {strides = array<i32>} : memref<2x256x128xf32, #tpu.memory_space<vmem>>, vector<16xf32>,
        %get3A_125 = arith.constant 0 : i32
        %get3A_126 = arith.index_cast %get3A_125 : i32 to index
        %get3A_127 = arith.index_cast %scan3A_63 : i32 to index
        %get3A_128 = arith.constant 80 : index
        %get3A_129 = tpu.vector_load %arg4[%get3A_126, %get3A_127, %get3A_128] {strides = array<i32>} : memref<2x256x128xf32, #tpu.memory_space<vmem>>, vector<16xf32>,
        %bitcast3A_130 = vector.bitcast %get3A_124 : vector<16xf32> to vector<16xi32>
        %add3A_131 = arith.addi %bitcast3A_130, %broadcast_in_dim3A_7 : vector<16xi32>
        %shift_right_logical3A_132 = arith.shrui %bitcast3A_130, %broadcast_in_dim3A_3 : vector<16xi32>
        %and3A_133 = arith.andi %shift_right_logical3A_132, %broadcast_in_dim3A_5 : vector<16xi32>
        %add3A_134 = arith.addi %add3A_131, %and3A_133 : vector<16xi32>
        %shift_right_logical3A_135 = arith.shrui %add3A_134, %broadcast_in_dim3A_3 : vector<16xi32>
        %bitcast3A_136 = vector.bitcast %get3A_129 : vector<16xf32> to vector<16xi32>
        %add3A_137 = arith.addi %bitcast3A_136, %broadcast_in_dim3A_7 : vector<16xi32>
        %shift_right_logical3A_138 = arith.shrui %bitcast3A_136, %broadcast_in_dim3A_3 : vector<16xi32>
        %and3A_139 = arith.andi %shift_right_logical3A_138, %broadcast_in_dim3A_5 : vector<16xi32>
        %add3A_140 = arith.addi %add3A_137, %and3A_139 : vector<16xi32>
        %and3A_141 = arith.andi %add3A_140, %broadcast_in_dim3A_1 : vector<16xi32>
        %or3A_142 = arith.ori %shift_right_logical3A_135, %and3A_141 : vector<16xi32>
        %mul3A_143 = arith.constant 64 : i32
        %mul3A_144 = arith.muli %scan3A_63, %mul3A_143 : i32
        %add3A_145 = arith.constant 32 : i32
        %add3A_146 = arith.addi %mul3A_144, %add3A_145 : i32
        %swap3A_147 = arith.constant 0 : i32
        %swap3A_148 = arith.index_cast %swap3A_147 : i32 to index
        %swap3A_149 = arith.index_cast %add3A_146 : i32 to index
        %swap3A_150 = tpu.vector_load %arg5[%swap3A_148, %swap3A_149] {strides = array<i32>} : memref<2x16384xi32, #tpu.memory_space<vmem>>, vector<16xi32>,
        tpu.vector_store %arg5[%swap3A_148, %swap3A_149], %or3A_142 {strides = array<i32>} : memref<2x16384xi32, #tpu.memory_space<vmem>>, vector<16xi32>,
        %get3A_151 = arith.constant 0 : i32
        %get3A_152 = arith.index_cast %get3A_151 : i32 to index
        %get3A_153 = arith.index_cast %scan3A_63 : i32 to index
        %get3A_154 = arith.constant 96 : index
        %get3A_155 = tpu.vector_load %arg4[%get3A_152, %get3A_153, %get3A_154] {strides = array<i32>} : memref<2x256x128xf32, #tpu.memory_space<vmem>>, vector<16xf32>,
        %get3A_156 = arith.constant 0 : i32
        %get3A_157 = arith.index_cast %get3A_156 : i32 to index
        %get3A_158 = arith.index_cast %scan3A_63 : i32 to index
        %get3A_159 = arith.constant 112 : index
        %get3A_160 = tpu.vector_load %arg4[%get3A_157, %get3A_158, %get3A_159] {strides = array<i32>} : memref<2x256x128xf32, #tpu.memory_space<vmem>>, vector<16xf32>,
        %bitcast3A_161 = vector.bitcast %get3A_155 : vector<16xf32> to vector<16xi32>
        %add3A_162 = arith.addi %bitcast3A_161, %broadcast_in_dim3A_7 : vector<16xi32>
        %shift_right_logical3A_163 = arith.shrui %bitcast3A_161, %broadcast_in_dim3A_3 : vector<16xi32>
        %and3A_164 = arith.andi %shift_right_logical3A_163, %broadcast_in_dim3A_5 : vector<16xi32>
        %add3A_165 = arith.addi %add3A_162, %and3A_164 : vector<16xi32>
        %shift_right_logical3A_166 = arith.shrui %add3A_165, %broadcast_in_dim3A_3 : vector<16xi32>
        %bitcast3A_167 = vector.bitcast %get3A_160 : vector<16xf32> to vector<16xi32>
        %add3A_168 = arith.addi %bitcast3A_167, %broadcast_in_dim3A_7 : vector<16xi32>
        %shift_right_logical3A_169 = arith.shrui %bitcast3A_167, %broadcast_in_dim3A_3 : vector<16xi32>
        %and3A_170 = arith.andi %shift_right_logical3A_169, %broadcast_in_dim3A_5 : vector<16xi32>
        %add3A_171 = arith.addi %add3A_168, %and3A_170 : vector<16xi32>
        %and3A_172 = arith.andi %add3A_171, %broadcast_in_dim3A_1 : vector<16xi32>
        %or3A_173 = arith.ori %shift_right_logical3A_166, %and3A_172 : vector<16xi32>
        %mul3A_174 = arith.constant 64 : i32
        %mul3A_175 = arith.muli %scan3A_63, %mul3A_174 : i32
        %add3A_176 = arith.constant 48 : i32
        %add3A_177 = arith.addi %mul3A_175, %add3A_176 : i32
        %swap3A_178 = arith.constant 0 : i32
        %swap3A_179 = arith.index_cast %swap3A_178 : i32 to index
        %swap3A_180 = arith.index_cast %add3A_177 : i32 to index
        %swap3A_181 = tpu.vector_load %arg5[%swap3A_179, %swap3A_180] {strides = array<i32>} : memref<2x16384xi32, #tpu.memory_space<vmem>>, vector<16xi32>,
        tpu.vector_store %arg5[%swap3A_179, %swap3A_180], %or3A_173 {strides = array<i32>} : memref<2x16384xi32, #tpu.memory_space<vmem>>, vector<16xi32>,
      }
      %scan3A_61 = arith.constant 130 : i32
      %run_scoped3A_62 = arith.constant 0 : i32
      "tpu.region"() ({
        %run_scoped3A_63 = tpu.sem_alloc : memref<!tpu.dma_semaphore, #tpu.memory_space<semaphore_mem>>
        %dma_start3A_64 = arith.constant 0 : i32
        %dma_start3A_65 = tpu.memref_slice %arg5[%run_scoped3A_62, %dma_start3A_64] : memref<2x16384xi32, #tpu.memory_space<vmem>> -> memref<1x16384xi32, #tpu.memory_space<vmem>>
        %dma_start3A_66 = tpu.memref_squeeze %dma_start3A_65 : memref<1x16384xi32, #tpu.memory_space<vmem>> -> memref<16384xi32, #tpu.memory_space<vmem>>
        %dma_start3A_67 = arith.constant 0 : i32
        %dma_start3A_68 = tpu.memref_slice %dma_start3A_66[%dma_start3A_67] : memref<16384xi32, #tpu.memory_space<vmem>> -> memref<8320xi32, #tpu.memory_space<vmem>>
        %dma_start3A_69 = arith.constant 6471680 : i32
        %dma_start3A_70 = tpu.memref_slice %arg3[%dma_start3A_69] : memref<6480000xi32, #tpu.memory_space<hbm>> -> memref<8320xi32, #tpu.memory_space<hbm>>
        %dma_start3A_71 = arith.constant 6471680 : i32
        %dma_start3A_72 = tpu.memref_slice %arg3[%dma_start3A_71] : memref<6480000xi32, #tpu.memory_space<hbm>> -> memref<8320xi32, #tpu.memory_space<hbm>>
        %dma_start3A_73 = arith.constant 0 : i32
        %dma_start3A_74 = tpu.memref_slice %arg5[%run_scoped3A_62, %dma_start3A_73] : memref<2x16384xi32, #tpu.memory_space<vmem>> -> memref<1x16384xi32, #tpu.memory_space<vmem>>
        %dma_start3A_75 = tpu.memref_squeeze %dma_start3A_74 : memref<1x16384xi32, #tpu.memory_space<vmem>> -> memref<16384xi32, #tpu.memory_space<vmem>>
        %dma_start3A_76 = arith.constant 0 : i32
        %dma_start3A_77 = tpu.memref_slice %dma_start3A_75[%dma_start3A_76] : memref<16384xi32, #tpu.memory_space<vmem>> -> memref<8320xi32, #tpu.memory_space<vmem>>
        tpu.enqueue_dma source(%dma_start3A_77 : memref<8320xi32, #tpu.memory_space<vmem>>) target(%dma_start3A_72 : memref<8320xi32, #tpu.memory_space<hbm>>) target_semaphore(%run_scoped3A_63 : memref<!tpu.dma_semaphore, #tpu.memory_space<semaphore_mem>>)
        %dma_wait3A = arith.constant 0 : i32
        %dma_wait3A_78 = tpu.memref_slice %arg5[%run_scoped3A_62, %dma_wait3A] : memref<2x16384xi32, #tpu.memory_space<vmem>> -> memref<1x16384xi32, #tpu.memory_space<vmem>>
        %dma_wait3A_79 = tpu.memref_squeeze %dma_wait3A_78 : memref<1x16384xi32, #tpu.memory_space<vmem>> -> memref<16384xi32, #tpu.memory_space<vmem>>
        %dma_wait3A_80 = arith.constant 0 : i32
        %dma_wait3A_81 = tpu.memref_slice %dma_wait3A_79[%dma_wait3A_80] : memref<16384xi32, #tpu.memory_space<vmem>> -> memref<8320xi32, #tpu.memory_space<vmem>>
        %dma_wait3A_82 = arith.constant 6471680 : i32
        %dma_wait3A_83 = tpu.memref_slice %arg3[%dma_wait3A_82] : memref<6480000xi32, #tpu.memory_space<hbm>> -> memref<8320xi32, #tpu.memory_space<hbm>>
        %dma_wait3A_84 = arith.constant 6471680 : i32
        %dma_wait3A_85 = tpu.memref_slice %arg3[%dma_wait3A_84] : memref<6480000xi32, #tpu.memory_space<hbm>> -> memref<8320xi32, #tpu.memory_space<hbm>>
        %dma_wait3A_86 = arith.constant 0 : i32
        %dma_wait3A_87 = tpu.memref_slice %arg5[%run_scoped3A_62, %dma_wait3A_86] : memref<2x16384xi32, #tpu.memory_space<vmem>> -> memref<1x16384xi32, #tpu.memory_space<vmem>>
        %dma_wait3A_88 = tpu.memref_squeeze %dma_wait3A_87 : memref<1x16384xi32, #tpu.memory_space<vmem>> -> memref<16384xi32, #tpu.memory_space<vmem>>
        %dma_wait3A_89 = arith.constant 0 : i32
        %dma_wait3A_90 = tpu.memref_slice %dma_wait3A_88[%dma_wait3A_89] : memref<16384xi32, #tpu.memory_space<vmem>> -> memref<8320xi32, #tpu.memory_space<vmem>>
        tpu.wait_dma2 semaphore(%run_scoped3A_63 : memref<!tpu.dma_semaphore, #tpu.memory_space<semaphore_mem>>) src(%dma_wait3A_90 : memref<8320xi32, #tpu.memory_space<vmem>>) dst(%dma_wait3A_85 : memref<8320xi32, #tpu.memory_space<hbm>>)
        tpu.yield
      }) : () -> ()
    } else {
    }
    return
  }
}

module attributes {stable_mosaic.version = 14 : i64} {
  func.func @_head_body(%arg0: i32, %arg1: memref<2048x128xf32, #tpu.memory_space<vmem>>, %arg2: memref<128x225xf32, #tpu.memory_space<vmem>>, %arg3: memref<1x225xf32, #tpu.memory_space<vmem>>, %arg4: memref<128x32xf32, #tpu.memory_space<vmem>>, %arg5: memref<1x32xf32, #tpu.memory_space<vmem>>, %arg6: memref<32x32xf32, #tpu.memory_space<vmem>>, %arg7: memref<1x32xf32, #tpu.memory_space<vmem>>, %arg8: memref<32x1xf32, #tpu.memory_space<vmem>>, %arg9: memref<1x1xf32, #tpu.memory_space<vmem>>, %arg10: memref<2048x225xf32, #tpu.memory_space<vmem>>, %arg11: memref<2048x1xf32, #tpu.memory_space<vmem>>) attributes {dimension_semantics = [#tpu.dimension_semantics<arbitrary>], iteration_bounds = array<i64: 8>, scalar_prefetch = 0 : i64, scratch_operands = 0 : i64, tpu.core_type = #tpu.core_type<tc>, window_params = [{transform_indices = @transform_0, window_bounds = array<i64: 2048, 128>}, {pipeline_mode = #tpu.pipeline_mode<synchronous>, transform_indices = @transform_1, window_bounds = array<i64: 128, 225>}, {pipeline_mode = #tpu.pipeline_mode<synchronous>, transform_indices = @transform_2, window_bounds = array<i64: 1, 225>}, {pipeline_mode = #tpu.pipeline_mode<synchronous>, transform_indices = @transform_3, window_bounds = array<i64: 128, 32>}, {pipeline_mode = #tpu.pipeline_mode<synchronous>, transform_indices = @transform_4, window_bounds = array<i64: 1, 32>}, {pipeline_mode = #tpu.pipeline_mode<synchronous>, transform_indices = @transform_5, window_bounds = array<i64: 32, 32>}, {pipeline_mode = #tpu.pipeline_mode<synchronous>, transform_indices = @transform_6, window_bounds = array<i64: 1, 32>}, {pipeline_mode = #tpu.pipeline_mode<synchronous>, transform_indices = @transform_7, window_bounds = array<i64: 32, 1>}, {pipeline_mode = #tpu.pipeline_mode<synchronous>, transform_indices = @transform_8, window_bounds = array<i64: 1, 1>}, {transform_indices = @transform_9, window_bounds = array<i64: 2048, 225>}, {transform_indices = @transform_10, window_bounds = array<i64: 2048, 1>}]} {
    %get3A = arith.constant 0 : index
    %get3A_0 = arith.constant 0 : index
    %get3A_1 = vector.load %arg1[%get3A, %get3A_0] : memref<2048x128xf32, #tpu.memory_space<vmem>>, vector<2048x128xf32>
    %get3A_2 = arith.constant 0 : index
    %get3A_3 = arith.constant 0 : index
    %get3A_4 = vector.load %arg2[%get3A_2, %get3A_3] : memref<128x225xf32, #tpu.memory_space<vmem>>, vector<128x225xf32>
    %dot_general3A = arith.constant dense<0.000000e+00> : vector<2048x225xf32>
    %dot_general3A_5 = tpu.matmul %get3A_1, %get3A_4, %dot_general3A {dimension_numbers = #tpu.dot_dimension_numbers<[1], [0], [0], [1], [0, 0, 1, 1], [], []>, transpose_lhs_hint = false} : vector<2048x128xf32>, vector<128x225xf32>, vector<2048x225xf32> -> vector<2048x225xf32>
    %get3A_6 = arith.constant 0 : index
    %get3A_7 = arith.constant 0 : index
    %get3A_8 = vector.load %arg3[%get3A_6, %get3A_7] : memref<1x225xf32, #tpu.memory_space<vmem>>, vector<1x225xf32>
    %add3A = vector.broadcast %get3A_8 : vector<1x225xf32> to vector<2048x225xf32>
    %add3A_9 = arith.addf %dot_general3A_5, %add3A : vector<2048x225xf32>
    %swap3A = arith.constant 0 : index
    %swap3A_10 = arith.constant 0 : index
    %swap3A_11 = vector.load %arg10[%swap3A, %swap3A_10] : memref<2048x225xf32, #tpu.memory_space<vmem>>, vector<2048x225xf32>
    tpu.vector_store %arg10[%swap3A, %swap3A_10], %add3A_9 {strides = array<i32>} : memref<2048x225xf32, #tpu.memory_space<vmem>>, vector<2048x225xf32>,
    %get3A_12 = arith.constant 0 : index
    %get3A_13 = arith.constant 0 : index
    %get3A_14 = vector.load %arg4[%get3A_12, %get3A_13] : memref<128x32xf32, #tpu.memory_space<vmem>>, vector<128x32xf32>
    %dot_general3A_15 = arith.constant dense<0.000000e+00> : vector<2048x32xf32>
    %dot_general3A_16 = tpu.matmul %get3A_1, %get3A_14, %dot_general3A_15 {dimension_numbers = #tpu.dot_dimension_numbers<[1], [0], [0], [1], [0, 0, 1, 1], [], []>, transpose_lhs_hint = false} : vector<2048x128xf32>, vector<128x32xf32>, vector<2048x32xf32> -> vector<2048x32xf32>
    %get3A_17 = arith.constant 0 : index
    %get3A_18 = arith.constant 0 : index
    %get3A_19 = vector.load %arg5[%get3A_17, %get3A_18] : memref<1x32xf32, #tpu.memory_space<vmem>>, vector<1x32xf32>
    %add3A_20 = vector.broadcast %get3A_19 : vector<1x32xf32> to vector<2048x32xf32>
    %add3A_21 = arith.addf %dot_general3A_16, %add3A_20 : vector<2048x32xf32>
    %jit3A = arith.constant 0.000000e+00 : f32
    %jit3A_22 = arith.constant 1.000000e+00 : f32
    %max3A = vector.broadcast %jit3A : f32 to vector<2048x32xf32>
    %max3A_23 = arith.maximumf %max3A, %add3A_21 : vector<2048x32xf32>
    %min3A = vector.broadcast %jit3A_22 : f32 to vector<2048x32xf32>
    %min3A_24 = arith.minimumf %min3A, %max3A_23 : vector<2048x32xf32>
    %get3A_25 = arith.constant 0 : index
    %get3A_26 = arith.constant 0 : index
    %get3A_27 = vector.load %arg6[%get3A_25, %get3A_26] : memref<32x32xf32, #tpu.memory_space<vmem>>, vector<32x32xf32>
    %dot_general3A_28 = arith.constant dense<0.000000e+00> : vector<2048x32xf32>
    %dot_general3A_29 = tpu.matmul %min3A_24, %get3A_27, %dot_general3A_28 {dimension_numbers = #tpu.dot_dimension_numbers<[1], [0], [0], [1], [0, 0, 1, 1], [], []>, precision = #tpu.contract_precision<fp32>, transpose_lhs_hint = false} : vector<2048x32xf32>, vector<32x32xf32>, vector<2048x32xf32> -> vector<2048x32xf32>
    %get3A_30 = arith.constant 0 : index
    %get3A_31 = arith.constant 0 : index
    %get3A_32 = vector.load %arg7[%get3A_30, %get3A_31] : memref<1x32xf32, #tpu.memory_space<vmem>>, vector<1x32xf32>
    %add3A_33 = vector.broadcast %get3A_32 : vector<1x32xf32> to vector<2048x32xf32>
    %add3A_34 = arith.addf %dot_general3A_29, %add3A_33 : vector<2048x32xf32>
    %jit3A_35 = arith.constant 0.000000e+00 : f32
    %jit3A_36 = arith.constant 1.000000e+00 : f32
    %max3A_37 = vector.broadcast %jit3A_35 : f32 to vector<2048x32xf32>
    %max3A_38 = arith.maximumf %max3A_37, %add3A_34 : vector<2048x32xf32>
    %min3A_39 = vector.broadcast %jit3A_36 : f32 to vector<2048x32xf32>
    %min3A_40 = arith.minimumf %min3A_39, %max3A_38 : vector<2048x32xf32>
    %get3A_41 = arith.constant 0 : index
    %get3A_42 = arith.constant 0 : index
    %get3A_43 = vector.load %arg8[%get3A_41, %get3A_42] : memref<32x1xf32, #tpu.memory_space<vmem>>, vector<32x1xf32>
    %dot_general3A_44 = arith.constant dense<0.000000e+00> : vector<2048x1xf32>
    %dot_general3A_45 = tpu.matmul %min3A_40, %get3A_43, %dot_general3A_44 {dimension_numbers = #tpu.dot_dimension_numbers<[1], [0], [0], [1], [0, 0, 1, 1], [], []>, precision = #tpu.contract_precision<fp32>, transpose_lhs_hint = false} : vector<2048x32xf32>, vector<32x1xf32>, vector<2048x1xf32> -> vector<2048x1xf32>
    %get3A_46 = arith.constant 0 : index
    %get3A_47 = arith.constant 0 : index
    %get3A_48 = vector.load %arg9[%get3A_46, %get3A_47] : memref<1x1xf32, #tpu.memory_space<vmem>>, vector<1x1xf32>
    %add3A_49 = vector.broadcast %get3A_48 : vector<1x1xf32> to vector<2048x1xf32>
    %add3A_50 = arith.addf %dot_general3A_45, %add3A_49 : vector<2048x1xf32>
    %tanh3A = math.tanh %add3A_50 : vector<2048x1xf32>
    %swap3A_51 = arith.constant 0 : index
    %swap3A_52 = arith.constant 0 : index
    %swap3A_53 = vector.load %arg11[%swap3A_51, %swap3A_52] : memref<2048x1xf32, #tpu.memory_space<vmem>>, vector<2048x1xf32>
    tpu.vector_store %arg11[%swap3A_51, %swap3A_52], %tanh3A {strides = array<i32>} : memref<2048x1xf32, #tpu.memory_space<vmem>>, vector<2048x1xf32>,
    return
  }
  func.func @transform_0(%arg0: i32) -> (i32, i32) {
    %c0_i32 = arith.constant 0 : i32
    %c0_i32_0 = arith.constant 0 : i32
    return %arg0, %c0_i32 : i32, i32
  }
  func.func @transform_1(%arg0: i32) -> (i32, i32) {
    %c0_i32 = arith.constant 0 : i32
    %c0_i32_0 = arith.constant 0 : i32
    %c0_i32_1 = arith.constant 0 : i32
    return %c0_i32, %c0_i32_0 : i32, i32
  }
  func.func @transform_2(%arg0: i32) -> (i32, i32) {
    %c0_i32 = arith.constant 0 : i32
    %c0_i32_0 = arith.constant 0 : i32
    %c0_i32_1 = arith.constant 0 : i32
    return %c0_i32, %c0_i32_0 : i32, i32
  }
  func.func @transform_3(%arg0: i32) -> (i32, i32) {
    %c0_i32 = arith.constant 0 : i32
    %c0_i32_0 = arith.constant 0 : i32
    %c0_i32_1 = arith.constant 0 : i32
    return %c0_i32, %c0_i32_0 : i32, i32
  }
  func.func @transform_4(%arg0: i32) -> (i32, i32) {
    %c0_i32 = arith.constant 0 : i32
    %c0_i32_0 = arith.constant 0 : i32
    %c0_i32_1 = arith.constant 0 : i32
    return %c0_i32, %c0_i32_0 : i32, i32
  }
  func.func @transform_5(%arg0: i32) -> (i32, i32) {
    %c0_i32 = arith.constant 0 : i32
    %c0_i32_0 = arith.constant 0 : i32
    %c0_i32_1 = arith.constant 0 : i32
    return %c0_i32, %c0_i32_0 : i32, i32
  }
  func.func @transform_6(%arg0: i32) -> (i32, i32) {
    %c0_i32 = arith.constant 0 : i32
    %c0_i32_0 = arith.constant 0 : i32
    %c0_i32_1 = arith.constant 0 : i32
    return %c0_i32, %c0_i32_0 : i32, i32
  }
  func.func @transform_7(%arg0: i32) -> (i32, i32) {
    %c0_i32 = arith.constant 0 : i32
    %c0_i32_0 = arith.constant 0 : i32
    %c0_i32_1 = arith.constant 0 : i32
    return %c0_i32, %c0_i32_0 : i32, i32
  }
  func.func @transform_8(%arg0: i32) -> (i32, i32) {
    %c0_i32 = arith.constant 0 : i32
    %c0_i32_0 = arith.constant 0 : i32
    %c0_i32_1 = arith.constant 0 : i32
    return %c0_i32, %c0_i32_0 : i32, i32
  }
  func.func @transform_9(%arg0: i32) -> (i32, i32) {
    %c0_i32 = arith.constant 0 : i32
    %c0_i32_0 = arith.constant 0 : i32
    return %arg0, %c0_i32 : i32, i32
  }
  func.func @transform_10(%arg0: i32) -> (i32, i32) {
    %c0_i32 = arith.constant 0 : i32
    %c0_i32_0 = arith.constant 0 : i32
    return %arg0, %c0_i32 : i32, i32
  }
}

</mosaic_0001>

<sc_bundles>
// kernel: kernel.5.cloned.1.call-start
scs
__scs_entry_jumppad:
0x0: {  	(pc) =	sbr.rel $0x88, $3  }
0x1: {  	(tag) =	ssettag $0x0;
	lr =	simm.s32 $0x1  }
0x2: {  	[smem:$0x3F97] =	sst lr;
	_ =	strace $0xD0000000  }
0x3: {  	_ = 	snop  }
0x4: {  	_ = 	snop  }
0x5: {  	_ = 	snop  }
0x6: {  	_ = 	snop  }
0x7: {  	_ = 	snop  }
__scs_overlays_trampoline_lowered:
0x8: {  	[smem:$0x3FA6] =	sst s0  }
0x9: {  	[smem:$0x3FA7] =	sst s1  }
0xa: {  	[smem:$0x3FA8] =	sst s2  }
0xb: {  	[smem:$0x3FA9] =	sst s3  }
0xc: {  	[smem:$0x3FAA] =	sst s4  }
0xd: {  	[smem:$0x3FAB] =	sst s5  }
0xe: {  	[smem:$0x3FAC] =	sst s6  }
0xf: {  	[smem:$0x3FAD] =	sst s7  }
0x10: {  	[smem:$0x3FAE] =	sst s8  }
0x11: {  	[smem:$0x3FAF] =	sst s9;
	s0 =	simm.s32 @!p0 $0x0  }
0x12: {  	s1 =	sld [smem:$0x3F95];
	s0 =	simm.s32 @p0 $0x1  }
0x13: {  	[smem:$0x3FB0] =	sst s0;
	s0 =	simm.s32 @!p1 $0x0  }
0x14: {  	s2 =	sld [smem:$0x3F94];
	s0 =	simm.s32 @p1 $0x1  }
0x15: {  	[smem:$0x3FB1] =	sst s0;
	s0 =	simm.s32 @!p2 $0x0  }
0x16: {  	s3 =	sld [smem:$0x3FDB];
	s0 =	simm.s32 @p2 $0x1  }
0x17: {  	s4 =	simm.s32 $0x1BF5;
	[smem:$0x3FB3] =	sst s0  }
0x18: {  	s0 =	sld [smem:$0x3F96];
	_ =	swait.ge [sflag:s4], $0x0  }
0x19: {  	s7 =	sld [smem:$0x3F97]  }
0x1a: {  	s8 =	sadd.s32 $0xFFFFE003, lr  }
0x1b: {  	s9 =	sadd.s32 $0xFFFFFEF7, lr;
	s5 =	simm.s32 $0xFFFFFFFF;
	p2 =	slt.u32 s8, $0xFFFFF086  }
0x1c: {  	p1 =	slt.u32 s9, $0xF7A;
	s5 =	simm.s32 @!p2 $0x0  }
0x1d: {  	s5 =	simm.s32 @p1 $0x1;
	p0 =	seq.s32 s7, s2  }
0x1e: {  	s7 =	smul.u32 @!p0 $0xF7A, s2;
	p2 =	seq.s32 @!p0 s5, $0x0  }
0x1f: {  	s9 =	smul.u32 $0xF7A, s1;
	s8 =	simm.s32 @!p0 $0x1BF5;
	p2 =	por !p2, p0  }
0x20: {  	[sflag:s8] =	ssyncset.s32 @!p0 $0xFFFFF086;
	s6 =	sadd.s32 @!p0 s3, s7;
	s7 =	simm.s32 @!p0 $0x108  }
0x21: {  	s3 =	sadd.s32 s3, s9;
	s6 =	sadd.s32 @!p0 $0x88, s6;
	s7 =	simm.s32 @p2 $0x1082  }
0x22: {  	[simem:s7], [sflag:s8] =	dma.local @!p0 [hbm:s6], $0xF7A  }
0x23: {  	s9 =	sor.u32 $0xD0000000, s2;
	s6 =	simm.s32 $0x108;
	_ =	swait.ge @!p0 [sflag:s8], $0x0  }
0x24: {  	s3 =	sadd.s32 $0x88, s3;
	s6 =	simm.s32 @!p1 $0x1082;
	[sflag:s4] =	ssyncset.s32 $0xFFFFF086  }
0x25: {  	[simem:s6], [sflag:s4] =	dma.local [hbm:s3], $0xF7A  }
0x26: {  	[smem:$0x3F97] =	sst s1;
	(tag) =	ssettag s2;
	_ =	strace s9  }
0x27: {  	s1 =	sld [smem:$0x3FA7]  }
0x28: {  	s2 =	sld [smem:$0x3FA8]  }
0x29: {  	s4 =	sld [smem:$0x3FAA]  }
0x2a: {  	p0 =	seq.s32 s5, $0x0;
	s5 =	sld [smem:$0x3FAB]  }
0x2b: {  	s6 =	sld [smem:$0x3FAC]  }
0x2c: {  	s7 =	sld [smem:$0x3FAD]  }
0x2d: {  	s3 =	simm.s32 $0x108;
	s8 =	sld [smem:$0x3FAE]  }
0x2e: {  	s3 =	simm.s32 @!p0 $0x1082;
	s9 =	sld [smem:$0x3FAF]  }
0x2f: {  	lr =	sadd.s32 s0, s3;
	s0 =	sld [smem:$0x3FA6]  }
0x30: {  	s3 =	sld [smem:$0x3FA9]  }
0x31: {  	[smem:$0x3FB2] =	sst s10  }
0x32: {  	s10 =	sld [smem:$0x3FB0];
	_ =	sdelay $0x3  }
0x33: {  	p0 =	seq.s32 s10, $0x1;
	s10 =	sld [smem:$0x3FB2];
	_ =	sdelay $0x3  }
0x34: {  	[smem:$0x3FB2] =	sst s10  }
0x35: {  	s10 =	sld [smem:$0x3FB1];
	_ =	sdelay $0x3  }
0x36: {  	p1 =	seq.s32 s10, $0x1;
	s10 =	sld [smem:$0x3FB2];
	_ =	sdelay $0x3  }
0x37: {  	[smem:$0x3FB2] =	sst s10  }
0x38: {  	s10 =	sld [smem:$0x3FB3]  }
0x39: {  	_ = 	snop;
	(pc) =	sbr.ind lr, $3  }
0x3a: {  	_ = 	snop  }
0x3b: {  	_ = 	snop  }
0x3c: {  	p2 =	seq.s32 s10, $0x1;
	s10 =	sld [smem:$0x3FB2]  }
0x3d: {  	_ =	shalt  }
0x3e: {  	_ =	shalt  }
0x3f: {  	_ =	shalt  }
0x40: {  	_ =	shalt  }
0x41: {  	_ =	shalt  }
0x42: {  	_ =	shalt  }
0x43: {  	_ =	shalt  }
0x44: {  	_ =	shalt  }
0x45: {  	_ =	shalt  }
0x46: {  	_ =	shalt  }
0x47: {  	_ =	shalt  }
0x48: {  	_ =	shalt  }
0x49: {  	_ =	shalt  }
0x4a: {  	_ =	shalt  }
0x4b: {  	_ =	shalt  }
0x4c: {  	_ =	shalt  }
0x4d: {  	_ =	shalt  }
0x4e: {  	_ =	shalt  }
0x4f: {  	_ =	shalt  }
0x50: {  	_ =	shalt  }
0x51: {  	_ =	shalt  }
0x52: {  	_ =	shalt  }
0x53: {  	_ =	shalt  }
0x54: {  	_ =	shalt  }
0x55: {  	_ =	shalt  }
0x56: {  	_ =	shalt  }
0x57: {  	_ =	shalt  }
0x58: {  	_ =	shalt  }
0x59: {  	_ =	shalt  }
0x5a: {  	_ =	shalt  }
0x5b: {  	_ =	shalt  }
0x5c: {  	_ =	shalt  }
0x5d: {  	_ =	shalt  }
0x5e: {  	_ =	shalt  }
0x5f: {  	_ =	shalt  }
0x60: {  	_ =	shalt  }
0x61: {  	_ =	shalt  }
0x62: {  	_ =	shalt  }
0x63: {  	_ =	shalt  }
0x64: {  	_ =	shalt  }
0x65: {  	_ =	shalt  }
0x66: {  	_ =	shalt  }
0x67: {  	_ =	shalt  }
0x68: {  	_ =	shalt  }
0x69: {  	_ =	shalt  }
0x6a: {  	_ =	shalt  }
0x6b: {  	_ =	shalt  }
0x6c: {  	_ =	shalt  }
0x6d: {  	_ =	shalt  }
0x6e: {  	_ =	shalt  }
0x6f: {  	_ =	shalt  }
0x70: {  	_ =	shalt  }
0x71: {  	_ =	shalt  }
0x72: {  	_ =	shalt  }
0x73: {  	_ =	shalt  }
0x74: {  	_ =	shalt  }
0x75: {  	_ =	shalt  }
0x76: {  	_ =	shalt  }
0x77: {  	_ =	shalt  }
0x78: {  	_ =	shalt  }
0x79: {  	_ =	shalt  }
0x7a: {  	_ =	shalt  }
0x7b: {  	_ =	shalt  }
0x7c: {  	_ =	shalt  }
0x7d: {  	_ =	shalt  }
0x7e: {  	_ =	shalt  }
0x7f: {  	_ =	shalt  }
0x80: {  	_ =	shalt  }
0x81: {  	_ =	shalt  }
0x82: {  	_ =	shalt  }
0x83: {  	_ =	shalt  }
0x84: {  	_ =	shalt  }
0x85: {  	_ =	shalt  }
0x86: {  	_ =	shalt  }
0x87: {  	_ =	shalt  }
.Lfunc_end0:
.L_simem_size_0:
called_computation_lowered:
.L_overlay_start_0:
0x88: {  	s2 =	sld [smem:$0x3FD9]  }
0x89: {  	s3 =	sld [smem:$0x3FFE];
	_ =	sdelay $0x1  }
0x8a: {  	s1 =	srdreg.scid  }
0x8b: {  	s0 =	sand.u32 $0x1, s1  }
0x8c: {  	s17 =	sshll.u32 s0, $0xA;
	s2 =	sadd.s32 s3, s2  }
0x8d: {  	s2 =	sadd.s32 s2, s17  }
0x8e: {  	[smem:$0x3FBE] =	sst s2  }
0x8f: {  	_ = 	snop  }
0x90: {  	s2 =	sld [smem:$0x3FC8];
	(tm) =	ssettm $0x1  }
0x91: {  	s18 =	sld [smem:$0x3FFB];
	_ =	sdelay $0x3  }
0x92: {  	_ =	strace s18  }
0x93: {  	s3 =	sld [smem:$0x3FFC];
	_ =	sdelay $0x3  }
0x94: {  	_ =	strace s3  }
0x95: {  	s3 =	sld [smem:$0x3FFD];
	_ =	sdelay $0x3  }
0x96: {  	_ =	strace s3  }
0x97: {  	_ =	strace $0x8FFFFFFF  }
0x98: {  	s19 =	sld [smem:$0x3FDB];
	_ =	sdelay $0x1  }
0x99: {  	s4 =	simm.s32 $_scs_section_size  }
0x9a: {  	s5 =	simm.s32 $_size__tile_overlayer_lowered;
	s6 =	simm.s32 $_tile_overlayer_lowered  }
0x9b: {  	s22 =	simm.s32 $0x1BFF;
	s21 =	sshll.u32 s6, $0x1;
	s3 =	sadd.s32 s4, s19  }
0x9c: {  	s7 =	simm.s32 $0x0;
	s20 =	sshll.u32 s5, $0x1;
	s5 =	sadd.s32 s21, s3  }
0x9d: {  	[timem:s7], [sflag:s22] =	dma.local [hbm:s5], s20  }
0x9e: {  	_ =	swait.ge [sflag:s22], s20  }
0x9f: {  	s4 =	ssub.s32 $0x0, s20;
	[sflag:s22] =	ssyncset.done $0x0  }
0xa0: {  	[sflag:s22] =	ssyncadd.s32 s4;
	_ =	sdelay $0x1  }
0xa1: {  	s23 =	simm.s32 $0x1B8B  }
0xa2: {  	_ =	swait.ge [sflag:s23], $0x1  }
0xa3: {  	[sflag:s23] =	ssyncset.done $0x0  }
0xa4: {  	s25 =	simm.s32 $0x1B8E;
	s24 =	sld [smem:$0x3FFE];
	[sflag:s23] =	ssyncadd.s32 $0xFFFFFFFF  }
0xa5: {  	s26 =	simm.s32 $execute0_lowered;
	[smem:$0x3FD2] =	sst s25  }
0xa6: {  	s5 =	sshll.u32 s26, $0x1;
	_ =	strace $0x80000046;
	[dreg:$0x1] =	wrdreg $0xFFFFFFFF  }
0xa7: {  	s28 =	simm.s32 $_size_execute0_lowered;
	s3 =	sadd.s32 s3, s5;
	[dreg:$0x0] =	wrdreg $0x0  }
0xa8: {  	s5 =	sshll.u32 s28, $0x1;
	[dreg:$0x2] =	wrdreg s3  }
0xa9: {  	[dreg:$0x3] =	wrdreg s5  }
0xaa: {  	[dreg:$0x4] =	wrdreg $0xC0  }
0xab: {  	_ =	task [dreg:s7], $0x5FFFF  }
0xac: {  	[dreg:$0x1] =	wrdreg $0xFFFFFFFF  }
0xad: {  	[dreg:$0x0] =	wrdreg $0x60  }
0xae: {  	[dreg:$0x2] =	wrdreg s2  }
0xaf: {  	[dreg:$0x3] =	wrdreg s24  }
0xb0: {  	[dreg:$0x4] =	wrdreg $0x9  }
0xb1: {  	_ =	task.clear_ibuf [dreg:s7], $0x5FFFF;
	_ =	strace $0x90000046  }
0xb2: {  	s29 =	simm.s32 $0x9;
	_ =	strace $0x80000048  }
0xb3: {  	_ =	swait.ge [sflag:s29], $0x1  }
0xb4: {  	[sflag:s29] =	ssyncadd.s32 $0xFFFFFFFF  }
0xb5: {  	_ =	strace $0x90000048  }
0xb6: {  	_ =	sfence  }
0xb7: {  	s30 =	sld [smem:$0x0];
	_ =	sdelay $0x2  }
0xb8: {  	s31 =	sshll.u32 s1, $0xD;
	s1 =	sshrl.u32 s1, $0x2  }
0xb9: {  	s3 =	sand.u32 $0x4000, s31;
	s1 =	sadd.s32 s1, s30  }
0xba: {  	s0 =	sor.u32 s3, s0;
	s1 =	sshll.u32 s1, $0x11  }
0xbb: {  	s0 =	sor.u32 s1, s0  }
0xbc: {  	s0 =	sadd.s32 $0x8F2B, s0  }
0xbd: {  	[sflag:s0] =	ssyncadd.remote.s32 $0x1  }
0xbe: {  	_ =	sfence.sel $0xFFFF  }
0xbf: {  	[dreg:$0x0] =	wrdreg $0xFFFFFFFF;
	(pc) =	sbr.abs _section_cstart, $3  }
0xc0: {  	[dreg:$0x1] =	wrdreg $0xFFFFFFFF  }
0xc1: {  	_ =	task.clear_ibuf [dreg:s7], $0x2FFFF;
	_ =	strace $0x9FFFFFFF  }
0xc2: {  	(tm) =	ssettm $0x7FFFFFFF  }
0xc3: {  	_ =	shalt  }
tec
execute0_lowered:
.L_overlay_start_1:
0x0: {  	(tag) =	ssettag $0x1  }
0x1: {  	s1 =	rddreg [dreg:$0x0]  }
0x2: {  	s10 =	rddreg [dreg:$0x1]  }
0x3: {  	s0 =	rddreg [dreg:$0x2];
	s3 =	simm.s32 $0x0  }
0x4: {  	s4 =	srdreg.scid;
	s2 =	stileid.u32;
	s12 =	simm.s32 $0x8000  }
0x5: {  	s13 =	simm.s32 $0x1;
	s14 =	simm.s32 $0x2;
	s15 =	simm.s32 $0x3  }
0x6: {  	s16 =	simm.s32 $0x4;
	s17 =	simm.s32 $0x5;
	s18 =	simm.s32 $0x0  }
0x7: {  	[smem:$0x7FF] =	sst s3;
	s4 =	sand.u32 $0x1, s4;
	s5 =	sshll.u32 s2, $0x1  }
0x8: {  	s9 =	sadd.s32 $0x18B000, s1;
	_ =	strace $0x80000047;
	s6 =	ssub.s32 $0x2, s4  }
.Ltmp0:
0x9: {  	s4 =	sor.u32 s4, s5;
	s5 =	sadd.s32 $0x1C00, s10;
	(pc) =	sbr.rel .LBB2_1-.Ltmp0, $4  }
0xa: {  	s10 =	sadd.s32 $0xC7400, s10;
	s7 =	sshrl.u32 s6, $0x1;
	s8 =	sshll.u32 s4, $0xB  }
0xb: {  	s31 =	sshll.u32 s4, $0xC;
	p0 =	sgt.u32 s4, $0xA;
	p1 =	sne.s32 s4, $0x0  }
0xc: {  	s11 =	ssub.s32 s6, s7;
	s8 =	sadd.s32 s8, s5;
	s6 =	sadd.s32 s1, s31  }
0xd: {  	s7 =	sadd.s32 $0x20000, s1;
	s8 =	sadd.s32 $0xC0000, s8;
	s11 =	smax.u32 s11, $0x1  }
.LBB2_24:
0xe: {  	_ =	swait.ge [sflag:s16], $0x4000  }
0xf: {  	[sflag:s16] =	ssyncset.done $0x0  }
0x10: {  	[sflag:s16] =	ssyncadd.s32 $0xFFFFC000  }
.LBB2_22:
0x11: {  	s18 =	sadd.s32 $0x1, s18  }
0x12: {  	p2 =	sne.s32 s18, s11  }
.Ltmp1:
0x13: {  	_ = 	snop;
	(pc) =	sbr.rel @!p2 .LBB2_23-.Ltmp1, $1  }
0x14: {  	_ =	sdelay $0x3  }
.LBB2_1:
0x15: {  	[tilespmem:s3], [sflag:$0x1] =	stream.linear.gather [hbm4b:s6+s3], $0x8000, $0x38;
	[tilespmem:$0x18000] =	vst v63  }
0x16: {  	s19 =	simm.s32 $0x0  }
.LBB2_2:
0x17: {  	s20 =	sshll.u32 s19, $0x6  }
0x18: {  	s22 =	sor.u32 s4, s20  }
0x19: {  	s20 =	sor.u32 $0x20, s22  }
0x1a: {  	s21 =	sshll.u32 s20, $0xC  }
0x1b: {  	s23 =	sadd.s32 s1, s21  }
0x1c: {  	[tilespmem:s12], [sflag:$0x2] =	stream.linear.gather [hbm4b:s23+s3], $0x8000, $0x38;
	[tilespmem:$0x18000] =	vst v63  }
0x1d: {  	_ =	swait.ge [sflag:s13], $0x8000  }
0x1e: {  	p2 =	seq.s32 s19, $0x0;
	[sflag:s13] =	ssyncset.done $0x0  }
0x1f: {  	s23 =	simm.s32 @!p2 $0x3;
	[sflag:s13] =	ssyncadd.s32 $0xFFFF8000  }
0x20: {  	_ =	swait.ge @!p2 [sflag:s23], $0x4000  }
0x21: {  	[sflag:s23] =	ssyncset.done @!p2 $0x0  }
0x22: {  	[sflag:s23] =	ssyncadd.s32 @!p2 $0xFFFFC000;
	s23 =	simm.s32 $0x40  }
0x23: {  	v0 =	vld [tilespmem:s23+$0xFFFFFFC0]  }
0x24: {  	v1 =	vld [tilespmem:s23+$0xFFFFFFD0];
	_ =	sdelay $0x4  }
0x25: {  	v2 =	vshrl.u32 v0, $0x10;
	v3 =	vshrl.u32 v1, $0x10  }
0x26: {  	v2 =	vand.u32 $0x1, v2;
	v3 =	vand.u32 $0x1, v3  }
0x27: {  	v0 =	vadd.s32 v2, v0;
	v1 =	vadd.s32 v3, v1  }
0x28: {  	s24 =	simm.s32 $0x0;
	v0 =	vadd.s32 $0x7FFF, v0;
	v1 =	vadd.s32 $0x7FFF, v1  }
0x29: {  	s25 =	sand.u32 $0x40, s24;
	s26 =	sand.u32 $0x7F00, s24;
	v0 =	vshrl.u32 v0, $0x10;
	v1 =	vand.u32 $0xFFFF0000, v1  }
0x2a: {  	s25 =	sor.u32 s25, s26;
	v0 =	vor.u32 v0, v1  }
0x2b: {  	[tilespmem:s25+$0x10000] =	vst v0  }
0x2c: {  	v0 =	vld [tilespmem:s23+$0xFFFFFFE0]  }
0x2d: {  	v1 =	vld [tilespmem:s23+$0xFFFFFFF0];
	_ =	sdelay $0x4  }
0x2e: {  	v2 =	vshrl.u32 v0, $0x10;
	v3 =	vshrl.u32 v1, $0x10  }
0x2f: {  	v2 =	vand.u32 $0x1, v2;
	v3 =	vand.u32 $0x1, v3  }
0x30: {  	v0 =	vadd.s32 v2, v0;
	v1 =	vadd.s32 v3, v1  }
0x31: {  	v0 =	vadd.s32 $0x7FFF, v0;
	v1 =	vadd.s32 $0x7FFF, v1  }
0x32: {  	v0 =	vshrl.u32 v0, $0x10;
	v1 =	vand.u32 $0xFFFF0000, v1  }
0x33: {  	v0 =	vor.u32 v0, v1  }
0x34: {  	[tilespmem:s25+$0x10010] =	vst v0  }
0x35: {  	v0 =	vld [tilespmem:s23+$0x0]  }
0x36: {  	v1 =	vld [tilespmem:s23+$0x10];
	_ =	sdelay $0x4  }
0x37: {  	v2 =	vshrl.u32 v0, $0x10;
	v3 =	vshrl.u32 v1, $0x10  }
0x38: {  	v2 =	vand.u32 $0x1, v2;
	v3 =	vand.u32 $0x1, v3  }
0x39: {  	v0 =	vadd.s32 v2, v0;
	v1 =	vadd.s32 v3, v1  }
0x3a: {  	v0 =	vadd.s32 $0x7FFF, v0;
	v1 =	vadd.s32 $0x7FFF, v1  }
0x3b: {  	v0 =	vshrl.u32 v0, $0x10;
	v1 =	vand.u32 $0xFFFF0000, v1  }
0x3c: {  	v0 =	vor.u32 v0, v1  }
0x3d: {  	[tilespmem:s25+$0x10020] =	vst v0  }
0x3e: {  	v0 =	vld [tilespmem:s23+$0x20]  }
0x3f: {  	v1 =	vld [tilespmem:s23+$0x30];
	_ =	sdelay $0x3  }
0x40: {  	v2 =	vshrl.u32 v0, $0x10  }
0x41: {  	v3 =	vshrl.u32 v1, $0x10;
	v2 =	vand.u32 $0x1, v2  }
0x42: {  	v0 =	vadd.s32 v2, v0;
	v2 =	vand.u32 $0x1, v3  }
0x43: {  	s26 =	simm.s32 $0x80;
	v0 =	vadd.s32 $0x7FFF, v0;
	v1 =	vadd.s32 v2, v1  }
.LBB2_3:
0x44: {  	p3 =	sne.s32 s26, $0x7F80;
	v0 =	vshrl.u32 v0, $0x10;
	v1 =	vadd.s32 $0x7FFF, v1;
	s24 =	sadd.s32 $0x40, s24;
	s23 =	sadd.s32 $0x80, s23  }
0x45: {  	s28 =	smov.u32 s26;
	s26 =	sadd.s32 $0x80, s26;
	v1 =	vand.u32 $0xFFFF0000, v1  }
0x46: {  	v0 =	vor.u32 v0, v1  }
0x47: {  	[tilespmem:s25+$0x10030] =	vst v0  }
0x48: {  	v0 =	vld [tilespmem:s23+$0xFFFFFFC0]  }
0x49: {  	v1 =	vld [tilespmem:s23+$0xFFFFFFD0];
	_ =	sdelay $0x3  }
0x4a: {  	v2 =	vshrl.u32 v0, $0x10  }
0x4b: {  	v2 =	vand.u32 $0x1, v2;
	v3 =	vshrl.u32 v1, $0x10  }
0x4c: {  	v0 =	vadd.s32 v2, v0;
	v2 =	vand.u32 $0x1, v3  }
0x4d: {  	v0 =	vadd.s32 $0x7FFF, v0;
	v1 =	vadd.s32 v2, v1  }
0x4e: {  	v1 =	vadd.s32 $0x7FFF, v1  }
0x4f: {  	s28 =	sand.u32 $0x7F00, s28;
	s25 =	sand.u32 $0x40, s24;
	v0 =	vshrl.u32 v0, $0x10;
	v1 =	vand.u32 $0xFFFF0000, v1  }
0x50: {  	s25 =	sor.u32 s25, s28;
	v0 =	vor.u32 v0, v1  }
0x51: {  	[tilespmem:s25+$0x10000] =	vst v0  }
0x52: {  	v0 =	vld [tilespmem:s23+$0xFFFFFFE0]  }
0x53: {  	v1 =	vld [tilespmem:s23+$0xFFFFFFF0];
	_ =	sdelay $0x3  }
0x54: {  	v2 =	vshrl.u32 v0, $0x10  }
0x55: {  	v2 =	vand.u32 $0x1, v2;
	v3 =	vshrl.u32 v1, $0x10  }
0x56: {  	v0 =	vadd.s32 v2, v0;
	v2 =	vand.u32 $0x1, v3  }
0x57: {  	v0 =	vadd.s32 $0x7FFF, v0;
	v1 =	vadd.s32 v2, v1  }
0x58: {  	v0 =	vshrl.u32 v0, $0x10;
	v1 =	vadd.s32 $0x7FFF, v1  }
0x59: {  	v1 =	vand.u32 $0xFFFF0000, v1  }
0x5a: {  	v0 =	vor.u32 v0, v1  }
0x5b: {  	[tilespmem:s25+$0x10010] =	vst v0  }
0x5c: {  	v0 =	vld [tilespmem:s23+$0x0]  }
0x5d: {  	v1 =	vld [tilespmem:s23+$0x10];
	_ =	sdelay $0x3  }
0x5e: {  	v2 =	vshrl.u32 v0, $0x10  }
0x5f: {  	v2 =	vand.u32 $0x1, v2;
	v3 =	vshrl.u32 v1, $0x10  }
0x60: {  	v0 =	vadd.s32 v2, v0;
	v2 =	vand.u32 $0x1, v3  }
0x61: {  	v0 =	vadd.s32 $0x7FFF, v0;
	v1 =	vadd.s32 v2, v1  }
0x62: {  	v0 =	vshrl.u32 v0, $0x10;
	v1 =	vadd.s32 $0x7FFF, v1  }
0x63: {  	v1 =	vand.u32 $0xFFFF0000, v1  }
0x64: {  	v0 =	vor.u32 v0, v1  }
0x65: {  	[tilespmem:s25+$0x10020] =	vst v0  }
0x66: {  	v0 =	vld [tilespmem:s23+$0x20]  }
0x67: {  	v1 =	vld [tilespmem:s23+$0x30];
	_ =	sdelay $0x2  }
.Ltmp2:
0x68: {  	(pc) =	sbr.rel @p3 .LBB2_3-.Ltmp2, $4  }
0x69: {  	v2 =	vshrl.u32 v0, $0x10  }
0x6a: {  	v2 =	vand.u32 $0x1, v2;
	v3 =	vshrl.u32 v1, $0x10  }
0x6b: {  	v0 =	vadd.s32 v2, v0;
	v2 =	vand.u32 $0x1, v3  }
0x6c: {  	v0 =	vadd.s32 $0x7FFF, v0;
	v1 =	vadd.s32 v2, v1  }
0x6d: {  	v1 =	vadd.s32 $0x7FFF, v1  }
0x6e: {  	v0 =	vshrl.u32 v0, $0x10;
	s22 =	sshll.u32 s22, $0xB;
	v1 =	vand.u32 $0xFFFF0000, v1  }
0x6f: {  	s23 =	simm.s32 $0x10000;
	s22 =	sadd.s32 s5, s22;
	v0 =	vor.u32 v0, v1  }
0x70: {  	s24 =	simm.s32 $0x10;
	s26 =	sadd.s32 $0x0, s22;
	[tilespmem:s25+$0x10030] =	vst v0;
	s25 =	simm.s32 $0x10100  }
.LBB2_5:
0x71: {  	[hbm4b:s26+s3] =	stream.linear.scatter [tilespmem:s23], [sflag:$0x3], $0x80, $0x38;
	[tilespmem:$0x18000] =	vst v63  }
0x72: {  	s26 =	smov.u32 s24;
	s23 =	smov.u32 s25;
	p3 =	sne.s32 s24, $0x7F0  }
.Ltmp3:
0x73: {  	s24 =	sadd.s32 $0x10, s24;
	(pc) =	sbr.rel @p3 .LBB2_5-.Ltmp3, $2  }
0x74: {  	_ =	sdelay $0x2  }
0x75: {  	s25 =	sadd.s32 $0x100, s25;
	s26 =	sadd.s32 s26, s22  }
0x76: {  	[hbm4b:s26+s3] =	stream.linear.scatter [tilespmem:s23], [sflag:$0x3], $0x80, $0x38;
	[tilespmem:$0x18000] =	vst v63  }
0x77: {  	p3 =	sgt.u32 s20, $0x16A  }
0x78: {  	s21 =	sadd.s32 @!p3 s21, s7;
	s22 =	simm.s32 @!p3 $0x0  }
0x79: {  	[tilespmem:s22], [sflag:$0x1] =	stream.linear.gather @!p3 [hbm4b:s21+s22], $0x8000, $0x38;
	[tilespmem:$0x18000] =	vst v63  }
0x7a: {  	_ =	swait.ge [sflag:s14], $0x8000  }
0x7b: {  	[sflag:s14] =	ssyncset.done $0x0  }
0x7c: {  	s21 =	simm.s32 @!p2 $0x4;
	[sflag:s14] =	ssyncadd.s32 $0xFFFF8000  }
0x7d: {  	_ =	swait.ge @!p2 [sflag:s21], $0x4000  }
0x7e: {  	[sflag:s21] =	ssyncset.done @!p2 $0x0  }
0x7f: {  	s28 =	simm.s32 $0x0;
	[sflag:s21] =	ssyncadd.s32 @!p2 $0xFFFFC000  }
0x80: {  	v0 =	vld [tilespmem:s28+$0x8000]  }
0x81: {  	v1 =	vld [tilespmem:s28+$0x8010];
	_ =	sdelay $0x4  }
0x82: {  	v2 =	vshrl.u32 v0, $0x10;
	v3 =	vshrl.u32 v1, $0x10  }
0x83: {  	s22 =	simm.s32 $0x1;
	p2 =	por $0x0, $0x0;
	v2 =	vand.u32 $0x1, v2;
	v3 =	vand.u32 $0x1, v3  }
0x84: {  	s22 =	simm.s32 @!p2 $0x0;
	v0 =	vadd.s32 v2, v0;
	v1 =	vadd.s32 v3, v1  }
0x85: {  	s22 =	sshll.u32 s22, $0x6;
	v0 =	vadd.s32 $0x7FFF, v0;
	v1 =	vadd.s32 $0x7FFF, v1  }
0x86: {  	s29 =	sadd.s32 $0x0, s22;
	v0 =	vshrl.u32 v0, $0x10;
	v1 =	vand.u32 $0xFFFF0000, v1  }
0x87: {  	s22 =	sor.u32 $0x80, s29;
	v0 =	vor.u32 v0, v1  }
0x88: {  	[tilespmem:s22+$0x10000] =	vst v0  }
0x89: {  	v0 =	vld [tilespmem:s28+$0x8020]  }
0x8a: {  	v1 =	vld [tilespmem:s28+$0x8030];
	_ =	sdelay $0x4  }
0x8b: {  	v2 =	vshrl.u32 v0, $0x10;
	v3 =	vshrl.u32 v1, $0x10  }
0x8c: {  	v2 =	vand.u32 $0x1, v2;
	v3 =	vand.u32 $0x1, v3  }
0x8d: {  	v0 =	vadd.s32 v2, v0;
	v1 =	vadd.s32 v3, v1  }
0x8e: {  	v0 =	vadd.s32 $0x7FFF, v0;
	v1 =	vadd.s32 $0x7FFF, v1  }
0x8f: {  	v0 =	vshrl.u32 v0, $0x10;
	v1 =	vand.u32 $0xFFFF0000, v1  }
0x90: {  	s30 =	sor.u32 $0x90, s29;
	v0 =	vor.u32 v0, v1  }
0x91: {  	[tilespmem:s30+$0x10000] =	vst v0  }
0x92: {  	v0 =	vld [tilespmem:s28+$0x8040]  }
0x93: {  	v1 =	vld [tilespmem:s28+$0x8050];
	_ =	sdelay $0x4  }
0x94: {  	v2 =	vshrl.u32 v0, $0x10;
	v3 =	vshrl.u32 v1, $0x10  }
0x95: {  	v2 =	vand.u32 $0x1, v2;
	v3 =	vand.u32 $0x1, v3  }
0x96: {  	v0 =	vadd.s32 v2, v0;
	v1 =	vadd.s32 v3, v1  }
0x97: {  	v0 =	vadd.s32 $0x7FFF, v0;
	v1 =	vadd.s32 $0x7FFF, v1  }
0x98: {  	v0 =	vshrl.u32 v0, $0x10;
	v1 =	vand.u32 $0xFFFF0000, v1  }
0x99: {  	s31 =	sor.u32 $0xA0, s29;
	v0 =	vor.u32 v0, v1  }
0x9a: {  	[tilespmem:s31+$0x10000] =	vst v0  }
0x9b: {  	v1 =	vld [tilespmem:s28+$0x8060]  }
0x9c: {  	v0 =	vld [tilespmem:s28+$0x8070];
	_ =	sdelay $0x3  }
0x9d: {  	v2 =	vshrl.u32 v1, $0x10  }
0x9e: {  	v3 =	vshrl.u32 v0, $0x10;
	v2 =	vand.u32 $0x1, v2  }
0x9f: {  	s21 =	simm.s32 $0x0;
	s24 =	sor.u32 $0xB0, s29;
	s22 =	simm.s32 $0x200;
	v1 =	vadd.s32 v2, v1;
	v2 =	vand.u32 $0x1, v3  }
.LBB2_7:
0xa0: {  	p3 =	sne.s32 s22, $0x1FE00;
	v1 =	vadd.s32 $0x7FFF, v1;
	v0 =	vadd.s32 v2, v0;
	s21 =	sadd.s32 $0x80, s21;
	p2 =	por !p2, !p2  }
0xa1: {  	s23 =	smov.u32 s22;
	s22 =	sadd.s32 $0x200, s22;
	v1 =	vshrl.u32 v1, $0x10;
	v0 =	vadd.s32 $0x7FFF, v0  }
0xa2: {  	v0 =	vand.u32 $0xFFFF0000, v0  }
0xa3: {  	v0 =	vor.u32 v1, v0  }
0xa4: {  	s23 =	sshra.s32 s23, $0x2;
	[tilespmem:s24+$0x10000] =	vst v0  }
0xa5: {  	v0 =	vld [tilespmem:s23+$0x8000]  }
0xa6: {  	v1 =	vld [tilespmem:s23+$0x8010];
	_ =	sdelay $0x3  }
0xa7: {  	v2 =	vshrl.u32 v0, $0x10  }
0xa8: {  	s24 =	simm.s32 $0x1;
	v2 =	vand.u32 $0x1, v2;
	v3 =	vshrl.u32 v1, $0x10  }
0xa9: {  	s24 =	simm.s32 @!p2 $0x0;
	v0 =	vadd.s32 v2, v0;
	v2 =	vand.u32 $0x1, v3  }
0xaa: {  	s24 =	sshll.u32 s24, $0x6;
	v0 =	vadd.s32 $0x7FFF, v0;
	v1 =	vadd.s32 v2, v1  }
0xab: {  	s24 =	sadd.s32 s24, s21;
	v0 =	vshrl.u32 v0, $0x10;
	v1 =	vadd.s32 $0x7FFF, v1  }
0xac: {  	s25 =	sor.u32 $0x80, s24;
	v1 =	vand.u32 $0xFFFF0000, v1  }
0xad: {  	v0 =	vor.u32 v0, v1  }
0xae: {  	[tilespmem:s25+$0x10000] =	vst v0  }
0xaf: {  	v0 =	vld [tilespmem:s23+$0x8020]  }
0xb0: {  	v1 =	vld [tilespmem:s23+$0x8030];
	_ =	sdelay $0x3  }
0xb1: {  	v2 =	vshrl.u32 v0, $0x10  }
0xb2: {  	v2 =	vand.u32 $0x1, v2;
	v3 =	vshrl.u32 v1, $0x10  }
0xb3: {  	v0 =	vadd.s32 v2, v0;
	v2 =	vand.u32 $0x1, v3  }
0xb4: {  	v0 =	vadd.s32 $0x7FFF, v0;
	v1 =	vadd.s32 v2, v1  }
0xb5: {  	s25 =	sor.u32 $0x90, s24;
	v0 =	vshrl.u32 v0, $0x10;
	v1 =	vadd.s32 $0x7FFF, v1  }
0xb6: {  	v1 =	vand.u32 $0xFFFF0000, v1  }
0xb7: {  	v0 =	vor.u32 v0, v1  }
0xb8: {  	[tilespmem:s25+$0x10000] =	vst v0  }
0xb9: {  	v0 =	vld [tilespmem:s23+$0x8040]  }
0xba: {  	v1 =	vld [tilespmem:s23+$0x8050];
	_ =	sdelay $0x3  }
0xbb: {  	v2 =	vshrl.u32 v0, $0x10  }
0xbc: {  	v2 =	vand.u32 $0x1, v2;
	v3 =	vshrl.u32 v1, $0x10  }
0xbd: {  	v0 =	vadd.s32 v2, v0;
	v2 =	vand.u32 $0x1, v3  }
0xbe: {  	s25 =	sor.u32 $0xA0, s24;
	v0 =	vadd.s32 $0x7FFF, v0;
	v1 =	vadd.s32 v2, v1  }
0xbf: {  	v0 =	vshrl.u32 v0, $0x10;
	v1 =	vadd.s32 $0x7FFF, v1  }
0xc0: {  	v1 =	vand.u32 $0xFFFF0000, v1  }
0xc1: {  	v0 =	vor.u32 v0, v1  }
0xc2: {  	[tilespmem:s25+$0x10000] =	vst v0  }
0xc3: {  	v1 =	vld [tilespmem:s23+$0x8060]  }
0xc4: {  	v0 =	vld [tilespmem:s23+$0x8070];
	_ =	sdelay $0x1  }
.Ltmp4:
0xc5: {  	(pc) =	sbr.rel @p3 .LBB2_7-.Ltmp4, $4  }
0xc6: {  	_ = 	snop  }
0xc7: {  	v2 =	vshrl.u32 v1, $0x10  }
0xc8: {  	v2 =	vand.u32 $0x1, v2;
	v3 =	vshrl.u32 v0, $0x10  }
0xc9: {  	s24 =	sor.u32 $0xB0, s24;
	v1 =	vadd.s32 v2, v1;
	v2 =	vand.u32 $0x1, v3  }
0xca: {  	v0 =	vadd.s32 v2, v0  }
0xcb: {  	v1 =	vadd.s32 $0x7FFF, v1;
	v0 =	vadd.s32 $0x7FFF, v0  }
0xcc: {  	s20 =	sshll.u32 s20, $0xB;
	v1 =	vshrl.u32 v1, $0x10;
	v0 =	vand.u32 $0xFFFF0000, v0  }
0xcd: {  	s21 =	simm.s32 $0x10080;
	s20 =	sadd.s32 s5, s20;
	v0 =	vor.u32 v1, v0  }
0xce: {  	s22 =	simm.s32 $0x10;
	s23 =	simm.s32 $0x10180;
	[tilespmem:s24+$0x10000] =	vst v0;
	s24 =	sadd.s32 $0x0, s20  }
.LBB2_9:
0xcf: {  	[hbm4b:s24+s3] =	stream.linear.scatter [tilespmem:s21], [sflag:$0x4], $0x80, $0x38;
	[tilespmem:$0x18000] =	vst v63  }
0xd0: {  	s24 =	smov.u32 s22;
	s21 =	smov.u32 s23;
	p2 =	sne.s32 s22, $0x7F0  }
.Ltmp5:
0xd1: {  	s22 =	sadd.s32 $0x10, s22;
	(pc) =	sbr.rel @p2 .LBB2_9-.Ltmp5, $2  }
0xd2: {  	_ =	sdelay $0x2  }
0xd3: {  	s23 =	sadd.s32 $0x100, s23;
	s24 =	sadd.s32 s24, s20  }
0xd4: {  	s19 =	sadd.s32 $0x1, s19  }
0xd5: {  	p2 =	sne.s32 s19, $0x6  }
.Ltmp6:
0xd6: {  	_ = 	snop;
	(pc) =	sbr.rel @p2 .LBB2_2-.Ltmp6, $2  }
0xd7: {  	_ =	sdelay $0x2  }
0xd8: {  	[hbm4b:s24+s3] =	stream.linear.scatter [tilespmem:s21], [sflag:$0x4], $0x80, $0x38;
	[tilespmem:$0x18000] =	vst v63  }
.Ltmp7:
0xd9: {  	(pc) =	sbr.rel @p0 .LBB2_24-.Ltmp7, $1  }
0xda: {  	_ =	sdelay $0x3  }
0xdb: {  	_ =	swait.ge [sflag:s13], $0x8000  }
0xdc: {  	[sflag:s13] =	ssyncset.done $0x0  }
0xdd: {  	[sflag:s13] =	ssyncadd.s32 $0xFFFF8000  }
0xde: {  	_ =	swait.ge [sflag:s15], $0x4000  }
0xdf: {  	[sflag:s15] =	ssyncset.done $0x0  }
0xe0: {  	s19 =	simm.s32 $0x40;
	[sflag:s15] =	ssyncadd.s32 $0xFFFFC000  }
0xe1: {  	v0 =	vld [tilespmem:s19+$0xFFFFFFC0]  }
0xe2: {  	v1 =	vld [tilespmem:s19+$0xFFFFFFD0];
	_ =	sdelay $0x4  }
0xe3: {  	v2 =	vshrl.u32 v0, $0x10;
	v3 =	vshrl.u32 v1, $0x10  }
0xe4: {  	v2 =	vand.u32 $0x1, v2;
	v3 =	vand.u32 $0x1, v3  }
0xe5: {  	v0 =	vadd.s32 v2, v0;
	v1 =	vadd.s32 v3, v1  }
0xe6: {  	s20 =	simm.s32 $0x0;
	v0 =	vadd.s32 $0x7FFF, v0;
	v1 =	vadd.s32 $0x7FFF, v1  }
0xe7: {  	s21 =	sand.u32 $0x40, s20;
	s22 =	sand.u32 $0x7F00, s20;
	v0 =	vshrl.u32 v0, $0x10;
	v1 =	vand.u32 $0xFFFF0000, v1  }
0xe8: {  	s21 =	sor.u32 s21, s22;
	v0 =	vor.u32 v0, v1  }
0xe9: {  	[tilespmem:s21+$0x10000] =	vst v0  }
0xea: {  	v0 =	vld [tilespmem:s19+$0xFFFFFFE0]  }
0xeb: {  	v1 =	vld [tilespmem:s19+$0xFFFFFFF0];
	_ =	sdelay $0x4  }
0xec: {  	v2 =	vshrl.u32 v0, $0x10;
	v3 =	vshrl.u32 v1, $0x10  }
0xed: {  	v2 =	vand.u32 $0x1, v2;
	v3 =	vand.u32 $0x1, v3  }
0xee: {  	v0 =	vadd.s32 v2, v0;
	v1 =	vadd.s32 v3, v1  }
0xef: {  	v0 =	vadd.s32 $0x7FFF, v0;
	v1 =	vadd.s32 $0x7FFF, v1  }
0xf0: {  	v0 =	vshrl.u32 v0, $0x10;
	v1 =	vand.u32 $0xFFFF0000, v1  }
0xf1: {  	v0 =	vor.u32 v0, v1  }
0xf2: {  	[tilespmem:s21+$0x10010] =	vst v0  }
0xf3: {  	v0 =	vld [tilespmem:s19+$0x0]  }
0xf4: {  	v1 =	vld [tilespmem:s19+$0x10];
	_ =	sdelay $0x4  }
0xf5: {  	v2 =	vshrl.u32 v0, $0x10;
	v3 =	vshrl.u32 v1, $0x10  }
0xf6: {  	v2 =	vand.u32 $0x1, v2;
	v3 =	vand.u32 $0x1, v3  }
0xf7: {  	v0 =	vadd.s32 v2, v0;
	v1 =	vadd.s32 v3, v1  }
0xf8: {  	v0 =	vadd.s32 $0x7FFF, v0;
	v1 =	vadd.s32 $0x7FFF, v1  }
0xf9: {  	v0 =	vshrl.u32 v0, $0x10;
	v1 =	vand.u32 $0xFFFF0000, v1  }
0xfa: {  	v0 =	vor.u32 v0, v1  }
0xfb: {  	[tilespmem:s21+$0x10020] =	vst v0  }
0xfc: {  	v0 =	vld [tilespmem:s19+$0x20]  }
0xfd: {  	v1 =	vld [tilespmem:s19+$0x30];
	_ =	sdelay $0x3  }
0xfe: {  	v2 =	vshrl.u32 v0, $0x10  }
0xff: {  	v3 =	vshrl.u32 v1, $0x10;
	v2 =	vand.u32 $0x1, v2  }
0x100: {  	v0 =	vadd.s32 v2, v0;
	v2 =	vand.u32 $0x1, v3  }
0x101: {  	s22 =	simm.s32 $0x80;
	v0 =	vadd.s32 $0x7FFF, v0;
	v1 =	vadd.s32 v2, v1  }
.LBB2_13:
0x102: {  	p2 =	sne.s32 s22, $0x7F80;
	v0 =	vshrl.u32 v0, $0x10;
	v1 =	vadd.s32 $0x7FFF, v1;
	s20 =	sadd.s32 $0x40, s20;
	s19 =	sadd.s32 $0x80, s19  }
0x103: {  	s23 =	smov.u32 s22;
	s22 =	sadd.s32 $0x80, s22;
	v1 =	vand.u32 $0xFFFF0000, v1  }
0x104: {  	v0 =	vor.u32 v0, v1  }
0x105: {  	[tilespmem:s21+$0x10030] =	vst v0  }
0x106: {  	v0 =	vld [tilespmem:s19+$0xFFFFFFC0]  }
0x107: {  	v1 =	vld [tilespmem:s19+$0xFFFFFFD0];
	_ =	sdelay $0x3  }
0x108: {  	v2 =	vshrl.u32 v0, $0x10  }
0x109: {  	v2 =	vand.u32 $0x1, v2;
	v3 =	vshrl.u32 v1, $0x10  }
0x10a: {  	v0 =	vadd.s32 v2, v0;
	v2 =	vand.u32 $0x1, v3  }
0x10b: {  	v0 =	vadd.s32 $0x7FFF, v0;
	v1 =	vadd.s32 v2, v1  }
0x10c: {  	v1 =	vadd.s32 $0x7FFF, v1  }
0x10d: {  	s23 =	sand.u32 $0x7F00, s23;
	s21 =	sand.u32 $0x40, s20;
	v0 =	vshrl.u32 v0, $0x10;
	v1 =	vand.u32 $0xFFFF0000, v1  }
0x10e: {  	s21 =	sor.u32 s21, s23;
	v0 =	vor.u32 v0, v1  }
0x10f: {  	[tilespmem:s21+$0x10000] =	vst v0  }
0x110: {  	v0 =	vld [tilespmem:s19+$0xFFFFFFE0]  }
0x111: {  	v1 =	vld [tilespmem:s19+$0xFFFFFFF0];
	_ =	sdelay $0x3  }
0x112: {  	v2 =	vshrl.u32 v0, $0x10  }
0x113: {  	v2 =	vand.u32 $0x1, v2;
	v3 =	vshrl.u32 v1, $0x10  }
0x114: {  	v0 =	vadd.s32 v2, v0;
	v2 =	vand.u32 $0x1, v3  }
0x115: {  	v0 =	vadd.s32 $0x7FFF, v0;
	v1 =	vadd.s32 v2, v1  }
0x116: {  	v0 =	vshrl.u32 v0, $0x10;
	v1 =	vadd.s32 $0x7FFF, v1  }
0x117: {  	v1 =	vand.u32 $0xFFFF0000, v1  }
0x118: {  	v0 =	vor.u32 v0, v1  }
0x119: {  	[tilespmem:s21+$0x10010] =	vst v0  }
0x11a: {  	v0 =	vld [tilespmem:s19+$0x0]  }
0x11b: {  	v1 =	vld [tilespmem:s19+$0x10];
	_ =	sdelay $0x3  }
0x11c: {  	v2 =	vshrl.u32 v0, $0x10  }
0x11d: {  	v2 =	vand.u32 $0x1, v2;
	v3 =	vshrl.u32 v1, $0x10  }
0x11e: {  	v0 =	vadd.s32 v2, v0;
	v2 =	vand.u32 $0x1, v3  }
0x11f: {  	v0 =	vadd.s32 $0x7FFF, v0;
	v1 =	vadd.s32 v2, v1  }
0x120: {  	v0 =	vshrl.u32 v0, $0x10;
	v1 =	vadd.s32 $0x7FFF, v1  }
0x121: {  	v1 =	vand.u32 $0xFFFF0000, v1  }
0x122: {  	v0 =	vor.u32 v0, v1  }
0x123: {  	[tilespmem:s21+$0x10020] =	vst v0  }
0x124: {  	v0 =	vld [tilespmem:s19+$0x20]  }
0x125: {  	v1 =	vld [tilespmem:s19+$0x30];
	_ =	sdelay $0x2  }
.Ltmp8:
0x126: {  	(pc) =	sbr.rel @p2 .LBB2_13-.Ltmp8, $4  }
0x127: {  	v2 =	vshrl.u32 v0, $0x10  }
0x128: {  	v2 =	vand.u32 $0x1, v2;
	v3 =	vshrl.u32 v1, $0x10  }
0x129: {  	v0 =	vadd.s32 v2, v0;
	v2 =	vand.u32 $0x1, v3  }
0x12a: {  	v0 =	vadd.s32 $0x7FFF, v0;
	v1 =	vadd.s32 v2, v1  }
0x12b: {  	v1 =	vadd.s32 $0x7FFF, v1  }
0x12c: {  	v0 =	vshrl.u32 v0, $0x10;
	v1 =	vand.u32 $0xFFFF0000, v1  }
0x12d: {  	s19 =	simm.s32 $0x10000;
	v0 =	vor.u32 v0, v1  }
0x12e: {  	s20 =	simm.s32 $0x10;
	s22 =	sadd.s32 $0x0, s8;
	[tilespmem:s21+$0x10030] =	vst v0;
	s21 =	simm.s32 $0x10100  }
.LBB2_15:
0x12f: {  	[hbm4b:s22+s3] =	stream.linear.scatter [tilespmem:s19], [sflag:$0x3], $0x80, $0x38;
	[tilespmem:$0x18000] =	vst v63  }
0x130: {  	s22 =	smov.u32 s20;
	s19 =	smov.u32 s21;
	p2 =	seq.s32 s20, $0x7F0  }
.Ltmp9:
0x131: {  	s20 =	sadd.s32 $0x10, s20;
	(pc) =	sbr.rel @!p2 .LBB2_15-.Ltmp9, $2  }
0x132: {  	_ =	sdelay $0x2  }
0x133: {  	s21 =	sadd.s32 $0x100, s21;
	s22 =	sadd.s32 s22, s8  }
0x134: {  	[hbm4b:s22+s3] =	stream.linear.scatter [tilespmem:s19], [sflag:$0x3], $0x80, $0x38;
	[tilespmem:$0x18000] =	vst v63  }
0x135: {  	_ =	swait.ge [sflag:s16], $0x4000  }
.Ltmp10:
0x136: {  	[sflag:s16] =	ssyncset.done $0x0;
	(pc) =	sbr.rel @p1 .LBB2_22-.Ltmp10, $4  }
0x137: {  	[sflag:s16] =	ssyncadd.s32 $0xFFFFC000  }
0x138: {  	_ =	swait.ge [sflag:s15], $0x4000  }
0x139: {  	[sflag:s15] =	ssyncset.done $0x0  }
0x13a: {  	[sflag:s15] =	ssyncadd.s32 $0xFFFFC000  }
0x13b: {  	s19 =	simm.s32 $0x0  }
0x13c: {  	[tilespmem:s19], [sflag:$0x5] =	stream.linear.gather [hbm4b:s9+s19], $0x4100, $0x38;
	[tilespmem:$0x18000] =	vst v63  }
0x13d: {  	_ =	swait.ge [sflag:s17], $0x4100  }
0x13e: {  	[sflag:s17] =	ssyncset.done $0x0  }
0x13f: {  	s20 =	simm.s32 $0x40;
	[sflag:s17] =	ssyncadd.s32 $0xFFFFBF00  }
0x140: {  	v0 =	vld [tilespmem:s20+$0xFFFFFFC0]  }
0x141: {  	v1 =	vld [tilespmem:s20+$0xFFFFFFD0];
	_ =	sdelay $0x4  }
0x142: {  	v2 =	vshrl.u32 v0, $0x10;
	v3 =	vshrl.u32 v1, $0x10  }
0x143: {  	v2 =	vand.u32 $0x1, v2;
	v3 =	vand.u32 $0x1, v3  }
0x144: {  	v0 =	vadd.s32 v2, v0;
	v1 =	vadd.s32 v3, v1  }
0x145: {  	v0 =	vadd.s32 $0x7FFF, v0;
	v1 =	vadd.s32 $0x7FFF, v1  }
0x146: {  	s21 =	sand.u32 $0x40, s19;
	s22 =	sand.u32 $0x7F00, s19;
	v0 =	vshrl.u32 v0, $0x10;
	v1 =	vand.u32 $0xFFFF0000, v1  }
0x147: {  	s21 =	sor.u32 s21, s22;
	v0 =	vor.u32 v0, v1  }
0x148: {  	[tilespmem:s21+$0x10000] =	vst v0  }
0x149: {  	v0 =	vld [tilespmem:s20+$0xFFFFFFE0]  }
0x14a: {  	v1 =	vld [tilespmem:s20+$0xFFFFFFF0];
	_ =	sdelay $0x4  }
0x14b: {  	v2 =	vshrl.u32 v0, $0x10;
	v3 =	vshrl.u32 v1, $0x10  }
0x14c: {  	v2 =	vand.u32 $0x1, v2;
	v3 =	vand.u32 $0x1, v3  }
0x14d: {  	v0 =	vadd.s32 v2, v0;
	v1 =	vadd.s32 v3, v1  }
0x14e: {  	v0 =	vadd.s32 $0x7FFF, v0;
	v1 =	vadd.s32 $0x7FFF, v1  }
0x14f: {  	v0 =	vshrl.u32 v0, $0x10;
	v1 =	vand.u32 $0xFFFF0000, v1  }
0x150: {  	v0 =	vor.u32 v0, v1  }
0x151: {  	[tilespmem:s21+$0x10010] =	vst v0  }
0x152: {  	v0 =	vld [tilespmem:s20+$0x0]  }
0x153: {  	v1 =	vld [tilespmem:s20+$0x10];
	_ =	sdelay $0x4  }
0x154: {  	v2 =	vshrl.u32 v0, $0x10;
	v3 =	vshrl.u32 v1, $0x10  }
0x155: {  	v2 =	vand.u32 $0x1, v2;
	v3 =	vand.u32 $0x1, v3  }
0x156: {  	v0 =	vadd.s32 v2, v0;
	v1 =	vadd.s32 v3, v1  }
0x157: {  	v0 =	vadd.s32 $0x7FFF, v0;
	v1 =	vadd.s32 $0x7FFF, v1  }
0x158: {  	v0 =	vshrl.u32 v0, $0x10;
	v1 =	vand.u32 $0xFFFF0000, v1  }
0x159: {  	v0 =	vor.u32 v0, v1  }
0x15a: {  	[tilespmem:s21+$0x10020] =	vst v0  }
0x15b: {  	v0 =	vld [tilespmem:s20+$0x20]  }
0x15c: {  	v1 =	vld [tilespmem:s20+$0x30];
	_ =	sdelay $0x3  }
0x15d: {  	v2 =	vshrl.u32 v0, $0x10  }
0x15e: {  	v3 =	vshrl.u32 v1, $0x10;
	v2 =	vand.u32 $0x1, v2  }
0x15f: {  	v0 =	vadd.s32 v2, v0;
	v2 =	vand.u32 $0x1, v3  }
0x160: {  	s22 =	simm.s32 $0x80;
	v0 =	vadd.s32 $0x7FFF, v0;
	v1 =	vadd.s32 v2, v1  }
.LBB2_18:
0x161: {  	p2 =	sne.s32 s22, $0x4080;
	v0 =	vshrl.u32 v0, $0x10;
	v1 =	vadd.s32 $0x7FFF, v1;
	s19 =	sadd.s32 $0x40, s19;
	s20 =	sadd.s32 $0x80, s20  }
0x162: {  	s23 =	smov.u32 s22;
	s22 =	sadd.s32 $0x80, s22;
	v1 =	vand.u32 $0xFFFF0000, v1  }
0x163: {  	v0 =	vor.u32 v0, v1  }
0x164: {  	[tilespmem:s21+$0x10030] =	vst v0  }
0x165: {  	v0 =	vld [tilespmem:s20+$0xFFFFFFC0]  }
0x166: {  	v1 =	vld [tilespmem:s20+$0xFFFFFFD0];
	_ =	sdelay $0x3  }
0x167: {  	v2 =	vshrl.u32 v0, $0x10  }
0x168: {  	v2 =	vand.u32 $0x1, v2;
	v3 =	vshrl.u32 v1, $0x10  }
0x169: {  	v0 =	vadd.s32 v2, v0;
	v2 =	vand.u32 $0x1, v3  }
0x16a: {  	v0 =	vadd.s32 $0x7FFF, v0;
	v1 =	vadd.s32 v2, v1  }
0x16b: {  	v1 =	vadd.s32 $0x7FFF, v1  }
0x16c: {  	s23 =	sand.u32 $0x7F00, s23;
	s21 =	sand.u32 $0x40, s19;
	v0 =	vshrl.u32 v0, $0x10;
	v1 =	vand.u32 $0xFFFF0000, v1  }
0x16d: {  	s21 =	sor.u32 s21, s23;
	v0 =	vor.u32 v0, v1  }
0x16e: {  	[tilespmem:s21+$0x10000] =	vst v0  }
0x16f: {  	v0 =	vld [tilespmem:s20+$0xFFFFFFE0]  }
0x170: {  	v1 =	vld [tilespmem:s20+$0xFFFFFFF0];
	_ =	sdelay $0x3  }
0x171: {  	v2 =	vshrl.u32 v0, $0x10  }
0x172: {  	v2 =	vand.u32 $0x1, v2;
	v3 =	vshrl.u32 v1, $0x10  }
0x173: {  	v0 =	vadd.s32 v2, v0;
	v2 =	vand.u32 $0x1, v3  }
0x174: {  	v0 =	vadd.s32 $0x7FFF, v0;
	v1 =	vadd.s32 v2, v1  }
0x175: {  	v0 =	vshrl.u32 v0, $0x10;
	v1 =	vadd.s32 $0x7FFF, v1  }
0x176: {  	v1 =	vand.u32 $0xFFFF0000, v1  }
0x177: {  	v0 =	vor.u32 v0, v1  }
0x178: {  	[tilespmem:s21+$0x10010] =	vst v0  }
0x179: {  	v0 =	vld [tilespmem:s20+$0x0]  }
0x17a: {  	v1 =	vld [tilespmem:s20+$0x10];
	_ =	sdelay $0x3  }
0x17b: {  	v2 =	vshrl.u32 v0, $0x10  }
0x17c: {  	v2 =	vand.u32 $0x1, v2;
	v3 =	vshrl.u32 v1, $0x10  }
0x17d: {  	v0 =	vadd.s32 v2, v0;
	v2 =	vand.u32 $0x1, v3  }
0x17e: {  	v0 =	vadd.s32 $0x7FFF, v0;
	v1 =	vadd.s32 v2, v1  }
0x17f: {  	v0 =	vshrl.u32 v0, $0x10;
	v1 =	vadd.s32 $0x7FFF, v1  }
0x180: {  	v1 =	vand.u32 $0xFFFF0000, v1  }
0x181: {  	v0 =	vor.u32 v0, v1  }
0x182: {  	[tilespmem:s21+$0x10020] =	vst v0  }
0x183: {  	v0 =	vld [tilespmem:s20+$0x20]  }
0x184: {  	v1 =	vld [tilespmem:s20+$0x30];
	_ =	sdelay $0x2  }
.Ltmp11:
0x185: {  	(pc) =	sbr.rel @p2 .LBB2_18-.Ltmp11, $4  }
0x186: {  	v2 =	vshrl.u32 v0, $0x10  }
0x187: {  	v2 =	vand.u32 $0x1, v2;
	v3 =	vshrl.u32 v1, $0x10  }
0x188: {  	v0 =	vadd.s32 v2, v0;
	v2 =	vand.u32 $0x1, v3  }
0x189: {  	v0 =	vadd.s32 $0x7FFF, v0;
	v1 =	vadd.s32 v2, v1  }
0x18a: {  	v1 =	vadd.s32 $0x7FFF, v1  }
0x18b: {  	v0 =	vshrl.u32 v0, $0x10;
	v1 =	vand.u32 $0xFFFF0000, v1  }
0x18c: {  	s19 =	simm.s32 $0x10000;
	v0 =	vor.u32 v0, v1  }
0x18d: {  	s20 =	simm.s32 $0x10;
	s22 =	sadd.s32 $0x0, s10;
	[tilespmem:s21+$0x10030] =	vst v0;
	s21 =	simm.s32 $0x10100  }
.LBB2_20:
0x18e: {  	[hbm4b:s22+s3] =	stream.linear.scatter [tilespmem:s19], [sflag:$0x5], $0x80, $0x38;
	[tilespmem:$0x18000] =	vst v63  }
0x18f: {  	s22 =	smov.u32 s20;
	s19 =	smov.u32 s21;
	p2 =	sne.s32 s20, $0x400  }
.Ltmp12:
0x190: {  	s20 =	sadd.s32 $0x10, s20;
	(pc) =	sbr.rel @p2 .LBB2_20-.Ltmp12, $2  }
0x191: {  	_ =	sdelay $0x2  }
0x192: {  	s21 =	sadd.s32 $0x100, s21;
	s22 =	sadd.s32 s22, s10  }
.Ltmp13:
0x193: {  	(pc) =	sbr.rel .LBB2_22-.Ltmp13, $4  }
0x194: {  	[hbm4b:s22+s3] =	stream.linear.scatter [tilespmem:s19], [sflag:$0x5], $0x80, $0x38;
	[tilespmem:$0x18000] =	vst v63  }
0x195: {  	_ =	swait.ge [sflag:s17], $0x2080  }
0x196: {  	[sflag:s17] =	ssyncset.done $0x0  }
0x197: {  	[sflag:s17] =	ssyncadd.s32 $0xFFFFDF80  }
.LBB2_23:
0x198: {  	_ =	sfence.sel $0x180000  }
0x199: {  	[bflag:$0x0] =	sbarrier.arrive $0xFFFF  }
0x19a: {  	p0 =	sne.s32 s2, $0x0;
	_ =	strace $0x90000047  }
0x19b: {  	s0 =	sadd.s32 @!p0 $0x100000, s0;
	[bflag:$0x2] =	sbarrier.arrive $0xFFFF  }
0x19c: {  	[sflag:s0] =	ssyncadd.tile.s32 @!p0 $0x1;
	_ =	shalt  }
.Lfunc_end2:
_tile_overlayer_lowered:
.L_overlay_start_2:
0x19d: {  	(tag) =	ssettag $0x2  }
0x19e: {  	s0 =	rddreg [dreg:$0x0];
	s2 =	stileid.u32  }
0x19f: {  	s1 =	rddreg [dreg:$0x1];
	p0 =	sne.s32 s2, $0x0  }
0x1a0: {  	s3 =	rddreg [dreg:$0x2];
	[bflag:$0x3] =	sbarrier.arrive $0xFFFF;
	s2 =	simm.s32 @!p0 $0x1C05  }
0x1a1: {  	[timem:s3], [sflag:s2] =	dma.local @!p0 [hbm:s0], s1  }
0x1a2: {  	s0 =	simm.s32 @!p0 $0x5  }
0x1a3: {  	_ =	swait.ge @!p0 [sflag:s0], s1  }
0x1a4: {  	s1 =	ssub.s32 @!p0 $0x0, s1;
	[sflag:s0] =	ssyncset.done @!p0 $0x0  }
0x1a5: {  	[sflag:s0] =	ssyncadd.s32 @!p0 s1  }
0x1a6: {  	[bflag:$0x3] =	sbarrier.arrive $0xFFFF  }
0x1a7: {  	_ =	shalt  }

// kernel: kernel.8.cloned.1.call-start
scs
__scs_entry_jumppad:
0x0: {  	(pc) =	sbr.rel $0x88, $3  }
0x1: {  	(tag) =	ssettag $0x0;
	lr =	simm.s32 $0x1  }
0x2: {  	[smem:$0x3F97] =	sst lr;
	_ =	strace $0xD0000000  }
0x3: {  	_ = 	snop  }
0x4: {  	_ = 	snop  }
0x5: {  	_ = 	snop  }
0x6: {  	_ = 	snop  }
0x7: {  	_ = 	snop  }
__scs_overlays_trampoline_lowered:
0x8: {  	[smem:$0x3FA6] =	sst s0  }
0x9: {  	[smem:$0x3FA7] =	sst s1  }
0xa: {  	[smem:$0x3FA8] =	sst s2  }
0xb: {  	[smem:$0x3FA9] =	sst s3  }
0xc: {  	[smem:$0x3FAA] =	sst s4  }
0xd: {  	[smem:$0x3FAB] =	sst s5  }
0xe: {  	[smem:$0x3FAC] =	sst s6  }
0xf: {  	[smem:$0x3FAD] =	sst s7  }
0x10: {  	[smem:$0x3FAE] =	sst s8  }
0x11: {  	[smem:$0x3FAF] =	sst s9;
	s0 =	simm.s32 @!p0 $0x0  }
0x12: {  	s1 =	sld [smem:$0x3F95];
	s0 =	simm.s32 @p0 $0x1  }
0x13: {  	[smem:$0x3FB0] =	sst s0;
	s0 =	simm.s32 @!p1 $0x0  }
0x14: {  	s2 =	sld [smem:$0x3F94];
	s0 =	simm.s32 @p1 $0x1  }
0x15: {  	[smem:$0x3FB1] =	sst s0;
	s0 =	simm.s32 @!p2 $0x0  }
0x16: {  	s3 =	sld [smem:$0x3FDB];
	s0 =	simm.s32 @p2 $0x1  }
0x17: {  	s4 =	simm.s32 $0x1BF5;
	[smem:$0x3FB3] =	sst s0  }
0x18: {  	s0 =	sld [smem:$0x3F96];
	_ =	swait.ge [sflag:s4], $0x0  }
0x19: {  	s7 =	sld [smem:$0x3F97]  }
0x1a: {  	s8 =	sadd.s32 $0xFFFFE003, lr  }
0x1b: {  	s9 =	sadd.s32 $0xFFFFFEF7, lr;
	s5 =	simm.s32 $0xFFFFFFFF;
	p2 =	slt.u32 s8, $0xFFFFF086  }
0x1c: {  	p1 =	slt.u32 s9, $0xF7A;
	s5 =	simm.s32 @!p2 $0x0  }
0x1d: {  	s5 =	simm.s32 @p1 $0x1;
	p0 =	seq.s32 s7, s2  }
0x1e: {  	s7 =	smul.u32 @!p0 $0xF7A, s2;
	p2 =	seq.s32 @!p0 s5, $0x0  }
0x1f: {  	s9 =	smul.u32 $0xF7A, s1;
	s8 =	simm.s32 @!p0 $0x1BF5;
	p2 =	por !p2, p0  }
0x20: {  	[sflag:s8] =	ssyncset.s32 @!p0 $0xFFFFF086;
	s6 =	sadd.s32 @!p0 s3, s7;
	s7 =	simm.s32 @!p0 $0x108  }
0x21: {  	s3 =	sadd.s32 s3, s9;
	s6 =	sadd.s32 @!p0 $0x88, s6;
	s7 =	simm.s32 @p2 $0x1082  }
0x22: {  	[simem:s7], [sflag:s8] =	dma.local @!p0 [hbm:s6], $0xF7A  }
0x23: {  	s9 =	sor.u32 $0xD0000000, s2;
	s6 =	simm.s32 $0x108;
	_ =	swait.ge @!p0 [sflag:s8], $0x0  }
0x24: {  	s3 =	sadd.s32 $0x88, s3;
	s6 =	simm.s32 @!p1 $0x1082;
	[sflag:s4] =	ssyncset.s32 $0xFFFFF086  }
0x25: {  	[simem:s6], [sflag:s4] =	dma.local [hbm:s3], $0xF7A  }
0x26: {  	[smem:$0x3F97] =	sst s1;
	(tag) =	ssettag s2;
	_ =	strace s9  }
0x27: {  	s1 =	sld [smem:$0x3FA7]  }
0x28: {  	s2 =	sld [smem:$0x3FA8]  }
0x29: {  	s4 =	sld [smem:$0x3FAA]  }
0x2a: {  	p0 =	seq.s32 s5, $0x0;
	s5 =	sld [smem:$0x3FAB]  }
0x2b: {  	s6 =	sld [smem:$0x3FAC]  }
0x2c: {  	s7 =	sld [smem:$0x3FAD]  }
0x2d: {  	s3 =	simm.s32 $0x108;
	s8 =	sld [smem:$0x3FAE]  }
0x2e: {  	s3 =	simm.s32 @!p0 $0x1082;
	s9 =	sld [smem:$0x3FAF]  }
0x2f: {  	lr =	sadd.s32 s0, s3;
	s0 =	sld [smem:$0x3FA6]  }
0x30: {  	s3 =	sld [smem:$0x3FA9]  }
0x31: {  	[smem:$0x3FB2] =	sst s10  }
0x32: {  	s10 =	sld [smem:$0x3FB0];
	_ =	sdelay $0x3  }
0x33: {  	p0 =	seq.s32 s10, $0x1;
	s10 =	sld [smem:$0x3FB2];
	_ =	sdelay $0x3  }
0x34: {  	[smem:$0x3FB2] =	sst s10  }
0x35: {  	s10 =	sld [smem:$0x3FB1];
	_ =	sdelay $0x3  }
0x36: {  	p1 =	seq.s32 s10, $0x1;
	s10 =	sld [smem:$0x3FB2];
	_ =	sdelay $0x3  }
0x37: {  	[smem:$0x3FB2] =	sst s10  }
0x38: {  	s10 =	sld [smem:$0x3FB3]  }
0x39: {  	_ = 	snop;
	(pc) =	sbr.ind lr, $3  }
0x3a: {  	_ = 	snop  }
0x3b: {  	_ = 	snop  }
0x3c: {  	p2 =	seq.s32 s10, $0x1;
	s10 =	sld [smem:$0x3FB2]  }
0x3d: {  	_ =	shalt  }
0x3e: {  	_ =	shalt  }
0x3f: {  	_ =	shalt  }
0x40: {  	_ =	shalt  }
0x41: {  	_ =	shalt  }
0x42: {  	_ =	shalt  }
0x43: {  	_ =	shalt  }
0x44: {  	_ =	shalt  }
0x45: {  	_ =	shalt  }
0x46: {  	_ =	shalt  }
0x47: {  	_ =	shalt  }
0x48: {  	_ =	shalt  }
0x49: {  	_ =	shalt  }
0x4a: {  	_ =	shalt  }
0x4b: {  	_ =	shalt  }
0x4c: {  	_ =	shalt  }
0x4d: {  	_ =	shalt  }
0x4e: {  	_ =	shalt  }
0x4f: {  	_ =	shalt  }
0x50: {  	_ =	shalt  }
0x51: {  	_ =	shalt  }
0x52: {  	_ =	shalt  }
0x53: {  	_ =	shalt  }
0x54: {  	_ =	shalt  }
0x55: {  	_ =	shalt  }
0x56: {  	_ =	shalt  }
0x57: {  	_ =	shalt  }
0x58: {  	_ =	shalt  }
0x59: {  	_ =	shalt  }
0x5a: {  	_ =	shalt  }
0x5b: {  	_ =	shalt  }
0x5c: {  	_ =	shalt  }
0x5d: {  	_ =	shalt  }
0x5e: {  	_ =	shalt  }
0x5f: {  	_ =	shalt  }
0x60: {  	_ =	shalt  }
0x61: {  	_ =	shalt  }
0x62: {  	_ =	shalt  }
0x63: {  	_ =	shalt  }
0x64: {  	_ =	shalt  }
0x65: {  	_ =	shalt  }
0x66: {  	_ =	shalt  }
0x67: {  	_ =	shalt  }
0x68: {  	_ =	shalt  }
0x69: {  	_ =	shalt  }
0x6a: {  	_ =	shalt  }
0x6b: {  	_ =	shalt  }
0x6c: {  	_ =	shalt  }
0x6d: {  	_ =	shalt  }
0x6e: {  	_ =	shalt  }
0x6f: {  	_ =	shalt  }
0x70: {  	_ =	shalt  }
0x71: {  	_ =	shalt  }
0x72: {  	_ =	shalt  }
0x73: {  	_ =	shalt  }
0x74: {  	_ =	shalt  }
0x75: {  	_ =	shalt  }
0x76: {  	_ =	shalt  }
0x77: {  	_ =	shalt  }
0x78: {  	_ =	shalt  }
0x79: {  	_ =	shalt  }
0x7a: {  	_ =	shalt  }
0x7b: {  	_ =	shalt  }
0x7c: {  	_ =	shalt  }
0x7d: {  	_ =	shalt  }
0x7e: {  	_ =	shalt  }
0x7f: {  	_ =	shalt  }
0x80: {  	_ =	shalt  }
0x81: {  	_ =	shalt  }
0x82: {  	_ =	shalt  }
0x83: {  	_ =	shalt  }
0x84: {  	_ =	shalt  }
0x85: {  	_ =	shalt  }
0x86: {  	_ =	shalt  }
0x87: {  	_ =	shalt  }
.Lfunc_end0:
.L_simem_size_0:
called_computation.1_lowered:
.L_overlay_start_0:
0x88: {  	s2 =	sld [smem:$0x3FD9]  }
0x89: {  	s3 =	sld [smem:$0x3FFE];
	_ =	sdelay $0x1  }
0x8a: {  	s1 =	srdreg.scid  }
0x8b: {  	s0 =	sand.u32 $0x1, s1  }
0x8c: {  	s14 =	sshll.u32 s0, $0xA;
	s2 =	sadd.s32 s3, s2  }
0x8d: {  	s2 =	sadd.s32 s2, s14  }
0x8e: {  	[smem:$0x3FBE] =	sst s2  }
0x8f: {  	_ = 	snop  }
0x90: {  	s2 =	sld [smem:$0x3FD0];
	_ =	sdelay $0x2  }
0x91: {  	s15 =	simm.s32 $0xA;
	s4 =	simm.s32 $0x10  }
0x92: {  	[smem:s4], [sflag:s15] =	dma.local [hbm:s2], $0x1  }
0x93: {  	_ =	swait.eq [sflag:s15], $0x1  }
0x94: {  	[sflag:s15] =	ssyncset.done $0x0  }
0x95: {  	[sflag:s15] =	ssyncadd.s32 $0xFFFFFFFF  }
0x96: {  	s16 =	sld [smem:$0x10];
	(tm) =	ssettm $0x1  }
0x97: {  	s17 =	sld [smem:$0x3FFB];
	_ =	sdelay $0x3  }
0x98: {  	_ =	strace s17  }
0x99: {  	s3 =	sld [smem:$0x3FFC];
	_ =	sdelay $0x3  }
0x9a: {  	_ =	strace s3  }
0x9b: {  	s3 =	sld [smem:$0x3FFD];
	_ =	sdelay $0x3  }
0x9c: {  	_ =	strace s3  }
0x9d: {  	_ =	strace $0x8FFFFFFF  }
0x9e: {  	s18 =	sld [smem:$0x3FDB];
	_ =	sdelay $0x1  }
0x9f: {  	s19 =	simm.s32 $_scs_section_size  }
0xa0: {  	s5 =	simm.s32 $_size__tile_overlayer_lowered;
	s6 =	simm.s32 $_tile_overlayer_lowered  }
0xa1: {  	s22 =	simm.s32 $0x1BFF;
	s21 =	sshll.u32 s6, $0x1;
	s3 =	sadd.s32 s19, s18  }
0xa2: {  	s7 =	simm.s32 $0x0;
	s20 =	sshll.u32 s5, $0x1;
	s5 =	sadd.s32 s21, s3  }
0xa3: {  	[timem:s7], [sflag:s22] =	dma.local [hbm:s5], s20  }
0xa4: {  	_ =	swait.ge [sflag:s22], s20  }
0xa5: {  	s4 =	ssub.s32 $0x0, s20;
	[sflag:s22] =	ssyncset.done $0x0  }
0xa6: {  	[sflag:s22] =	ssyncadd.s32 s4;
	_ =	sdelay $0x1  }
0xa7: {  	s23 =	simm.s32 $0x1B8B  }
0xa8: {  	_ =	swait.ge [sflag:s23], $0x1  }
0xa9: {  	[sflag:s23] =	ssyncset.done $0x0  }
0xaa: {  	s25 =	simm.s32 $0x1B8E;
	s24 =	sld [smem:$0x3FFE];
	[sflag:s23] =	ssyncadd.s32 $0xFFFFFFFF  }
0xab: {  	s26 =	simm.s32 $execute0_lowered;
	[smem:$0x3FD2] =	sst s25  }
0xac: {  	s5 =	sshll.u32 s26, $0x1;
	_ =	strace $0x80000049;
	[dreg:$0x1] =	wrdreg $0xFFFFFFFF  }
0xad: {  	s28 =	simm.s32 $_size_execute0_lowered;
	s3 =	sadd.s32 s3, s5;
	[dreg:$0x0] =	wrdreg $0x0  }
0xae: {  	s5 =	sshll.u32 s28, $0x1;
	[dreg:$0x2] =	wrdreg s3  }
0xaf: {  	[dreg:$0x3] =	wrdreg s5  }
0xb0: {  	[dreg:$0x4] =	wrdreg $0xC0  }
0xb1: {  	_ =	task [dreg:s7], $0x5FFFF  }
0xb2: {  	[dreg:$0x1] =	wrdreg $0xFFFFFFFF  }
0xb3: {  	[dreg:$0x0] =	wrdreg $0x60  }
0xb4: {  	[dreg:$0x2] =	wrdreg s16  }
0xb5: {  	[dreg:$0x3] =	wrdreg s24  }
0xb6: {  	[dreg:$0x4] =	wrdreg $0x9  }
0xb7: {  	_ =	task.clear_ibuf [dreg:s7], $0x5FFFF;
	_ =	strace $0x90000049  }
0xb8: {  	s29 =	simm.s32 $0x9;
	_ =	strace $0x8000004B  }
0xb9: {  	_ =	swait.ge [sflag:s29], $0x1  }
0xba: {  	[sflag:s29] =	ssyncadd.s32 $0xFFFFFFFF  }
0xbb: {  	_ =	strace $0x9000004B  }
0xbc: {  	_ =	sfence  }
0xbd: {  	s30 =	sld [smem:$0x0];
	_ =	sdelay $0x2  }
0xbe: {  	s31 =	sshll.u32 s1, $0xD;
	s1 =	sshrl.u32 s1, $0x2  }
0xbf: {  	s3 =	sand.u32 $0x4000, s31;
	s1 =	sadd.s32 s1, s30  }
0xc0: {  	s0 =	sor.u32 s3, s0;
	s1 =	sshll.u32 s1, $0x11  }
0xc1: {  	s0 =	sor.u32 s1, s0  }
0xc2: {  	s0 =	sadd.s32 $0x8F2B, s0  }
0xc3: {  	[sflag:s0] =	ssyncadd.remote.s32 $0x1  }
0xc4: {  	_ =	sfence.sel $0xFFFF  }
0xc5: {  	[dreg:$0x0] =	wrdreg $0xFFFFFFFF;
	(pc) =	sbr.abs _section_cstart, $3  }
0xc6: {  	[dreg:$0x1] =	wrdreg $0xFFFFFFFF  }
0xc7: {  	_ =	task.clear_ibuf [dreg:s7], $0x2FFFF;
	_ =	strace $0x9FFFFFFF  }
0xc8: {  	(tm) =	ssettm $0x7FFFFFFF  }
0xc9: {  	_ =	shalt  }
tec
execute0_lowered:
.L_overlay_start_1:
0x0: {  	(tag) =	ssettag $0x1  }
0x1: {  	s2 =	rddreg [dreg:$0x0]  }
0x2: {  	s0 =	rddreg [dreg:$0x1]  }
0x3: {  	s1 =	srdreg.scid;
	s4 =	stileid.u32;
	s3 =	simm.s32 $0x0  }
0x4: {  	s10 =	simm.s32 $0x9;
	s11 =	simm.s32 $0x64;
	s12 =	simm.s32 $0x4400  }
0x5: {  	s14 =	simm.s32 $0x5D00;
	s22 =	simm.s32 $0x618;
	s23 =	simm.s32 $0x1BB00  }
0x6: {  	s24 =	simm.s32 $0x1;
	s25 =	simm.s32 $0xA;
	s28 =	simm.s32 $0x3  }
0x7: {  	s29 =	simm.s32 $0x4;
	s30 =	simm.s32 $0x5;
	s31 =	simm.s32 $0x6  }
0x8: {  	s13 =	simm.s32 $0x0;
	s1 =	sand.u32 $0x1, s1;
	s4 =	sshll.u32 s4, $0x1  }
0x9: {  	[smem:$0x7FF] =	sst s3;
	s5 =	sadd.s32 $0xC7A00, s0;
	s6 =	ssub.s32 $0x2, s1  }
.Ltmp0:
0xa: {  	s1 =	sor.u32 s1, s4;
	_ =	strace $0x8000004A;
	(pc) =	sbr.rel .LBB2_1-.Ltmp0, $4  }
0xb: {  	s4 =	sadd.s32 $0x1C00, s0;
	s7 =	sshrl.u32 s6, $0x1;
	s8 =	smul.u32 $0x3400, s1  }
0xc: {  	s26 =	ssub.s32 s6, s7;
	s6 =	sshll.u32 s1, $0x4;
	s1 =	sshll.u32 s1, $0x10  }
0xd: {  	s0 =	simm.s32 $0x7;
	s7 =	sadd.s32 s2, s8;
	s8 =	sadd.s32 $0xFFFFF080, s1  }
0xe: {  	s9 =	smax.u32 s26, $0x1;
	s26 =	simm.s32 $0x2;
	s1 =	simm.s32 $0x8  }
.LBB2_23:
0xf: {  	s13 =	sadd.s32 $0x1, s13  }
0x10: {  	p0 =	sne.s32 s13, s9  }
.Ltmp1:
0x11: {  	_ = 	snop;
	(pc) =	sbr.rel @!p0 .LBB2_24-.Ltmp1, $1  }
0x12: {  	_ =	sdelay $0x3  }
.LBB2_1:
0x13: {  	[tilespmem:s3], [sflag:$0x9] =	stream.linear.gather [hbm4b:s7+s3], $0x1A00, $0x38;
	[tilespmem:$0x1D400] =	vst v63  }
0x14: {  	_ =	swait.ge [sflag:s10], $0x1A00  }
0x15: {  	[sflag:s10] =	ssyncset.done $0x0  }
0x16: {  	[sflag:s10] =	ssyncadd.s32 $0xFFFFE600  }
0x17: {  	[tilespmem:s12], [sflag:$0x1] =	stream.indirect.gather [hbm4b:s4+s11], $0x40, s3, s11, $0xb8;
	[tilespmem:$0x1D400] =	vst v63  }
0x18: {  	s15 =	simm.s32 $0x68  }
0x19: {  	[tilespmem:s14], [sflag:$0x1] =	stream.indirect.gather [hbm4b:s4+s11], $0x40, s15, s11, $0xb8;
	[tilespmem:$0x1D400] =	vst v63  }
0x1a: {  	s21 =	simm.s32 $0xD0;
	s16 =	simm.s32 $0x7600  }
0x1b: {  	[tilespmem:s16], [sflag:$0x2] =	stream.indirect.gather [hbm4b:s4+s11], $0x40, s21, s11, $0xb8;
	[tilespmem:$0x1D400] =	vst v63  }
0x1c: {  	s17 =	simm.s32 $0x8F00;
	s16 =	simm.s32 $0x138  }
0x1d: {  	[tilespmem:s17], [sflag:$0x2] =	stream.indirect.gather [hbm4b:s4+s11], $0x40, s16, s11, $0xb8;
	[tilespmem:$0x1D400] =	vst v63  }
0x1e: {  	s18 =	simm.s32 $0x1A0;
	s19 =	simm.s32 $0xA800  }
0x1f: {  	[tilespmem:s19], [sflag:$0x3] =	stream.indirect.gather [hbm4b:s4+s11], $0x40, s18, s11, $0xb8;
	[tilespmem:$0x1D400] =	vst v63  }
0x20: {  	s20 =	simm.s32 $0x208;
	s21 =	simm.s32 $0xC100  }
0x21: {  	[tilespmem:s21], [sflag:$0x3] =	stream.indirect.gather [hbm4b:s4+s11], $0x40, s20, s11, $0xb8;
	[tilespmem:$0x1D400] =	vst v63  }
0x22: {  	s16 =	simm.s32 $0x270;
	s17 =	simm.s32 $0xDA00  }
0x23: {  	[tilespmem:s17], [sflag:$0x4] =	stream.indirect.gather [hbm4b:s4+s11], $0x40, s16, s11, $0xb8;
	[tilespmem:$0x1D400] =	vst v63  }
0x24: {  	s18 =	simm.s32 $0x2D8;
	s19 =	simm.s32 $0xF300  }
0x25: {  	[tilespmem:s19], [sflag:$0x4] =	stream.indirect.gather [hbm4b:s4+s11], $0x40, s18, s11, $0xb8;
	[tilespmem:$0x1D400] =	vst v63  }
0x26: {  	s20 =	simm.s32 $0x340;
	s21 =	simm.s32 $0x10C00  }
0x27: {  	[tilespmem:s21], [sflag:$0x5] =	stream.indirect.gather [hbm4b:s4+s11], $0x40, s20, s11, $0xb8;
	[tilespmem:$0x1D400] =	vst v63  }
0x28: {  	s16 =	simm.s32 $0x3A8;
	s17 =	simm.s32 $0x12500  }
0x29: {  	[tilespmem:s17], [sflag:$0x5] =	stream.indirect.gather [hbm4b:s4+s11], $0x40, s16, s11, $0xb8;
	[tilespmem:$0x1D400] =	vst v63  }
0x2a: {  	s18 =	simm.s32 $0x410;
	s19 =	simm.s32 $0x13E00  }
0x2b: {  	[tilespmem:s19], [sflag:$0x6] =	stream.indirect.gather [hbm4b:s4+s11], $0x40, s18, s11, $0xb8;
	[tilespmem:$0x1D400] =	vst v63  }
0x2c: {  	s20 =	simm.s32 $0x478;
	s21 =	simm.s32 $0x15700  }
0x2d: {  	[tilespmem:s21], [sflag:$0x6] =	stream.indirect.gather [hbm4b:s4+s11], $0x40, s20, s11, $0xb8;
	[tilespmem:$0x1D400] =	vst v63  }
0x2e: {  	s16 =	simm.s32 $0x4E0;
	s17 =	simm.s32 $0x17000  }
0x2f: {  	[tilespmem:s17], [sflag:$0x7] =	stream.indirect.gather [hbm4b:s4+s11], $0x40, s16, s11, $0xb8;
	[tilespmem:$0x1D400] =	vst v63  }
0x30: {  	s18 =	simm.s32 $0x548;
	s19 =	simm.s32 $0x18900  }
0x31: {  	[tilespmem:s19], [sflag:$0x7] =	stream.indirect.gather [hbm4b:s4+s11], $0x40, s18, s11, $0xb8;
	[tilespmem:$0x1D400] =	vst v63  }
0x32: {  	s20 =	simm.s32 $0x5B0;
	s21 =	simm.s32 $0x1A200  }
0x33: {  	[tilespmem:s21], [sflag:$0x8] =	stream.indirect.gather [hbm4b:s4+s11], $0x40, s20, s11, $0xb8;
	[tilespmem:$0x1D400] =	vst v63  }
0x34: {  	s15 =	simm.s32 $0x0  }
0x35: {  	[tilespmem:s23], [sflag:$0x8] =	stream.indirect.gather [hbm4b:s4+s11], $0x40, s22, s11, $0xb8;
	[tilespmem:$0x1D400] =	vst v63  }
.LBB2_2:
0x36: {  	_ =	swait.ge [sflag:s24], $0x1900  }
0x37: {  	[sflag:s24] =	ssyncset.done $0x0  }
0x38: {  	[sflag:s24] =	ssyncadd.s32 $0xFFFFE700  }
0x39: {  	_ =	swait.ge [sflag:s24], $0x1900  }
0x3a: {  	[sflag:s24] =	ssyncset.done $0x0  }
0x3b: {  	s16 =	simm.s32 $0x70;
	[sflag:s24] =	ssyncadd.s32 $0xFFFFE700  }
0x3c: {  	v1 =	vld [tilespmem:s16+$0x4390]  }
0x3d: {  	v2 =	vld [tilespmem:s16+$0x43A0]  }
0x3e: {  	v3 =	vld [tilespmem:s16+$0x5C90]  }
0x3f: {  	v9 =	vld [tilespmem:s16+$0x5CA0];
	_ =	sdelay $0x2  }
0x40: {  	v0 =	vimm.f32 $0.0e+00;
	v6 =	vld [tilespmem:s16+$0x43D0];
	v5 =	vshll.u32 v1, $0x10  }
0x41: {  	v4 =	vld [tilespmem:s16+$0x43E0];
	v1 =	vadd.f32 v1, v0;
	v7 =	vshll.u32 v2, $0x10;
	v10 =	vadd.f32 v2, v0  }
0x42: {  	v8 =	vld [tilespmem:s16+$0x5CD0];
	v2 =	vshll.u32 v3, $0x10;
	v14 =	vshll.u32 v9, $0x10;
	v5 =	vadd.f32 v5, v0  }
0x43: {  	v11 =	vadd.f32 v7, v0;
	v7 =	vld [tilespmem:s16+$0x5CE0];
	v12 =	vadd.f32 v3, v1;
	v1 =	vimm.f32 $0.0e+00  }
0x44: {  	s17 =	simm.s32 $0x3C0;
	v3 =	vimm.f32 $0.0e+00;
	v13 =	vadd.f32 v2, v5;
	v5 =	vld [tilespmem:s16+$0x43B0];
	v2 =	vimm.f32 $0.0e+00  }
.LBB2_3:
0x45: {  	p0 =	sne.s32 s17, $0x63C0;
	v15 =	vld [tilespmem:s16+$0x43C0];
	v11 =	vadd.f32 v14, v11;
	v9 =	vadd.f32 v9, v10;
	v10 =	vshll.u32 v6, $0x10  }
0x46: {  	v14 =	vld [tilespmem:s16+$0x5CB0];
	v10 =	vadd.f32 v10, v13;
	v6 =	vadd.f32 v6, v12;
	v12 =	vshll.u32 v4, $0x10  }
0x47: {  	v13 =	vld [tilespmem:s16+$0x5CC0];
	v11 =	vadd.f32 v12, v11;
	v4 =	vadd.f32 v4, v9;
	v9 =	vshll.u32 v8, $0x10  }
0x48: {  	v12 =	vld [tilespmem:s16+$0x43F0];
	v10 =	vadd.f32 v9, v10;
	v8 =	vadd.f32 v8, v6;
	v6 =	vshll.u32 v7, $0x10  }
0x49: {  	v9 =	vshll.u32 v5, $0x10;
	v16 =	vld [tilespmem:s16+$0x4400];
	v11 =	vadd.f32 v6, v11;
	v7 =	vadd.f32 v7, v4  }
0x4a: {  	v1 =	vadd.f32 v5, v1;
	v0 =	vadd.f32 v9, v0;
	v4 =	vshll.u32 v15, $0x10;
	v5 =	vld [tilespmem:s16+$0x5CF0]  }
0x4b: {  	v2 =	vadd.f32 v15, v2;
	v3 =	vadd.f32 v4, v3;
	v4 =	vshll.u32 v14, $0x10;
	v15 =	vld [tilespmem:s16+$0x5D00];
	s16 =	sshra.s32 s17, $0x2  }
0x4c: {  	v1 =	vadd.f32 v14, v1;
	v17 =	vld [tilespmem:s16+$0x4390];
	v0 =	vadd.f32 v4, v0;
	v4 =	vshll.u32 v13, $0x10  }
0x4d: {  	v2 =	vadd.f32 v13, v2;
	v14 =	vld [tilespmem:s16+$0x43A0];
	v3 =	vadd.f32 v4, v3;
	v4 =	vshll.u32 v12, $0x10  }
0x4e: {  	v1 =	vadd.f32 v12, v1;
	v18 =	vld [tilespmem:s16+$0x5C90];
	v0 =	vadd.f32 v4, v0;
	v4 =	vshll.u32 v16, $0x10  }
0x4f: {  	v2 =	vadd.f32 v16, v2;
	v9 =	vld [tilespmem:s16+$0x5CA0];
	v3 =	vadd.f32 v4, v3;
	v4 =	vshll.u32 v5, $0x10  }
.Ltmp2:
0x50: {  	v1 =	vadd.f32 v5, v1;
	v6 =	vld [tilespmem:s16+$0x43D0];
	v0 =	vadd.f32 v4, v0;
	v5 =	vshll.u32 v15, $0x10;
	(pc) =	sbr.rel @p0 .LBB2_3-.Ltmp2, $4  }
0x51: {  	v2 =	vadd.f32 v15, v2;
	v12 =	vshll.u32 v17, $0x10;
	v4 =	vld [tilespmem:s16+$0x43E0];
	v3 =	vadd.f32 v5, v3  }
0x52: {  	v15 =	vadd.f32 v17, v8;
	v12 =	vadd.f32 v12, v10;
	v5 =	vshll.u32 v14, $0x10;
	v8 =	vld [tilespmem:s16+$0x5CD0]  }
0x53: {  	v10 =	vadd.f32 v14, v7;
	v11 =	vadd.f32 v5, v11;
	v13 =	vshll.u32 v18, $0x10;
	v7 =	vld [tilespmem:s16+$0x5CE0]  }
0x54: {  	s17 =	sadd.s32 $0x200, s17;
	v5 =	vld [tilespmem:s16+$0x43B0];
	v13 =	vadd.f32 v13, v12;
	v12 =	vadd.f32 v18, v15;
	v14 =	vshll.u32 v9, $0x10  }
0x55: {  	v15 =	vld [tilespmem:s16+$0x43C0];
	v11 =	vadd.f32 v14, v11;
	v44 =	vshll.u32 v6, $0x10;
	v9 =	vadd.f32 v9, v10  }
0x56: {  	v45 =	vld [tilespmem:s16+$0x5CB0];
	v13 =	vadd.f32 v44, v13;
	v46 =	vshll.u32 v4, $0x10;
	v47 =	vadd.f32 v6, v12  }
0x57: {  	v48 =	vld [tilespmem:s16+$0x5CC0];
	v11 =	vadd.f32 v46, v11;
	v49 =	vshll.u32 v8, $0x10;
	v50 =	vadd.f32 v4, v9  }
0x58: {  	v51 =	vld [tilespmem:s16+$0x43F0];
	v13 =	vadd.f32 v49, v13;
	v52 =	vshll.u32 v7, $0x10;
	v6 =	vadd.f32 v8, v47  }
0x59: {  	v16 =	vld [tilespmem:s16+$0x4400];
	v53 =	vshll.u32 v5, $0x10;
	v11 =	vadd.f32 v52, v11;
	v1 =	vadd.f32 v5, v1  }
0x5a: {  	v55 =	vld [tilespmem:s16+$0x5CF0];
	v4 =	vadd.f32 v7, v50;
	v0 =	vadd.f32 v53, v0;
	v54 =	vshll.u32 v15, $0x10  }
0x5b: {  	v57 =	vld [tilespmem:s16+$0x5D00];
	s21 =	sshll.u32 s15, $0xA;
	s16 =	sshll.u32 s15, $0x3;
	v56 =	vshll.u32 v45, $0x10;
	v2 =	vadd.f32 v15, v2;
	v1 =	vadd.f32 v45, v1  }
0x5c: {  	s17 =	sand.u32 $0xC00, s21;
	s18 =	sadd.s32 $0x8, s16;
	v58 =	vshll.u32 v48, $0x10;
	v3 =	vadd.f32 v54, v3;
	v0 =	vadd.f32 v56, v0  }
0x5d: {  	p0 =	seq.s32 s15, $0x3F;
	s19 =	sand.u32 $0x18, s18;
	v59 =	vshll.u32 v51, $0x10;
	[tilespmem:s17+$0x3400] =	vst v13;
	v2 =	vadd.f32 v48, v2;
	v1 =	vadd.f32 v51, v1  }
0x5e: {  	p1 =	sne.s32 @!p0 s19, $0x0;
	v60 =	vshll.u32 v16, $0x10;
	[tilespmem:s17+$0x3410] =	vst v6;
	v3 =	vadd.f32 v58, v3;
	v0 =	vadd.f32 v59, v0  }
0x5f: {  	p1 =	por p0, p1;
	v61 =	vshll.u32 v55, $0x10;
	[tilespmem:s17+$0x3420] =	vst v11;
	v2 =	vadd.f32 v16, v2;
	v1 =	vadd.f32 v55, v1  }
.Ltmp3:
0x60: {  	[tilespmem:s17+$0x3430] =	vst v4;
	v3 =	vadd.f32 v60, v3;
	v0 =	vadd.f32 v61, v0;
	(pc) =	sbr.rel @p1 .LBB2_6-.Ltmp3, $4  }
0x61: {  	v62 =	vshll.u32 v57, $0x10;
	v63 =	vadd.f32 v57, v2;
	[tilespmem:s17+$0x3450] =	vst v1  }
0x62: {  	v3 =	vadd.f32 v62, v3;
	[tilespmem:s17+$0x3440] =	vst v0  }
0x63: {  	[tilespmem:s17+$0x3470] =	vst v63  }
0x64: {  	[tilespmem:s17+$0x3460] =	vst v3  }
0x65: {  	s20 =	sshrl.u32 s18, $0x5  }
0x66: {  	s21 =	sadd.s32 s6, s20  }
0x67: {  	s20 =	sand.u32 $0x1, s20;
	s21 =	smul.u32 $0x340, s21  }
0x68: {  	p1 =	seq.s32 s20, $0x1;
	s20 =	simm.s32 $0x1A00  }
0x69: {  	s20 =	simm.s32 @!p1 $0x0;
	s21 =	sadd.s32 s2, s21  }
0x6a: {  	[tilespmem:s20], [sflag:$0xA] =	stream.linear.gather [hbm4b:s21+s3], $0x1A00, $0x38;
	[tilespmem:$0x1D400] =	vst v63  }
0x6b: {  	_ =	swait.ge [sflag:s25], $0x1A00  }
0x6c: {  	[sflag:s25] =	ssyncset.done $0x0  }
0x6d: {  	[sflag:s25] =	ssyncadd.s32 $0xFFFFE600  }
.LBB2_7:
0x6e: {  	s18 =	sshll.u32 s18, $0x1A;
	s19 =	smul.u32 $0x340, s19  }
0x6f: {  	s18 =	sshra.s32 s18, $0x1F  }
0x70: {  	s18 =	sand.u32 $0x1A00, s18;
	s19 =	sshrl.u32 s19, $0x2  }
0x71: {  	s18 =	sadd.s32 s19, s18  }
0x72: {  	[tilespmem:s12], [sflag:$0x1] =	stream.indirect.gather [hbm4b:s4+s11], $0x40, s18, s11, $0xb8;
	[tilespmem:$0x1D400] =	vst v63  }
0x73: {  	s18 =	sadd.s32 $0x68, s18  }
0x74: {  	[tilespmem:s14], [sflag:$0x1] =	stream.indirect.gather [hbm4b:s4+s11], $0x40, s18, s11, $0xb8;
	[tilespmem:$0x1D400] =	vst v63  }
.LBB2_8:
0x75: {  	_ =	swait.ge [sflag:s26], $0x1900  }
0x76: {  	[sflag:s26] =	ssyncset.done $0x0  }
0x77: {  	[sflag:s26] =	ssyncadd.s32 $0xFFFFE700  }
0x78: {  	_ =	swait.ge [sflag:s26], $0x1900  }
0x79: {  	[sflag:s26] =	ssyncset.done $0x0  }
0x7a: {  	s18 =	simm.s32 $0x70;
	[sflag:s26] =	ssyncadd.s32 $0xFFFFE700  }
0x7b: {  	v1 =	vld [tilespmem:s18+$0x7590]  }
0x7c: {  	v2 =	vld [tilespmem:s18+$0x75A0]  }
0x7d: {  	v3 =	vld [tilespmem:s18+$0x8E90]  }
0x7e: {  	v9 =	vld [tilespmem:s18+$0x8EA0];
	_ =	sdelay $0x2  }
0x7f: {  	v0 =	vimm.f32 $0.0e+00;
	v6 =	vld [tilespmem:s18+$0x75D0];
	v5 =	vshll.u32 v1, $0x10  }
0x80: {  	v4 =	vld [tilespmem:s18+$0x75E0];
	v1 =	vadd.f32 v1, v0;
	v7 =	vshll.u32 v2, $0x10;
	v10 =	vadd.f32 v2, v0  }
0x81: {  	v8 =	vld [tilespmem:s18+$0x8ED0];
	v2 =	vshll.u32 v3, $0x10;
	v14 =	vshll.u32 v9, $0x10;
	v5 =	vadd.f32 v5, v0  }
0x82: {  	v11 =	vadd.f32 v7, v0;
	v7 =	vld [tilespmem:s18+$0x8EE0];
	v12 =	vadd.f32 v3, v1;
	v1 =	vimm.f32 $0.0e+00  }
0x83: {  	s19 =	simm.s32 $0x3C0;
	v3 =	vimm.f32 $0.0e+00;
	v13 =	vadd.f32 v2, v5;
	v5 =	vld [tilespmem:s18+$0x75B0];
	v2 =	vimm.f32 $0.0e+00  }
.LBB2_9:
0x84: {  	p1 =	sne.s32 s19, $0x63C0;
	v15 =	vld [tilespmem:s18+$0x75C0];
	v11 =	vadd.f32 v14, v11;
	v9 =	vadd.f32 v9, v10;
	v10 =	vshll.u32 v6, $0x10  }
0x85: {  	v14 =	vld [tilespmem:s18+$0x8EB0];
	v10 =	vadd.f32 v10, v13;
	v6 =	vadd.f32 v6, v12;
	v12 =	vshll.u32 v4, $0x10  }
0x86: {  	v13 =	vld [tilespmem:s18+$0x8EC0];
	v11 =	vadd.f32 v12, v11;
	v4 =	vadd.f32 v4, v9;
	v9 =	vshll.u32 v8, $0x10  }
0x87: {  	v12 =	vld [tilespmem:s18+$0x75F0];
	v10 =	vadd.f32 v9, v10;
	v8 =	vadd.f32 v8, v6;
	v6 =	vshll.u32 v7, $0x10  }
0x88: {  	v9 =	vshll.u32 v5, $0x10;
	v16 =	vld [tilespmem:s18+$0x7600];
	v11 =	vadd.f32 v6, v11;
	v7 =	vadd.f32 v7, v4  }
0x89: {  	v1 =	vadd.f32 v5, v1;
	v0 =	vadd.f32 v9, v0;
	v4 =	vshll.u32 v15, $0x10;
	v5 =	vld [tilespmem:s18+$0x8EF0]  }
0x8a: {  	v2 =	vadd.f32 v15, v2;
	v3 =	vadd.f32 v4, v3;
	v4 =	vshll.u32 v14, $0x10;
	v15 =	vld [tilespmem:s18+$0x8F00];
	s18 =	sshra.s32 s19, $0x2  }
0x8b: {  	v1 =	vadd.f32 v14, v1;
	v17 =	vld [tilespmem:s18+$0x7590];
	v0 =	vadd.f32 v4, v0;
	v4 =	vshll.u32 v13, $0x10  }
0x8c: {  	v2 =	vadd.f32 v13, v2;
	v14 =	vld [tilespmem:s18+$0x75A0];
	v3 =	vadd.f32 v4, v3;
	v4 =	vshll.u32 v12, $0x10  }
0x8d: {  	v1 =	vadd.f32 v12, v1;
	v18 =	vld [tilespmem:s18+$0x8E90];
	v0 =	vadd.f32 v4, v0;
	v4 =	vshll.u32 v16, $0x10  }
0x8e: {  	v2 =	vadd.f32 v16, v2;
	v9 =	vld [tilespmem:s18+$0x8EA0];
	v3 =	vadd.f32 v4, v3;
	v4 =	vshll.u32 v5, $0x10  }
.Ltmp4:
0x8f: {  	v1 =	vadd.f32 v5, v1;
	v6 =	vld [tilespmem:s18+$0x75D0];
	v0 =	vadd.f32 v4, v0;
	v5 =	vshll.u32 v15, $0x10;
	(pc) =	sbr.rel @p1 .LBB2_9-.Ltmp4, $4  }
0x90: {  	v2 =	vadd.f32 v15, v2;
	v12 =	vshll.u32 v17, $0x10;
	v4 =	vld [tilespmem:s18+$0x75E0];
	v3 =	vadd.f32 v5, v3  }
0x91: {  	v15 =	vadd.f32 v17, v8;
	v12 =	vadd.f32 v12, v10;
	v5 =	vshll.u32 v14, $0x10;
	v8 =	vld [tilespmem:s18+$0x8ED0]  }
0x92: {  	v10 =	vadd.f32 v14, v7;
	v11 =	vadd.f32 v5, v11;
	v13 =	vshll.u32 v18, $0x10;
	v7 =	vld [tilespmem:s18+$0x8EE0]  }
0x93: {  	s19 =	sadd.s32 $0x200, s19;
	v5 =	vld [tilespmem:s18+$0x75B0];
	v13 =	vadd.f32 v13, v12;
	v12 =	vadd.f32 v18, v15;
	v14 =	vshll.u32 v9, $0x10  }
0x94: {  	v15 =	vld [tilespmem:s18+$0x75C0];
	v11 =	vadd.f32 v14, v11;
	v14 =	vshll.u32 v6, $0x10;
	v9 =	vadd.f32 v9, v10  }
0x95: {  	v10 =	vld [tilespmem:s18+$0x8EB0];
	v13 =	vadd.f32 v14, v13;
	v14 =	vshll.u32 v4, $0x10;
	v6 =	vadd.f32 v6, v12  }
0x96: {  	v12 =	vld [tilespmem:s18+$0x8EC0];
	v11 =	vadd.f32 v14, v11;
	v14 =	vshll.u32 v8, $0x10;
	v4 =	vadd.f32 v4, v9  }
0x97: {  	v9 =	vld [tilespmem:s18+$0x75F0];
	v13 =	vadd.f32 v14, v13;
	v14 =	vshll.u32 v7, $0x10;
	v6 =	vadd.f32 v8, v6  }
0x98: {  	v16 =	vld [tilespmem:s18+$0x7600];
	v8 =	vshll.u32 v5, $0x10;
	v11 =	vadd.f32 v14, v11;
	v1 =	vadd.f32 v5, v1  }
0x99: {  	v4 =	vadd.f32 v7, v4;
	v0 =	vadd.f32 v8, v0;
	v7 =	vshll.u32 v15, $0x10;
	v8 =	vld [tilespmem:s18+$0x8EF0]  }
0x9a: {  	v5 =	vshll.u32 v10, $0x10;
	v3 =	vadd.f32 v7, v3;
	v7 =	vld [tilespmem:s18+$0x8F00];
	v1 =	vadd.f32 v10, v1  }
0x9b: {  	v2 =	vadd.f32 v15, v2;
	v0 =	vadd.f32 v5, v0;
	v5 =	vshll.u32 v12, $0x10  }
0x9c: {  	[tilespmem:s17+$0x3480] =	vst v13;
	v3 =	vadd.f32 v5, v3;
	v5 =	vshll.u32 v9, $0x10;
	v1 =	vadd.f32 v9, v1  }
0x9d: {  	[tilespmem:s17+$0x3490] =	vst v6;
	v2 =	vadd.f32 v12, v2;
	v0 =	vadd.f32 v5, v0;
	v5 =	vshll.u32 v16, $0x10  }
0x9e: {  	[tilespmem:s17+$0x34A0] =	vst v11;
	s18 =	sadd.s32 @!p0 $0x9, s16;
	v9 =	vshll.u32 v8, $0x10;
	v3 =	vadd.f32 v5, v3;
	v1 =	vadd.f32 v8, v1  }
0x9f: {  	[tilespmem:s17+$0x34B0] =	vst v4;
	s19 =	sand.u32 @!p0 $0x19, s18;
	v2 =	vadd.f32 v16, v2;
	v0 =	vadd.f32 v9, v0;
	v5 =	vshll.u32 v7, $0x10  }
0xa0: {  	s18 =	sshll.u32 @!p0 s18, $0x1A;
	s19 =	smul.u32 @!p0 $0x340, s19;
	v3 =	vadd.f32 v5, v3;
	[tilespmem:s17+$0x34D0] =	vst v1  }
0xa1: {  	s18 =	sshra.s32 @!p0 s18, $0x1F;
	[tilespmem:s17+$0x34C0] =	vst v0;
	v0 =	vadd.f32 v7, v2  }
0xa2: {  	s18 =	sand.u32 @!p0 $0x1A00, s18;
	s19 =	sshrl.u32 @!p0 s19, $0x2;
	[tilespmem:s17+$0x34E0] =	vst v3  }
0xa3: {  	s20 =	simm.s32 @!p0 $0x7600;
	s18 =	sadd.s32 @!p0 s19, s18;
	s19 =	simm.s32 @!p0 $0x64;
	[tilespmem:s17+$0x34F0] =	vst v0  }
0xa4: {  	[tilespmem:s20], [sflag:$0x2] =	stream.indirect.gather @!p0 [hbm4b:s4+s19], $0x40, s18, s19, $0xb8;
	[tilespmem:$0x1D400] =	vst v63  }
0xa5: {  	s18 =	sadd.s32 @!p0 $0x68, s18;
	s20 =	simm.s32 @!p0 $0x8F00  }
0xa6: {  	[tilespmem:s20], [sflag:$0x2] =	stream.indirect.gather @!p0 [hbm4b:s4+s19], $0x40, s18, s19, $0xb8;
	[tilespmem:$0x1D400] =	vst v63  }
0xa7: {  	_ =	swait.ge [sflag:s28], $0x1900  }
0xa8: {  	[sflag:s28] =	ssyncset.done $0x0  }
0xa9: {  	[sflag:s28] =	ssyncadd.s32 $0xFFFFE700  }
0xaa: {  	_ =	swait.ge [sflag:s28], $0x1900  }
0xab: {  	[sflag:s28] =	ssyncset.done $0x0  }
0xac: {  	s18 =	simm.s32 $0x70;
	[sflag:s28] =	ssyncadd.s32 $0xFFFFE700  }
0xad: {  	v1 =	vld [tilespmem:s18+$0xA790]  }
0xae: {  	v2 =	vld [tilespmem:s18+$0xA7A0]  }
0xaf: {  	v3 =	vld [tilespmem:s18+$0xC090]  }
0xb0: {  	v9 =	vld [tilespmem:s18+$0xC0A0];
	_ =	sdelay $0x2  }
0xb1: {  	v0 =	vimm.f32 $0.0e+00;
	v6 =	vld [tilespmem:s18+$0xA7D0];
	v5 =	vshll.u32 v1, $0x10  }
0xb2: {  	v4 =	vld [tilespmem:s18+$0xA7E0];
	v1 =	vadd.f32 v1, v0;
	v7 =	vshll.u32 v2, $0x10;
	v10 =	vadd.f32 v2, v0  }
0xb3: {  	v8 =	vld [tilespmem:s18+$0xC0D0];
	v2 =	vshll.u32 v3, $0x10;
	v14 =	vshll.u32 v9, $0x10;
	v5 =	vadd.f32 v5, v0  }
0xb4: {  	v11 =	vadd.f32 v7, v0;
	v7 =	vld [tilespmem:s18+$0xC0E0];
	v12 =	vadd.f32 v3, v1;
	v1 =	vimm.f32 $0.0e+00  }
0xb5: {  	s19 =	simm.s32 $0x3C0;
	v3 =	vimm.f32 $0.0e+00;
	v13 =	vadd.f32 v2, v5;
	v5 =	vld [tilespmem:s18+$0xA7B0];
	v2 =	vimm.f32 $0.0e+00  }
.LBB2_11:
0xb6: {  	p1 =	sne.s32 s19, $0x63C0;
	v15 =	vld [tilespmem:s18+$0xA7C0];
	v11 =	vadd.f32 v14, v11;
	v9 =	vadd.f32 v9, v10;
	v10 =	vshll.u32 v6, $0x10  }
0xb7: {  	v14 =	vld [tilespmem:s18+$0xC0B0];
	v10 =	vadd.f32 v10, v13;
	v6 =	vadd.f32 v6, v12;
	v12 =	vshll.u32 v4, $0x10  }
0xb8: {  	v13 =	vld [tilespmem:s18+$0xC0C0];
	v11 =	vadd.f32 v12, v11;
	v4 =	vadd.f32 v4, v9;
	v9 =	vshll.u32 v8, $0x10  }
0xb9: {  	v12 =	vld [tilespmem:s18+$0xA7F0];
	v10 =	vadd.f32 v9, v10;
	v8 =	vadd.f32 v8, v6;
	v6 =	vshll.u32 v7, $0x10  }
0xba: {  	v9 =	vshll.u32 v5, $0x10;
	v16 =	vld [tilespmem:s18+$0xA800];
	v11 =	vadd.f32 v6, v11;
	v7 =	vadd.f32 v7, v4  }
0xbb: {  	v1 =	vadd.f32 v5, v1;
	v0 =	vadd.f32 v9, v0;
	v4 =	vshll.u32 v15, $0x10;
	v5 =	vld [tilespmem:s18+$0xC0F0]  }
0xbc: {  	v2 =	vadd.f32 v15, v2;
	v3 =	vadd.f32 v4, v3;
	v4 =	vshll.u32 v14, $0x10;
	v15 =	vld [tilespmem:s18+$0xC100];
	s18 =	sshra.s32 s19, $0x2  }
0xbd: {  	v1 =	vadd.f32 v14, v1;
	v17 =	vld [tilespmem:s18+$0xA790];
	v0 =	vadd.f32 v4, v0;
	v4 =	vshll.u32 v13, $0x10  }
0xbe: {  	v2 =	vadd.f32 v13, v2;
	v14 =	vld [tilespmem:s18+$0xA7A0];
	v3 =	vadd.f32 v4, v3;
	v4 =	vshll.u32 v12, $0x10  }
0xbf: {  	v1 =	vadd.f32 v12, v1;
	v18 =	vld [tilespmem:s18+$0xC090];
	v0 =	vadd.f32 v4, v0;
	v4 =	vshll.u32 v16, $0x10  }
0xc0: {  	v2 =	vadd.f32 v16, v2;
	v9 =	vld [tilespmem:s18+$0xC0A0];
	v3 =	vadd.f32 v4, v3;
	v4 =	vshll.u32 v5, $0x10  }
.Ltmp5:
0xc1: {  	v1 =	vadd.f32 v5, v1;
	v6 =	vld [tilespmem:s18+$0xA7D0];
	v0 =	vadd.f32 v4, v0;
	v5 =	vshll.u32 v15, $0x10;
	(pc) =	sbr.rel @p1 .LBB2_11-.Ltmp5, $4  }
0xc2: {  	v2 =	vadd.f32 v15, v2;
	v12 =	vshll.u32 v17, $0x10;
	v4 =	vld [tilespmem:s18+$0xA7E0];
	v3 =	vadd.f32 v5, v3  }
0xc3: {  	v15 =	vadd.f32 v17, v8;
	v12 =	vadd.f32 v12, v10;
	v5 =	vshll.u32 v14, $0x10;
	v8 =	vld [tilespmem:s18+$0xC0D0]  }
0xc4: {  	v10 =	vadd.f32 v14, v7;
	v11 =	vadd.f32 v5, v11;
	v13 =	vshll.u32 v18, $0x10;
	v7 =	vld [tilespmem:s18+$0xC0E0]  }
0xc5: {  	s19 =	sadd.s32 $0x200, s19;
	v5 =	vld [tilespmem:s18+$0xA7B0];
	v13 =	vadd.f32 v13, v12;
	v12 =	vadd.f32 v18, v15;
	v14 =	vshll.u32 v9, $0x10  }
0xc6: {  	v15 =	vld [tilespmem:s18+$0xA7C0];
	v11 =	vadd.f32 v14, v11;
	v14 =	vshll.u32 v6, $0x10;
	v9 =	vadd.f32 v9, v10  }
0xc7: {  	v10 =	vld [tilespmem:s18+$0xC0B0];
	v13 =	vadd.f32 v14, v13;
	v14 =	vshll.u32 v4, $0x10;
	v6 =	vadd.f32 v6, v12  }
0xc8: {  	v12 =	vld [tilespmem:s18+$0xC0C0];
	v11 =	vadd.f32 v14, v11;
	v14 =	vshll.u32 v8, $0x10;
	v4 =	vadd.f32 v4, v9  }
0xc9: {  	v9 =	vld [tilespmem:s18+$0xA7F0];
	v13 =	vadd.f32 v14, v13;
	v14 =	vshll.u32 v7, $0x10;
	v6 =	vadd.f32 v8, v6  }
0xca: {  	v16 =	vld [tilespmem:s18+$0xA800];
	v8 =	vshll.u32 v5, $0x10;
	v11 =	vadd.f32 v14, v11;
	v1 =	vadd.f32 v5, v1  }
0xcb: {  	v4 =	vadd.f32 v7, v4;
	v0 =	vadd.f32 v8, v0;
	v7 =	vshll.u32 v15, $0x10;
	v8 =	vld [tilespmem:s18+$0xC0F0]  }
0xcc: {  	v5 =	vshll.u32 v10, $0x10;
	v3 =	vadd.f32 v7, v3;
	v7 =	vld [tilespmem:s18+$0xC100];
	v1 =	vadd.f32 v10, v1  }
0xcd: {  	v2 =	vadd.f32 v15, v2;
	v0 =	vadd.f32 v5, v0;
	v5 =	vshll.u32 v12, $0x10  }
0xce: {  	[tilespmem:s17+$0x3500] =	vst v13;
	v3 =	vadd.f32 v5, v3;
	v5 =	vshll.u32 v9, $0x10;
	v1 =	vadd.f32 v9, v1  }
0xcf: {  	[tilespmem:s17+$0x3510] =	vst v6;
	v2 =	vadd.f32 v12, v2;
	v0 =	vadd.f32 v5, v0;
	v5 =	vshll.u32 v16, $0x10  }
0xd0: {  	[tilespmem:s17+$0x3520] =	vst v11;
	s18 =	sadd.s32 @!p0 $0xA, s16;
	v9 =	vshll.u32 v8, $0x10;
	v3 =	vadd.f32 v5, v3;
	v1 =	vadd.f32 v8, v1  }
0xd1: {  	[tilespmem:s17+$0x3530] =	vst v4;
	s19 =	sand.u32 @!p0 $0x1A, s18;
	v2 =	vadd.f32 v16, v2;
	v0 =	vadd.f32 v9, v0;
	v5 =	vshll.u32 v7, $0x10  }
0xd2: {  	s18 =	sshll.u32 @!p0 s18, $0x1A;
	s19 =	smul.u32 @!p0 $0x340, s19;
	v3 =	vadd.f32 v5, v3;
	[tilespmem:s17+$0x3550] =	vst v1  }
0xd3: {  	s18 =	sshra.s32 @!p0 s18, $0x1F;
	[tilespmem:s17+$0x3540] =	vst v0;
	v0 =	vadd.f32 v7, v2  }
0xd4: {  	s18 =	sand.u32 @!p0 $0x1A00, s18;
	s19 =	sshrl.u32 @!p0 s19, $0x2;
	[tilespmem:s17+$0x3560] =	vst v3  }
0xd5: {  	s20 =	simm.s32 @!p0 $0xA800;
	s18 =	sadd.s32 @!p0 s19, s18;
	s19 =	simm.s32 @!p0 $0x64;
	[tilespmem:s17+$0x3570] =	vst v0  }
0xd6: {  	[tilespmem:s20], [sflag:$0x3] =	stream.indirect.gather @!p0 [hbm4b:s4+s19], $0x40, s18, s19, $0xb8;
	[tilespmem:$0x1D400] =	vst v63  }
0xd7: {  	s18 =	sadd.s32 @!p0 $0x68, s18;
	s20 =	simm.s32 @!p0 $0xC100  }
0xd8: {  	[tilespmem:s20], [sflag:$0x3] =	stream.indirect.gather @!p0 [hbm4b:s4+s19], $0x40, s18, s19, $0xb8;
	[tilespmem:$0x1D400] =	vst v63  }
0xd9: {  	_ =	swait.ge [sflag:s29], $0x1900  }
0xda: {  	[sflag:s29] =	ssyncset.done $0x0  }
0xdb: {  	[sflag:s29] =	ssyncadd.s32 $0xFFFFE700  }
0xdc: {  	_ =	swait.ge [sflag:s29], $0x1900  }
0xdd: {  	[sflag:s29] =	ssyncset.done $0x0  }
0xde: {  	s18 =	simm.s32 $0x70;
	[sflag:s29] =	ssyncadd.s32 $0xFFFFE700  }
0xdf: {  	v1 =	vld [tilespmem:s18+$0xD990]  }
0xe0: {  	v2 =	vld [tilespmem:s18+$0xD9A0]  }
0xe1: {  	v3 =	vld [tilespmem:s18+$0xF290]  }
0xe2: {  	v9 =	vld [tilespmem:s18+$0xF2A0];
	_ =	sdelay $0x2  }
0xe3: {  	v0 =	vimm.f32 $0.0e+00;
	v6 =	vld [tilespmem:s18+$0xD9D0];
	v5 =	vshll.u32 v1, $0x10  }
0xe4: {  	v4 =	vld [tilespmem:s18+$0xD9E0];
	v1 =	vadd.f32 v1, v0;
	v7 =	vshll.u32 v2, $0x10;
	v10 =	vadd.f32 v2, v0  }
0xe5: {  	v8 =	vld [tilespmem:s18+$0xF2D0];
	v2 =	vshll.u32 v3, $0x10;
	v14 =	vshll.u32 v9, $0x10;
	v5 =	vadd.f32 v5, v0  }
0xe6: {  	v11 =	vadd.f32 v7, v0;
	v7 =	vld [tilespmem:s18+$0xF2E0];
	v12 =	vadd.f32 v3, v1;
	v1 =	vimm.f32 $0.0e+00  }
0xe7: {  	s19 =	simm.s32 $0x3C0;
	v3 =	vimm.f32 $0.0e+00;
	v13 =	vadd.f32 v2, v5;
	v5 =	vld [tilespmem:s18+$0xD9B0];
	v2 =	vimm.f32 $0.0e+00  }
.LBB2_13:
0xe8: {  	p1 =	sne.s32 s19, $0x63C0;
	v15 =	vld [tilespmem:s18+$0xD9C0];
	v11 =	vadd.f32 v14, v11;
	v9 =	vadd.f32 v9, v10;
	v10 =	vshll.u32 v6, $0x10  }
0xe9: {  	v14 =	vld [tilespmem:s18+$0xF2B0];
	v10 =	vadd.f32 v10, v13;
	v6 =	vadd.f32 v6, v12;
	v12 =	vshll.u32 v4, $0x10  }
0xea: {  	v13 =	vld [tilespmem:s18+$0xF2C0];
	v11 =	vadd.f32 v12, v11;
	v4 =	vadd.f32 v4, v9;
	v9 =	vshll.u32 v8, $0x10  }
0xeb: {  	v12 =	vld [tilespmem:s18+$0xD9F0];
	v10 =	vadd.f32 v9, v10;
	v8 =	vadd.f32 v8, v6;
	v6 =	vshll.u32 v7, $0x10  }
0xec: {  	v9 =	vshll.u32 v5, $0x10;
	v16 =	vld [tilespmem:s18+$0xDA00];
	v11 =	vadd.f32 v6, v11;
	v7 =	vadd.f32 v7, v4  }
0xed: {  	v1 =	vadd.f32 v5, v1;
	v0 =	vadd.f32 v9, v0;
	v4 =	vshll.u32 v15, $0x10;
	v5 =	vld [tilespmem:s18+$0xF2F0]  }
0xee: {  	v2 =	vadd.f32 v15, v2;
	v3 =	vadd.f32 v4, v3;
	v4 =	vshll.u32 v14, $0x10;
	v15 =	vld [tilespmem:s18+$0xF300];
	s18 =	sshra.s32 s19, $0x2  }
0xef: {  	v1 =	vadd.f32 v14, v1;
	v17 =	vld [tilespmem:s18+$0xD990];
	v0 =	vadd.f32 v4, v0;
	v4 =	vshll.u32 v13, $0x10  }
0xf0: {  	v2 =	vadd.f32 v13, v2;
	v14 =	vld [tilespmem:s18+$0xD9A0];
	v3 =	vadd.f32 v4, v3;
	v4 =	vshll.u32 v12, $0x10  }
0xf1: {  	v1 =	vadd.f32 v12, v1;
	v18 =	vld [tilespmem:s18+$0xF290];
	v0 =	vadd.f32 v4, v0;
	v4 =	vshll.u32 v16, $0x10  }
0xf2: {  	v2 =	vadd.f32 v16, v2;
	v9 =	vld [tilespmem:s18+$0xF2A0];
	v3 =	vadd.f32 v4, v3;
	v4 =	vshll.u32 v5, $0x10  }
.Ltmp6:
0xf3: {  	v1 =	vadd.f32 v5, v1;
	v6 =	vld [tilespmem:s18+$0xD9D0];
	v0 =	vadd.f32 v4, v0;
	v5 =	vshll.u32 v15, $0x10;
	(pc) =	sbr.rel @p1 .LBB2_13-.Ltmp6, $4  }
0xf4: {  	v2 =	vadd.f32 v15, v2;
	v12 =	vshll.u32 v17, $0x10;
	v4 =	vld [tilespmem:s18+$0xD9E0];
	v3 =	vadd.f32 v5, v3  }
0xf5: {  	v15 =	vadd.f32 v17, v8;
	v12 =	vadd.f32 v12, v10;
	v5 =	vshll.u32 v14, $0x10;
	v8 =	vld [tilespmem:s18+$0xF2D0]  }
0xf6: {  	v10 =	vadd.f32 v14, v7;
	v11 =	vadd.f32 v5, v11;
	v13 =	vshll.u32 v18, $0x10;
	v7 =	vld [tilespmem:s18+$0xF2E0]  }
0xf7: {  	s19 =	sadd.s32 $0x200, s19;
	v5 =	vld [tilespmem:s18+$0xD9B0];
	v13 =	vadd.f32 v13, v12;
	v12 =	vadd.f32 v18, v15;
	v14 =	vshll.u32 v9, $0x10  }
0xf8: {  	v15 =	vld [tilespmem:s18+$0xD9C0];
	v11 =	vadd.f32 v14, v11;
	v14 =	vshll.u32 v6, $0x10;
	v9 =	vadd.f32 v9, v10  }
0xf9: {  	v10 =	vld [tilespmem:s18+$0xF2B0];
	v13 =	vadd.f32 v14, v13;
	v14 =	vshll.u32 v4, $0x10;
	v6 =	vadd.f32 v6, v12  }
0xfa: {  	v12 =	vld [tilespmem:s18+$0xF2C0];
	v11 =	vadd.f32 v14, v11;
	v14 =	vshll.u32 v8, $0x10;
	v4 =	vadd.f32 v4, v9  }
0xfb: {  	v9 =	vld [tilespmem:s18+$0xD9F0];
	v13 =	vadd.f32 v14, v13;
	v14 =	vshll.u32 v7, $0x10;
	v6 =	vadd.f32 v8, v6  }
0xfc: {  	v16 =	vld [tilespmem:s18+$0xDA00];
	v8 =	vshll.u32 v5, $0x10;
	v11 =	vadd.f32 v14, v11;
	v1 =	vadd.f32 v5, v1  }
0xfd: {  	v4 =	vadd.f32 v7, v4;
	v0 =	vadd.f32 v8, v0;
	v7 =	vshll.u32 v15, $0x10;
	v8 =	vld [tilespmem:s18+$0xF2F0]  }
0xfe: {  	v5 =	vshll.u32 v10, $0x10;
	v3 =	vadd.f32 v7, v3;
	v7 =	vld [tilespmem:s18+$0xF300];
	v1 =	vadd.f32 v10, v1  }
0xff: {  	v2 =	vadd.f32 v15, v2;
	v0 =	vadd.f32 v5, v0;
	v5 =	vshll.u32 v12, $0x10  }
0x100: {  	[tilespmem:s17+$0x3580] =	vst v13;
	v3 =	vadd.f32 v5, v3;
	v5 =	vshll.u32 v9, $0x10;
	v1 =	vadd.f32 v9, v1  }
0x101: {  	[tilespmem:s17+$0x3590] =	vst v6;
	v2 =	vadd.f32 v12, v2;
	v0 =	vadd.f32 v5, v0;
	v5 =	vshll.u32 v16, $0x10  }
0x102: {  	[tilespmem:s17+$0x35A0] =	vst v11;
	s18 =	sadd.s32 @!p0 $0xB, s16;
	v9 =	vshll.u32 v8, $0x10;
	v3 =	vadd.f32 v5, v3;
	v1 =	vadd.f32 v8, v1  }
0x103: {  	[tilespmem:s17+$0x35B0] =	vst v4;
	s19 =	sand.u32 @!p0 $0x1B, s18;
	v2 =	vadd.f32 v16, v2;
	v0 =	vadd.f32 v9, v0;
	v5 =	vshll.u32 v7, $0x10  }
0x104: {  	s18 =	sshll.u32 @!p0 s18, $0x1A;
	s19 =	smul.u32 @!p0 $0x340, s19;
	v3 =	vadd.f32 v5, v3;
	[tilespmem:s17+$0x35D0] =	vst v1  }
0x105: {  	s18 =	sshra.s32 @!p0 s18, $0x1F;
	[tilespmem:s17+$0x35C0] =	vst v0;
	v0 =	vadd.f32 v7, v2  }
0x106: {  	s18 =	sand.u32 @!p0 $0x1A00, s18;
	s19 =	sshrl.u32 @!p0 s19, $0x2;
	[tilespmem:s17+$0x35E0] =	vst v3  }
0x107: {  	s20 =	simm.s32 @!p0 $0xDA00;
	s18 =	sadd.s32 @!p0 s19, s18;
	s19 =	simm.s32 @!p0 $0x64;
	[tilespmem:s17+$0x35F0] =	vst v0  }
0x108: {  	[tilespmem:s20], [sflag:$0x4] =	stream.indirect.gather @!p0 [hbm4b:s4+s19], $0x40, s18, s19, $0xb8;
	[tilespmem:$0x1D400] =	vst v63  }
0x109: {  	s18 =	sadd.s32 @!p0 $0x68, s18;
	s20 =	simm.s32 @!p0 $0xF300  }
0x10a: {  	[tilespmem:s20], [sflag:$0x4] =	stream.indirect.gather @!p0 [hbm4b:s4+s19], $0x40, s18, s19, $0xb8;
	[tilespmem:$0x1D400] =	vst v63  }
0x10b: {  	_ =	swait.ge [sflag:s30], $0x1900  }
0x10c: {  	[sflag:s30] =	ssyncset.done $0x0  }
0x10d: {  	[sflag:s30] =	ssyncadd.s32 $0xFFFFE700  }
0x10e: {  	_ =	swait.ge [sflag:s30], $0x1900  }
0x10f: {  	[sflag:s30] =	ssyncset.done $0x0  }
0x110: {  	s18 =	simm.s32 $0x70;
	[sflag:s30] =	ssyncadd.s32 $0xFFFFE700  }
0x111: {  	v1 =	vld [tilespmem:s18+$0x10B90]  }
0x112: {  	v2 =	vld [tilespmem:s18+$0x10BA0]  }
0x113: {  	v3 =	vld [tilespmem:s18+$0x12490]  }
0x114: {  	v9 =	vld [tilespmem:s18+$0x124A0];
	_ =	sdelay $0x2  }
0x115: {  	v0 =	vimm.f32 $0.0e+00;
	v6 =	vld [tilespmem:s18+$0x10BD0];
	v5 =	vshll.u32 v1, $0x10  }
0x116: {  	v4 =	vld [tilespmem:s18+$0x10BE0];
	v1 =	vadd.f32 v1, v0;
	v7 =	vshll.u32 v2, $0x10;
	v10 =	vadd.f32 v2, v0  }
0x117: {  	v8 =	vld [tilespmem:s18+$0x124D0];
	v2 =	vshll.u32 v3, $0x10;
	v14 =	vshll.u32 v9, $0x10;
	v5 =	vadd.f32 v5, v0  }
0x118: {  	v11 =	vadd.f32 v7, v0;
	v7 =	vld [tilespmem:s18+$0x124E0];
	v12 =	vadd.f32 v3, v1;
	v1 =	vimm.f32 $0.0e+00  }
0x119: {  	s19 =	simm.s32 $0x3C0;
	v3 =	vimm.f32 $0.0e+00;
	v13 =	vadd.f32 v2, v5;
	v5 =	vld [tilespmem:s18+$0x10BB0];
	v2 =	vimm.f32 $0.0e+00  }
.LBB2_15:
0x11a: {  	p1 =	sne.s32 s19, $0x63C0;
	v15 =	vld [tilespmem:s18+$0x10BC0];
	v11 =	vadd.f32 v14, v11;
	v9 =	vadd.f32 v9, v10;
	v10 =	vshll.u32 v6, $0x10  }
0x11b: {  	v14 =	vld [tilespmem:s18+$0x124B0];
	v10 =	vadd.f32 v10, v13;
	v6 =	vadd.f32 v6, v12;
	v12 =	vshll.u32 v4, $0x10  }
0x11c: {  	v13 =	vld [tilespmem:s18+$0x124C0];
	v11 =	vadd.f32 v12, v11;
	v4 =	vadd.f32 v4, v9;
	v9 =	vshll.u32 v8, $0x10  }
0x11d: {  	v12 =	vld [tilespmem:s18+$0x10BF0];
	v10 =	vadd.f32 v9, v10;
	v8 =	vadd.f32 v8, v6;
	v6 =	vshll.u32 v7, $0x10  }
0x11e: {  	v9 =	vshll.u32 v5, $0x10;
	v16 =	vld [tilespmem:s18+$0x10C00];
	v11 =	vadd.f32 v6, v11;
	v7 =	vadd.f32 v7, v4  }
0x11f: {  	v1 =	vadd.f32 v5, v1;
	v0 =	vadd.f32 v9, v0;
	v4 =	vshll.u32 v15, $0x10;
	v5 =	vld [tilespmem:s18+$0x124F0]  }
0x120: {  	v2 =	vadd.f32 v15, v2;
	v3 =	vadd.f32 v4, v3;
	v4 =	vshll.u32 v14, $0x10;
	v15 =	vld [tilespmem:s18+$0x12500];
	s18 =	sshra.s32 s19, $0x2  }
0x121: {  	v1 =	vadd.f32 v14, v1;
	v17 =	vld [tilespmem:s18+$0x10B90];
	v0 =	vadd.f32 v4, v0;
	v4 =	vshll.u32 v13, $0x10  }
0x122: {  	v2 =	vadd.f32 v13, v2;
	v14 =	vld [tilespmem:s18+$0x10BA0];
	v3 =	vadd.f32 v4, v3;
	v4 =	vshll.u32 v12, $0x10  }
0x123: {  	v1 =	vadd.f32 v12, v1;
	v18 =	vld [tilespmem:s18+$0x12490];
	v0 =	vadd.f32 v4, v0;
	v4 =	vshll.u32 v16, $0x10  }
0x124: {  	v2 =	vadd.f32 v16, v2;
	v9 =	vld [tilespmem:s18+$0x124A0];
	v3 =	vadd.f32 v4, v3;
	v4 =	vshll.u32 v5, $0x10  }
.Ltmp7:
0x125: {  	v1 =	vadd.f32 v5, v1;
	v6 =	vld [tilespmem:s18+$0x10BD0];
	v0 =	vadd.f32 v4, v0;
	v5 =	vshll.u32 v15, $0x10;
	(pc) =	sbr.rel @p1 .LBB2_15-.Ltmp7, $4  }
0x126: {  	v2 =	vadd.f32 v15, v2;
	v12 =	vshll.u32 v17, $0x10;
	v4 =	vld [tilespmem:s18+$0x10BE0];
	v3 =	vadd.f32 v5, v3  }
0x127: {  	v15 =	vadd.f32 v17, v8;
	v12 =	vadd.f32 v12, v10;
	v5 =	vshll.u32 v14, $0x10;
	v8 =	vld [tilespmem:s18+$0x124D0]  }
0x128: {  	v10 =	vadd.f32 v14, v7;
	v11 =	vadd.f32 v5, v11;
	v13 =	vshll.u32 v18, $0x10;
	v7 =	vld [tilespmem:s18+$0x124E0]  }
0x129: {  	s19 =	sadd.s32 $0x200, s19;
	v5 =	vld [tilespmem:s18+$0x10BB0];
	v13 =	vadd.f32 v13, v12;
	v12 =	vadd.f32 v18, v15;
	v14 =	vshll.u32 v9, $0x10  }
0x12a: {  	v15 =	vld [tilespmem:s18+$0x10BC0];
	v11 =	vadd.f32 v14, v11;
	v14 =	vshll.u32 v6, $0x10;
	v9 =	vadd.f32 v9, v10  }
0x12b: {  	v10 =	vld [tilespmem:s18+$0x124B0];
	v13 =	vadd.f32 v14, v13;
	v14 =	vshll.u32 v4, $0x10;
	v6 =	vadd.f32 v6, v12  }
0x12c: {  	v12 =	vld [tilespmem:s18+$0x124C0];
	v11 =	vadd.f32 v14, v11;
	v14 =	vshll.u32 v8, $0x10;
	v4 =	vadd.f32 v4, v9  }
0x12d: {  	v9 =	vld [tilespmem:s18+$0x10BF0];
	v13 =	vadd.f32 v14, v13;
	v14 =	vshll.u32 v7, $0x10;
	v6 =	vadd.f32 v8, v6  }
0x12e: {  	v16 =	vld [tilespmem:s18+$0x10C00];
	v8 =	vshll.u32 v5, $0x10;
	v11 =	vadd.f32 v14, v11;
	v1 =	vadd.f32 v5, v1  }
0x12f: {  	v4 =	vadd.f32 v7, v4;
	v0 =	vadd.f32 v8, v0;
	v7 =	vshll.u32 v15, $0x10;
	v8 =	vld [tilespmem:s18+$0x124F0]  }
0x130: {  	v5 =	vshll.u32 v10, $0x10;
	v3 =	vadd.f32 v7, v3;
	v7 =	vld [tilespmem:s18+$0x12500];
	v1 =	vadd.f32 v10, v1  }
0x131: {  	v2 =	vadd.f32 v15, v2;
	v0 =	vadd.f32 v5, v0;
	v5 =	vshll.u32 v12, $0x10  }
0x132: {  	[tilespmem:s17+$0x3600] =	vst v13;
	v3 =	vadd.f32 v5, v3;
	v5 =	vshll.u32 v9, $0x10;
	v1 =	vadd.f32 v9, v1  }
0x133: {  	[tilespmem:s17+$0x3610] =	vst v6;
	v2 =	vadd.f32 v12, v2;
	v0 =	vadd.f32 v5, v0;
	v5 =	vshll.u32 v16, $0x10  }
0x134: {  	[tilespmem:s17+$0x3620] =	vst v11;
	s18 =	sadd.s32 @!p0 $0xC, s16;
	v9 =	vshll.u32 v8, $0x10;
	v3 =	vadd.f32 v5, v3;
	v1 =	vadd.f32 v8, v1  }
0x135: {  	[tilespmem:s17+$0x3630] =	vst v4;
	s19 =	sand.u32 @!p0 $0x1C, s18;
	v2 =	vadd.f32 v16, v2;
	v0 =	vadd.f32 v9, v0;
	v5 =	vshll.u32 v7, $0x10  }
0x136: {  	s18 =	sshll.u32 @!p0 s18, $0x1A;
	s19 =	smul.u32 @!p0 $0x340, s19;
	v3 =	vadd.f32 v5, v3;
	[tilespmem:s17+$0x3650] =	vst v1  }
0x137: {  	s18 =	sshra.s32 @!p0 s18, $0x1F;
	[tilespmem:s17+$0x3640] =	vst v0;
	v0 =	vadd.f32 v7, v2  }
0x138: {  	s18 =	sand.u32 @!p0 $0x1A00, s18;
	s19 =	sshrl.u32 @!p0 s19, $0x2;
	[tilespmem:s17+$0x3660] =	vst v3  }
0x139: {  	s20 =	simm.s32 @!p0 $0x10C00;
	s18 =	sadd.s32 @!p0 s19, s18;
	s19 =	simm.s32 @!p0 $0x64;
	[tilespmem:s17+$0x3670] =	vst v0  }
0x13a: {  	[tilespmem:s20], [sflag:$0x5] =	stream.indirect.gather @!p0 [hbm4b:s4+s19], $0x40, s18, s19, $0xb8;
	[tilespmem:$0x1D400] =	vst v63  }
0x13b: {  	s18 =	sadd.s32 @!p0 $0x68, s18;
	s20 =	simm.s32 @!p0 $0x12500  }
0x13c: {  	[tilespmem:s20], [sflag:$0x5] =	stream.indirect.gather @!p0 [hbm4b:s4+s19], $0x40, s18, s19, $0xb8;
	[tilespmem:$0x1D400] =	vst v63  }
0x13d: {  	_ =	swait.ge [sflag:s31], $0x1900  }
0x13e: {  	[sflag:s31] =	ssyncset.done $0x0  }
0x13f: {  	[sflag:s31] =	ssyncadd.s32 $0xFFFFE700  }
0x140: {  	_ =	swait.ge [sflag:s31], $0x1900  }
0x141: {  	[sflag:s31] =	ssyncset.done $0x0  }
0x142: {  	s18 =	simm.s32 $0x70;
	[sflag:s31] =	ssyncadd.s32 $0xFFFFE700  }
0x143: {  	v1 =	vld [tilespmem:s18+$0x13D90]  }
0x144: {  	v2 =	vld [tilespmem:s18+$0x13DA0]  }
0x145: {  	v3 =	vld [tilespmem:s18+$0x15690]  }
0x146: {  	v9 =	vld [tilespmem:s18+$0x156A0];
	_ =	sdelay $0x2  }
0x147: {  	v0 =	vimm.f32 $0.0e+00;
	v6 =	vld [tilespmem:s18+$0x13DD0];
	v5 =	vshll.u32 v1, $0x10  }
0x148: {  	v4 =	vld [tilespmem:s18+$0x13DE0];
	v1 =	vadd.f32 v1, v0;
	v7 =	vshll.u32 v2, $0x10;
	v10 =	vadd.f32 v2, v0  }
0x149: {  	v8 =	vld [tilespmem:s18+$0x156D0];
	v2 =	vshll.u32 v3, $0x10;
	v14 =	vshll.u32 v9, $0x10;
	v5 =	vadd.f32 v5, v0  }
0x14a: {  	v11 =	vadd.f32 v7, v0;
	v7 =	vld [tilespmem:s18+$0x156E0];
	v12 =	vadd.f32 v3, v1;
	v1 =	vimm.f32 $0.0e+00  }
0x14b: {  	s19 =	simm.s32 $0x3C0;
	v3 =	vimm.f32 $0.0e+00;
	v13 =	vadd.f32 v2, v5;
	v5 =	vld [tilespmem:s18+$0x13DB0];
	v2 =	vimm.f32 $0.0e+00  }
.LBB2_17:
0x14c: {  	p1 =	sne.s32 s19, $0x63C0;
	v15 =	vld [tilespmem:s18+$0x13DC0];
	v11 =	vadd.f32 v14, v11;
	v9 =	vadd.f32 v9, v10;
	v10 =	vshll.u32 v6, $0x10  }
0x14d: {  	v14 =	vld [tilespmem:s18+$0x156B0];
	v10 =	vadd.f32 v10, v13;
	v6 =	vadd.f32 v6, v12;
	v12 =	vshll.u32 v4, $0x10  }
0x14e: {  	v13 =	vld [tilespmem:s18+$0x156C0];
	v11 =	vadd.f32 v12, v11;
	v4 =	vadd.f32 v4, v9;
	v9 =	vshll.u32 v8, $0x10  }
0x14f: {  	v12 =	vld [tilespmem:s18+$0x13DF0];
	v10 =	vadd.f32 v9, v10;
	v8 =	vadd.f32 v8, v6;
	v6 =	vshll.u32 v7, $0x10  }
0x150: {  	v9 =	vshll.u32 v5, $0x10;
	v16 =	vld [tilespmem:s18+$0x13E00];
	v11 =	vadd.f32 v6, v11;
	v7 =	vadd.f32 v7, v4  }
0x151: {  	v1 =	vadd.f32 v5, v1;
	v0 =	vadd.f32 v9, v0;
	v4 =	vshll.u32 v15, $0x10;
	v5 =	vld [tilespmem:s18+$0x156F0]  }
0x152: {  	v2 =	vadd.f32 v15, v2;
	v3 =	vadd.f32 v4, v3;
	v4 =	vshll.u32 v14, $0x10;
	v15 =	vld [tilespmem:s18+$0x15700];
	s18 =	sshra.s32 s19, $0x2  }
0x153: {  	v1 =	vadd.f32 v14, v1;
	v17 =	vld [tilespmem:s18+$0x13D90];
	v0 =	vadd.f32 v4, v0;
	v4 =	vshll.u32 v13, $0x10  }
0x154: {  	v2 =	vadd.f32 v13, v2;
	v14 =	vld [tilespmem:s18+$0x13DA0];
	v3 =	vadd.f32 v4, v3;
	v4 =	vshll.u32 v12, $0x10  }
0x155: {  	v1 =	vadd.f32 v12, v1;
	v18 =	vld [tilespmem:s18+$0x15690];
	v0 =	vadd.f32 v4, v0;
	v4 =	vshll.u32 v16, $0x10  }
0x156: {  	v2 =	vadd.f32 v16, v2;
	v9 =	vld [tilespmem:s18+$0x156A0];
	v3 =	vadd.f32 v4, v3;
	v4 =	vshll.u32 v5, $0x10  }
.Ltmp8:
0x157: {  	v1 =	vadd.f32 v5, v1;
	v6 =	vld [tilespmem:s18+$0x13DD0];
	v0 =	vadd.f32 v4, v0;
	v5 =	vshll.u32 v15, $0x10;
	(pc) =	sbr.rel @p1 .LBB2_17-.Ltmp8, $4  }
0x158: {  	v2 =	vadd.f32 v15, v2;
	v12 =	vshll.u32 v17, $0x10;
	v4 =	vld [tilespmem:s18+$0x13DE0];
	v3 =	vadd.f32 v5, v3  }
0x159: {  	v15 =	vadd.f32 v17, v8;
	v12 =	vadd.f32 v12, v10;
	v5 =	vshll.u32 v14, $0x10;
	v8 =	vld [tilespmem:s18+$0x156D0]  }
0x15a: {  	v10 =	vadd.f32 v14, v7;
	v11 =	vadd.f32 v5, v11;
	v13 =	vshll.u32 v18, $0x10;
	v7 =	vld [tilespmem:s18+$0x156E0]  }
0x15b: {  	s19 =	sadd.s32 $0x200, s19;
	v5 =	vld [tilespmem:s18+$0x13DB0];
	v13 =	vadd.f32 v13, v12;
	v12 =	vadd.f32 v18, v15;
	v14 =	vshll.u32 v9, $0x10  }
0x15c: {  	v15 =	vld [tilespmem:s18+$0x13DC0];
	v11 =	vadd.f32 v14, v11;
	v14 =	vshll.u32 v6, $0x10;
	v9 =	vadd.f32 v9, v10  }
0x15d: {  	v10 =	vld [tilespmem:s18+$0x156B0];
	v13 =	vadd.f32 v14, v13;
	v14 =	vshll.u32 v4, $0x10;
	v6 =	vadd.f32 v6, v12  }
0x15e: {  	v12 =	vld [tilespmem:s18+$0x156C0];
	v11 =	vadd.f32 v14, v11;
	v14 =	vshll.u32 v8, $0x10;
	v4 =	vadd.f32 v4, v9  }
0x15f: {  	v9 =	vld [tilespmem:s18+$0x13DF0];
	v13 =	vadd.f32 v14, v13;
	v14 =	vshll.u32 v7, $0x10;
	v6 =	vadd.f32 v8, v6  }
0x160: {  	v16 =	vld [tilespmem:s18+$0x13E00];
	v8 =	vshll.u32 v5, $0x10;
	v11 =	vadd.f32 v14, v11;
	v1 =	vadd.f32 v5, v1  }
0x161: {  	v4 =	vadd.f32 v7, v4;
	v0 =	vadd.f32 v8, v0;
	v7 =	vshll.u32 v15, $0x10;
	v8 =	vld [tilespmem:s18+$0x156F0]  }
0x162: {  	v5 =	vshll.u32 v10, $0x10;
	v3 =	vadd.f32 v7, v3;
	v7 =	vld [tilespmem:s18+$0x15700];
	v1 =	vadd.f32 v10, v1  }
0x163: {  	v2 =	vadd.f32 v15, v2;
	v0 =	vadd.f32 v5, v0;
	v5 =	vshll.u32 v12, $0x10  }
0x164: {  	[tilespmem:s17+$0x3680] =	vst v13;
	v3 =	vadd.f32 v5, v3;
	v5 =	vshll.u32 v9, $0x10;
	v1 =	vadd.f32 v9, v1  }
0x165: {  	[tilespmem:s17+$0x3690] =	vst v6;
	v2 =	vadd.f32 v12, v2;
	v0 =	vadd.f32 v5, v0;
	v5 =	vshll.u32 v16, $0x10  }
0x166: {  	[tilespmem:s17+$0x36A0] =	vst v11;
	s18 =	sadd.s32 @!p0 $0xD, s16;
	v9 =	vshll.u32 v8, $0x10;
	v3 =	vadd.f32 v5, v3;
	v1 =	vadd.f32 v8, v1  }
0x167: {  	[tilespmem:s17+$0x36B0] =	vst v4;
	s19 =	sand.u32 @!p0 $0x1D, s18;
	v2 =	vadd.f32 v16, v2;
	v0 =	vadd.f32 v9, v0;
	v5 =	vshll.u32 v7, $0x10  }
0x168: {  	s18 =	sshll.u32 @!p0 s18, $0x1A;
	s19 =	smul.u32 @!p0 $0x340, s19;
	v3 =	vadd.f32 v5, v3;
	[tilespmem:s17+$0x36D0] =	vst v1  }
0x169: {  	s18 =	sshra.s32 @!p0 s18, $0x1F;
	[tilespmem:s17+$0x36C0] =	vst v0;
	v0 =	vadd.f32 v7, v2  }
0x16a: {  	s18 =	sand.u32 @!p0 $0x1A00, s18;
	s19 =	sshrl.u32 @!p0 s19, $0x2;
	[tilespmem:s17+$0x36E0] =	vst v3  }
0x16b: {  	s20 =	simm.s32 @!p0 $0x13E00;
	s18 =	sadd.s32 @!p0 s19, s18;
	s19 =	simm.s32 @!p0 $0x64;
	[tilespmem:s17+$0x36F0] =	vst v0  }
0x16c: {  	[tilespmem:s20], [sflag:$0x6] =	stream.indirect.gather @!p0 [hbm4b:s4+s19], $0x40, s18, s19, $0xb8;
	[tilespmem:$0x1D400] =	vst v63  }
0x16d: {  	s18 =	sadd.s32 @!p0 $0x68, s18;
	s20 =	simm.s32 @!p0 $0x15700  }
0x16e: {  	[tilespmem:s20], [sflag:$0x6] =	stream.indirect.gather @!p0 [hbm4b:s4+s19], $0x40, s18, s19, $0xb8;
	[tilespmem:$0x1D400] =	vst v63  }
0x16f: {  	_ =	swait.ge [sflag:s0], $0x1900  }
0x170: {  	[sflag:s0] =	ssyncset.done $0x0  }
0x171: {  	[sflag:s0] =	ssyncadd.s32 $0xFFFFE700  }
0x172: {  	_ =	swait.ge [sflag:s0], $0x1900  }
0x173: {  	[sflag:s0] =	ssyncset.done $0x0  }
0x174: {  	s18 =	simm.s32 $0x70;
	[sflag:s0] =	ssyncadd.s32 $0xFFFFE700  }
0x175: {  	v1 =	vld [tilespmem:s18+$0x16F90]  }
0x176: {  	v2 =	vld [tilespmem:s18+$0x16FA0]  }
0x177: {  	v3 =	vld [tilespmem:s18+$0x18890]  }
0x178: {  	v9 =	vld [tilespmem:s18+$0x188A0];
	_ =	sdelay $0x2  }
0x179: {  	v0 =	vimm.f32 $0.0e+00;
	v6 =	vld [tilespmem:s18+$0x16FD0];
	v5 =	vshll.u32 v1, $0x10  }
0x17a: {  	v4 =	vld [tilespmem:s18+$0x16FE0];
	v1 =	vadd.f32 v1, v0;
	v7 =	vshll.u32 v2, $0x10;
	v10 =	vadd.f32 v2, v0  }
0x17b: {  	v8 =	vld [tilespmem:s18+$0x188D0];
	v2 =	vshll.u32 v3, $0x10;
	v14 =	vshll.u32 v9, $0x10;
	v5 =	vadd.f32 v5, v0  }
0x17c: {  	v11 =	vadd.f32 v7, v0;
	v7 =	vld [tilespmem:s18+$0x188E0];
	v12 =	vadd.f32 v3, v1;
	v1 =	vimm.f32 $0.0e+00  }
0x17d: {  	s19 =	simm.s32 $0x3C0;
	v3 =	vimm.f32 $0.0e+00;
	v13 =	vadd.f32 v2, v5;
	v5 =	vld [tilespmem:s18+$0x16FB0];
	v2 =	vimm.f32 $0.0e+00  }
.LBB2_19:
0x17e: {  	p1 =	sne.s32 s19, $0x63C0;
	v15 =	vld [tilespmem:s18+$0x16FC0];
	v11 =	vadd.f32 v14, v11;
	v9 =	vadd.f32 v9, v10;
	v10 =	vshll.u32 v6, $0x10  }
0x17f: {  	v14 =	vld [tilespmem:s18+$0x188B0];
	v10 =	vadd.f32 v10, v13;
	v6 =	vadd.f32 v6, v12;
	v12 =	vshll.u32 v4, $0x10  }
0x180: {  	v13 =	vld [tilespmem:s18+$0x188C0];
	v11 =	vadd.f32 v12, v11;
	v4 =	vadd.f32 v4, v9;
	v9 =	vshll.u32 v8, $0x10  }
0x181: {  	v12 =	vld [tilespmem:s18+$0x16FF0];
	v10 =	vadd.f32 v9, v10;
	v8 =	vadd.f32 v8, v6;
	v6 =	vshll.u32 v7, $0x10  }
0x182: {  	v9 =	vshll.u32 v5, $0x10;
	v16 =	vld [tilespmem:s18+$0x17000];
	v11 =	vadd.f32 v6, v11;
	v7 =	vadd.f32 v7, v4  }
0x183: {  	v1 =	vadd.f32 v5, v1;
	v0 =	vadd.f32 v9, v0;
	v4 =	vshll.u32 v15, $0x10;
	v5 =	vld [tilespmem:s18+$0x188F0]  }
0x184: {  	v2 =	vadd.f32 v15, v2;
	v3 =	vadd.f32 v4, v3;
	v4 =	vshll.u32 v14, $0x10;
	v15 =	vld [tilespmem:s18+$0x18900];
	s18 =	sshra.s32 s19, $0x2  }
0x185: {  	v1 =	vadd.f32 v14, v1;
	v17 =	vld [tilespmem:s18+$0x16F90];
	v0 =	vadd.f32 v4, v0;
	v4 =	vshll.u32 v13, $0x10  }
0x186: {  	v2 =	vadd.f32 v13, v2;
	v14 =	vld [tilespmem:s18+$0x16FA0];
	v3 =	vadd.f32 v4, v3;
	v4 =	vshll.u32 v12, $0x10  }
0x187: {  	v1 =	vadd.f32 v12, v1;
	v18 =	vld [tilespmem:s18+$0x18890];
	v0 =	vadd.f32 v4, v0;
	v4 =	vshll.u32 v16, $0x10  }
0x188: {  	v2 =	vadd.f32 v16, v2;
	v9 =	vld [tilespmem:s18+$0x188A0];
	v3 =	vadd.f32 v4, v3;
	v4 =	vshll.u32 v5, $0x10  }
.Ltmp9:
0x189: {  	v1 =	vadd.f32 v5, v1;
	v6 =	vld [tilespmem:s18+$0x16FD0];
	v0 =	vadd.f32 v4, v0;
	v5 =	vshll.u32 v15, $0x10;
	(pc) =	sbr.rel @p1 .LBB2_19-.Ltmp9, $4  }
0x18a: {  	v2 =	vadd.f32 v15, v2;
	v12 =	vshll.u32 v17, $0x10;
	v4 =	vld [tilespmem:s18+$0x16FE0];
	v3 =	vadd.f32 v5, v3  }
0x18b: {  	v15 =	vadd.f32 v17, v8;
	v12 =	vadd.f32 v12, v10;
	v5 =	vshll.u32 v14, $0x10;
	v8 =	vld [tilespmem:s18+$0x188D0]  }
0x18c: {  	v10 =	vadd.f32 v14, v7;
	v11 =	vadd.f32 v5, v11;
	v13 =	vshll.u32 v18, $0x10;
	v7 =	vld [tilespmem:s18+$0x188E0]  }
0x18d: {  	s19 =	sadd.s32 $0x200, s19;
	v5 =	vld [tilespmem:s18+$0x16FB0];
	v13 =	vadd.f32 v13, v12;
	v12 =	vadd.f32 v18, v15;
	v14 =	vshll.u32 v9, $0x10  }
0x18e: {  	v15 =	vld [tilespmem:s18+$0x16FC0];
	v11 =	vadd.f32 v14, v11;
	v14 =	vshll.u32 v6, $0x10;
	v9 =	vadd.f32 v9, v10  }
0x18f: {  	v10 =	vld [tilespmem:s18+$0x188B0];
	v13 =	vadd.f32 v14, v13;
	v14 =	vshll.u32 v4, $0x10;
	v6 =	vadd.f32 v6, v12  }
0x190: {  	v12 =	vld [tilespmem:s18+$0x188C0];
	v11 =	vadd.f32 v14, v11;
	v14 =	vshll.u32 v8, $0x10;
	v4 =	vadd.f32 v4, v9  }
0x191: {  	v9 =	vld [tilespmem:s18+$0x16FF0];
	v13 =	vadd.f32 v14, v13;
	v14 =	vshll.u32 v7, $0x10;
	v6 =	vadd.f32 v8, v6  }
0x192: {  	v16 =	vld [tilespmem:s18+$0x17000];
	v8 =	vshll.u32 v5, $0x10;
	v11 =	vadd.f32 v14, v11;
	v1 =	vadd.f32 v5, v1  }
0x193: {  	v4 =	vadd.f32 v7, v4;
	v0 =	vadd.f32 v8, v0;
	v7 =	vshll.u32 v15, $0x10;
	v8 =	vld [tilespmem:s18+$0x188F0]  }
0x194: {  	v5 =	vshll.u32 v10, $0x10;
	v3 =	vadd.f32 v7, v3;
	v7 =	vld [tilespmem:s18+$0x18900];
	v1 =	vadd.f32 v10, v1  }
0x195: {  	v2 =	vadd.f32 v15, v2;
	v0 =	vadd.f32 v5, v0;
	v5 =	vshll.u32 v12, $0x10  }
0x196: {  	[tilespmem:s17+$0x3700] =	vst v13;
	v3 =	vadd.f32 v5, v3;
	v5 =	vshll.u32 v9, $0x10;
	v1 =	vadd.f32 v9, v1  }
0x197: {  	[tilespmem:s17+$0x3710] =	vst v6;
	v2 =	vadd.f32 v12, v2;
	v0 =	vadd.f32 v5, v0;
	v5 =	vshll.u32 v16, $0x10  }
0x198: {  	[tilespmem:s17+$0x3720] =	vst v11;
	s18 =	sadd.s32 @!p0 $0xE, s16;
	v9 =	vshll.u32 v8, $0x10;
	v3 =	vadd.f32 v5, v3;
	v1 =	vadd.f32 v8, v1  }
0x199: {  	[tilespmem:s17+$0x3730] =	vst v4;
	s19 =	sand.u32 @!p0 $0x1E, s18;
	v2 =	vadd.f32 v16, v2;
	v0 =	vadd.f32 v9, v0;
	v5 =	vshll.u32 v7, $0x10  }
0x19a: {  	s18 =	sshll.u32 @!p0 s18, $0x1A;
	s19 =	smul.u32 @!p0 $0x340, s19;
	v3 =	vadd.f32 v5, v3;
	[tilespmem:s17+$0x3750] =	vst v1  }
0x19b: {  	s18 =	sshra.s32 @!p0 s18, $0x1F;
	[tilespmem:s17+$0x3740] =	vst v0;
	v0 =	vadd.f32 v7, v2  }
0x19c: {  	s18 =	sand.u32 @!p0 $0x1A00, s18;
	s19 =	sshrl.u32 @!p0 s19, $0x2;
	[tilespmem:s17+$0x3760] =	vst v3  }
0x19d: {  	[tilespmem:s17+$0x3770] =	vst v0;
	s17 =	sadd.s32 @!p0 s19, s18;
	s18 =	simm.s32 @!p0 $0x64;
	s19 =	simm.s32 @!p0 $0x17000  }
0x19e: {  	[tilespmem:s19], [sflag:$0x7] =	stream.indirect.gather @!p0 [hbm4b:s4+s18], $0x40, s17, s18, $0xb8;
	[tilespmem:$0x1D400] =	vst v63  }
0x19f: {  	s17 =	sadd.s32 @!p0 $0x68, s17;
	s19 =	simm.s32 @!p0 $0x18900  }
0x1a0: {  	[tilespmem:s19], [sflag:$0x7] =	stream.indirect.gather @!p0 [hbm4b:s4+s18], $0x40, s17, s18, $0xb8;
	[tilespmem:$0x1D400] =	vst v63  }
0x1a1: {  	_ =	swait.ge [sflag:s1], $0x1900  }
0x1a2: {  	[sflag:s1] =	ssyncset.done $0x0  }
0x1a3: {  	[sflag:s1] =	ssyncadd.s32 $0xFFFFE700  }
0x1a4: {  	_ =	swait.ge [sflag:s1], $0x1900  }
0x1a5: {  	[sflag:s1] =	ssyncset.done $0x0  }
0x1a6: {  	s17 =	simm.s32 $0x70;
	[sflag:s1] =	ssyncadd.s32 $0xFFFFE700  }
0x1a7: {  	v1 =	vld [tilespmem:s17+$0x1A190]  }
0x1a8: {  	v2 =	vld [tilespmem:s17+$0x1A1A0]  }
0x1a9: {  	v3 =	vld [tilespmem:s17+$0x1BA90]  }
0x1aa: {  	v9 =	vld [tilespmem:s17+$0x1BAA0];
	_ =	sdelay $0x2  }
0x1ab: {  	v0 =	vimm.f32 $0.0e+00;
	v6 =	vld [tilespmem:s17+$0x1A1D0];
	v5 =	vshll.u32 v1, $0x10  }
0x1ac: {  	v4 =	vld [tilespmem:s17+$0x1A1E0];
	v1 =	vadd.f32 v1, v0;
	v7 =	vshll.u32 v2, $0x10;
	v10 =	vadd.f32 v2, v0  }
0x1ad: {  	v8 =	vld [tilespmem:s17+$0x1BAD0];
	v2 =	vshll.u32 v3, $0x10;
	v14 =	vshll.u32 v9, $0x10;
	v5 =	vadd.f32 v5, v0  }
0x1ae: {  	v11 =	vadd.f32 v7, v0;
	v7 =	vld [tilespmem:s17+$0x1BAE0];
	v12 =	vadd.f32 v3, v1;
	v3 =	vimm.f32 $0.0e+00  }
0x1af: {  	s18 =	simm.s32 $0x3C0;
	v1 =	vimm.f32 $0.0e+00;
	v13 =	vadd.f32 v2, v5;
	v5 =	vld [tilespmem:s17+$0x1A1B0];
	v2 =	vimm.f32 $0.0e+00  }
.LBB2_21:
0x1b0: {  	p1 =	sne.s32 s18, $0x63C0;
	v15 =	vld [tilespmem:s17+$0x1A1C0];
	v11 =	vadd.f32 v14, v11;
	v9 =	vadd.f32 v9, v10;
	v10 =	vshll.u32 v6, $0x10  }
0x1b1: {  	v14 =	vld [tilespmem:s17+$0x1BAB0];
	v10 =	vadd.f32 v10, v13;
	v6 =	vadd.f32 v6, v12;
	v12 =	vshll.u32 v4, $0x10  }
0x1b2: {  	v13 =	vld [tilespmem:s17+$0x1BAC0];
	v11 =	vadd.f32 v12, v11;
	v4 =	vadd.f32 v4, v9;
	v9 =	vshll.u32 v8, $0x10  }
0x1b3: {  	v12 =	vld [tilespmem:s17+$0x1A1F0];
	v10 =	vadd.f32 v9, v10;
	v8 =	vadd.f32 v8, v6;
	v6 =	vshll.u32 v7, $0x10  }
0x1b4: {  	v9 =	vshll.u32 v5, $0x10;
	v16 =	vld [tilespmem:s17+$0x1A200];
	v11 =	vadd.f32 v6, v11;
	v7 =	vadd.f32 v7, v4  }
0x1b5: {  	v2 =	vadd.f32 v5, v2;
	v0 =	vadd.f32 v9, v0;
	v4 =	vshll.u32 v15, $0x10;
	v5 =	vld [tilespmem:s17+$0x1BAF0]  }
0x1b6: {  	v1 =	vadd.f32 v15, v1;
	v3 =	vadd.f32 v4, v3;
	v4 =	vshll.u32 v14, $0x10;
	v15 =	vld [tilespmem:s17+$0x1BB00];
	s17 =	sshra.s32 s18, $0x2  }
0x1b7: {  	v2 =	vadd.f32 v14, v2;
	v17 =	vld [tilespmem:s17+$0x1A190];
	v0 =	vadd.f32 v4, v0;
	v4 =	vshll.u32 v13, $0x10  }
0x1b8: {  	v1 =	vadd.f32 v13, v1;
	v14 =	vld [tilespmem:s17+$0x1A1A0];
	v3 =	vadd.f32 v4, v3;
	v4 =	vshll.u32 v12, $0x10  }
0x1b9: {  	v2 =	vadd.f32 v12, v2;
	v18 =	vld [tilespmem:s17+$0x1BA90];
	v0 =	vadd.f32 v4, v0;
	v4 =	vshll.u32 v16, $0x10  }
0x1ba: {  	v1 =	vadd.f32 v16, v1;
	v9 =	vld [tilespmem:s17+$0x1BAA0];
	v3 =	vadd.f32 v4, v3;
	v4 =	vshll.u32 v5, $0x10  }
.Ltmp10:
0x1bb: {  	v2 =	vadd.f32 v5, v2;
	v6 =	vld [tilespmem:s17+$0x1A1D0];
	v0 =	vadd.f32 v4, v0;
	v5 =	vshll.u32 v15, $0x10;
	(pc) =	sbr.rel @p1 .LBB2_21-.Ltmp10, $4  }
0x1bc: {  	v1 =	vadd.f32 v15, v1;
	v12 =	vshll.u32 v17, $0x10;
	v4 =	vld [tilespmem:s17+$0x1A1E0];
	v3 =	vadd.f32 v5, v3  }
0x1bd: {  	v15 =	vadd.f32 v17, v8;
	v12 =	vadd.f32 v12, v10;
	v5 =	vshll.u32 v14, $0x10;
	v8 =	vld [tilespmem:s17+$0x1BAD0]  }
0x1be: {  	v10 =	vadd.f32 v14, v7;
	v11 =	vadd.f32 v5, v11;
	v13 =	vshll.u32 v18, $0x10;
	v7 =	vld [tilespmem:s17+$0x1BAE0]  }
0x1bf: {  	s18 =	sadd.s32 $0x200, s18;
	v5 =	vld [tilespmem:s17+$0x1A1B0];
	v13 =	vadd.f32 v13, v12;
	v12 =	vadd.f32 v18, v15;
	v14 =	vshll.u32 v9, $0x10  }
0x1c0: {  	v15 =	vld [tilespmem:s17+$0x1A1C0];
	v11 =	vadd.f32 v14, v11;
	v44 =	vshll.u32 v6, $0x10;
	v9 =	vadd.f32 v9, v10  }
0x1c1: {  	v45 =	vld [tilespmem:s17+$0x1BAB0];
	v13 =	vadd.f32 v44, v13;
	v46 =	vshll.u32 v4, $0x10;
	v47 =	vadd.f32 v6, v12  }
0x1c2: {  	v48 =	vld [tilespmem:s17+$0x1BAC0];
	v11 =	vadd.f32 v46, v11;
	v49 =	vshll.u32 v8, $0x10;
	v50 =	vadd.f32 v4, v9  }
0x1c3: {  	v51 =	vld [tilespmem:s17+$0x1A1F0];
	v13 =	vadd.f32 v49, v13;
	v52 =	vshll.u32 v7, $0x10;
	v6 =	vadd.f32 v8, v47  }
0x1c4: {  	v16 =	vld [tilespmem:s17+$0x1A200];
	v53 =	vshll.u32 v5, $0x10;
	v11 =	vadd.f32 v52, v11;
	v2 =	vadd.f32 v5, v2  }
0x1c5: {  	v55 =	vld [tilespmem:s17+$0x1BAF0];
	s18 =	sor.u32 $0x7, s16;
	v4 =	vadd.f32 v7, v50;
	v0 =	vadd.f32 v53, v0;
	v54 =	vshll.u32 v15, $0x10  }
0x1c6: {  	s21 =	sand.u32 $0x1F, s18;
	v56 =	vshll.u32 v45, $0x10;
	v1 =	vadd.f32 v15, v1;
	v2 =	vadd.f32 v45, v2  }
0x1c7: {  	v57 =	vld [tilespmem:s17+$0x1BB00];
	s19 =	sshll.u32 s21, $0x7;
	v58 =	vshll.u32 v48, $0x10;
	v3 =	vadd.f32 v54, v3;
	v0 =	vadd.f32 v56, v0  }
0x1c8: {  	v59 =	vshll.u32 v51, $0x10;
	[tilespmem:s19+$0x3400] =	vst v13;
	v1 =	vadd.f32 v48, v1;
	v2 =	vadd.f32 v51, v2  }
0x1c9: {  	v60 =	vshll.u32 v16, $0x10;
	[tilespmem:s19+$0x3410] =	vst v6;
	v3 =	vadd.f32 v58, v3;
	v0 =	vadd.f32 v59, v0  }
0x1ca: {  	s16 =	sadd.s32 @!p0 $0xF, s16;
	v61 =	vshll.u32 v55, $0x10;
	[tilespmem:s19+$0x3420] =	vst v11;
	v1 =	vadd.f32 v16, v1;
	v2 =	vadd.f32 v55, v2  }
0x1cb: {  	s20 =	sand.u32 @!p0 $0x1F, s16;
	[tilespmem:s19+$0x3430] =	vst v4;
	v3 =	vadd.f32 v60, v3;
	v0 =	vadd.f32 v61, v0  }
0x1cc: {  	s16 =	sshll.u32 @!p0 s16, $0x1A;
	s20 =	smul.u32 @!p0 $0x340, s20;
	v62 =	vshll.u32 v57, $0x10;
	v63 =	vadd.f32 v57, v1;
	[tilespmem:s19+$0x3450] =	vst v2  }
0x1cd: {  	s16 =	sshra.s32 @!p0 s16, $0x1F;
	v3 =	vadd.f32 v62, v3;
	[tilespmem:s19+$0x3440] =	vst v0  }
0x1ce: {  	s16 =	sand.u32 @!p0 $0x1A00, s16;
	s20 =	sshrl.u32 @!p0 s20, $0x2;
	[tilespmem:s19+$0x3470] =	vst v63  }
0x1cf: {  	s16 =	sadd.s32 @!p0 s20, s16;
	s20 =	simm.s32 @!p0 $0x1A200;
	[tilespmem:s19+$0x3460] =	vst v3;
	s19 =	simm.s32 @!p0 $0x64  }
0x1d0: {  	[tilespmem:s20], [sflag:$0x8] =	stream.indirect.gather @!p0 [hbm4b:s4+s19], $0x40, s16, s19, $0xb8;
	[tilespmem:$0x1D400] =	vst v63  }
0x1d1: {  	s16 =	sadd.s32 @!p0 $0x68, s16;
	s20 =	simm.s32 @!p0 $0x1BB00  }
0x1d2: {  	[tilespmem:s20], [sflag:$0x8] =	stream.indirect.gather @!p0 [hbm4b:s4+s19], $0x40, s16, s19, $0xb8;
	[tilespmem:$0x1D400] =	vst v63  }
0x1d3: {  	p0 =	sne.s32 s21, $0x1F  }
0x1d4: {  	s16 =	sshll.u32 @!p0 s18, $0x7  }
0x1d5: {  	s15 =	sadd.s32 $0x1, s15;
	s16 =	sadd.s32 @!p0 s16, s8  }
0x1d6: {  	p1 =	sne.s32 s15, $0x40;
	s16 =	sshrl.u32 @!p0 s16, $0x3  }
0x1d7: {  	s17 =	simm.s32 @!p0 $0x0;
	s18 =	simm.s32 @!p0 $0x3400;
	s16 =	sadd.s32 @!p0 s5, s16  }
0x1d8: {  	[hbm4b:s16+s17] =	stream.linear.scatter @!p0 [tilespmem:s18], [sflag:$0x9], $0x1000, $0x38;
	[tilespmem:$0x1D400] =	vst v63  }
.Ltmp11:
0x1d9: {  	_ = 	snop;
	(pc) =	sbr.rel @p1 .LBB2_2-.Ltmp11, $4  }
.Ltmp12:
0x1da: {  	s16 =	simm.s32 @!p0 $0x9;
	(pc) =	sbr.rel @!p1 .LBB2_23-.Ltmp12, $4  }
0x1db: {  	_ =	swait.ge @!p0 [sflag:s16], $0x1000  }
0x1dc: {  	[sflag:s16] =	ssyncset.done @!p0 $0x0  }
0x1dd: {  	[sflag:s16] =	ssyncadd.s32 @!p0 $0xFFFFF000  }
0x1de: {  	_ = 	snop  }
.LBB2_6:
.Ltmp13:
0x1df: {  	(pc) =	sbr.rel @p0 .LBB2_8-.Ltmp13, $4  }
.Ltmp14:
0x1e0: {  	(pc) =	sbr.rel @!p0 .LBB2_7-.Ltmp14, $4  }
0x1e1: {  	_ = 	snop  }
0x1e2: {  	_ = 	snop  }
0x1e3: {  	_ = 	snop  }
0x1e4: {  	_ = 	snop  }
.LBB2_24:
0x1e5: {  	_ =	sfence.sel $0x180000  }
0x1e6: {  	[bflag:$0x0] =	sbarrier.arrive $0xFFFF  }
0x1e7: {  	_ =	strace $0x9000004A  }
0x1e8: {  	s0 =	stileid.u32;
	[bflag:$0x2] =	sbarrier.arrive $0xFFFF  }
0x1e9: {  	p0 =	sne.s32 s0, $0x0;
	s0 =	rddreg [dreg:$0x2]  }
0x1ea: {  	s0 =	sadd.s32 @!p0 $0x100000, s0  }
0x1eb: {  	[sflag:s0] =	ssyncadd.tile.s32 @!p0 $0x1;
	_ =	shalt  }
.Lfunc_end2:
_tile_overlayer_lowered:
.L_overlay_start_2:
0x1ec: {  	(tag) =	ssettag $0x2  }
0x1ed: {  	s0 =	rddreg [dreg:$0x0];
	s2 =	stileid.u32  }
0x1ee: {  	s1 =	rddreg [dreg:$0x1];
	p0 =	sne.s32 s2, $0x0  }
0x1ef: {  	s3 =	rddreg [dreg:$0x2];
	[bflag:$0x3] =	sbarrier.arrive $0xFFFF;
	s2 =	simm.s32 @!p0 $0x1C09  }
0x1f0: {  	[timem:s3], [sflag:s2] =	dma.local @!p0 [hbm:s0], s1  }
0x1f1: {  	s0 =	simm.s32 @!p0 $0x9  }
0x1f2: {  	_ =	swait.ge @!p0 [sflag:s0], s1  }
0x1f3: {  	s1 =	ssub.s32 @!p0 $0x0, s1;
	[sflag:s0] =	ssyncset.done @!p0 $0x0  }
0x1f4: {  	[sflag:s0] =	ssyncadd.s32 @!p0 s1  }
0x1f5: {  	[bflag:$0x3] =	sbarrier.arrive $0xFFFF  }
0x1f6: {  	_ =	shalt  }

</sc_bundles>
